<compile_context>
chip_gen: v7x
topology: tpu7x:2x2x1
jax: 0.10.2.dev20260603
libtpu: 0.0.44.dev20260713+nightly
codegen_flags: <defaults>
</compile_context>

<pallas_src>
import functools

import jax
import jax.numpy as jnp
from jax import lax
from jax.experimental import pallas as pl
from jax.experimental.pallas import tpu as pltpu
from jax.experimental.pallas import tpu_sc as plsc

N = 10000
D = 128
E = 320000
SLOPE = 0.2

NC = 2
NS = 16
NW = NC * NS
CH = 80
TCH = E // CH
BASE_CNT = TCH // NW
EXTRA = TCH - BASE_CNT * NW
ZCH = 40
NZ = N // ZCH
ROWS_PER_WRITER = 1000


def _mm_body(h_ref, w_ref, a_ref, hw_ref, st_ref):
    hw = lax.dot_general(h_ref[...], w_ref[...],
                         dimension_numbers=(((1,), (1,)), ((), ())),
                         preferred_element_type=jnp.float32)
    hw_ref[...] = hw
    st_ref[...] = jnp.dot(hw, a_ref[...], preferred_element_type=jnp.float32)


def _matmul(h, W0, Apad):
    grid = (10,)
    blk = N // grid[0]
    return pl.pallas_call(
        _mm_body,
        grid=grid,
        in_specs=[
            pl.BlockSpec((blk, D), lambda i: (i, 0)),
            pl.BlockSpec((D, D), lambda i: (0, 0)),
            pl.BlockSpec((D, 8), lambda i: (0, 0)),
        ],
        out_specs=[
            pl.BlockSpec((blk, D), lambda i: (i, 0)),
            pl.BlockSpec((blk, 8), lambda i: (i, 0)),
        ],
        out_shape=[
            jax.ShapeDtypeStruct((N, D), jnp.float32),
            jax.ShapeDtypeStruct((N, 8), jnp.float32),
        ],
    )(h, W0, Apad)


def _edge_kernel(hw, stv, src, dst):
    mesh = plsc.VectorSubcoreMesh(core_axis_name="c", subcore_axis_name="s")

    @functools.partial(
        pl.kernel,
        mesh=mesh,
        compiler_params=pltpu.CompilerParams(needs_layout_passes=False),
        out_type=[
            jax.ShapeDtypeStruct((NC, N, D), jnp.float32),
            jax.ShapeDtypeStruct((NC * N,), jnp.float32),
        ],
        scratch_types=[
            pltpu.VMEM((N,), jnp.int32),
            pltpu.VMEM((3, CH), jnp.int32),
            pltpu.VMEM((3, CH), jnp.int32),
            pltpu.VMEM((3, CH), jnp.int32),
            pltpu.VMEM((3, CH, D), jnp.float32),
            pltpu.VMEM((3, CH), jnp.float32),
            pltpu.VMEM((ZCH, D), jnp.float32),
            pltpu.VMEM((ROWS_PER_WRITER,), jnp.float32),
            pltpu.VMEM_SHARED((N, D), jnp.float32),
            pltpu.VMEM_SHARED((N,), jnp.float32),
            pltpu.SemaphoreType.DMA,
            pltpu.SemaphoreType.DMA,
            pltpu.SemaphoreType.DMA,
            pltpu.SemaphoreType.DMA,
            pltpu.SemaphoreType.DMA,
            pltpu.SemaphoreType.DMA,
            pltpu.SemaphoreType.DMA,
            pltpu.SemaphoreType.DMA,
            pltpu.SemaphoreType.DMA,
            pltpu.SemaphoreType.DMA,
            pltpu.SemaphoreType.DMA,
            pltpu.SemaphoreType.DMA,
        ],
    )
    def k(hw_hbm, stv_hbm, src_hbm, dst_hbm, acc_out, den_out,
          stv, sidx, didx, didx_s, rows, ebuf, zbuf, dbuf, acc_s, den_s,
          isem0, isem1, isem2, gsem0, gsem1, gsem2,
          rsem0, rsem1, rsem2, esem0, esem1, esem2):
        isem = (isem0, isem1, isem2)
        gsem = (gsem0, gsem1, gsem2)
        rsem = (rsem0, rsem1, rsem2)
        esem = (esem0, esem1, esem2)
        cid = lax.axis_index("c")
        sid = lax.axis_index("s")
        wid = sid * NC + cid

        pltpu.async_copy(stv_hbm, stv, gsem0)

        def zrow(r, _):
            for q in range(D // 16):
                zbuf[r, pl.ds(q * 16, 16)] = jnp.zeros((16,), jnp.float32)
            return _
        lax.fori_loop(0, ZCH, zrow, None)

        zcnt = (NZ - sid + NS - 1) // NS

        def zchunk(kk, _):
            ch = sid + NS * kk
            pltpu.async_copy(zbuf, acc_s.at[pl.ds(ch * ZCH, ZCH)], rsem0)
            pltpu.async_copy(zbuf.at[0, pl.ds(0, ZCH)],
                            den_s.at[pl.ds(ch * ZCH, ZCH)], rsem1)
            return _
        lax.fori_loop(0, zcnt, zchunk, None)

        def zwait(kk, _):
            pltpu.make_async_copy(zbuf, acc_s.at[pl.ds(0, ZCH)],
                                  rsem0).wait()
            pltpu.make_async_copy(zbuf.at[0, pl.ds(0, ZCH)],
                                  den_s.at[pl.ds(0, ZCH)], rsem1).wait()
            return _
        lax.fori_loop(0, zcnt, zwait, None)
        pltpu.make_async_copy(stv_hbm, stv, gsem0).wait()

        plsc.subcore_barrier()

        cnt = jnp.where(wid < EXTRA, BASE_CNT + 1, BASE_CNT)

        def idx_base(j):
            return (wid + NW * j) * CH

        def issue_idx(j, p):
            base = idx_base(j)
            pltpu.async_copy(src_hbm.at[pl.ds(base, CH)], sidx.at[p], isem[p])
            pltpu.async_copy(dst_hbm.at[pl.ds(base, CH)], didx.at[p], isem[p])

        def wait_idx(p):
            pltpu.make_async_copy(src_hbm.at[pl.ds(0, CH)], sidx.at[p],
                                  isem[p]).wait()
            pltpu.make_async_copy(dst_hbm.at[pl.ds(0, CH)], didx.at[p],
                                  isem[p]).wait()

        def issue_gather(p):
            pltpu.async_copy(hw_hbm.at[sidx.at[p]], rows.at[p], gsem[p])

        def wait_gather(p):
            pltpu.make_async_copy(hw_hbm.at[sidx.at[p]], rows.at[p],
                                  gsem[p]).wait()

        def wait_rowscat(p):
            pltpu.make_async_copy(rows.at[p], acc_s.at[didx_s.at[p]],
                                  rsem[p]).wait()

        def wait_escat(p):
            pltpu.make_async_copy(ebuf.at[p], den_s.at[didx_s.at[p]],
                                  esem[p]).wait()

        def step(j, p, pn):
            @pl.when(j >= 3)
            def _():
                wait_escat(p)

            @pl.when(j + 1 < cnt)
            def _():
                wait_idx(pn)

                @pl.when(j >= 2)
                def _():
                    wait_rowscat(pn)
                issue_gather(pn)

            for g in range(CH // 16):
                svi = sidx[p, pl.ds(g * 16, 16)]
                dvi = didx[p, pl.ds(g * 16, 16)]
                ps = plsc.load_gather(stv, [svi])
                pd = plsc.load_gather(stv, [dvi])
                sg, _unused = plsc.unpack(plsc.bitcast(ps, jnp.bfloat16),
                                          format=plsc.PackFormat.INTERLEAVED)
                _unused2, tg = plsc.unpack(plsc.bitcast(pd, jnp.bfloat16),
                                           format=plsc.PackFormat.INTERLEAVED)
                x = sg + tg
                x = jnp.maximum(x, x * SLOPE)
                ex = jnp.exp(x)
                ex = jnp.minimum(jnp.maximum(ex, 0.005), 10.0)
                ebuf[p, pl.ds(g * 16, 16)] = ex
                didx_s[p, pl.ds(g * 16, 16)] = dvi

            pltpu.async_copy(ebuf.at[p], den_s.at[didx_s.at[p]], esem[p],
                             add=True)
            wait_gather(p)

            def scale(r, _):
                es = plsc.load_gather(ebuf.at[p],
                                      [jnp.full((16,), r, jnp.int32)])
                for gg in range(D // 16):
                    rows[p, r, pl.ds(gg * 16, 16)] = (
                        rows[p, r, pl.ds(gg * 16, 16)] * es)
                return _
            lax.fori_loop(0, CH, scale, None)

            pltpu.async_copy(rows.at[p], acc_s.at[didx_s.at[p]], rsem[p],
                             add=True)

            @pl.when(j + 3 < cnt)
            def _():
                issue_idx(j + 3, p)

        issue_idx(0, 0)
        issue_idx(1, 1)
        issue_idx(2, 2)
        wait_idx(0)
        issue_gather(0)

        def triple(kk, _):
            j0 = 3 * kk
            step(j0, 0, 1)

            @pl.when(j0 + 1 < cnt)
            def _():
                step(j0 + 1, 1, 2)

            @pl.when(j0 + 2 < cnt)
            def _():
                step(j0 + 2, 2, 0)
            return _
        lax.fori_loop(0, (cnt + 2) // 3, triple, None)

        wait_rowscat(0)
        wait_rowscat(1)
        wait_rowscat(2)
        wait_escat(0)
        wait_escat(1)
        wait_escat(2)

        plsc.subcore_barrier()

        @pl.when(sid < N // ROWS_PER_WRITER)
        def _():
            r0 = sid * ROWS_PER_WRITER
            pltpu.sync_copy(acc_s.at[pl.ds(r0, ROWS_PER_WRITER)],
                            acc_out.at[cid, pl.ds(r0, ROWS_PER_WRITER)])
            pltpu.sync_copy(den_s.at[pl.ds(r0, ROWS_PER_WRITER)], dbuf)
            pltpu.sync_copy(dbuf,
                            den_out.at[pl.ds(cid * N + r0, ROWS_PER_WRITER)])

    return k(hw, stv, src, dst)


def _merge_body(acc_ref, den_ref, out_ref):
    a = acc_ref[0] + acc_ref[1]
    d = den_ref[:, 0:1] + den_ref[:, 1:2]
    out_ref[...] = a / jnp.maximum(d, 1e-30)


def _merge(acc, den_t):
    grid = (10,)
    blk = N // grid[0]
    return pl.pallas_call(
        _merge_body,
        grid=grid,
        in_specs=[
            pl.BlockSpec((NC, blk, D), lambda i: (0, i, 0)),
            pl.BlockSpec((blk, NC), lambda i: (i, 0)),
        ],
        out_specs=pl.BlockSpec((blk, D), lambda i: (i, 0)),
        out_shape=jax.ShapeDtypeStruct((N, D), jnp.float32),
    )(acc, den_t)


def kernel(h, edges, W0, A0):
    a_pair = jnp.transpose(jnp.reshape(A0[0], (2, D)))
    Apad = jnp.concatenate([a_pair, jnp.zeros((D, 6), jnp.float32)], axis=1)
    hw, st = _matmul(h, W0, Apad)
    st_bf = st[:, :2].astype(jnp.bfloat16)
    stv = lax.bitcast_convert_type(st_bf, jnp.int32)
    acc, den = _edge_kernel(hw, stv, edges[0], edges[1])
    den_t = jnp.transpose(jnp.reshape(den, (NC, N)))
    out = _merge(acc, den_t)
    return out

# --- scband reference (transcript-rebuilt; emitter-appended) ---
"""Pipeline reference for scband-gatlayer-27831388078278 (READ-ONLY COPY).

The authoritative reference and input builder live on the scoring server;
editing this copy changes nothing except your own understanding.
"""

import jax, jax.numpy as jnp
import numpy as np

SLOPE = 0.2


def setup_inputs(seed: int = 0) -> dict:
    key = jax.random.key(seed)
    k1, k2, k3, k4 = jax.random.split(key, 4)
    N, E, D = 10000, 320000, 128
    h = jax.random.normal(k1, (N, D), dtype=jnp.float32)
    edges = jax.random.randint(k2, (2, E), 0, N, dtype=jnp.int32)
    # torch nn.Linear(in_dim, out_dim, bias=False) weight has shape [out_dim, in_dim]
    W0 = jax.random.normal(k3, (D, D), dtype=jnp.float32) * 0.05
    # nn.Linear(2*out_dim, 1, bias=False) weight has shape [1, 2*out_dim]
    A0 = jax.random.normal(k4, (1, 2 * D), dtype=jnp.float32) * 0.05
    return {"h": h, "edges": edges, "W0": W0, "A0": A0}


def reference(h, edges, W0, A0):
    N = h.shape[0]
    src = edges[0, :]
    dst = edges[1, :]
    # h_w = [l(h) for l in self.lin_w]  (heads=1)
    h_w = h @ W0.T
    # h_cat = concat((h_w[edges[0]], h_w[edges[1]]), dim=1)
    h_cat = jnp.concatenate((jnp.take(h_w, src, axis=0), jnp.take(h_w, dst, axis=0)), axis=1)
    # e = exp(leaky_relu(a(h_cat), slope))
    e = jnp.exp(jax.nn.leaky_relu(h_cat @ A0.T, negative_slope=SLOPE))
    # CLIP_ALPHAS = True
    e = jnp.clip(e, 0.005, 10.0)
    # alpha_deno = aggregate(e, edges, 'sum'): scatter-add per-edge values to dst nodes
    alpha_deno = jax.ops.segment_sum(e, dst, num_segments=N)
    # alphas = e / alpha_deno[edges[1]]
    alphas = e / jnp.take(alpha_deno, dst, axis=0)
    # h_next = aggregate(h_w, edges, 'sum', alphas.view(-1)):
    # gather h_w[src], weight by alphas, scatter-add to dst
    msg = jnp.take(h_w, src, axis=0) * alphas.reshape(-1, 1)
    h_next = jax.ops.segment_sum(msg, dst, num_segments=N)
    # concatenate=False -> stack heads on last dim and mean (heads=1)
    out = jnp.stack([h_next], axis=-1).mean(axis=-1)
    return out

if __name__ == "__main__":
    import jax
    _d = setup_inputs()
    print(jax.jit(kernel)(*tuple(_d.values())))

</pallas_src>

<mosaic_0001>
#map = affine_map<(d0, d1) -> (0, 0)>
#map1 = affine_map<(d0, d1) -> (0)>
#map2 = affine_map<(d0, d1) -> (0, 0, 0)>
module attributes {stable_mosaic.version = 14 : i64} {
  func.func @k(%arg0: i32, %arg1: i32, %arg2: memref<10000x128xf32, #tpu.memory_space<hbm>>, %arg3: memref<10000xi32, #tpu.memory_space<hbm>>, %arg4: memref<320000xi32, #tpu.memory_space<hbm>>, %arg5: memref<320000xi32, #tpu.memory_space<hbm>>, %arg6: memref<2x10000x128xf32, #tpu.memory_space<hbm>>, %arg7: memref<20000xf32, #tpu.memory_space<hbm>>, %arg8: memref<10000xi32, #tpu.memory_space<vmem>>, %arg9: memref<3x80xi32, #tpu.memory_space<vmem>>, %arg10: memref<3x80xi32, #tpu.memory_space<vmem>>, %arg11: memref<3x80xi32, #tpu.memory_space<vmem>>, %arg12: memref<3x80x128xf32, #tpu.memory_space<vmem>>, %arg13: memref<3x80xf32, #tpu.memory_space<vmem>>, %arg14: memref<40x128xf32, #tpu.memory_space<vmem>>, %arg15: memref<1000xf32, #tpu.memory_space<vmem>>, %arg16: memref<10000x128xf32, #tpu.memory_space<vmem_shared>>, %arg17: memref<10000xf32, #tpu.memory_space<vmem_shared>>, %arg18: memref<!tpu.dma_semaphore, #tpu.memory_space<semaphore_mem>>, %arg19: memref<!tpu.dma_semaphore, #tpu.memory_space<semaphore_mem>>, %arg20: memref<!tpu.dma_semaphore, #tpu.memory_space<semaphore_mem>>, %arg21: memref<!tpu.dma_semaphore, #tpu.memory_space<semaphore_mem>>, %arg22: memref<!tpu.dma_semaphore, #tpu.memory_space<semaphore_mem>>, %arg23: memref<!tpu.dma_semaphore, #tpu.memory_space<semaphore_mem>>, %arg24: memref<!tpu.dma_semaphore, #tpu.memory_space<semaphore_mem>>, %arg25: memref<!tpu.dma_semaphore, #tpu.memory_space<semaphore_mem>>, %arg26: memref<!tpu.dma_semaphore, #tpu.memory_space<semaphore_mem>>, %arg27: memref<!tpu.dma_semaphore, #tpu.memory_space<semaphore_mem>>, %arg28: memref<!tpu.dma_semaphore, #tpu.memory_space<semaphore_mem>>, %arg29: memref<!tpu.dma_semaphore, #tpu.memory_space<semaphore_mem>>) attributes {dimension_semantics = [#tpu.dimension_semantics<core_parallel>, #tpu.dimension_semantics<subcore_parallel>], iteration_bounds = array<i64: 2, 16>, scalar_prefetch = 0 : i64, scratch_operands = 22 : i64, tpu.core_type = #tpu.core_type<sc_vector_subcore>, window_params = [{transform_indices = #map}, {transform_indices = #map1}, {transform_indices = #map1}, {transform_indices = #map1}, {transform_indices = #map2}, {transform_indices = #map1}]} {
    %mul3A = arith.constant 2 : i32
    %mul3A_0 = arith.muli %arg1, %mul3A : i32
    %add3A = arith.addi %mul3A_0, %arg0 : i32
    tpu.enqueue_dma source(%arg3 : memref<10000xi32, #tpu.memory_space<hbm>>) target(%arg8 : memref<10000xi32, #tpu.memory_space<vmem>>) target_semaphore(%arg21 : memref<!tpu.dma_semaphore, #tpu.memory_space<semaphore_mem>>)
    %scan3A = arith.constant 0 : i32
    %scan3A_1 = arith.constant 40 : i32
    %scan3A_2 = arith.addi %scan3A, %scan3A_1 : i32
    %scan3A_3 = arith.constant 1 : i32
    scf.for %scan3A_251 = %scan3A to %scan3A_2 step %scan3A_3  : i32 {
      %broadcast_in_dim3A = arith.constant 0.000000e+00 : f32
      %broadcast_in_dim3A_252 = vector.broadcast %broadcast_in_dim3A : f32 to vector<16xf32>
      %swap3A = arith.index_cast %scan3A_251 : i32 to index
      %swap3A_253 = arith.constant 0 : index
      %swap3A_254 = tpu.vector_load %arg14[%swap3A, %swap3A_253] {strides = array<i32>} : memref<40x128xf32, #tpu.memory_space<vmem>>, vector<16xf32>,
      tpu.vector_store %arg14[%swap3A, %swap3A_253], %broadcast_in_dim3A_252 {strides = array<i32>} : memref<40x128xf32, #tpu.memory_space<vmem>>, vector<16xf32>,
      %broadcast_in_dim3A_255 = arith.constant 0.000000e+00 : f32
      %broadcast_in_dim3A_256 = vector.broadcast %broadcast_in_dim3A_255 : f32 to vector<16xf32>
      %swap3A_257 = arith.index_cast %scan3A_251 : i32 to index
      %swap3A_258 = arith.constant 16 : index
      %swap3A_259 = tpu.vector_load %arg14[%swap3A_257, %swap3A_258] {strides = array<i32>} : memref<40x128xf32, #tpu.memory_space<vmem>>, vector<16xf32>,
      tpu.vector_store %arg14[%swap3A_257, %swap3A_258], %broadcast_in_dim3A_256 {strides = array<i32>} : memref<40x128xf32, #tpu.memory_space<vmem>>, vector<16xf32>,
      %broadcast_in_dim3A_260 = arith.constant 0.000000e+00 : f32
      %broadcast_in_dim3A_261 = vector.broadcast %broadcast_in_dim3A_260 : f32 to vector<16xf32>
      %swap3A_262 = arith.index_cast %scan3A_251 : i32 to index
      %swap3A_263 = arith.constant 32 : index
      %swap3A_264 = tpu.vector_load %arg14[%swap3A_262, %swap3A_263] {strides = array<i32>} : memref<40x128xf32, #tpu.memory_space<vmem>>, vector<16xf32>,
      tpu.vector_store %arg14[%swap3A_262, %swap3A_263], %broadcast_in_dim3A_261 {strides = array<i32>} : memref<40x128xf32, #tpu.memory_space<vmem>>, vector<16xf32>,
      %broadcast_in_dim3A_265 = arith.constant 0.000000e+00 : f32
      %broadcast_in_dim3A_266 = vector.broadcast %broadcast_in_dim3A_265 : f32 to vector<16xf32>
      %swap3A_267 = arith.index_cast %scan3A_251 : i32 to index
      %swap3A_268 = arith.constant 48 : index
      %swap3A_269 = tpu.vector_load %arg14[%swap3A_267, %swap3A_268] {strides = array<i32>} : memref<40x128xf32, #tpu.memory_space<vmem>>, vector<16xf32>,
      tpu.vector_store %arg14[%swap3A_267, %swap3A_268], %broadcast_in_dim3A_266 {strides = array<i32>} : memref<40x128xf32, #tpu.memory_space<vmem>>, vector<16xf32>,
      %broadcast_in_dim3A_270 = arith.constant 0.000000e+00 : f32
      %broadcast_in_dim3A_271 = vector.broadcast %broadcast_in_dim3A_270 : f32 to vector<16xf32>
      %swap3A_272 = arith.index_cast %scan3A_251 : i32 to index
      %swap3A_273 = arith.constant 64 : index
      %swap3A_274 = tpu.vector_load %arg14[%swap3A_272, %swap3A_273] {strides = array<i32>} : memref<40x128xf32, #tpu.memory_space<vmem>>, vector<16xf32>,
      tpu.vector_store %arg14[%swap3A_272, %swap3A_273], %broadcast_in_dim3A_271 {strides = array<i32>} : memref<40x128xf32, #tpu.memory_space<vmem>>, vector<16xf32>,
      %broadcast_in_dim3A_275 = arith.constant 0.000000e+00 : f32
      %broadcast_in_dim3A_276 = vector.broadcast %broadcast_in_dim3A_275 : f32 to vector<16xf32>
      %swap3A_277 = arith.index_cast %scan3A_251 : i32 to index
      %swap3A_278 = arith.constant 80 : index
      %swap3A_279 = tpu.vector_load %arg14[%swap3A_277, %swap3A_278] {strides = array<i32>} : memref<40x128xf32, #tpu.memory_space<vmem>>, vector<16xf32>,
      tpu.vector_store %arg14[%swap3A_277, %swap3A_278], %broadcast_in_dim3A_276 {strides = array<i32>} : memref<40x128xf32, #tpu.memory_space<vmem>>, vector<16xf32>,
      %broadcast_in_dim3A_280 = arith.constant 0.000000e+00 : f32
      %broadcast_in_dim3A_281 = vector.broadcast %broadcast_in_dim3A_280 : f32 to vector<16xf32>
      %swap3A_282 = arith.index_cast %scan3A_251 : i32 to index
      %swap3A_283 = arith.constant 96 : index
      %swap3A_284 = tpu.vector_load %arg14[%swap3A_282, %swap3A_283] {strides = array<i32>} : memref<40x128xf32, #tpu.memory_space<vmem>>, vector<16xf32>,
      tpu.vector_store %arg14[%swap3A_282, %swap3A_283], %broadcast_in_dim3A_281 {strides = array<i32>} : memref<40x128xf32, #tpu.memory_space<vmem>>, vector<16xf32>,
      %broadcast_in_dim3A_285 = arith.constant 0.000000e+00 : f32
      %broadcast_in_dim3A_286 = vector.broadcast %broadcast_in_dim3A_285 : f32 to vector<16xf32>
      %swap3A_287 = arith.index_cast %scan3A_251 : i32 to index
      %swap3A_288 = arith.constant 112 : index
      %swap3A_289 = tpu.vector_load %arg14[%swap3A_287, %swap3A_288] {strides = array<i32>} : memref<40x128xf32, #tpu.memory_space<vmem>>, vector<16xf32>,
      tpu.vector_store %arg14[%swap3A_287, %swap3A_288], %broadcast_in_dim3A_286 {strides = array<i32>} : memref<40x128xf32, #tpu.memory_space<vmem>>, vector<16xf32>,
    }
    %scan3A_4 = arith.constant 40 : i32
    %sub3A = arith.constant 250 : i32
    %sub3A_5 = arith.subi %sub3A, %arg1 : i32
    %add3A_6 = arith.constant 16 : i32
    %add3A_7 = arith.addi %sub3A_5, %add3A_6 : i32
    %sub3A_8 = arith.constant 1 : i32
    %sub3A_9 = arith.subi %add3A_7, %sub3A_8 : i32
    %jit3A = arith.constant 16 : i32
    %div3A = arith.divsi %sub3A_9, %jit3A : i32
    %sign3A = arith.constant 0 : i32
    %sign3A_10 = arith.cmpi sgt, %sub3A_9, %sign3A : i32
    %sign3A_11 = arith.extui %sign3A_10 : i1 to i32
    %sign3A_12 = arith.constant 0 : i32
    %sign3A_13 = arith.cmpi slt, %sub3A_9, %sign3A_12 : i32
    %sign3A_14 = arith.extui %sign3A_13 : i1 to i32
    %sign3A_15 = arith.subi %sign3A_11, %sign3A_14 : i32
    %sign3A_16 = arith.constant 0 : i32
    %sign3A_17 = arith.cmpi sgt, %jit3A, %sign3A_16 : i32
    %sign3A_18 = arith.extui %sign3A_17 : i1 to i32
    %sign3A_19 = arith.constant 0 : i32
    %sign3A_20 = arith.cmpi slt, %jit3A, %sign3A_19 : i32
    %sign3A_21 = arith.extui %sign3A_20 : i1 to i32
    %sign3A_22 = arith.subi %sign3A_18, %sign3A_21 : i32
    %ne3A = arith.cmpi ne, %sign3A_15, %sign3A_22 : i32
    %rem3A = arith.remsi %sub3A_9, %jit3A : i32
    %ne3A_23 = arith.constant 0 : i32
    %ne3A_24 = arith.cmpi ne, %rem3A, %ne3A_23 : i32
    %and3A = arith.andi %ne3A, %ne3A_24 : i1
    %sub3A_25 = arith.constant 1 : i32
    %sub3A_26 = arith.subi %div3A, %sub3A_25 : i32
    %select_n3A = arith.select %and3A, %sub3A_26, %div3A : i32
    %while3A = arith.constant 0 : i32
    %while3A_27 = arith.subi %select_n3A, %while3A : i32
    %while3A_28 = arith.addi %while3A, %while3A_27 : i32
    %while3A_29 = arith.constant 1 : i32
    %while3A_30 = arith.divsi %while3A_27, %while3A_29 : i32
    %while3A_31 = arith.muli %while3A_30, %while3A_29 : i32
    %while3A_32 = arith.addi %while3A, %while3A_31 : i32
    %while3A_33 = arith.constant 1 : i32
    scf.for %while3A_251 = %while3A to %while3A_32 step %while3A_33  : i32 {
      %mul3A_252 = arith.constant 16 : i32
      %mul3A_253 = arith.muli %mul3A_252, %while3A_251 : i32
      %add3A_254 = arith.addi %arg1, %mul3A_253 : i32
      %mul3A_255 = arith.constant 40 : i32
      %mul3A_256 = arith.muli %add3A_254, %mul3A_255 : i32
      %dma_start3A_257 = arith.constant 0 : i32
      %dma_start3A_258 = tpu.memref_slice %arg16[%mul3A_256, %dma_start3A_257] : memref<10000x128xf32, #tpu.memory_space<vmem_shared>> -> memref<40x128xf32, #tpu.memory_space<vmem_shared>>
      %dma_start3A_259 = arith.constant 0 : i32
      %dma_start3A_260 = tpu.memref_slice %arg16[%mul3A_256, %dma_start3A_259] : memref<10000x128xf32, #tpu.memory_space<vmem_shared>> -> memref<40x128xf32, #tpu.memory_space<vmem_shared>>
      tpu.enqueue_dma source(%arg14 : memref<40x128xf32, #tpu.memory_space<vmem>>) target(%dma_start3A_260 : memref<40x128xf32, #tpu.memory_space<vmem_shared>>) target_semaphore(%arg24 : memref<!tpu.dma_semaphore, #tpu.memory_space<semaphore_mem>>)
      %mul3A_261 = arith.constant 40 : i32
      %mul3A_262 = arith.muli %add3A_254, %mul3A_261 : i32
      %dma_start3A_263 = arith.constant 0 : i32
      %dma_start3A_264 = arith.constant 0 : i32
      %dma_start3A_265 = tpu.memref_slice %arg14[%dma_start3A_263, %dma_start3A_264] : memref<40x128xf32, #tpu.memory_space<vmem>> -> memref<1x40xf32, #tpu.memory_space<vmem>>
      %dma_start3A_266 = tpu.memref_squeeze %dma_start3A_265 : memref<1x40xf32, #tpu.memory_space<vmem>> -> memref<40xf32, #tpu.memory_space<vmem>>
      %dma_start3A_267 = tpu.memref_slice %arg17[%mul3A_262] : memref<10000xf32, #tpu.memory_space<vmem_shared>> -> memref<40xf32, #tpu.memory_space<vmem_shared>>
      %dma_start3A_268 = tpu.memref_slice %arg17[%mul3A_262] : memref<10000xf32, #tpu.memory_space<vmem_shared>> -> memref<40xf32, #tpu.memory_space<vmem_shared>>
      %dma_start3A_269 = arith.constant 0 : i32
      %dma_start3A_270 = tpu.memref_slice %arg14[%dma_start3A_263, %dma_start3A_269] : memref<40x128xf32, #tpu.memory_space<vmem>> -> memref<1x40xf32, #tpu.memory_space<vmem>>
      %dma_start3A_271 = tpu.memref_squeeze %dma_start3A_270 : memref<1x40xf32, #tpu.memory_space<vmem>> -> memref<40xf32, #tpu.memory_space<vmem>>
      tpu.enqueue_dma source(%dma_start3A_271 : memref<40xf32, #tpu.memory_space<vmem>>) target(%dma_start3A_268 : memref<40xf32, #tpu.memory_space<vmem_shared>>) target_semaphore(%arg25 : memref<!tpu.dma_semaphore, #tpu.memory_space<semaphore_mem>>)
    }
    %while3A_34 = arith.constant 1 : i32
    scf.for %while3A_251 = %while3A_32 to %while3A_28 step %while3A_34  : i32 {
      %mul3A_252 = arith.constant 16 : i32
      %mul3A_253 = arith.muli %mul3A_252, %while3A_251 : i32
      %add3A_254 = arith.addi %arg1, %mul3A_253 : i32
      %mul3A_255 = arith.constant 40 : i32
      %mul3A_256 = arith.muli %add3A_254, %mul3A_255 : i32
      %dma_start3A_257 = arith.constant 0 : i32
      %dma_start3A_258 = tpu.memref_slice %arg16[%mul3A_256, %dma_start3A_257] : memref<10000x128xf32, #tpu.memory_space<vmem_shared>> -> memref<40x128xf32, #tpu.memory_space<vmem_shared>>
      %dma_start3A_259 = arith.constant 0 : i32
      %dma_start3A_260 = tpu.memref_slice %arg16[%mul3A_256, %dma_start3A_259] : memref<10000x128xf32, #tpu.memory_space<vmem_shared>> -> memref<40x128xf32, #tpu.memory_space<vmem_shared>>
      tpu.enqueue_dma source(%arg14 : memref<40x128xf32, #tpu.memory_space<vmem>>) target(%dma_start3A_260 : memref<40x128xf32, #tpu.memory_space<vmem_shared>>) target_semaphore(%arg24 : memref<!tpu.dma_semaphore, #tpu.memory_space<semaphore_mem>>)
      %mul3A_261 = arith.constant 40 : i32
      %mul3A_262 = arith.muli %add3A_254, %mul3A_261 : i32
      %dma_start3A_263 = arith.constant 0 : i32
      %dma_start3A_264 = arith.constant 0 : i32
      %dma_start3A_265 = tpu.memref_slice %arg14[%dma_start3A_263, %dma_start3A_264] : memref<40x128xf32, #tpu.memory_space<vmem>> -> memref<1x40xf32, #tpu.memory_space<vmem>>
      %dma_start3A_266 = tpu.memref_squeeze %dma_start3A_265 : memref<1x40xf32, #tpu.memory_space<vmem>> -> memref<40xf32, #tpu.memory_space<vmem>>
      %dma_start3A_267 = tpu.memref_slice %arg17[%mul3A_262] : memref<10000xf32, #tpu.memory_space<vmem_shared>> -> memref<40xf32, #tpu.memory_space<vmem_shared>>
      %dma_start3A_268 = tpu.memref_slice %arg17[%mul3A_262] : memref<10000xf32, #tpu.memory_space<vmem_shared>> -> memref<40xf32, #tpu.memory_space<vmem_shared>>
      %dma_start3A_269 = arith.constant 0 : i32
      %dma_start3A_270 = tpu.memref_slice %arg14[%dma_start3A_263, %dma_start3A_269] : memref<40x128xf32, #tpu.memory_space<vmem>> -> memref<1x40xf32, #tpu.memory_space<vmem>>
      %dma_start3A_271 = tpu.memref_squeeze %dma_start3A_270 : memref<1x40xf32, #tpu.memory_space<vmem>> -> memref<40xf32, #tpu.memory_space<vmem>>
      tpu.enqueue_dma source(%dma_start3A_271 : memref<40xf32, #tpu.memory_space<vmem>>) target(%dma_start3A_268 : memref<40xf32, #tpu.memory_space<vmem_shared>>) target_semaphore(%arg25 : memref<!tpu.dma_semaphore, #tpu.memory_space<semaphore_mem>>)
    }
    %while3A_35 = arith.constant 0 : i32
    %while3A_36 = arith.subi %select_n3A, %while3A_35 : i32
    %while3A_37 = arith.addi %while3A_35, %while3A_36 : i32
    %while3A_38 = arith.constant 1 : i32
    %while3A_39 = arith.divsi %while3A_36, %while3A_38 : i32
    %while3A_40 = arith.muli %while3A_39, %while3A_38 : i32
    %while3A_41 = arith.addi %while3A_35, %while3A_40 : i32
    %while3A_42 = arith.constant 1 : i32
    scf.for %while3A_251 = %while3A_35 to %while3A_41 step %while3A_42  : i32 {
      %dma_wait3A_252 = arith.constant 0 : i32
      %dma_wait3A_253 = arith.constant 0 : i32
      %dma_wait3A_254 = tpu.memref_slice %arg16[%dma_wait3A_252, %dma_wait3A_253] : memref<10000x128xf32, #tpu.memory_space<vmem_shared>> -> memref<40x128xf32, #tpu.memory_space<vmem_shared>>
      %dma_wait3A_255 = arith.constant 0 : i32
      %dma_wait3A_256 = arith.constant 0 : i32
      %dma_wait3A_257 = tpu.memref_slice %arg16[%dma_wait3A_255, %dma_wait3A_256] : memref<10000x128xf32, #tpu.memory_space<vmem_shared>> -> memref<40x128xf32, #tpu.memory_space<vmem_shared>>
      tpu.wait_dma2 semaphore(%arg24 : memref<!tpu.dma_semaphore, #tpu.memory_space<semaphore_mem>>) src(%arg14 : memref<40x128xf32, #tpu.memory_space<vmem>>) dst(%dma_wait3A_257 : memref<40x128xf32, #tpu.memory_space<vmem_shared>>)
      %dma_wait3A_258 = arith.constant 0 : i32
      %dma_wait3A_259 = arith.constant 0 : i32
      %dma_wait3A_260 = tpu.memref_slice %arg14[%dma_wait3A_258, %dma_wait3A_259] : memref<40x128xf32, #tpu.memory_space<vmem>> -> memref<1x40xf32, #tpu.memory_space<vmem>>
      %dma_wait3A_261 = tpu.memref_squeeze %dma_wait3A_260 : memref<1x40xf32, #tpu.memory_space<vmem>> -> memref<40xf32, #tpu.memory_space<vmem>>
      %dma_wait3A_262 = arith.constant 0 : i32
      %dma_wait3A_263 = tpu.memref_slice %arg17[%dma_wait3A_262] : memref<10000xf32, #tpu.memory_space<vmem_shared>> -> memref<40xf32, #tpu.memory_space<vmem_shared>>
      %dma_wait3A_264 = arith.constant 0 : i32
      %dma_wait3A_265 = tpu.memref_slice %arg17[%dma_wait3A_264] : memref<10000xf32, #tpu.memory_space<vmem_shared>> -> memref<40xf32, #tpu.memory_space<vmem_shared>>
      %dma_wait3A_266 = arith.constant 0 : i32
      %dma_wait3A_267 = tpu.memref_slice %arg14[%dma_wait3A_258, %dma_wait3A_266] : memref<40x128xf32, #tpu.memory_space<vmem>> -> memref<1x40xf32, #tpu.memory_space<vmem>>
      %dma_wait3A_268 = tpu.memref_squeeze %dma_wait3A_267 : memref<1x40xf32, #tpu.memory_space<vmem>> -> memref<40xf32, #tpu.memory_space<vmem>>
      tpu.wait_dma2 semaphore(%arg25 : memref<!tpu.dma_semaphore, #tpu.memory_space<semaphore_mem>>) src(%dma_wait3A_268 : memref<40xf32, #tpu.memory_space<vmem>>) dst(%dma_wait3A_265 : memref<40xf32, #tpu.memory_space<vmem_shared>>)
    }
    %while3A_43 = arith.constant 1 : i32
    scf.for %while3A_251 = %while3A_41 to %while3A_37 step %while3A_43  : i32 {
      %dma_wait3A_252 = arith.constant 0 : i32
      %dma_wait3A_253 = arith.constant 0 : i32
      %dma_wait3A_254 = tpu.memref_slice %arg16[%dma_wait3A_252, %dma_wait3A_253] : memref<10000x128xf32, #tpu.memory_space<vmem_shared>> -> memref<40x128xf32, #tpu.memory_space<vmem_shared>>
      %dma_wait3A_255 = arith.constant 0 : i32
      %dma_wait3A_256 = arith.constant 0 : i32
      %dma_wait3A_257 = tpu.memref_slice %arg16[%dma_wait3A_255, %dma_wait3A_256] : memref<10000x128xf32, #tpu.memory_space<vmem_shared>> -> memref<40x128xf32, #tpu.memory_space<vmem_shared>>
      tpu.wait_dma2 semaphore(%arg24 : memref<!tpu.dma_semaphore, #tpu.memory_space<semaphore_mem>>) src(%arg14 : memref<40x128xf32, #tpu.memory_space<vmem>>) dst(%dma_wait3A_257 : memref<40x128xf32, #tpu.memory_space<vmem_shared>>)
      %dma_wait3A_258 = arith.constant 0 : i32
      %dma_wait3A_259 = arith.constant 0 : i32
      %dma_wait3A_260 = tpu.memref_slice %arg14[%dma_wait3A_258, %dma_wait3A_259] : memref<40x128xf32, #tpu.memory_space<vmem>> -> memref<1x40xf32, #tpu.memory_space<vmem>>
      %dma_wait3A_261 = tpu.memref_squeeze %dma_wait3A_260 : memref<1x40xf32, #tpu.memory_space<vmem>> -> memref<40xf32, #tpu.memory_space<vmem>>
      %dma_wait3A_262 = arith.constant 0 : i32
      %dma_wait3A_263 = tpu.memref_slice %arg17[%dma_wait3A_262] : memref<10000xf32, #tpu.memory_space<vmem_shared>> -> memref<40xf32, #tpu.memory_space<vmem_shared>>
      %dma_wait3A_264 = arith.constant 0 : i32
      %dma_wait3A_265 = tpu.memref_slice %arg17[%dma_wait3A_264] : memref<10000xf32, #tpu.memory_space<vmem_shared>> -> memref<40xf32, #tpu.memory_space<vmem_shared>>
      %dma_wait3A_266 = arith.constant 0 : i32
      %dma_wait3A_267 = tpu.memref_slice %arg14[%dma_wait3A_258, %dma_wait3A_266] : memref<40x128xf32, #tpu.memory_space<vmem>> -> memref<1x40xf32, #tpu.memory_space<vmem>>
      %dma_wait3A_268 = tpu.memref_squeeze %dma_wait3A_267 : memref<1x40xf32, #tpu.memory_space<vmem>> -> memref<40xf32, #tpu.memory_space<vmem>>
      tpu.wait_dma2 semaphore(%arg25 : memref<!tpu.dma_semaphore, #tpu.memory_space<semaphore_mem>>) src(%dma_wait3A_268 : memref<40xf32, #tpu.memory_space<vmem>>) dst(%dma_wait3A_265 : memref<40xf32, #tpu.memory_space<vmem_shared>>)
    }
    tpu.wait_dma2 semaphore(%arg21 : memref<!tpu.dma_semaphore, #tpu.memory_space<semaphore_mem>>) src(%arg3 : memref<10000xi32, #tpu.memory_space<hbm>>) dst(%arg8 : memref<10000xi32, #tpu.memory_space<vmem>>)
    %barrier3A = arith.constant 0 : index
    tpu.barrier barrier_id(%barrier3A)
    %lt3A = arith.constant 0 : i32
    %lt3A_44 = arith.cmpi slt, %add3A, %lt3A : i32
    %jit3A_45 = arith.constant 126 : i32
    %jit3A_46 = arith.constant 125 : i32
    %select_n3A_47 = arith.select %lt3A_44, %jit3A_45, %jit3A_46 : i32
    %add3A_48 = arith.constant 0 : i32
    %add3A_49 = arith.addi %add3A, %add3A_48 : i32
    %mul3A_50 = arith.constant 80 : i32
    %mul3A_51 = arith.muli %add3A_49, %mul3A_50 : i32
    %dma_start3A = arith.constant 0 : i32
    %dma_start3A_52 = arith.constant 0 : i32
    %dma_start3A_53 = tpu.memref_slice %arg9[%dma_start3A, %dma_start3A_52] : memref<3x80xi32, #tpu.memory_space<vmem>> -> memref<1x80xi32, #tpu.memory_space<vmem>>
    %dma_start3A_54 = tpu.memref_squeeze %dma_start3A_53 : memref<1x80xi32, #tpu.memory_space<vmem>> -> memref<80xi32, #tpu.memory_space<vmem>>
    %dma_start3A_55 = tpu.memref_slice %arg4[%mul3A_51] : memref<320000xi32, #tpu.memory_space<hbm>> -> memref<80xi32, #tpu.memory_space<hbm>>
    %dma_start3A_56 = arith.constant 0 : i32
    %dma_start3A_57 = tpu.memref_slice %arg9[%dma_start3A, %dma_start3A_56] : memref<3x80xi32, #tpu.memory_space<vmem>> -> memref<1x80xi32, #tpu.memory_space<vmem>>
    %dma_start3A_58 = tpu.memref_squeeze %dma_start3A_57 : memref<1x80xi32, #tpu.memory_space<vmem>> -> memref<80xi32, #tpu.memory_space<vmem>>
    %dma_start3A_59 = tpu.memref_slice %arg4[%mul3A_51] : memref<320000xi32, #tpu.memory_space<hbm>> -> memref<80xi32, #tpu.memory_space<hbm>>
    tpu.enqueue_dma source(%dma_start3A_59 : memref<80xi32, #tpu.memory_space<hbm>>) target(%dma_start3A_58 : memref<80xi32, #tpu.memory_space<vmem>>) target_semaphore(%arg18 : memref<!tpu.dma_semaphore, #tpu.memory_space<semaphore_mem>>)
    %dma_start3A_60 = arith.constant 0 : i32
    %dma_start3A_61 = arith.constant 0 : i32
    %dma_start3A_62 = tpu.memref_slice %arg10[%dma_start3A_60, %dma_start3A_61] : memref<3x80xi32, #tpu.memory_space<vmem>> -> memref<1x80xi32, #tpu.memory_space<vmem>>
    %dma_start3A_63 = tpu.memref_squeeze %dma_start3A_62 : memref<1x80xi32, #tpu.memory_space<vmem>> -> memref<80xi32, #tpu.memory_space<vmem>>
    %dma_start3A_64 = tpu.memref_slice %arg5[%mul3A_51] : memref<320000xi32, #tpu.memory_space<hbm>> -> memref<80xi32, #tpu.memory_space<hbm>>
    %dma_start3A_65 = arith.constant 0 : i32
    %dma_start3A_66 = tpu.memref_slice %arg10[%dma_start3A_60, %dma_start3A_65] : memref<3x80xi32, #tpu.memory_space<vmem>> -> memref<1x80xi32, #tpu.memory_space<vmem>>
    %dma_start3A_67 = tpu.memref_squeeze %dma_start3A_66 : memref<1x80xi32, #tpu.memory_space<vmem>> -> memref<80xi32, #tpu.memory_space<vmem>>
    %dma_start3A_68 = tpu.memref_slice %arg5[%mul3A_51] : memref<320000xi32, #tpu.memory_space<hbm>> -> memref<80xi32, #tpu.memory_space<hbm>>
    tpu.enqueue_dma source(%dma_start3A_68 : memref<80xi32, #tpu.memory_space<hbm>>) target(%dma_start3A_67 : memref<80xi32, #tpu.memory_space<vmem>>) target_semaphore(%arg18 : memref<!tpu.dma_semaphore, #tpu.memory_space<semaphore_mem>>)
    %add3A_69 = arith.constant 32 : i32
    %add3A_70 = arith.addi %add3A, %add3A_69 : i32
    %mul3A_71 = arith.constant 80 : i32
    %mul3A_72 = arith.muli %add3A_70, %mul3A_71 : i32
    %dma_start3A_73 = arith.constant 1 : i32
    %dma_start3A_74 = arith.constant 0 : i32
    %dma_start3A_75 = tpu.memref_slice %arg9[%dma_start3A_73, %dma_start3A_74] : memref<3x80xi32, #tpu.memory_space<vmem>> -> memref<1x80xi32, #tpu.memory_space<vmem>>
    %dma_start3A_76 = tpu.memref_squeeze %dma_start3A_75 : memref<1x80xi32, #tpu.memory_space<vmem>> -> memref<80xi32, #tpu.memory_space<vmem>>
    %dma_start3A_77 = tpu.memref_slice %arg4[%mul3A_72] : memref<320000xi32, #tpu.memory_space<hbm>> -> memref<80xi32, #tpu.memory_space<hbm>>
    %dma_start3A_78 = arith.constant 0 : i32
    %dma_start3A_79 = tpu.memref_slice %arg9[%dma_start3A_73, %dma_start3A_78] : memref<3x80xi32, #tpu.memory_space<vmem>> -> memref<1x80xi32, #tpu.memory_space<vmem>>
    %dma_start3A_80 = tpu.memref_squeeze %dma_start3A_79 : memref<1x80xi32, #tpu.memory_space<vmem>> -> memref<80xi32, #tpu.memory_space<vmem>>
    %dma_start3A_81 = tpu.memref_slice %arg4[%mul3A_72] : memref<320000xi32, #tpu.memory_space<hbm>> -> memref<80xi32, #tpu.memory_space<hbm>>
    tpu.enqueue_dma source(%dma_start3A_81 : memref<80xi32, #tpu.memory_space<hbm>>) target(%dma_start3A_80 : memref<80xi32, #tpu.memory_space<vmem>>) target_semaphore(%arg19 : memref<!tpu.dma_semaphore, #tpu.memory_space<semaphore_mem>>)
    %dma_start3A_82 = arith.constant 1 : i32
    %dma_start3A_83 = arith.constant 0 : i32
    %dma_start3A_84 = tpu.memref_slice %arg10[%dma_start3A_82, %dma_start3A_83] : memref<3x80xi32, #tpu.memory_space<vmem>> -> memref<1x80xi32, #tpu.memory_space<vmem>>
    %dma_start3A_85 = tpu.memref_squeeze %dma_start3A_84 : memref<1x80xi32, #tpu.memory_space<vmem>> -> memref<80xi32, #tpu.memory_space<vmem>>
    %dma_start3A_86 = tpu.memref_slice %arg5[%mul3A_72] : memref<320000xi32, #tpu.memory_space<hbm>> -> memref<80xi32, #tpu.memory_space<hbm>>
    %dma_start3A_87 = arith.constant 0 : i32
    %dma_start3A_88 = tpu.memref_slice %arg10[%dma_start3A_82, %dma_start3A_87] : memref<3x80xi32, #tpu.memory_space<vmem>> -> memref<1x80xi32, #tpu.memory_space<vmem>>
    %dma_start3A_89 = tpu.memref_squeeze %dma_start3A_88 : memref<1x80xi32, #tpu.memory_space<vmem>> -> memref<80xi32, #tpu.memory_space<vmem>>
    %dma_start3A_90 = tpu.memref_slice %arg5[%mul3A_72] : memref<320000xi32, #tpu.memory_space<hbm>> -> memref<80xi32, #tpu.memory_space<hbm>>
    tpu.enqueue_dma source(%dma_start3A_90 : memref<80xi32, #tpu.memory_space<hbm>>) target(%dma_start3A_89 : memref<80xi32, #tpu.memory_space<vmem>>) target_semaphore(%arg19 : memref<!tpu.dma_semaphore, #tpu.memory_space<semaphore_mem>>)
    %add3A_91 = arith.constant 64 : i32
    %add3A_92 = arith.addi %add3A, %add3A_91 : i32
    %mul3A_93 = arith.constant 80 : i32
    %mul3A_94 = arith.muli %add3A_92, %mul3A_93 : i32
    %dma_start3A_95 = arith.constant 2 : i32
    %dma_start3A_96 = arith.constant 0 : i32
    %dma_start3A_97 = tpu.memref_slice %arg9[%dma_start3A_95, %dma_start3A_96] : memref<3x80xi32, #tpu.memory_space<vmem>> -> memref<1x80xi32, #tpu.memory_space<vmem>>
    %dma_start3A_98 = tpu.memref_squeeze %dma_start3A_97 : memref<1x80xi32, #tpu.memory_space<vmem>> -> memref<80xi32, #tpu.memory_space<vmem>>
    %dma_start3A_99 = tpu.memref_slice %arg4[%mul3A_94] : memref<320000xi32, #tpu.memory_space<hbm>> -> memref<80xi32, #tpu.memory_space<hbm>>
    %dma_start3A_100 = arith.constant 0 : i32
    %dma_start3A_101 = tpu.memref_slice %arg9[%dma_start3A_95, %dma_start3A_100] : memref<3x80xi32, #tpu.memory_space<vmem>> -> memref<1x80xi32, #tpu.memory_space<vmem>>
    %dma_start3A_102 = tpu.memref_squeeze %dma_start3A_101 : memref<1x80xi32, #tpu.memory_space<vmem>> -> memref<80xi32, #tpu.memory_space<vmem>>
    %dma_start3A_103 = tpu.memref_slice %arg4[%mul3A_94] : memref<320000xi32, #tpu.memory_space<hbm>> -> memref<80xi32, #tpu.memory_space<hbm>>
    tpu.enqueue_dma source(%dma_start3A_103 : memref<80xi32, #tpu.memory_space<hbm>>) target(%dma_start3A_102 : memref<80xi32, #tpu.memory_space<vmem>>) target_semaphore(%arg20 : memref<!tpu.dma_semaphore, #tpu.memory_space<semaphore_mem>>)
    %dma_start3A_104 = arith.constant 2 : i32
    %dma_start3A_105 = arith.constant 0 : i32
    %dma_start3A_106 = tpu.memref_slice %arg10[%dma_start3A_104, %dma_start3A_105] : memref<3x80xi32, #tpu.memory_space<vmem>> -> memref<1x80xi32, #tpu.memory_space<vmem>>
    %dma_start3A_107 = tpu.memref_squeeze %dma_start3A_106 : memref<1x80xi32, #tpu.memory_space<vmem>> -> memref<80xi32, #tpu.memory_space<vmem>>
    %dma_start3A_108 = tpu.memref_slice %arg5[%mul3A_94] : memref<320000xi32, #tpu.memory_space<hbm>> -> memref<80xi32, #tpu.memory_space<hbm>>
    %dma_start3A_109 = arith.constant 0 : i32
    %dma_start3A_110 = tpu.memref_slice %arg10[%dma_start3A_104, %dma_start3A_109] : memref<3x80xi32, #tpu.memory_space<vmem>> -> memref<1x80xi32, #tpu.memory_space<vmem>>
    %dma_start3A_111 = tpu.memref_squeeze %dma_start3A_110 : memref<1x80xi32, #tpu.memory_space<vmem>> -> memref<80xi32, #tpu.memory_space<vmem>>
    %dma_start3A_112 = tpu.memref_slice %arg5[%mul3A_94] : memref<320000xi32, #tpu.memory_space<hbm>> -> memref<80xi32, #tpu.memory_space<hbm>>
    tpu.enqueue_dma source(%dma_start3A_112 : memref<80xi32, #tpu.memory_space<hbm>>) target(%dma_start3A_111 : memref<80xi32, #tpu.memory_space<vmem>>) target_semaphore(%arg20 : memref<!tpu.dma_semaphore, #tpu.memory_space<semaphore_mem>>)
    %dma_wait3A = arith.constant 0 : i32
    %dma_wait3A_113 = arith.constant 0 : i32
    %dma_wait3A_114 = tpu.memref_slice %arg9[%dma_wait3A, %dma_wait3A_113] : memref<3x80xi32, #tpu.memory_space<vmem>> -> memref<1x80xi32, #tpu.memory_space<vmem>>
    %dma_wait3A_115 = tpu.memref_squeeze %dma_wait3A_114 : memref<1x80xi32, #tpu.memory_space<vmem>> -> memref<80xi32, #tpu.memory_space<vmem>>
    %dma_wait3A_116 = arith.constant 0 : i32
    %dma_wait3A_117 = tpu.memref_slice %arg4[%dma_wait3A_116] : memref<320000xi32, #tpu.memory_space<hbm>> -> memref<80xi32, #tpu.memory_space<hbm>>
    %dma_wait3A_118 = arith.constant 0 : i32
    %dma_wait3A_119 = tpu.memref_slice %arg9[%dma_wait3A, %dma_wait3A_118] : memref<3x80xi32, #tpu.memory_space<vmem>> -> memref<1x80xi32, #tpu.memory_space<vmem>>
    %dma_wait3A_120 = tpu.memref_squeeze %dma_wait3A_119 : memref<1x80xi32, #tpu.memory_space<vmem>> -> memref<80xi32, #tpu.memory_space<vmem>>
    %dma_wait3A_121 = arith.constant 0 : i32
    %dma_wait3A_122 = tpu.memref_slice %arg4[%dma_wait3A_121] : memref<320000xi32, #tpu.memory_space<hbm>> -> memref<80xi32, #tpu.memory_space<hbm>>
    tpu.wait_dma2 semaphore(%arg18 : memref<!tpu.dma_semaphore, #tpu.memory_space<semaphore_mem>>) src(%dma_wait3A_122 : memref<80xi32, #tpu.memory_space<hbm>>) dst(%dma_wait3A_120 : memref<80xi32, #tpu.memory_space<vmem>>)
    %dma_wait3A_123 = arith.constant 0 : i32
    %dma_wait3A_124 = arith.constant 0 : i32
    %dma_wait3A_125 = tpu.memref_slice %arg10[%dma_wait3A_123, %dma_wait3A_124] : memref<3x80xi32, #tpu.memory_space<vmem>> -> memref<1x80xi32, #tpu.memory_space<vmem>>
    %dma_wait3A_126 = tpu.memref_squeeze %dma_wait3A_125 : memref<1x80xi32, #tpu.memory_space<vmem>> -> memref<80xi32, #tpu.memory_space<vmem>>
    %dma_wait3A_127 = arith.constant 0 : i32
    %dma_wait3A_128 = tpu.memref_slice %arg5[%dma_wait3A_127] : memref<320000xi32, #tpu.memory_space<hbm>> -> memref<80xi32, #tpu.memory_space<hbm>>
    %dma_wait3A_129 = arith.constant 0 : i32
    %dma_wait3A_130 = tpu.memref_slice %arg10[%dma_wait3A_123, %dma_wait3A_129] : memref<3x80xi32, #tpu.memory_space<vmem>> -> memref<1x80xi32, #tpu.memory_space<vmem>>
    %dma_wait3A_131 = tpu.memref_squeeze %dma_wait3A_130 : memref<1x80xi32, #tpu.memory_space<vmem>> -> memref<80xi32, #tpu.memory_space<vmem>>
    %dma_wait3A_132 = arith.constant 0 : i32
    %dma_wait3A_133 = tpu.memref_slice %arg5[%dma_wait3A_132] : memref<320000xi32, #tpu.memory_space<hbm>> -> memref<80xi32, #tpu.memory_space<hbm>>
    tpu.wait_dma2 semaphore(%arg18 : memref<!tpu.dma_semaphore, #tpu.memory_space<semaphore_mem>>) src(%dma_wait3A_133 : memref<80xi32, #tpu.memory_space<hbm>>) dst(%dma_wait3A_131 : memref<80xi32, #tpu.memory_space<vmem>>)
    %dma_start3A_134 = arith.constant 0 : i32
    %dma_start3A_135 = arith.constant 0 : i32
    %dma_start3A_136 = arith.constant 0 : i32
    %dma_start3A_137 = arith.constant 0 : i32
    %dma_start3A_138 = tpu.memref_slice %arg12[%dma_start3A_135, %dma_start3A_136, %dma_start3A_137] : memref<3x80x128xf32, #tpu.memory_space<vmem>> -> memref<1x80x128xf32, #tpu.memory_space<vmem>>
    %dma_start3A_139 = tpu.memref_squeeze %dma_start3A_138 : memref<1x80x128xf32, #tpu.memory_space<vmem>> -> memref<80x128xf32, #tpu.memory_space<vmem>>
    %dma_start3A_140 = arith.constant 0 : i32
    %dma_start3A_141 = tpu.memref_slice %arg9[%dma_start3A_134, %dma_start3A_140] : memref<3x80xi32, #tpu.memory_space<vmem>> -> memref<1x80xi32, #tpu.memory_space<vmem>>
    %dma_start3A_142 = tpu.memref_squeeze %dma_start3A_141 : memref<1x80xi32, #tpu.memory_space<vmem>> -> memref<80xi32, #tpu.memory_space<vmem>>
    %dma_start3A_143 = arith.constant 0 : i32
    %dma_start3A_144 = arith.constant 0 : i32
    %dma_start3A_145 = tpu.memref_slice %arg2[%dma_start3A_143, %dma_start3A_144] : memref<10000x128xf32, #tpu.memory_space<hbm>> -> memref<10000x128xf32, #tpu.memory_space<hbm>>
    tpu.enqueue_indirect_dma source(%dma_start3A_145 : memref<10000x128xf32, #tpu.memory_space<hbm>>) target(%dma_start3A_139 : memref<80x128xf32, #tpu.memory_space<vmem>>) offsets(%dma_start3A_142 : memref<80xi32, #tpu.memory_space<vmem>>) semaphore(%arg21 : memref<!tpu.dma_semaphore, #tpu.memory_space<semaphore_mem>>)
    %add3A_146 = arith.constant 2 : i32
    %add3A_147 = arith.addi %select_n3A_47, %add3A_146 : i32
    %jit3A_148 = arith.constant 3 : i32
    %div3A_149 = arith.divsi %add3A_147, %jit3A_148 : i32
    %sign3A_150 = arith.constant 0 : i32
    %sign3A_151 = arith.cmpi sgt, %add3A_147, %sign3A_150 : i32
    %sign3A_152 = arith.extui %sign3A_151 : i1 to i32
    %sign3A_153 = arith.constant 0 : i32
    %sign3A_154 = arith.cmpi slt, %add3A_147, %sign3A_153 : i32
    %sign3A_155 = arith.extui %sign3A_154 : i1 to i32
    %sign3A_156 = arith.subi %sign3A_152, %sign3A_155 : i32
    %sign3A_157 = arith.constant 0 : i32
    %sign3A_158 = arith.cmpi sgt, %jit3A_148, %sign3A_157 : i32
    %sign3A_159 = arith.extui %sign3A_158 : i1 to i32
    %sign3A_160 = arith.constant 0 : i32
    %sign3A_161 = arith.cmpi slt, %jit3A_148, %sign3A_160 : i32
    %sign3A_162 = arith.extui %sign3A_161 : i1 to i32
    %sign3A_163 = arith.subi %sign3A_159, %sign3A_162 : i32
    %ne3A_164 = arith.cmpi ne, %sign3A_156, %sign3A_163 : i32
    %rem3A_165 = arith.remsi %add3A_147, %jit3A_148 : i32
    %ne3A_166 = arith.constant 0 : i32
    %ne3A_167 = arith.cmpi ne, %rem3A_165, %ne3A_166 : i32
    %and3A_168 = arith.andi %ne3A_164, %ne3A_167 : i1
    %sub3A_169 = arith.constant 1 : i32
    %sub3A_170 = arith.subi %div3A_149, %sub3A_169 : i32
    %select_n3A_171 = arith.select %and3A_168, %sub3A_170, %div3A_149 : i32
    %while3A_172 = arith.constant 0 : i32
    %while3A_173 = arith.subi %select_n3A_171, %while3A_172 : i32
    %while3A_174 = arith.addi %while3A_172, %while3A_173 : i32
    %while3A_175 = arith.constant 1 : i32
    %while3A_176 = arith.divsi %while3A_173, %while3A_175 : i32
    %while3A_177 = arith.muli %while3A_176, %while3A_175 : i32
    %while3A_178 = arith.addi %while3A_172, %while3A_177 : i32
    %while3A_179 = arith.constant 1 : i32
    scf.for %while3A_251 = %while3A_172 to %while3A_178 step %while3A_179  : i32 {
      %mul3A_252 = arith.constant 3 : i32
      %mul3A_253 = arith.muli %mul3A_252, %while3A_251 : i32
      %ge3A = arith.constant 3 : i32
      %ge3A_254 = arith.cmpi sge, %mul3A_253, %ge3A : i32
      %convert_element_type3A_255 = arith.extui %ge3A_254 : i1 to i32
      %cond3A_256 = arith.constant 0 : i32
      %cond3A_257 = arith.cmpi ne, %convert_element_type3A_255, %cond3A_256 : i32
      scf.if %cond3A_257 {
        %dma_wait3A_493 = arith.constant 0 : i32
        %dma_wait3A_494 = arith.constant 0 : i32
        %dma_wait3A_495 = arith.constant 0 : i32
        %dma_wait3A_496 = tpu.memref_slice %arg13[%dma_wait3A_493, %dma_wait3A_495] : memref<3x80xf32, #tpu.memory_space<vmem>> -> memref<1x80xf32, #tpu.memory_space<vmem>>
        %dma_wait3A_497 = tpu.memref_squeeze %dma_wait3A_496 : memref<1x80xf32, #tpu.memory_space<vmem>> -> memref<80xf32, #tpu.memory_space<vmem>>
        %dma_wait3A_498 = arith.constant 0 : i32
        %dma_wait3A_499 = tpu.memref_slice %arg11[%dma_wait3A_494, %dma_wait3A_498] : memref<3x80xi32, #tpu.memory_space<vmem>> -> memref<1x80xi32, #tpu.memory_space<vmem>>
        %dma_wait3A_500 = tpu.memref_squeeze %dma_wait3A_499 : memref<1x80xi32, #tpu.memory_space<vmem>> -> memref<80xi32, #tpu.memory_space<vmem>>
        %dma_wait3A_501 = arith.constant 0 : i32
        %dma_wait3A_502 = tpu.memref_slice %arg17[%dma_wait3A_501] : memref<10000xf32, #tpu.memory_space<vmem_shared>> -> memref<10000xf32, #tpu.memory_space<vmem_shared>>
        tpu.wait_indirect_dma semaphore(%arg27 : memref<!tpu.dma_semaphore, #tpu.memory_space<semaphore_mem>>) src(%dma_wait3A_497 : memref<80xf32, #tpu.memory_space<vmem>>) dst(%dma_wait3A_502 : memref<10000xf32, #tpu.memory_space<vmem_shared>>)
      } else {
      }
      %add3A_258 = arith.constant 1 : i32
      %add3A_259 = arith.addi %mul3A_253, %add3A_258 : i32
      %lt3A_260 = arith.cmpi slt, %add3A_259, %select_n3A_47 : i32
      %convert_element_type3A_261 = arith.extui %lt3A_260 : i1 to i32
      %cond3A_262 = arith.constant 0 : i32
      %cond3A_263 = arith.cmpi ne, %convert_element_type3A_261, %cond3A_262 : i32
      scf.if %cond3A_263 {
        %dma_wait3A_493 = arith.constant 1 : i32
        %dma_wait3A_494 = arith.constant 0 : i32
        %dma_wait3A_495 = tpu.memref_slice %arg9[%dma_wait3A_493, %dma_wait3A_494] : memref<3x80xi32, #tpu.memory_space<vmem>> -> memref<1x80xi32, #tpu.memory_space<vmem>>
        %dma_wait3A_496 = tpu.memref_squeeze %dma_wait3A_495 : memref<1x80xi32, #tpu.memory_space<vmem>> -> memref<80xi32, #tpu.memory_space<vmem>>
        %dma_wait3A_497 = arith.constant 0 : i32
        %dma_wait3A_498 = tpu.memref_slice %arg4[%dma_wait3A_497] : memref<320000xi32, #tpu.memory_space<hbm>> -> memref<80xi32, #tpu.memory_space<hbm>>
        %dma_wait3A_499 = arith.constant 0 : i32
        %dma_wait3A_500 = tpu.memref_slice %arg9[%dma_wait3A_493, %dma_wait3A_499] : memref<3x80xi32, #tpu.memory_space<vmem>> -> memref<1x80xi32, #tpu.memory_space<vmem>>
        %dma_wait3A_501 = tpu.memref_squeeze %dma_wait3A_500 : memref<1x80xi32, #tpu.memory_space<vmem>> -> memref<80xi32, #tpu.memory_space<vmem>>
        %dma_wait3A_502 = arith.constant 0 : i32
        %dma_wait3A_503 = tpu.memref_slice %arg4[%dma_wait3A_502] : memref<320000xi32, #tpu.memory_space<hbm>> -> memref<80xi32, #tpu.memory_space<hbm>>
        tpu.wait_dma2 semaphore(%arg19 : memref<!tpu.dma_semaphore, #tpu.memory_space<semaphore_mem>>) src(%dma_wait3A_503 : memref<80xi32, #tpu.memory_space<hbm>>) dst(%dma_wait3A_501 : memref<80xi32, #tpu.memory_space<vmem>>)
        %dma_wait3A_504 = arith.constant 1 : i32
        %dma_wait3A_505 = arith.constant 0 : i32
        %dma_wait3A_506 = tpu.memref_slice %arg10[%dma_wait3A_504, %dma_wait3A_505] : memref<3x80xi32, #tpu.memory_space<vmem>> -> memref<1x80xi32, #tpu.memory_space<vmem>>
        %dma_wait3A_507 = tpu.memref_squeeze %dma_wait3A_506 : memref<1x80xi32, #tpu.memory_space<vmem>> -> memref<80xi32, #tpu.memory_space<vmem>>
        %dma_wait3A_508 = arith.constant 0 : i32
        %dma_wait3A_509 = tpu.memref_slice %arg5[%dma_wait3A_508] : memref<320000xi32, #tpu.memory_space<hbm>> -> memref<80xi32, #tpu.memory_space<hbm>>
        %dma_wait3A_510 = arith.constant 0 : i32
        %dma_wait3A_511 = tpu.memref_slice %arg10[%dma_wait3A_504, %dma_wait3A_510] : memref<3x80xi32, #tpu.memory_space<vmem>> -> memref<1x80xi32, #tpu.memory_space<vmem>>
        %dma_wait3A_512 = tpu.memref_squeeze %dma_wait3A_511 : memref<1x80xi32, #tpu.memory_space<vmem>> -> memref<80xi32, #tpu.memory_space<vmem>>
        %dma_wait3A_513 = arith.constant 0 : i32
        %dma_wait3A_514 = tpu.memref_slice %arg5[%dma_wait3A_513] : memref<320000xi32, #tpu.memory_space<hbm>> -> memref<80xi32, #tpu.memory_space<hbm>>
        tpu.wait_dma2 semaphore(%arg19 : memref<!tpu.dma_semaphore, #tpu.memory_space<semaphore_mem>>) src(%dma_wait3A_514 : memref<80xi32, #tpu.memory_space<hbm>>) dst(%dma_wait3A_512 : memref<80xi32, #tpu.memory_space<vmem>>)
        %ge3A_515 = arith.constant 2 : i32
        %ge3A_516 = arith.cmpi sge, %mul3A_253, %ge3A_515 : i32
        %convert_element_type3A_517 = arith.extui %ge3A_516 : i1 to i32
        %cond3A_518 = arith.constant 0 : i32
        %cond3A_519 = arith.cmpi ne, %convert_element_type3A_517, %cond3A_518 : i32
        scf.if %cond3A_519 {
          %dma_wait3A_532 = arith.constant 1 : i32
          %dma_wait3A_533 = arith.constant 1 : i32
          %dma_wait3A_534 = arith.constant 0 : i32
          %dma_wait3A_535 = arith.constant 0 : i32
          %dma_wait3A_536 = tpu.memref_slice %arg12[%dma_wait3A_532, %dma_wait3A_534, %dma_wait3A_535] : memref<3x80x128xf32, #tpu.memory_space<vmem>> -> memref<1x80x128xf32, #tpu.memory_space<vmem>>
          %dma_wait3A_537 = tpu.memref_squeeze %dma_wait3A_536 : memref<1x80x128xf32, #tpu.memory_space<vmem>> -> memref<80x128xf32, #tpu.memory_space<vmem>>
          %dma_wait3A_538 = arith.constant 0 : i32
          %dma_wait3A_539 = tpu.memref_slice %arg11[%dma_wait3A_533, %dma_wait3A_538] : memref<3x80xi32, #tpu.memory_space<vmem>> -> memref<1x80xi32, #tpu.memory_space<vmem>>
          %dma_wait3A_540 = tpu.memref_squeeze %dma_wait3A_539 : memref<1x80xi32, #tpu.memory_space<vmem>> -> memref<80xi32, #tpu.memory_space<vmem>>
          %dma_wait3A_541 = arith.constant 0 : i32
          %dma_wait3A_542 = arith.constant 0 : i32
          %dma_wait3A_543 = tpu.memref_slice %arg16[%dma_wait3A_541, %dma_wait3A_542] : memref<10000x128xf32, #tpu.memory_space<vmem_shared>> -> memref<10000x128xf32, #tpu.memory_space<vmem_shared>>
          tpu.wait_indirect_dma semaphore(%arg25 : memref<!tpu.dma_semaphore, #tpu.memory_space<semaphore_mem>>) src(%dma_wait3A_537 : memref<80x128xf32, #tpu.memory_space<vmem>>) dst(%dma_wait3A_543 : memref<10000x128xf32, #tpu.memory_space<vmem_shared>>)
        } else {
        }
        %dma_start3A_520 = arith.constant 1 : i32
        %dma_start3A_521 = arith.constant 1 : i32
        %dma_start3A_522 = arith.constant 0 : i32
        %dma_start3A_523 = arith.constant 0 : i32
        %dma_start3A_524 = tpu.memref_slice %arg12[%dma_start3A_521, %dma_start3A_522, %dma_start3A_523] : memref<3x80x128xf32, #tpu.memory_space<vmem>> -> memref<1x80x128xf32, #tpu.memory_space<vmem>>
        %dma_start3A_525 = tpu.memref_squeeze %dma_start3A_524 : memref<1x80x128xf32, #tpu.memory_space<vmem>> -> memref<80x128xf32, #tpu.memory_space<vmem>>
        %dma_start3A_526 = arith.constant 0 : i32
        %dma_start3A_527 = tpu.memref_slice %arg9[%dma_start3A_520, %dma_start3A_526] : memref<3x80xi32, #tpu.memory_space<vmem>> -> memref<1x80xi32, #tpu.memory_space<vmem>>
        %dma_start3A_528 = tpu.memref_squeeze %dma_start3A_527 : memref<1x80xi32, #tpu.memory_space<vmem>> -> memref<80xi32, #tpu.memory_space<vmem>>
        %dma_start3A_529 = arith.constant 0 : i32
        %dma_start3A_530 = arith.constant 0 : i32
        %dma_start3A_531 = tpu.memref_slice %arg2[%dma_start3A_529, %dma_start3A_530] : memref<10000x128xf32, #tpu.memory_space<hbm>> -> memref<10000x128xf32, #tpu.memory_space<hbm>>
        tpu.enqueue_indirect_dma source(%dma_start3A_531 : memref<10000x128xf32, #tpu.memory_space<hbm>>) target(%dma_start3A_525 : memref<80x128xf32, #tpu.memory_space<vmem>>) offsets(%dma_start3A_528 : memref<80xi32, #tpu.memory_space<vmem>>) semaphore(%arg22 : memref<!tpu.dma_semaphore, #tpu.memory_space<semaphore_mem>>)
      } else {
      }
      %get3A = arith.constant 0 : i32
      %get3A_264 = arith.index_cast %get3A : i32 to index
      %get3A_265 = arith.constant 0 : index
      %get3A_266 = tpu.vector_load %arg9[%get3A_264, %get3A_265] {strides = array<i32>} : memref<3x80xi32, #tpu.memory_space<vmem>>, vector<16xi32>,
      %get3A_267 = arith.constant 0 : i32
      %get3A_268 = arith.index_cast %get3A_267 : i32 to index
      %get3A_269 = arith.constant 0 : index
      %get3A_270 = tpu.vector_load %arg10[%get3A_268, %get3A_269] {strides = array<i32>} : memref<3x80xi32, #tpu.memory_space<vmem>>, vector<16xi32>,
      %gather3A = tpu.vector_load_idx %arg8[%get3A_266] : memref<10000xi32, #tpu.memory_space<vmem>>[vector<16xi32>], vector<16xi32>,
      %gather3A_271 = tpu.vector_load_idx %arg8[%get3A_270] : memref<10000xi32, #tpu.memory_space<vmem>>[vector<16xi32>], vector<16xi32>,
      %bitcast3A = vector.bitcast %gather3A : vector<16xi32> to vector<32xbf16>
      %unpack3A = tpu.unpack_subelements %bitcast3A, 0 {pack_format = #tpu.pack_format<interleaved>} : vector<32xbf16> -> vector<16xf32>
      %unpack3A_272 = tpu.unpack_subelements %bitcast3A, 1 {pack_format = #tpu.pack_format<interleaved>} : vector<32xbf16> -> vector<16xf32>
      %bitcast3A_273 = vector.bitcast %gather3A_271 : vector<16xi32> to vector<32xbf16>
      %unpack3A_274 = tpu.unpack_subelements %bitcast3A_273, 0 {pack_format = #tpu.pack_format<interleaved>} : vector<32xbf16> -> vector<16xf32>
      %unpack3A_275 = tpu.unpack_subelements %bitcast3A_273, 1 {pack_format = #tpu.pack_format<interleaved>} : vector<32xbf16> -> vector<16xf32>
      %add3A_276 = arith.addf %unpack3A, %unpack3A_275 : vector<16xf32>
      %mul3A_277 = arith.constant 2.000000e-01 : f32
      %mul3A_278 = vector.broadcast %mul3A_277 : f32 to vector<16xf32>
      %mul3A_279 = arith.mulf %add3A_276, %mul3A_278 : vector<16xf32>
      %max3A = arith.maximumf %add3A_276, %mul3A_279 : vector<16xf32>
      %exp3A = math.exp %max3A : vector<16xf32>
      %max3A_280 = arith.constant 5.000000e-03 : f32
      %max3A_281 = vector.broadcast %max3A_280 : f32 to vector<16xf32>
      %max3A_282 = arith.maximumf %exp3A, %max3A_281 : vector<16xf32>
      %min3A = arith.constant 1.000000e+01 : f32
      %min3A_283 = vector.broadcast %min3A : f32 to vector<16xf32>
      %min3A_284 = arith.minimumf %max3A_282, %min3A_283 : vector<16xf32>
      %swap3A = arith.constant 0 : i32
      %swap3A_285 = arith.index_cast %swap3A : i32 to index
      %swap3A_286 = arith.constant 0 : index
      %swap3A_287 = tpu.vector_load %arg13[%swap3A_285, %swap3A_286] {strides = array<i32>} : memref<3x80xf32, #tpu.memory_space<vmem>>, vector<16xf32>,
      tpu.vector_store %arg13[%swap3A_285, %swap3A_286], %min3A_284 {strides = array<i32>} : memref<3x80xf32, #tpu.memory_space<vmem>>, vector<16xf32>,
      %swap3A_288 = arith.constant 0 : i32
      %swap3A_289 = arith.index_cast %swap3A_288 : i32 to index
      %swap3A_290 = arith.constant 0 : index
      %swap3A_291 = tpu.vector_load %arg11[%swap3A_289, %swap3A_290] {strides = array<i32>} : memref<3x80xi32, #tpu.memory_space<vmem>>, vector<16xi32>,
      tpu.vector_store %arg11[%swap3A_289, %swap3A_290], %get3A_270 {strides = array<i32>} : memref<3x80xi32, #tpu.memory_space<vmem>>, vector<16xi32>,
      %get3A_292 = arith.constant 0 : i32
      %get3A_293 = arith.index_cast %get3A_292 : i32 to index
      %get3A_294 = arith.constant 16 : index
      %get3A_295 = tpu.vector_load %arg9[%get3A_293, %get3A_294] {strides = array<i32>} : memref<3x80xi32, #tpu.memory_space<vmem>>, vector<16xi32>,
      %get3A_296 = arith.constant 0 : i32
      %get3A_297 = arith.index_cast %get3A_296 : i32 to index
      %get3A_298 = arith.constant 16 : index
      %get3A_299 = tpu.vector_load %arg10[%get3A_297, %get3A_298] {strides = array<i32>} : memref<3x80xi32, #tpu.memory_space<vmem>>, vector<16xi32>,
      %gather3A_300 = tpu.vector_load_idx %arg8[%get3A_295] : memref<10000xi32, #tpu.memory_space<vmem>>[vector<16xi32>], vector<16xi32>,
      %gather3A_301 = tpu.vector_load_idx %arg8[%get3A_299] : memref<10000xi32, #tpu.memory_space<vmem>>[vector<16xi32>], vector<16xi32>,
      %bitcast3A_302 = vector.bitcast %gather3A_300 : vector<16xi32> to vector<32xbf16>
      %unpack3A_303 = tpu.unpack_subelements %bitcast3A_302, 0 {pack_format = #tpu.pack_format<interleaved>} : vector<32xbf16> -> vector<16xf32>
      %unpack3A_304 = tpu.unpack_subelements %bitcast3A_302, 1 {pack_format = #tpu.pack_format<interleaved>} : vector<32xbf16> -> vector<16xf32>
      %bitcast3A_305 = vector.bitcast %gather3A_301 : vector<16xi32> to vector<32xbf16>
      %unpack3A_306 = tpu.unpack_subelements %bitcast3A_305, 0 {pack_format = #tpu.pack_format<interleaved>} : vector<32xbf16> -> vector<16xf32>
      %unpack3A_307 = tpu.unpack_subelements %bitcast3A_305, 1 {pack_format = #tpu.pack_format<interleaved>} : vector<32xbf16> -> vector<16xf32>
      %add3A_308 = arith.addf %unpack3A_303, %unpack3A_307 : vector<16xf32>
      %mul3A_309 = arith.constant 2.000000e-01 : f32
      %mul3A_310 = vector.broadcast %mul3A_309 : f32 to vector<16xf32>
      %mul3A_311 = arith.mulf %add3A_308, %mul3A_310 : vector<16xf32>
      %max3A_312 = arith.maximumf %add3A_308, %mul3A_311 : vector<16xf32>
      %exp3A_313 = math.exp %max3A_312 : vector<16xf32>
      %max3A_314 = arith.constant 5.000000e-03 : f32
      %max3A_315 = vector.broadcast %max3A_314 : f32 to vector<16xf32>
      %max3A_316 = arith.maximumf %exp3A_313, %max3A_315 : vector<16xf32>
      %min3A_317 = arith.constant 1.000000e+01 : f32
      %min3A_318 = vector.broadcast %min3A_317 : f32 to vector<16xf32>
      %min3A_319 = arith.minimumf %max3A_316, %min3A_318 : vector<16xf32>
      %swap3A_320 = arith.constant 0 : i32
      %swap3A_321 = arith.index_cast %swap3A_320 : i32 to index
      %swap3A_322 = arith.constant 16 : index
      %swap3A_323 = tpu.vector_load %arg13[%swap3A_321, %swap3A_322] {strides = array<i32>} : memref<3x80xf32, #tpu.memory_space<vmem>>, vector<16xf32>,
      tpu.vector_store %arg13[%swap3A_321, %swap3A_322], %min3A_319 {strides = array<i32>} : memref<3x80xf32, #tpu.memory_space<vmem>>, vector<16xf32>,
      %swap3A_324 = arith.constant 0 : i32
      %swap3A_325 = arith.index_cast %swap3A_324 : i32 to index
      %swap3A_326 = arith.constant 16 : index
      %swap3A_327 = tpu.vector_load %arg11[%swap3A_325, %swap3A_326] {strides = array<i32>} : memref<3x80xi32, #tpu.memory_space<vmem>>, vector<16xi32>,
      tpu.vector_store %arg11[%swap3A_325, %swap3A_326], %get3A_299 {strides = array<i32>} : memref<3x80xi32, #tpu.memory_space<vmem>>, vector<16xi32>,
      %get3A_328 = arith.constant 0 : i32
      %get3A_329 = arith.index_cast %get3A_328 : i32 to index
      %get3A_330 = arith.constant 32 : index
      %get3A_331 = tpu.vector_load %arg9[%get3A_329, %get3A_330] {strides = array<i32>} : memref<3x80xi32, #tpu.memory_space<vmem>>, vector<16xi32>,
      %get3A_332 = arith.constant 0 : i32
      %get3A_333 = arith.index_cast %get3A_332 : i32 to index
      %get3A_334 = arith.constant 32 : index
      %get3A_335 = tpu.vector_load %arg10[%get3A_333, %get3A_334] {strides = array<i32>} : memref<3x80xi32, #tpu.memory_space<vmem>>, vector<16xi32>,
      %gather3A_336 = tpu.vector_load_idx %arg8[%get3A_331] : memref<10000xi32, #tpu.memory_space<vmem>>[vector<16xi32>], vector<16xi32>,
      %gather3A_337 = tpu.vector_load_idx %arg8[%get3A_335] : memref<10000xi32, #tpu.memory_space<vmem>>[vector<16xi32>], vector<16xi32>,
      %bitcast3A_338 = vector.bitcast %gather3A_336 : vector<16xi32> to vector<32xbf16>
      %unpack3A_339 = tpu.unpack_subelements %bitcast3A_338, 0 {pack_format = #tpu.pack_format<interleaved>} : vector<32xbf16> -> vector<16xf32>
      %unpack3A_340 = tpu.unpack_subelements %bitcast3A_338, 1 {pack_format = #tpu.pack_format<interleaved>} : vector<32xbf16> -> vector<16xf32>
      %bitcast3A_341 = vector.bitcast %gather3A_337 : vector<16xi32> to vector<32xbf16>
      %unpack3A_342 = tpu.unpack_subelements %bitcast3A_341, 0 {pack_format = #tpu.pack_format<interleaved>} : vector<32xbf16> -> vector<16xf32>
      %unpack3A_343 = tpu.unpack_subelements %bitcast3A_341, 1 {pack_format = #tpu.pack_format<interleaved>} : vector<32xbf16> -> vector<16xf32>
      %add3A_344 = arith.addf %unpack3A_339, %unpack3A_343 : vector<16xf32>
      %mul3A_345 = arith.constant 2.000000e-01 : f32
      %mul3A_346 = vector.broadcast %mul3A_345 : f32 to vector<16xf32>
      %mul3A_347 = arith.mulf %add3A_344, %mul3A_346 : vector<16xf32>
      %max3A_348 = arith.maximumf %add3A_344, %mul3A_347 : vector<16xf32>
      %exp3A_349 = math.exp %max3A_348 : vector<16xf32>
      %max3A_350 = arith.constant 5.000000e-03 : f32
      %max3A_351 = vector.broadcast %max3A_350 : f32 to vector<16xf32>
      %max3A_352 = arith.maximumf %exp3A_349, %max3A_351 : vector<16xf32>
      %min3A_353 = arith.constant 1.000000e+01 : f32
      %min3A_354 = vector.broadcast %min3A_353 : f32 to vector<16xf32>
      %min3A_355 = arith.minimumf %max3A_352, %min3A_354 : vector<16xf32>
      %swap3A_356 = arith.constant 0 : i32
      %swap3A_357 = arith.index_cast %swap3A_356 : i32 to index
      %swap3A_358 = arith.constant 32 : index
      %swap3A_359 = tpu.vector_load %arg13[%swap3A_357, %swap3A_358] {strides = array<i32>} : memref<3x80xf32, #tpu.memory_space<vmem>>, vector<16xf32>,
      tpu.vector_store %arg13[%swap3A_357, %swap3A_358], %min3A_355 {strides = array<i32>} : memref<3x80xf32, #tpu.memory_space<vmem>>, vector<16xf32>,
      %swap3A_360 = arith.constant 0 : i32
      %swap3A_361 = arith.index_cast %swap3A_360 : i32 to index
      %swap3A_362 = arith.constant 32 : index
      %swap3A_363 = tpu.vector_load %arg11[%swap3A_361, %swap3A_362] {strides = array<i32>} : memref<3x80xi32, #tpu.memory_space<vmem>>, vector<16xi32>,
      tpu.vector_store %arg11[%swap3A_361, %swap3A_362], %get3A_335 {strides = array<i32>} : memref<3x80xi32, #tpu.memory_space<vmem>>, vector<16xi32>,
      %get3A_364 = arith.constant 0 : i32
      %get3A_365 = arith.index_cast %get3A_364 : i32 to index
      %get3A_366 = arith.constant 48 : index
      %get3A_367 = tpu.vector_load %arg9[%get3A_365, %get3A_366] {strides = array<i32>} : memref<3x80xi32, #tpu.memory_space<vmem>>, vector<16xi32>,
      %get3A_368 = arith.constant 0 : i32
      %get3A_369 = arith.index_cast %get3A_368 : i32 to index
      %get3A_370 = arith.constant 48 : index
      %get3A_371 = tpu.vector_load %arg10[%get3A_369, %get3A_370] {strides = array<i32>} : memref<3x80xi32, #tpu.memory_space<vmem>>, vector<16xi32>,
      %gather3A_372 = tpu.vector_load_idx %arg8[%get3A_367] : memref<10000xi32, #tpu.memory_space<vmem>>[vector<16xi32>], vector<16xi32>,
      %gather3A_373 = tpu.vector_load_idx %arg8[%get3A_371] : memref<10000xi32, #tpu.memory_space<vmem>>[vector<16xi32>], vector<16xi32>,
      %bitcast3A_374 = vector.bitcast %gather3A_372 : vector<16xi32> to vector<32xbf16>
      %unpack3A_375 = tpu.unpack_subelements %bitcast3A_374, 0 {pack_format = #tpu.pack_format<interleaved>} : vector<32xbf16> -> vector<16xf32>
      %unpack3A_376 = tpu.unpack_subelements %bitcast3A_374, 1 {pack_format = #tpu.pack_format<interleaved>} : vector<32xbf16> -> vector<16xf32>
      %bitcast3A_377 = vector.bitcast %gather3A_373 : vector<16xi32> to vector<32xbf16>
      %unpack3A_378 = tpu.unpack_subelements %bitcast3A_377, 0 {pack_format = #tpu.pack_format<interleaved>} : vector<32xbf16> -> vector<16xf32>
      %unpack3A_379 = tpu.unpack_subelements %bitcast3A_377, 1 {pack_format = #tpu.pack_format<interleaved>} : vector<32xbf16> -> vector<16xf32>
      %add3A_380 = arith.addf %unpack3A_375, %unpack3A_379 : vector<16xf32>
      %mul3A_381 = arith.constant 2.000000e-01 : f32
      %mul3A_382 = vector.broadcast %mul3A_381 : f32 to vector<16xf32>
      %mul3A_383 = arith.mulf %add3A_380, %mul3A_382 : vector<16xf32>
      %max3A_384 = arith.maximumf %add3A_380, %mul3A_383 : vector<16xf32>
      %exp3A_385 = math.exp %max3A_384 : vector<16xf32>
      %max3A_386 = arith.constant 5.000000e-03 : f32
      %max3A_387 = vector.broadcast %max3A_386 : f32 to vector<16xf32>
      %max3A_388 = arith.maximumf %exp3A_385, %max3A_387 : vector<16xf32>
      %min3A_389 = arith.constant 1.000000e+01 : f32
      %min3A_390 = vector.broadcast %min3A_389 : f32 to vector<16xf32>
      %min3A_391 = arith.minimumf %max3A_388, %min3A_390 : vector<16xf32>
      %swap3A_392 = arith.constant 0 : i32
      %swap3A_393 = arith.index_cast %swap3A_392 : i32 to index
      %swap3A_394 = arith.constant 48 : index
      %swap3A_395 = tpu.vector_load %arg13[%swap3A_393, %swap3A_394] {strides = array<i32>} : memref<3x80xf32, #tpu.memory_space<vmem>>, vector<16xf32>,
      tpu.vector_store %arg13[%swap3A_393, %swap3A_394], %min3A_391 {strides = array<i32>} : memref<3x80xf32, #tpu.memory_space<vmem>>, vector<16xf32>,
      %swap3A_396 = arith.constant 0 : i32
      %swap3A_397 = arith.index_cast %swap3A_396 : i32 to index
      %swap3A_398 = arith.constant 48 : index
      %swap3A_399 = tpu.vector_load %arg11[%swap3A_397, %swap3A_398] {strides = array<i32>} : memref<3x80xi32, #tpu.memory_space<vmem>>, vector<16xi32>,
      tpu.vector_store %arg11[%swap3A_397, %swap3A_398], %get3A_371 {strides = array<i32>} : memref<3x80xi32, #tpu.memory_space<vmem>>, vector<16xi32>,
      %get3A_400 = arith.constant 0 : i32
      %get3A_401 = arith.index_cast %get3A_400 : i32 to index
      %get3A_402 = arith.constant 64 : index
      %get3A_403 = tpu.vector_load %arg9[%get3A_401, %get3A_402] {strides = array<i32>} : memref<3x80xi32, #tpu.memory_space<vmem>>, vector<16xi32>,
      %get3A_404 = arith.constant 0 : i32
      %get3A_405 = arith.index_cast %get3A_404 : i32 to index
      %get3A_406 = arith.constant 64 : index
      %get3A_407 = tpu.vector_load %arg10[%get3A_405, %get3A_406] {strides = array<i32>} : memref<3x80xi32, #tpu.memory_space<vmem>>, vector<16xi32>,
      %gather3A_408 = tpu.vector_load_idx %arg8[%get3A_403] : memref<10000xi32, #tpu.memory_space<vmem>>[vector<16xi32>], vector<16xi32>,
      %gather3A_409 = tpu.vector_load_idx %arg8[%get3A_407] : memref<10000xi32, #tpu.memory_space<vmem>>[vector<16xi32>], vector<16xi32>,
      %bitcast3A_410 = vector.bitcast %gather3A_408 : vector<16xi32> to vector<32xbf16>
      %unpack3A_411 = tpu.unpack_subelements %bitcast3A_410, 0 {pack_format = #tpu.pack_format<interleaved>} : vector<32xbf16> -> vector<16xf32>
      %unpack3A_412 = tpu.unpack_subelements %bitcast3A_410, 1 {pack_format = #tpu.pack_format<interleaved>} : vector<32xbf16> -> vector<16xf32>
      %bitcast3A_413 = vector.bitcast %gather3A_409 : vector<16xi32> to vector<32xbf16>
      %unpack3A_414 = tpu.unpack_subelements %bitcast3A_413, 0 {pack_format = #tpu.pack_format<interleaved>} : vector<32xbf16> -> vector<16xf32>
      %unpack3A_415 = tpu.unpack_subelements %bitcast3A_413, 1 {pack_format = #tpu.pack_format<interleaved>} : vector<32xbf16> -> vector<16xf32>
      %add3A_416 = arith.addf %unpack3A_411, %unpack3A_415 : vector<16xf32>
      %mul3A_417 = arith.constant 2.000000e-01 : f32
      %mul3A_418 = vector.broadcast %mul3A_417 : f32 to vector<16xf32>
      %mul3A_419 = arith.mulf %add3A_416, %mul3A_418 : vector<16xf32>
      %max3A_420 = arith.maximumf %add3A_416, %mul3A_419 : vector<16xf32>
      %exp3A_421 = math.exp %max3A_420 : vector<16xf32>
      %max3A_422 = arith.constant 5.000000e-03 : f32
      %max3A_423 = vector.broadcast %max3A_422 : f32 to vector<16xf32>
      %max3A_424 = arith.maximumf %exp3A_421, %max3A_423 : vector<16xf32>
      %min3A_425 = arith.constant 1.000000e+01 : f32
      %min3A_426 = vector.broadcast %min3A_425 : f32 to vector<16xf32>
      %min3A_427 = arith.minimumf %max3A_424, %min3A_426 : vector<16xf32>
      %swap3A_428 = arith.constant 0 : i32
      %swap3A_429 = arith.index_cast %swap3A_428 : i32 to index
      %swap3A_430 = arith.constant 64 : index
      %swap3A_431 = tpu.vector_load %arg13[%swap3A_429, %swap3A_430] {strides = array<i32>} : memref<3x80xf32, #tpu.memory_space<vmem>>, vector<16xf32>,
      tpu.vector_store %arg13[%swap3A_429, %swap3A_430], %min3A_427 {strides = array<i32>} : memref<3x80xf32, #tpu.memory_space<vmem>>, vector<16xf32>,
      %swap3A_432 = arith.constant 0 : i32
      %swap3A_433 = arith.index_cast %swap3A_432 : i32 to index
      %swap3A_434 = arith.constant 64 : index
      %swap3A_435 = tpu.vector_load %arg11[%swap3A_433, %swap3A_434] {strides = array<i32>} : memref<3x80xi32, #tpu.memory_space<vmem>>, vector<16xi32>,
      tpu.vector_store %arg11[%swap3A_433, %swap3A_434], %get3A_407 {strides = array<i32>} : memref<3x80xi32, #tpu.memory_space<vmem>>, vector<16xi32>,
      %dma_start3A_436 = arith.constant 0 : i32
      %dma_start3A_437 = arith.constant 0 : i32
      %dma_start3A_438 = arith.constant 0 : i32
      %dma_start3A_439 = tpu.memref_slice %arg13[%dma_start3A_436, %dma_start3A_438] : memref<3x80xf32, #tpu.memory_space<vmem>> -> memref<1x80xf32, #tpu.memory_space<vmem>>
      %dma_start3A_440 = tpu.memref_squeeze %dma_start3A_439 : memref<1x80xf32, #tpu.memory_space<vmem>> -> memref<80xf32, #tpu.memory_space<vmem>>
      %dma_start3A_441 = arith.constant 0 : i32
      %dma_start3A_442 = tpu.memref_slice %arg11[%dma_start3A_437, %dma_start3A_441] : memref<3x80xi32, #tpu.memory_space<vmem>> -> memref<1x80xi32, #tpu.memory_space<vmem>>
      %dma_start3A_443 = tpu.memref_squeeze %dma_start3A_442 : memref<1x80xi32, #tpu.memory_space<vmem>> -> memref<80xi32, #tpu.memory_space<vmem>>
      %dma_start3A_444 = arith.constant 0 : i32
      %dma_start3A_445 = tpu.memref_slice %arg17[%dma_start3A_444] : memref<10000xf32, #tpu.memory_space<vmem_shared>> -> memref<10000xf32, #tpu.memory_space<vmem_shared>>
      tpu.enqueue_indirect_dma source(%dma_start3A_440 : memref<80xf32, #tpu.memory_space<vmem>>) target(%dma_start3A_445 : memref<10000xf32, #tpu.memory_space<vmem_shared>>) offsets(%dma_start3A_443 : memref<80xi32, #tpu.memory_space<vmem>>) semaphore(%arg27 : memref<!tpu.dma_semaphore, #tpu.memory_space<semaphore_mem>>) {add = true}
      %dma_wait3A_446 = arith.constant 0 : i32
      %dma_wait3A_447 = arith.constant 0 : i32
      %dma_wait3A_448 = arith.constant 0 : i32
      %dma_wait3A_449 = arith.constant 0 : i32
      %dma_wait3A_450 = tpu.memref_slice %arg12[%dma_wait3A_447, %dma_wait3A_448, %dma_wait3A_449] : memref<3x80x128xf32, #tpu.memory_space<vmem>> -> memref<1x80x128xf32, #tpu.memory_space<vmem>>
      %dma_wait3A_451 = tpu.memref_squeeze %dma_wait3A_450 : memref<1x80x128xf32, #tpu.memory_space<vmem>> -> memref<80x128xf32, #tpu.memory_space<vmem>>
      %dma_wait3A_452 = arith.constant 0 : i32
      %dma_wait3A_453 = tpu.memref_slice %arg9[%dma_wait3A_446, %dma_wait3A_452] : memref<3x80xi32, #tpu.memory_space<vmem>> -> memref<1x80xi32, #tpu.memory_space<vmem>>
      %dma_wait3A_454 = tpu.memref_squeeze %dma_wait3A_453 : memref<1x80xi32, #tpu.memory_space<vmem>> -> memref<80xi32, #tpu.memory_space<vmem>>
      %dma_wait3A_455 = arith.constant 0 : i32
      %dma_wait3A_456 = arith.constant 0 : i32
      %dma_wait3A_457 = tpu.memref_slice %arg2[%dma_wait3A_455, %dma_wait3A_456] : memref<10000x128xf32, #tpu.memory_space<hbm>> -> memref<10000x128xf32, #tpu.memory_space<hbm>>
      tpu.wait_indirect_dma semaphore(%arg21 : memref<!tpu.dma_semaphore, #tpu.memory_space<semaphore_mem>>) src(%dma_wait3A_457 : memref<10000x128xf32, #tpu.memory_space<hbm>>) dst(%dma_wait3A_451 : memref<80x128xf32, #tpu.memory_space<vmem>>)
      %scan3A_458 = arith.constant 0 : i32
      %scan3A_459 = arith.constant 80 : i32
      %scan3A_460 = arith.addi %scan3A_458, %scan3A_459 : i32
      %scan3A_461 = arith.constant 1 : i32
      scf.for %scan3A_493 = %scan3A_458 to %scan3A_460 step %scan3A_461  : i32 {
        %broadcast_in_dim3A = vector.broadcast %scan3A_493 : i32 to vector<16xi32>
        %gather3A_494 = arith.constant 0 : i32
        %gather3A_495 = arith.constant 0 : i32
        %gather3A_496 = tpu.memref_slice %arg13[%gather3A_494, %gather3A_495] : memref<3x80xf32, #tpu.memory_space<vmem>> -> memref<1x80xf32, #tpu.memory_space<vmem>>
        %gather3A_497 = tpu.memref_squeeze %gather3A_496 : memref<1x80xf32, #tpu.memory_space<vmem>> -> memref<80xf32, #tpu.memory_space<vmem>>
        %gather3A_498 = tpu.vector_load_idx %gather3A_497[%broadcast_in_dim3A] : memref<80xf32, #tpu.memory_space<vmem>>[vector<16xi32>], vector<16xf32>,
        %get3A_499 = arith.constant 0 : i32
        %get3A_500 = arith.index_cast %get3A_499 : i32 to index
        %get3A_501 = arith.index_cast %scan3A_493 : i32 to index
        %get3A_502 = arith.constant 0 : index
        %get3A_503 = tpu.vector_load %arg12[%get3A_500, %get3A_501, %get3A_502] {strides = array<i32>} : memref<3x80x128xf32, #tpu.memory_space<vmem>>, vector<16xf32>,
        %mul3A_504 = arith.mulf %get3A_503, %gather3A_498 : vector<16xf32>
        %swap3A_505 = arith.constant 0 : i32
        %swap3A_506 = arith.index_cast %swap3A_505 : i32 to index
        %swap3A_507 = arith.index_cast %scan3A_493 : i32 to index
        %swap3A_508 = arith.constant 0 : index
        %swap3A_509 = tpu.vector_load %arg12[%swap3A_506, %swap3A_507, %swap3A_508] {strides = array<i32>} : memref<3x80x128xf32, #tpu.memory_space<vmem>>, vector<16xf32>,
        tpu.vector_store %arg12[%swap3A_506, %swap3A_507, %swap3A_508], %mul3A_504 {strides = array<i32>} : memref<3x80x128xf32, #tpu.memory_space<vmem>>, vector<16xf32>,
        %get3A_510 = arith.constant 0 : i32
        %get3A_511 = arith.index_cast %get3A_510 : i32 to index
        %get3A_512 = arith.index_cast %scan3A_493 : i32 to index
        %get3A_513 = arith.constant 16 : index
        %get3A_514 = tpu.vector_load %arg12[%get3A_511, %get3A_512, %get3A_513] {strides = array<i32>} : memref<3x80x128xf32, #tpu.memory_space<vmem>>, vector<16xf32>,
        %mul3A_515 = arith.mulf %get3A_514, %gather3A_498 : vector<16xf32>
        %swap3A_516 = arith.constant 0 : i32
        %swap3A_517 = arith.index_cast %swap3A_516 : i32 to index
        %swap3A_518 = arith.index_cast %scan3A_493 : i32 to index
        %swap3A_519 = arith.constant 16 : index
        %swap3A_520 = tpu.vector_load %arg12[%swap3A_517, %swap3A_518, %swap3A_519] {strides = array<i32>} : memref<3x80x128xf32, #tpu.memory_space<vmem>>, vector<16xf32>,
        tpu.vector_store %arg12[%swap3A_517, %swap3A_518, %swap3A_519], %mul3A_515 {strides = array<i32>} : memref<3x80x128xf32, #tpu.memory_space<vmem>>, vector<16xf32>,
        %get3A_521 = arith.constant 0 : i32
        %get3A_522 = arith.index_cast %get3A_521 : i32 to index
        %get3A_523 = arith.index_cast %scan3A_493 : i32 to index
        %get3A_524 = arith.constant 32 : index
        %get3A_525 = tpu.vector_load %arg12[%get3A_522, %get3A_523, %get3A_524] {strides = array<i32>} : memref<3x80x128xf32, #tpu.memory_space<vmem>>, vector<16xf32>,
        %mul3A_526 = arith.mulf %get3A_525, %gather3A_498 : vector<16xf32>
        %swap3A_527 = arith.constant 0 : i32
        %swap3A_528 = arith.index_cast %swap3A_527 : i32 to index
        %swap3A_529 = arith.index_cast %scan3A_493 : i32 to index
        %swap3A_530 = arith.constant 32 : index
        %swap3A_531 = tpu.vector_load %arg12[%swap3A_528, %swap3A_529, %swap3A_530] {strides = array<i32>} : memref<3x80x128xf32, #tpu.memory_space<vmem>>, vector<16xf32>,
        tpu.vector_store %arg12[%swap3A_528, %swap3A_529, %swap3A_530], %mul3A_526 {strides = array<i32>} : memref<3x80x128xf32, #tpu.memory_space<vmem>>, vector<16xf32>,
        %get3A_532 = arith.constant 0 : i32
        %get3A_533 = arith.index_cast %get3A_532 : i32 to index
        %get3A_534 = arith.index_cast %scan3A_493 : i32 to index
        %get3A_535 = arith.constant 48 : index
        %get3A_536 = tpu.vector_load %arg12[%get3A_533, %get3A_534, %get3A_535] {strides = array<i32>} : memref<3x80x128xf32, #tpu.memory_space<vmem>>, vector<16xf32>,
        %mul3A_537 = arith.mulf %get3A_536, %gather3A_498 : vector<16xf32>
        %swap3A_538 = arith.constant 0 : i32
        %swap3A_539 = arith.index_cast %swap3A_538 : i32 to index
        %swap3A_540 = arith.index_cast %scan3A_493 : i32 to index
        %swap3A_541 = arith.constant 48 : index
        %swap3A_542 = tpu.vector_load %arg12[%swap3A_539, %swap3A_540, %swap3A_541] {strides = array<i32>} : memref<3x80x128xf32, #tpu.memory_space<vmem>>, vector<16xf32>,
        tpu.vector_store %arg12[%swap3A_539, %swap3A_540, %swap3A_541], %mul3A_537 {strides = array<i32>} : memref<3x80x128xf32, #tpu.memory_space<vmem>>, vector<16xf32>,
        %get3A_543 = arith.constant 0 : i32
        %get3A_544 = arith.index_cast %get3A_543 : i32 to index
        %get3A_545 = arith.index_cast %scan3A_493 : i32 to index
        %get3A_546 = arith.constant 64 : index
        %get3A_547 = tpu.vector_load %arg12[%get3A_544, %get3A_545, %get3A_546] {strides = array<i32>} : memref<3x80x128xf32, #tpu.memory_space<vmem>>, vector<16xf32>,
        %mul3A_548 = arith.mulf %get3A_547, %gather3A_498 : vector<16xf32>
        %swap3A_549 = arith.constant 0 : i32
        %swap3A_550 = arith.index_cast %swap3A_549 : i32 to index
        %swap3A_551 = arith.index_cast %scan3A_493 : i32 to index
        %swap3A_552 = arith.constant 64 : index
        %swap3A_553 = tpu.vector_load %arg12[%swap3A_550, %swap3A_551, %swap3A_552] {strides = array<i32>} : memref<3x80x128xf32, #tpu.memory_space<vmem>>, vector<16xf32>,
        tpu.vector_store %arg12[%swap3A_550, %swap3A_551, %swap3A_552], %mul3A_548 {strides = array<i32>} : memref<3x80x128xf32, #tpu.memory_space<vmem>>, vector<16xf32>,
        %get3A_554 = arith.constant 0 : i32
        %get3A_555 = arith.index_cast %get3A_554 : i32 to index
        %get3A_556 = arith.index_cast %scan3A_493 : i32 to index
        %get3A_557 = arith.constant 80 : index
        %get3A_558 = tpu.vector_load %arg12[%get3A_555, %get3A_556, %get3A_557] {strides = array<i32>} : memref<3x80x128xf32, #tpu.memory_space<vmem>>, vector<16xf32>,
        %mul3A_559 = arith.mulf %get3A_558, %gather3A_498 : vector<16xf32>
        %swap3A_560 = arith.constant 0 : i32
        %swap3A_561 = arith.index_cast %swap3A_560 : i32 to index
        %swap3A_562 = arith.index_cast %scan3A_493 : i32 to index
        %swap3A_563 = arith.constant 80 : index
        %swap3A_564 = tpu.vector_load %arg12[%swap3A_561, %swap3A_562, %swap3A_563] {strides = array<i32>} : memref<3x80x128xf32, #tpu.memory_space<vmem>>, vector<16xf32>,
        tpu.vector_store %arg12[%swap3A_561, %swap3A_562, %swap3A_563], %mul3A_559 {strides = array<i32>} : memref<3x80x128xf32, #tpu.memory_space<vmem>>, vector<16xf32>,
        %get3A_565 = arith.constant 0 : i32
        %get3A_566 = arith.index_cast %get3A_565 : i32 to index
        %get3A_567 = arith.index_cast %scan3A_493 : i32 to index
        %get3A_568 = arith.constant 96 : index
        %get3A_569 = tpu.vector_load %arg12[%get3A_566, %get3A_567, %get3A_568] {strides = array<i32>} : memref<3x80x128xf32, #tpu.memory_space<vmem>>, vector<16xf32>,
        %mul3A_570 = arith.mulf %get3A_569, %gather3A_498 : vector<16xf32>
        %swap3A_571 = arith.constant 0 : i32
        %swap3A_572 = arith.index_cast %swap3A_571 : i32 to index
        %swap3A_573 = arith.index_cast %scan3A_493 : i32 to index
        %swap3A_574 = arith.constant 96 : index
        %swap3A_575 = tpu.vector_load %arg12[%swap3A_572, %swap3A_573, %swap3A_574] {strides = array<i32>} : memref<3x80x128xf32, #tpu.memory_space<vmem>>, vector<16xf32>,
        tpu.vector_store %arg12[%swap3A_572, %swap3A_573, %swap3A_574], %mul3A_570 {strides = array<i32>} : memref<3x80x128xf32, #tpu.memory_space<vmem>>, vector<16xf32>,
        %get3A_576 = arith.constant 0 : i32
        %get3A_577 = arith.index_cast %get3A_576 : i32 to index
        %get3A_578 = arith.index_cast %scan3A_493 : i32 to index
        %get3A_579 = arith.constant 112 : index
        %get3A_580 = tpu.vector_load %arg12[%get3A_577, %get3A_578, %get3A_579] {strides = array<i32>} : memref<3x80x128xf32, #tpu.memory_space<vmem>>, vector<16xf32>,
        %mul3A_581 = arith.mulf %get3A_580, %gather3A_498 : vector<16xf32>
        %swap3A_582 = arith.constant 0 : i32
        %swap3A_583 = arith.index_cast %swap3A_582 : i32 to index
        %swap3A_584 = arith.index_cast %scan3A_493 : i32 to index
        %swap3A_585 = arith.constant 112 : index
        %swap3A_586 = tpu.vector_load %arg12[%swap3A_583, %swap3A_584, %swap3A_585] {strides = array<i32>} : memref<3x80x128xf32, #tpu.memory_space<vmem>>, vector<16xf32>,
        tpu.vector_store %arg12[%swap3A_583, %swap3A_584, %swap3A_585], %mul3A_581 {strides = array<i32>} : memref<3x80x128xf32, #tpu.memory_space<vmem>>, vector<16xf32>,
      }
      %scan3A_462 = arith.constant 80 : i32
      %dma_start3A_463 = arith.constant 0 : i32
      %dma_start3A_464 = arith.constant 0 : i32
      %dma_start3A_465 = arith.constant 0 : i32
      %dma_start3A_466 = arith.constant 0 : i32
      %dma_start3A_467 = tpu.memref_slice %arg12[%dma_start3A_463, %dma_start3A_465, %dma_start3A_466] : memref<3x80x128xf32, #tpu.memory_space<vmem>> -> memref<1x80x128xf32, #tpu.memory_space<vmem>>
      %dma_start3A_468 = tpu.memref_squeeze %dma_start3A_467 : memref<1x80x128xf32, #tpu.memory_space<vmem>> -> memref<80x128xf32, #tpu.memory_space<vmem>>
      %dma_start3A_469 = arith.constant 0 : i32
      %dma_start3A_470 = tpu.memref_slice %arg11[%dma_start3A_464, %dma_start3A_469] : memref<3x80xi32, #tpu.memory_space<vmem>> -> memref<1x80xi32, #tpu.memory_space<vmem>>
      %dma_start3A_471 = tpu.memref_squeeze %dma_start3A_470 : memref<1x80xi32, #tpu.memory_space<vmem>> -> memref<80xi32, #tpu.memory_space<vmem>>
      %dma_start3A_472 = arith.constant 0 : i32
      %dma_start3A_473 = arith.constant 0 : i32
      %dma_start3A_474 = tpu.memref_slice %arg16[%dma_start3A_472, %dma_start3A_473] : memref<10000x128xf32, #tpu.memory_space<vmem_shared>> -> memref<10000x128xf32, #tpu.memory_space<vmem_shared>>
      tpu.enqueue_indirect_dma source(%dma_start3A_468 : memref<80x128xf32, #tpu.memory_space<vmem>>) target(%dma_start3A_474 : memref<10000x128xf32, #tpu.memory_space<vmem_shared>>) offsets(%dma_start3A_471 : memref<80xi32, #tpu.memory_space<vmem>>) semaphore(%arg24 : memref<!tpu.dma_semaphore, #tpu.memory_space<semaphore_mem>>) {add = true}
      %add3A_475 = arith.constant 3 : i32
      %add3A_476 = arith.addi %mul3A_253, %add3A_475 : i32
      %lt3A_477 = arith.cmpi slt, %add3A_476, %select_n3A_47 : i32
      %convert_element_type3A_478 = arith.extui %lt3A_477 : i1 to i32
      %cond3A_479 = arith.constant 0 : i32
      %cond3A_480 = arith.cmpi ne, %convert_element_type3A_478, %cond3A_479 : i32
      scf.if %cond3A_480 {
        %add3A_493 = arith.constant 3 : i32
        %add3A_494 = arith.addi %mul3A_253, %add3A_493 : i32
        %mul3A_495 = arith.constant 32 : i32
        %mul3A_496 = arith.muli %mul3A_495, %add3A_494 : i32
        %add3A_497 = arith.addi %add3A, %mul3A_496 : i32
        %mul3A_498 = arith.constant 80 : i32
        %mul3A_499 = arith.muli %add3A_497, %mul3A_498 : i32
        %dma_start3A_500 = arith.constant 0 : i32
        %dma_start3A_501 = arith.constant 0 : i32
        %dma_start3A_502 = tpu.memref_slice %arg9[%dma_start3A_500, %dma_start3A_501] : memref<3x80xi32, #tpu.memory_space<vmem>> -> memref<1x80xi32, #tpu.memory_space<vmem>>
        %dma_start3A_503 = tpu.memref_squeeze %dma_start3A_502 : memref<1x80xi32, #tpu.memory_space<vmem>> -> memref<80xi32, #tpu.memory_space<vmem>>
        %dma_start3A_504 = tpu.memref_slice %arg4[%mul3A_499] : memref<320000xi32, #tpu.memory_space<hbm>> -> memref<80xi32, #tpu.memory_space<hbm>>
        %dma_start3A_505 = arith.constant 0 : i32
        %dma_start3A_506 = tpu.memref_slice %arg9[%dma_start3A_500, %dma_start3A_505] : memref<3x80xi32, #tpu.memory_space<vmem>> -> memref<1x80xi32, #tpu.memory_space<vmem>>
        %dma_start3A_507 = tpu.memref_squeeze %dma_start3A_506 : memref<1x80xi32, #tpu.memory_space<vmem>> -> memref<80xi32, #tpu.memory_space<vmem>>
        %dma_start3A_508 = tpu.memref_slice %arg4[%mul3A_499] : memref<320000xi32, #tpu.memory_space<hbm>> -> memref<80xi32, #tpu.memory_space<hbm>>
        tpu.enqueue_dma source(%dma_start3A_508 : memref<80xi32, #tpu.memory_space<hbm>>) target(%dma_start3A_507 : memref<80xi32, #tpu.memory_space<vmem>>) target_semaphore(%arg18 : memref<!tpu.dma_semaphore, #tpu.memory_space<semaphore_mem>>)
        %dma_start3A_509 = arith.constant 0 : i32
        %dma_start3A_510 = arith.constant 0 : i32
        %dma_start3A_511 = tpu.memref_slice %arg10[%dma_start3A_509, %dma_start3A_510] : memref<3x80xi32, #tpu.memory_space<vmem>> -> memref<1x80xi32, #tpu.memory_space<vmem>>
        %dma_start3A_512 = tpu.memref_squeeze %dma_start3A_511 : memref<1x80xi32, #tpu.memory_space<vmem>> -> memref<80xi32, #tpu.memory_space<vmem>>
        %dma_start3A_513 = tpu.memref_slice %arg5[%mul3A_499] : memref<320000xi32, #tpu.memory_space<hbm>> -> memref<80xi32, #tpu.memory_space<hbm>>
        %dma_start3A_514 = arith.constant 0 : i32
        %dma_start3A_515 = tpu.memref_slice %arg10[%dma_start3A_509, %dma_start3A_514] : memref<3x80xi32, #tpu.memory_space<vmem>> -> memref<1x80xi32, #tpu.memory_space<vmem>>
        %dma_start3A_516 = tpu.memref_squeeze %dma_start3A_515 : memref<1x80xi32, #tpu.memory_space<vmem>> -> memref<80xi32, #tpu.memory_space<vmem>>
        %dma_start3A_517 = tpu.memref_slice %arg5[%mul3A_499] : memref<320000xi32, #tpu.memory_space<hbm>> -> memref<80xi32, #tpu.memory_space<hbm>>
        tpu.enqueue_dma source(%dma_start3A_517 : memref<80xi32, #tpu.memory_space<hbm>>) target(%dma_start3A_516 : memref<80xi32, #tpu.memory_space<vmem>>) target_semaphore(%arg18 : memref<!tpu.dma_semaphore, #tpu.memory_space<semaphore_mem>>)
      } else {
      }
      %add3A_481 = arith.constant 1 : i32
      %add3A_482 = arith.addi %mul3A_253, %add3A_481 : i32
      %lt3A_483 = arith.cmpi slt, %add3A_482, %select_n3A_47 : i32
      %convert_element_type3A_484 = arith.extui %lt3A_483 : i1 to i32
      %cond3A_485 = arith.constant 0 : i32
      %cond3A_486 = arith.cmpi ne, %convert_element_type3A_484, %cond3A_485 : i32
      scf.if %cond3A_486 {
        %add3A_493 = arith.constant 1 : i32
        %add3A_494 = arith.addi %mul3A_253, %add3A_493 : i32
        %ge3A_495 = arith.constant 3 : i32
        %ge3A_496 = arith.cmpi sge, %add3A_494, %ge3A_495 : i32
        %convert_element_type3A_497 = arith.extui %ge3A_496 : i1 to i32
        %cond3A_498 = arith.constant 0 : i32
        %cond3A_499 = arith.cmpi ne, %convert_element_type3A_497, %cond3A_498 : i32
        scf.if %cond3A_499 {
          %dma_wait3A_731 = arith.constant 1 : i32
          %dma_wait3A_732 = arith.constant 1 : i32
          %dma_wait3A_733 = arith.constant 0 : i32
          %dma_wait3A_734 = tpu.memref_slice %arg13[%dma_wait3A_731, %dma_wait3A_733] : memref<3x80xf32, #tpu.memory_space<vmem>> -> memref<1x80xf32, #tpu.memory_space<vmem>>
          %dma_wait3A_735 = tpu.memref_squeeze %dma_wait3A_734 : memref<1x80xf32, #tpu.memory_space<vmem>> -> memref<80xf32, #tpu.memory_space<vmem>>
          %dma_wait3A_736 = arith.constant 0 : i32
          %dma_wait3A_737 = tpu.memref_slice %arg11[%dma_wait3A_732, %dma_wait3A_736] : memref<3x80xi32, #tpu.memory_space<vmem>> -> memref<1x80xi32, #tpu.memory_space<vmem>>
          %dma_wait3A_738 = tpu.memref_squeeze %dma_wait3A_737 : memref<1x80xi32, #tpu.memory_space<vmem>> -> memref<80xi32, #tpu.memory_space<vmem>>
          %dma_wait3A_739 = arith.constant 0 : i32
          %dma_wait3A_740 = tpu.memref_slice %arg17[%dma_wait3A_739] : memref<10000xf32, #tpu.memory_space<vmem_shared>> -> memref<10000xf32, #tpu.memory_space<vmem_shared>>
          tpu.wait_indirect_dma semaphore(%arg28 : memref<!tpu.dma_semaphore, #tpu.memory_space<semaphore_mem>>) src(%dma_wait3A_735 : memref<80xf32, #tpu.memory_space<vmem>>) dst(%dma_wait3A_740 : memref<10000xf32, #tpu.memory_space<vmem_shared>>)
        } else {
        }
        %add3A_500 = arith.constant 1 : i32
        %add3A_501 = arith.addi %add3A_494, %add3A_500 : i32
        %lt3A_502 = arith.cmpi slt, %add3A_501, %select_n3A_47 : i32
        %convert_element_type3A_503 = arith.extui %lt3A_502 : i1 to i32
        %cond3A_504 = arith.constant 0 : i32
        %cond3A_505 = arith.cmpi ne, %convert_element_type3A_503, %cond3A_504 : i32
        scf.if %cond3A_505 {
          %dma_wait3A_731 = arith.constant 2 : i32
          %dma_wait3A_732 = arith.constant 0 : i32
          %dma_wait3A_733 = tpu.memref_slice %arg9[%dma_wait3A_731, %dma_wait3A_732] : memref<3x80xi32, #tpu.memory_space<vmem>> -> memref<1x80xi32, #tpu.memory_space<vmem>>
          %dma_wait3A_734 = tpu.memref_squeeze %dma_wait3A_733 : memref<1x80xi32, #tpu.memory_space<vmem>> -> memref<80xi32, #tpu.memory_space<vmem>>
          %dma_wait3A_735 = arith.constant 0 : i32
          %dma_wait3A_736 = tpu.memref_slice %arg4[%dma_wait3A_735] : memref<320000xi32, #tpu.memory_space<hbm>> -> memref<80xi32, #tpu.memory_space<hbm>>
          %dma_wait3A_737 = arith.constant 0 : i32
          %dma_wait3A_738 = tpu.memref_slice %arg9[%dma_wait3A_731, %dma_wait3A_737] : memref<3x80xi32, #tpu.memory_space<vmem>> -> memref<1x80xi32, #tpu.memory_space<vmem>>
          %dma_wait3A_739 = tpu.memref_squeeze %dma_wait3A_738 : memref<1x80xi32, #tpu.memory_space<vmem>> -> memref<80xi32, #tpu.memory_space<vmem>>
          %dma_wait3A_740 = arith.constant 0 : i32
          %dma_wait3A_741 = tpu.memref_slice %arg4[%dma_wait3A_740] : memref<320000xi32, #tpu.memory_space<hbm>> -> memref<80xi32, #tpu.memory_space<hbm>>
          tpu.wait_dma2 semaphore(%arg20 : memref<!tpu.dma_semaphore, #tpu.memory_space<semaphore_mem>>) src(%dma_wait3A_741 : memref<80xi32, #tpu.memory_space<hbm>>) dst(%dma_wait3A_739 : memref<80xi32, #tpu.memory_space<vmem>>)
          %dma_wait3A_742 = arith.constant 2 : i32
          %dma_wait3A_743 = arith.constant 0 : i32
          %dma_wait3A_744 = tpu.memref_slice %arg10[%dma_wait3A_742, %dma_wait3A_743] : memref<3x80xi32, #tpu.memory_space<vmem>> -> memref<1x80xi32, #tpu.memory_space<vmem>>
          %dma_wait3A_745 = tpu.memref_squeeze %dma_wait3A_744 : memref<1x80xi32, #tpu.memory_space<vmem>> -> memref<80xi32, #tpu.memory_space<vmem>>
          %dma_wait3A_746 = arith.constant 0 : i32
          %dma_wait3A_747 = tpu.memref_slice %arg5[%dma_wait3A_746] : memref<320000xi32, #tpu.memory_space<hbm>> -> memref<80xi32, #tpu.memory_space<hbm>>
          %dma_wait3A_748 = arith.constant 0 : i32
          %dma_wait3A_749 = tpu.memref_slice %arg10[%dma_wait3A_742, %dma_wait3A_748] : memref<3x80xi32, #tpu.memory_space<vmem>> -> memref<1x80xi32, #tpu.memory_space<vmem>>
          %dma_wait3A_750 = tpu.memref_squeeze %dma_wait3A_749 : memref<1x80xi32, #tpu.memory_space<vmem>> -> memref<80xi32, #tpu.memory_space<vmem>>
          %dma_wait3A_751 = arith.constant 0 : i32
          %dma_wait3A_752 = tpu.memref_slice %arg5[%dma_wait3A_751] : memref<320000xi32, #tpu.memory_space<hbm>> -> memref<80xi32, #tpu.memory_space<hbm>>
          tpu.wait_dma2 semaphore(%arg20 : memref<!tpu.dma_semaphore, #tpu.memory_space<semaphore_mem>>) src(%dma_wait3A_752 : memref<80xi32, #tpu.memory_space<hbm>>) dst(%dma_wait3A_750 : memref<80xi32, #tpu.memory_space<vmem>>)
          %ge3A_753 = arith.constant 2 : i32
          %ge3A_754 = arith.cmpi sge, %add3A_494, %ge3A_753 : i32
          %convert_element_type3A_755 = arith.extui %ge3A_754 : i1 to i32
          %cond3A_756 = arith.constant 0 : i32
          %cond3A_757 = arith.cmpi ne, %convert_element_type3A_755, %cond3A_756 : i32
          scf.if %cond3A_757 {
            %dma_wait3A_770 = arith.constant 2 : i32
            %dma_wait3A_771 = arith.constant 2 : i32
            %dma_wait3A_772 = arith.constant 0 : i32
            %dma_wait3A_773 = arith.constant 0 : i32
            %dma_wait3A_774 = tpu.memref_slice %arg12[%dma_wait3A_770, %dma_wait3A_772, %dma_wait3A_773] : memref<3x80x128xf32, #tpu.memory_space<vmem>> -> memref<1x80x128xf32, #tpu.memory_space<vmem>>
            %dma_wait3A_775 = tpu.memref_squeeze %dma_wait3A_774 : memref<1x80x128xf32, #tpu.memory_space<vmem>> -> memref<80x128xf32, #tpu.memory_space<vmem>>
            %dma_wait3A_776 = arith.constant 0 : i32
            %dma_wait3A_777 = tpu.memref_slice %arg11[%dma_wait3A_771, %dma_wait3A_776] : memref<3x80xi32, #tpu.memory_space<vmem>> -> memref<1x80xi32, #tpu.memory_space<vmem>>
            %dma_wait3A_778 = tpu.memref_squeeze %dma_wait3A_777 : memref<1x80xi32, #tpu.memory_space<vmem>> -> memref<80xi32, #tpu.memory_space<vmem>>
            %dma_wait3A_779 = arith.constant 0 : i32
            %dma_wait3A_780 = arith.constant 0 : i32
            %dma_wait3A_781 = tpu.memref_slice %arg16[%dma_wait3A_779, %dma_wait3A_780] : memref<10000x128xf32, #tpu.memory_space<vmem_shared>> -> memref<10000x128xf32, #tpu.memory_space<vmem_shared>>
            tpu.wait_indirect_dma semaphore(%arg26 : memref<!tpu.dma_semaphore, #tpu.memory_space<semaphore_mem>>) src(%dma_wait3A_775 : memref<80x128xf32, #tpu.memory_space<vmem>>) dst(%dma_wait3A_781 : memref<10000x128xf32, #tpu.memory_space<vmem_shared>>)
          } else {
          }
          %dma_start3A_758 = arith.constant 2 : i32
          %dma_start3A_759 = arith.constant 2 : i32
          %dma_start3A_760 = arith.constant 0 : i32
          %dma_start3A_761 = arith.constant 0 : i32
          %dma_start3A_762 = tpu.memref_slice %arg12[%dma_start3A_759, %dma_start3A_760, %dma_start3A_761] : memref<3x80x128xf32, #tpu.memory_space<vmem>> -> memref<1x80x128xf32, #tpu.memory_space<vmem>>
          %dma_start3A_763 = tpu.memref_squeeze %dma_start3A_762 : memref<1x80x128xf32, #tpu.memory_space<vmem>> -> memref<80x128xf32, #tpu.memory_space<vmem>>
          %dma_start3A_764 = arith.constant 0 : i32
          %dma_start3A_765 = tpu.memref_slice %arg9[%dma_start3A_758, %dma_start3A_764] : memref<3x80xi32, #tpu.memory_space<vmem>> -> memref<1x80xi32, #tpu.memory_space<vmem>>
          %dma_start3A_766 = tpu.memref_squeeze %dma_start3A_765 : memref<1x80xi32, #tpu.memory_space<vmem>> -> memref<80xi32, #tpu.memory_space<vmem>>
          %dma_start3A_767 = arith.constant 0 : i32
          %dma_start3A_768 = arith.constant 0 : i32
          %dma_start3A_769 = tpu.memref_slice %arg2[%dma_start3A_767, %dma_start3A_768] : memref<10000x128xf32, #tpu.memory_space<hbm>> -> memref<10000x128xf32, #tpu.memory_space<hbm>>
          tpu.enqueue_indirect_dma source(%dma_start3A_769 : memref<10000x128xf32, #tpu.memory_space<hbm>>) target(%dma_start3A_763 : memref<80x128xf32, #tpu.memory_space<vmem>>) offsets(%dma_start3A_766 : memref<80xi32, #tpu.memory_space<vmem>>) semaphore(%arg23 : memref<!tpu.dma_semaphore, #tpu.memory_space<semaphore_mem>>)
        } else {
        }
        %get3A_506 = arith.constant 1 : i32
        %get3A_507 = arith.index_cast %get3A_506 : i32 to index
        %get3A_508 = arith.constant 0 : index
        %get3A_509 = tpu.vector_load %arg9[%get3A_507, %get3A_508] {strides = array<i32>} : memref<3x80xi32, #tpu.memory_space<vmem>>, vector<16xi32>,
        %get3A_510 = arith.constant 1 : i32
        %get3A_511 = arith.index_cast %get3A_510 : i32 to index
        %get3A_512 = arith.constant 0 : index
        %get3A_513 = tpu.vector_load %arg10[%get3A_511, %get3A_512] {strides = array<i32>} : memref<3x80xi32, #tpu.memory_space<vmem>>, vector<16xi32>,
        %gather3A_514 = tpu.vector_load_idx %arg8[%get3A_509] : memref<10000xi32, #tpu.memory_space<vmem>>[vector<16xi32>], vector<16xi32>,
        %gather3A_515 = tpu.vector_load_idx %arg8[%get3A_513] : memref<10000xi32, #tpu.memory_space<vmem>>[vector<16xi32>], vector<16xi32>,
        %bitcast3A_516 = vector.bitcast %gather3A_514 : vector<16xi32> to vector<32xbf16>
        %unpack3A_517 = tpu.unpack_subelements %bitcast3A_516, 0 {pack_format = #tpu.pack_format<interleaved>} : vector<32xbf16> -> vector<16xf32>
        %unpack3A_518 = tpu.unpack_subelements %bitcast3A_516, 1 {pack_format = #tpu.pack_format<interleaved>} : vector<32xbf16> -> vector<16xf32>
        %bitcast3A_519 = vector.bitcast %gather3A_515 : vector<16xi32> to vector<32xbf16>
        %unpack3A_520 = tpu.unpack_subelements %bitcast3A_519, 0 {pack_format = #tpu.pack_format<interleaved>} : vector<32xbf16> -> vector<16xf32>
        %unpack3A_521 = tpu.unpack_subelements %bitcast3A_519, 1 {pack_format = #tpu.pack_format<interleaved>} : vector<32xbf16> -> vector<16xf32>
        %add3A_522 = arith.addf %unpack3A_517, %unpack3A_521 : vector<16xf32>
        %mul3A_523 = arith.constant 2.000000e-01 : f32
        %mul3A_524 = vector.broadcast %mul3A_523 : f32 to vector<16xf32>
        %mul3A_525 = arith.mulf %add3A_522, %mul3A_524 : vector<16xf32>
        %max3A_526 = arith.maximumf %add3A_522, %mul3A_525 : vector<16xf32>
        %exp3A_527 = math.exp %max3A_526 : vector<16xf32>
        %max3A_528 = arith.constant 5.000000e-03 : f32
        %max3A_529 = vector.broadcast %max3A_528 : f32 to vector<16xf32>
        %max3A_530 = arith.maximumf %exp3A_527, %max3A_529 : vector<16xf32>
        %min3A_531 = arith.constant 1.000000e+01 : f32
        %min3A_532 = vector.broadcast %min3A_531 : f32 to vector<16xf32>
        %min3A_533 = arith.minimumf %max3A_530, %min3A_532 : vector<16xf32>
        %swap3A_534 = arith.constant 1 : i32
        %swap3A_535 = arith.index_cast %swap3A_534 : i32 to index
        %swap3A_536 = arith.constant 0 : index
        %swap3A_537 = tpu.vector_load %arg13[%swap3A_535, %swap3A_536] {strides = array<i32>} : memref<3x80xf32, #tpu.memory_space<vmem>>, vector<16xf32>,
        tpu.vector_store %arg13[%swap3A_535, %swap3A_536], %min3A_533 {strides = array<i32>} : memref<3x80xf32, #tpu.memory_space<vmem>>, vector<16xf32>,
        %swap3A_538 = arith.constant 1 : i32
        %swap3A_539 = arith.index_cast %swap3A_538 : i32 to index
        %swap3A_540 = arith.constant 0 : index
        %swap3A_541 = tpu.vector_load %arg11[%swap3A_539, %swap3A_540] {strides = array<i32>} : memref<3x80xi32, #tpu.memory_space<vmem>>, vector<16xi32>,
        tpu.vector_store %arg11[%swap3A_539, %swap3A_540], %get3A_513 {strides = array<i32>} : memref<3x80xi32, #tpu.memory_space<vmem>>, vector<16xi32>,
        %get3A_542 = arith.constant 1 : i32
        %get3A_543 = arith.index_cast %get3A_542 : i32 to index
        %get3A_544 = arith.constant 16 : index
        %get3A_545 = tpu.vector_load %arg9[%get3A_543, %get3A_544] {strides = array<i32>} : memref<3x80xi32, #tpu.memory_space<vmem>>, vector<16xi32>,
        %get3A_546 = arith.constant 1 : i32
        %get3A_547 = arith.index_cast %get3A_546 : i32 to index
        %get3A_548 = arith.constant 16 : index
        %get3A_549 = tpu.vector_load %arg10[%get3A_547, %get3A_548] {strides = array<i32>} : memref<3x80xi32, #tpu.memory_space<vmem>>, vector<16xi32>,
        %gather3A_550 = tpu.vector_load_idx %arg8[%get3A_545] : memref<10000xi32, #tpu.memory_space<vmem>>[vector<16xi32>], vector<16xi32>,
        %gather3A_551 = tpu.vector_load_idx %arg8[%get3A_549] : memref<10000xi32, #tpu.memory_space<vmem>>[vector<16xi32>], vector<16xi32>,
        %bitcast3A_552 = vector.bitcast %gather3A_550 : vector<16xi32> to vector<32xbf16>
        %unpack3A_553 = tpu.unpack_subelements %bitcast3A_552, 0 {pack_format = #tpu.pack_format<interleaved>} : vector<32xbf16> -> vector<16xf32>
        %unpack3A_554 = tpu.unpack_subelements %bitcast3A_552, 1 {pack_format = #tpu.pack_format<interleaved>} : vector<32xbf16> -> vector<16xf32>
        %bitcast3A_555 = vector.bitcast %gather3A_551 : vector<16xi32> to vector<32xbf16>
        %unpack3A_556 = tpu.unpack_subelements %bitcast3A_555, 0 {pack_format = #tpu.pack_format<interleaved>} : vector<32xbf16> -> vector<16xf32>
        %unpack3A_557 = tpu.unpack_subelements %bitcast3A_555, 1 {pack_format = #tpu.pack_format<interleaved>} : vector<32xbf16> -> vector<16xf32>
        %add3A_558 = arith.addf %unpack3A_553, %unpack3A_557 : vector<16xf32>
        %mul3A_559 = arith.constant 2.000000e-01 : f32
        %mul3A_560 = vector.broadcast %mul3A_559 : f32 to vector<16xf32>
        %mul3A_561 = arith.mulf %add3A_558, %mul3A_560 : vector<16xf32>
        %max3A_562 = arith.maximumf %add3A_558, %mul3A_561 : vector<16xf32>
        %exp3A_563 = math.exp %max3A_562 : vector<16xf32>
        %max3A_564 = arith.constant 5.000000e-03 : f32
        %max3A_565 = vector.broadcast %max3A_564 : f32 to vector<16xf32>
        %max3A_566 = arith.maximumf %exp3A_563, %max3A_565 : vector<16xf32>
        %min3A_567 = arith.constant 1.000000e+01 : f32
        %min3A_568 = vector.broadcast %min3A_567 : f32 to vector<16xf32>
        %min3A_569 = arith.minimumf %max3A_566, %min3A_568 : vector<16xf32>
        %swap3A_570 = arith.constant 1 : i32
        %swap3A_571 = arith.index_cast %swap3A_570 : i32 to index
        %swap3A_572 = arith.constant 16 : index
        %swap3A_573 = tpu.vector_load %arg13[%swap3A_571, %swap3A_572] {strides = array<i32>} : memref<3x80xf32, #tpu.memory_space<vmem>>, vector<16xf32>,
        tpu.vector_store %arg13[%swap3A_571, %swap3A_572], %min3A_569 {strides = array<i32>} : memref<3x80xf32, #tpu.memory_space<vmem>>, vector<16xf32>,
        %swap3A_574 = arith.constant 1 : i32
        %swap3A_575 = arith.index_cast %swap3A_574 : i32 to index
        %swap3A_576 = arith.constant 16 : index
        %swap3A_577 = tpu.vector_load %arg11[%swap3A_575, %swap3A_576] {strides = array<i32>} : memref<3x80xi32, #tpu.memory_space<vmem>>, vector<16xi32>,
        tpu.vector_store %arg11[%swap3A_575, %swap3A_576], %get3A_549 {strides = array<i32>} : memref<3x80xi32, #tpu.memory_space<vmem>>, vector<16xi32>,
        %get3A_578 = arith.constant 1 : i32
        %get3A_579 = arith.index_cast %get3A_578 : i32 to index
        %get3A_580 = arith.constant 32 : index
        %get3A_581 = tpu.vector_load %arg9[%get3A_579, %get3A_580] {strides = array<i32>} : memref<3x80xi32, #tpu.memory_space<vmem>>, vector<16xi32>,
        %get3A_582 = arith.constant 1 : i32
        %get3A_583 = arith.index_cast %get3A_582 : i32 to index
        %get3A_584 = arith.constant 32 : index
        %get3A_585 = tpu.vector_load %arg10[%get3A_583, %get3A_584] {strides = array<i32>} : memref<3x80xi32, #tpu.memory_space<vmem>>, vector<16xi32>,
        %gather3A_586 = tpu.vector_load_idx %arg8[%get3A_581] : memref<10000xi32, #tpu.memory_space<vmem>>[vector<16xi32>], vector<16xi32>,
        %gather3A_587 = tpu.vector_load_idx %arg8[%get3A_585] : memref<10000xi32, #tpu.memory_space<vmem>>[vector<16xi32>], vector<16xi32>,
        %bitcast3A_588 = vector.bitcast %gather3A_586 : vector<16xi32> to vector<32xbf16>
        %unpack3A_589 = tpu.unpack_subelements %bitcast3A_588, 0 {pack_format = #tpu.pack_format<interleaved>} : vector<32xbf16> -> vector<16xf32>
        %unpack3A_590 = tpu.unpack_subelements %bitcast3A_588, 1 {pack_format = #tpu.pack_format<interleaved>} : vector<32xbf16> -> vector<16xf32>
        %bitcast3A_591 = vector.bitcast %gather3A_587 : vector<16xi32> to vector<32xbf16>
        %unpack3A_592 = tpu.unpack_subelements %bitcast3A_591, 0 {pack_format = #tpu.pack_format<interleaved>} : vector<32xbf16> -> vector<16xf32>
        %unpack3A_593 = tpu.unpack_subelements %bitcast3A_591, 1 {pack_format = #tpu.pack_format<interleaved>} : vector<32xbf16> -> vector<16xf32>
        %add3A_594 = arith.addf %unpack3A_589, %unpack3A_593 : vector<16xf32>
        %mul3A_595 = arith.constant 2.000000e-01 : f32
        %mul3A_596 = vector.broadcast %mul3A_595 : f32 to vector<16xf32>
        %mul3A_597 = arith.mulf %add3A_594, %mul3A_596 : vector<16xf32>
        %max3A_598 = arith.maximumf %add3A_594, %mul3A_597 : vector<16xf32>
        %exp3A_599 = math.exp %max3A_598 : vector<16xf32>
        %max3A_600 = arith.constant 5.000000e-03 : f32
        %max3A_601 = vector.broadcast %max3A_600 : f32 to vector<16xf32>
        %max3A_602 = arith.maximumf %exp3A_599, %max3A_601 : vector<16xf32>
        %min3A_603 = arith.constant 1.000000e+01 : f32
        %min3A_604 = vector.broadcast %min3A_603 : f32 to vector<16xf32>
        %min3A_605 = arith.minimumf %max3A_602, %min3A_604 : vector<16xf32>
        %swap3A_606 = arith.constant 1 : i32
        %swap3A_607 = arith.index_cast %swap3A_606 : i32 to index
        %swap3A_608 = arith.constant 32 : index
        %swap3A_609 = tpu.vector_load %arg13[%swap3A_607, %swap3A_608] {strides = array<i32>} : memref<3x80xf32, #tpu.memory_space<vmem>>, vector<16xf32>,
        tpu.vector_store %arg13[%swap3A_607, %swap3A_608], %min3A_605 {strides = array<i32>} : memref<3x80xf32, #tpu.memory_space<vmem>>, vector<16xf32>,
        %swap3A_610 = arith.constant 1 : i32
        %swap3A_611 = arith.index_cast %swap3A_610 : i32 to index
        %swap3A_612 = arith.constant 32 : index
        %swap3A_613 = tpu.vector_load %arg11[%swap3A_611, %swap3A_612] {strides = array<i32>} : memref<3x80xi32, #tpu.memory_space<vmem>>, vector<16xi32>,
        tpu.vector_store %arg11[%swap3A_611, %swap3A_612], %get3A_585 {strides = array<i32>} : memref<3x80xi32, #tpu.memory_space<vmem>>, vector<16xi32>,
        %get3A_614 = arith.constant 1 : i32
        %get3A_615 = arith.index_cast %get3A_614 : i32 to index
        %get3A_616 = arith.constant 48 : index
        %get3A_617 = tpu.vector_load %arg9[%get3A_615, %get3A_616] {strides = array<i32>} : memref<3x80xi32, #tpu.memory_space<vmem>>, vector<16xi32>,
        %get3A_618 = arith.constant 1 : i32
        %get3A_619 = arith.index_cast %get3A_618 : i32 to index
        %get3A_620 = arith.constant 48 : index
        %get3A_621 = tpu.vector_load %arg10[%get3A_619, %get3A_620] {strides = array<i32>} : memref<3x80xi32, #tpu.memory_space<vmem>>, vector<16xi32>,
        %gather3A_622 = tpu.vector_load_idx %arg8[%get3A_617] : memref<10000xi32, #tpu.memory_space<vmem>>[vector<16xi32>], vector<16xi32>,
        %gather3A_623 = tpu.vector_load_idx %arg8[%get3A_621] : memref<10000xi32, #tpu.memory_space<vmem>>[vector<16xi32>], vector<16xi32>,
        %bitcast3A_624 = vector.bitcast %gather3A_622 : vector<16xi32> to vector<32xbf16>
        %unpack3A_625 = tpu.unpack_subelements %bitcast3A_624, 0 {pack_format = #tpu.pack_format<interleaved>} : vector<32xbf16> -> vector<16xf32>
        %unpack3A_626 = tpu.unpack_subelements %bitcast3A_624, 1 {pack_format = #tpu.pack_format<interleaved>} : vector<32xbf16> -> vector<16xf32>
        %bitcast3A_627 = vector.bitcast %gather3A_623 : vector<16xi32> to vector<32xbf16>
        %unpack3A_628 = tpu.unpack_subelements %bitcast3A_627, 0 {pack_format = #tpu.pack_format<interleaved>} : vector<32xbf16> -> vector<16xf32>
        %unpack3A_629 = tpu.unpack_subelements %bitcast3A_627, 1 {pack_format = #tpu.pack_format<interleaved>} : vector<32xbf16> -> vector<16xf32>
        %add3A_630 = arith.addf %unpack3A_625, %unpack3A_629 : vector<16xf32>
        %mul3A_631 = arith.constant 2.000000e-01 : f32
        %mul3A_632 = vector.broadcast %mul3A_631 : f32 to vector<16xf32>
        %mul3A_633 = arith.mulf %add3A_630, %mul3A_632 : vector<16xf32>
        %max3A_634 = arith.maximumf %add3A_630, %mul3A_633 : vector<16xf32>
        %exp3A_635 = math.exp %max3A_634 : vector<16xf32>
        %max3A_636 = arith.constant 5.000000e-03 : f32
        %max3A_637 = vector.broadcast %max3A_636 : f32 to vector<16xf32>
        %max3A_638 = arith.maximumf %exp3A_635, %max3A_637 : vector<16xf32>
        %min3A_639 = arith.constant 1.000000e+01 : f32
        %min3A_640 = vector.broadcast %min3A_639 : f32 to vector<16xf32>
        %min3A_641 = arith.minimumf %max3A_638, %min3A_640 : vector<16xf32>
        %swap3A_642 = arith.constant 1 : i32
        %swap3A_643 = arith.index_cast %swap3A_642 : i32 to index
        %swap3A_644 = arith.constant 48 : index
        %swap3A_645 = tpu.vector_load %arg13[%swap3A_643, %swap3A_644] {strides = array<i32>} : memref<3x80xf32, #tpu.memory_space<vmem>>, vector<16xf32>,
        tpu.vector_store %arg13[%swap3A_643, %swap3A_644], %min3A_641 {strides = array<i32>} : memref<3x80xf32, #tpu.memory_space<vmem>>, vector<16xf32>,
        %swap3A_646 = arith.constant 1 : i32
        %swap3A_647 = arith.index_cast %swap3A_646 : i32 to index
        %swap3A_648 = arith.constant 48 : index
        %swap3A_649 = tpu.vector_load %arg11[%swap3A_647, %swap3A_648] {strides = array<i32>} : memref<3x80xi32, #tpu.memory_space<vmem>>, vector<16xi32>,
        tpu.vector_store %arg11[%swap3A_647, %swap3A_648], %get3A_621 {strides = array<i32>} : memref<3x80xi32, #tpu.memory_space<vmem>>, vector<16xi32>,
        %get3A_650 = arith.constant 1 : i32
        %get3A_651 = arith.index_cast %get3A_650 : i32 to index
        %get3A_652 = arith.constant 64 : index
        %get3A_653 = tpu.vector_load %arg9[%get3A_651, %get3A_652] {strides = array<i32>} : memref<3x80xi32, #tpu.memory_space<vmem>>, vector<16xi32>,
        %get3A_654 = arith.constant 1 : i32
        %get3A_655 = arith.index_cast %get3A_654 : i32 to index
        %get3A_656 = arith.constant 64 : index
        %get3A_657 = tpu.vector_load %arg10[%get3A_655, %get3A_656] {strides = array<i32>} : memref<3x80xi32, #tpu.memory_space<vmem>>, vector<16xi32>,
        %gather3A_658 = tpu.vector_load_idx %arg8[%get3A_653] : memref<10000xi32, #tpu.memory_space<vmem>>[vector<16xi32>], vector<16xi32>,
        %gather3A_659 = tpu.vector_load_idx %arg8[%get3A_657] : memref<10000xi32, #tpu.memory_space<vmem>>[vector<16xi32>], vector<16xi32>,
        %bitcast3A_660 = vector.bitcast %gather3A_658 : vector<16xi32> to vector<32xbf16>
        %unpack3A_661 = tpu.unpack_subelements %bitcast3A_660, 0 {pack_format = #tpu.pack_format<interleaved>} : vector<32xbf16> -> vector<16xf32>
        %unpack3A_662 = tpu.unpack_subelements %bitcast3A_660, 1 {pack_format = #tpu.pack_format<interleaved>} : vector<32xbf16> -> vector<16xf32>
        %bitcast3A_663 = vector.bitcast %gather3A_659 : vector<16xi32> to vector<32xbf16>
        %unpack3A_664 = tpu.unpack_subelements %bitcast3A_663, 0 {pack_format = #tpu.pack_format<interleaved>} : vector<32xbf16> -> vector<16xf32>
        %unpack3A_665 = tpu.unpack_subelements %bitcast3A_663, 1 {pack_format = #tpu.pack_format<interleaved>} : vector<32xbf16> -> vector<16xf32>
        %add3A_666 = arith.addf %unpack3A_661, %unpack3A_665 : vector<16xf32>
        %mul3A_667 = arith.constant 2.000000e-01 : f32
        %mul3A_668 = vector.broadcast %mul3A_667 : f32 to vector<16xf32>
        %mul3A_669 = arith.mulf %add3A_666, %mul3A_668 : vector<16xf32>
        %max3A_670 = arith.maximumf %add3A_666, %mul3A_669 : vector<16xf32>
        %exp3A_671 = math.exp %max3A_670 : vector<16xf32>
        %max3A_672 = arith.constant 5.000000e-03 : f32
        %max3A_673 = vector.broadcast %max3A_672 : f32 to vector<16xf32>
        %max3A_674 = arith.maximumf %exp3A_671, %max3A_673 : vector<16xf32>
        %min3A_675 = arith.constant 1.000000e+01 : f32
        %min3A_676 = vector.broadcast %min3A_675 : f32 to vector<16xf32>
        %min3A_677 = arith.minimumf %max3A_674, %min3A_676 : vector<16xf32>
        %swap3A_678 = arith.constant 1 : i32
        %swap3A_679 = arith.index_cast %swap3A_678 : i32 to index
        %swap3A_680 = arith.constant 64 : index
        %swap3A_681 = tpu.vector_load %arg13[%swap3A_679, %swap3A_680] {strides = array<i32>} : memref<3x80xf32, #tpu.memory_space<vmem>>, vector<16xf32>,
        tpu.vector_store %arg13[%swap3A_679, %swap3A_680], %min3A_677 {strides = array<i32>} : memref<3x80xf32, #tpu.memory_space<vmem>>, vector<16xf32>,
        %swap3A_682 = arith.constant 1 : i32
        %swap3A_683 = arith.index_cast %swap3A_682 : i32 to index
        %swap3A_684 = arith.constant 64 : index
        %swap3A_685 = tpu.vector_load %arg11[%swap3A_683, %swap3A_684] {strides = array<i32>} : memref<3x80xi32, #tpu.memory_space<vmem>>, vector<16xi32>,
        tpu.vector_store %arg11[%swap3A_683, %swap3A_684], %get3A_657 {strides = array<i32>} : memref<3x80xi32, #tpu.memory_space<vmem>>, vector<16xi32>,
        %dma_start3A_686 = arith.constant 1 : i32
        %dma_start3A_687 = arith.constant 1 : i32
        %dma_start3A_688 = arith.constant 0 : i32
        %dma_start3A_689 = tpu.memref_slice %arg13[%dma_start3A_686, %dma_start3A_688] : memref<3x80xf32, #tpu.memory_space<vmem>> -> memref<1x80xf32, #tpu.memory_space<vmem>>
        %dma_start3A_690 = tpu.memref_squeeze %dma_start3A_689 : memref<1x80xf32, #tpu.memory_space<vmem>> -> memref<80xf32, #tpu.memory_space<vmem>>
        %dma_start3A_691 = arith.constant 0 : i32
        %dma_start3A_692 = tpu.memref_slice %arg11[%dma_start3A_687, %dma_start3A_691] : memref<3x80xi32, #tpu.memory_space<vmem>> -> memref<1x80xi32, #tpu.memory_space<vmem>>
        %dma_start3A_693 = tpu.memref_squeeze %dma_start3A_692 : memref<1x80xi32, #tpu.memory_space<vmem>> -> memref<80xi32, #tpu.memory_space<vmem>>
        %dma_start3A_694 = arith.constant 0 : i32
        %dma_start3A_695 = tpu.memref_slice %arg17[%dma_start3A_694] : memref<10000xf32, #tpu.memory_space<vmem_shared>> -> memref<10000xf32, #tpu.memory_space<vmem_shared>>
        tpu.enqueue_indirect_dma source(%dma_start3A_690 : memref<80xf32, #tpu.memory_space<vmem>>) target(%dma_start3A_695 : memref<10000xf32, #tpu.memory_space<vmem_shared>>) offsets(%dma_start3A_693 : memref<80xi32, #tpu.memory_space<vmem>>) semaphore(%arg28 : memref<!tpu.dma_semaphore, #tpu.memory_space<semaphore_mem>>) {add = true}
        %dma_wait3A_696 = arith.constant 1 : i32
        %dma_wait3A_697 = arith.constant 1 : i32
        %dma_wait3A_698 = arith.constant 0 : i32
        %dma_wait3A_699 = arith.constant 0 : i32
        %dma_wait3A_700 = tpu.memref_slice %arg12[%dma_wait3A_697, %dma_wait3A_698, %dma_wait3A_699] : memref<3x80x128xf32, #tpu.memory_space<vmem>> -> memref<1x80x128xf32, #tpu.memory_space<vmem>>
        %dma_wait3A_701 = tpu.memref_squeeze %dma_wait3A_700 : memref<1x80x128xf32, #tpu.memory_space<vmem>> -> memref<80x128xf32, #tpu.memory_space<vmem>>
        %dma_wait3A_702 = arith.constant 0 : i32
        %dma_wait3A_703 = tpu.memref_slice %arg9[%dma_wait3A_696, %dma_wait3A_702] : memref<3x80xi32, #tpu.memory_space<vmem>> -> memref<1x80xi32, #tpu.memory_space<vmem>>
        %dma_wait3A_704 = tpu.memref_squeeze %dma_wait3A_703 : memref<1x80xi32, #tpu.memory_space<vmem>> -> memref<80xi32, #tpu.memory_space<vmem>>
        %dma_wait3A_705 = arith.constant 0 : i32
        %dma_wait3A_706 = arith.constant 0 : i32
        %dma_wait3A_707 = tpu.memref_slice %arg2[%dma_wait3A_705, %dma_wait3A_706] : memref<10000x128xf32, #tpu.memory_space<hbm>> -> memref<10000x128xf32, #tpu.memory_space<hbm>>
        tpu.wait_indirect_dma semaphore(%arg22 : memref<!tpu.dma_semaphore, #tpu.memory_space<semaphore_mem>>) src(%dma_wait3A_707 : memref<10000x128xf32, #tpu.memory_space<hbm>>) dst(%dma_wait3A_701 : memref<80x128xf32, #tpu.memory_space<vmem>>)
        %scan3A_708 = arith.constant 0 : i32
        %scan3A_709 = arith.constant 80 : i32
        %scan3A_710 = arith.addi %scan3A_708, %scan3A_709 : i32
        %scan3A_711 = arith.constant 1 : i32
        scf.for %scan3A_731 = %scan3A_708 to %scan3A_710 step %scan3A_711  : i32 {
          %broadcast_in_dim3A = vector.broadcast %scan3A_731 : i32 to vector<16xi32>
          %gather3A_732 = arith.constant 1 : i32
          %gather3A_733 = arith.constant 0 : i32
          %gather3A_734 = tpu.memref_slice %arg13[%gather3A_732, %gather3A_733] : memref<3x80xf32, #tpu.memory_space<vmem>> -> memref<1x80xf32, #tpu.memory_space<vmem>>
          %gather3A_735 = tpu.memref_squeeze %gather3A_734 : memref<1x80xf32, #tpu.memory_space<vmem>> -> memref<80xf32, #tpu.memory_space<vmem>>
          %gather3A_736 = tpu.vector_load_idx %gather3A_735[%broadcast_in_dim3A] : memref<80xf32, #tpu.memory_space<vmem>>[vector<16xi32>], vector<16xf32>,
          %get3A_737 = arith.constant 1 : i32
          %get3A_738 = arith.index_cast %get3A_737 : i32 to index
          %get3A_739 = arith.index_cast %scan3A_731 : i32 to index
          %get3A_740 = arith.constant 0 : index
          %get3A_741 = tpu.vector_load %arg12[%get3A_738, %get3A_739, %get3A_740] {strides = array<i32>} : memref<3x80x128xf32, #tpu.memory_space<vmem>>, vector<16xf32>,
          %mul3A_742 = arith.mulf %get3A_741, %gather3A_736 : vector<16xf32>
          %swap3A_743 = arith.constant 1 : i32
          %swap3A_744 = arith.index_cast %swap3A_743 : i32 to index
          %swap3A_745 = arith.index_cast %scan3A_731 : i32 to index
          %swap3A_746 = arith.constant 0 : index
          %swap3A_747 = tpu.vector_load %arg12[%swap3A_744, %swap3A_745, %swap3A_746] {strides = array<i32>} : memref<3x80x128xf32, #tpu.memory_space<vmem>>, vector<16xf32>,
          tpu.vector_store %arg12[%swap3A_744, %swap3A_745, %swap3A_746], %mul3A_742 {strides = array<i32>} : memref<3x80x128xf32, #tpu.memory_space<vmem>>, vector<16xf32>,
          %get3A_748 = arith.constant 1 : i32
          %get3A_749 = arith.index_cast %get3A_748 : i32 to index
          %get3A_750 = arith.index_cast %scan3A_731 : i32 to index
          %get3A_751 = arith.constant 16 : index
          %get3A_752 = tpu.vector_load %arg12[%get3A_749, %get3A_750, %get3A_751] {strides = array<i32>} : memref<3x80x128xf32, #tpu.memory_space<vmem>>, vector<16xf32>,
          %mul3A_753 = arith.mulf %get3A_752, %gather3A_736 : vector<16xf32>
          %swap3A_754 = arith.constant 1 : i32
          %swap3A_755 = arith.index_cast %swap3A_754 : i32 to index
          %swap3A_756 = arith.index_cast %scan3A_731 : i32 to index
          %swap3A_757 = arith.constant 16 : index
          %swap3A_758 = tpu.vector_load %arg12[%swap3A_755, %swap3A_756, %swap3A_757] {strides = array<i32>} : memref<3x80x128xf32, #tpu.memory_space<vmem>>, vector<16xf32>,
          tpu.vector_store %arg12[%swap3A_755, %swap3A_756, %swap3A_757], %mul3A_753 {strides = array<i32>} : memref<3x80x128xf32, #tpu.memory_space<vmem>>, vector<16xf32>,
          %get3A_759 = arith.constant 1 : i32
          %get3A_760 = arith.index_cast %get3A_759 : i32 to index
          %get3A_761 = arith.index_cast %scan3A_731 : i32 to index
          %get3A_762 = arith.constant 32 : index
          %get3A_763 = tpu.vector_load %arg12[%get3A_760, %get3A_761, %get3A_762] {strides = array<i32>} : memref<3x80x128xf32, #tpu.memory_space<vmem>>, vector<16xf32>,
          %mul3A_764 = arith.mulf %get3A_763, %gather3A_736 : vector<16xf32>
          %swap3A_765 = arith.constant 1 : i32
          %swap3A_766 = arith.index_cast %swap3A_765 : i32 to index
          %swap3A_767 = arith.index_cast %scan3A_731 : i32 to index
          %swap3A_768 = arith.constant 32 : index
          %swap3A_769 = tpu.vector_load %arg12[%swap3A_766, %swap3A_767, %swap3A_768] {strides = array<i32>} : memref<3x80x128xf32, #tpu.memory_space<vmem>>, vector<16xf32>,
          tpu.vector_store %arg12[%swap3A_766, %swap3A_767, %swap3A_768], %mul3A_764 {strides = array<i32>} : memref<3x80x128xf32, #tpu.memory_space<vmem>>, vector<16xf32>,
          %get3A_770 = arith.constant 1 : i32
          %get3A_771 = arith.index_cast %get3A_770 : i32 to index
          %get3A_772 = arith.index_cast %scan3A_731 : i32 to index
          %get3A_773 = arith.constant 48 : index
          %get3A_774 = tpu.vector_load %arg12[%get3A_771, %get3A_772, %get3A_773] {strides = array<i32>} : memref<3x80x128xf32, #tpu.memory_space<vmem>>, vector<16xf32>,
          %mul3A_775 = arith.mulf %get3A_774, %gather3A_736 : vector<16xf32>
          %swap3A_776 = arith.constant 1 : i32
          %swap3A_777 = arith.index_cast %swap3A_776 : i32 to index
          %swap3A_778 = arith.index_cast %scan3A_731 : i32 to index
          %swap3A_779 = arith.constant 48 : index
          %swap3A_780 = tpu.vector_load %arg12[%swap3A_777, %swap3A_778, %swap3A_779] {strides = array<i32>} : memref<3x80x128xf32, #tpu.memory_space<vmem>>, vector<16xf32>,
          tpu.vector_store %arg12[%swap3A_777, %swap3A_778, %swap3A_779], %mul3A_775 {strides = array<i32>} : memref<3x80x128xf32, #tpu.memory_space<vmem>>, vector<16xf32>,
          %get3A_781 = arith.constant 1 : i32
          %get3A_782 = arith.index_cast %get3A_781 : i32 to index
          %get3A_783 = arith.index_cast %scan3A_731 : i32 to index
          %get3A_784 = arith.constant 64 : index
          %get3A_785 = tpu.vector_load %arg12[%get3A_782, %get3A_783, %get3A_784] {strides = array<i32>} : memref<3x80x128xf32, #tpu.memory_space<vmem>>, vector<16xf32>,
          %mul3A_786 = arith.mulf %get3A_785, %gather3A_736 : vector<16xf32>
          %swap3A_787 = arith.constant 1 : i32
          %swap3A_788 = arith.index_cast %swap3A_787 : i32 to index
          %swap3A_789 = arith.index_cast %scan3A_731 : i32 to index
          %swap3A_790 = arith.constant 64 : index
          %swap3A_791 = tpu.vector_load %arg12[%swap3A_788, %swap3A_789, %swap3A_790] {strides = array<i32>} : memref<3x80x128xf32, #tpu.memory_space<vmem>>, vector<16xf32>,
          tpu.vector_store %arg12[%swap3A_788, %swap3A_789, %swap3A_790], %mul3A_786 {strides = array<i32>} : memref<3x80x128xf32, #tpu.memory_space<vmem>>, vector<16xf32>,
          %get3A_792 = arith.constant 1 : i32
          %get3A_793 = arith.index_cast %get3A_792 : i32 to index
          %get3A_794 = arith.index_cast %scan3A_731 : i32 to index
          %get3A_795 = arith.constant 80 : index
          %get3A_796 = tpu.vector_load %arg12[%get3A_793, %get3A_794, %get3A_795] {strides = array<i32>} : memref<3x80x128xf32, #tpu.memory_space<vmem>>, vector<16xf32>,
          %mul3A_797 = arith.mulf %get3A_796, %gather3A_736 : vector<16xf32>
          %swap3A_798 = arith.constant 1 : i32
          %swap3A_799 = arith.index_cast %swap3A_798 : i32 to index
          %swap3A_800 = arith.index_cast %scan3A_731 : i32 to index
          %swap3A_801 = arith.constant 80 : index
          %swap3A_802 = tpu.vector_load %arg12[%swap3A_799, %swap3A_800, %swap3A_801] {strides = array<i32>} : memref<3x80x128xf32, #tpu.memory_space<vmem>>, vector<16xf32>,
          tpu.vector_store %arg12[%swap3A_799, %swap3A_800, %swap3A_801], %mul3A_797 {strides = array<i32>} : memref<3x80x128xf32, #tpu.memory_space<vmem>>, vector<16xf32>,
          %get3A_803 = arith.constant 1 : i32
          %get3A_804 = arith.index_cast %get3A_803 : i32 to index
          %get3A_805 = arith.index_cast %scan3A_731 : i32 to index
          %get3A_806 = arith.constant 96 : index
          %get3A_807 = tpu.vector_load %arg12[%get3A_804, %get3A_805, %get3A_806] {strides = array<i32>} : memref<3x80x128xf32, #tpu.memory_space<vmem>>, vector<16xf32>,
          %mul3A_808 = arith.mulf %get3A_807, %gather3A_736 : vector<16xf32>
          %swap3A_809 = arith.constant 1 : i32
          %swap3A_810 = arith.index_cast %swap3A_809 : i32 to index
          %swap3A_811 = arith.index_cast %scan3A_731 : i32 to index
          %swap3A_812 = arith.constant 96 : index
          %swap3A_813 = tpu.vector_load %arg12[%swap3A_810, %swap3A_811, %swap3A_812] {strides = array<i32>} : memref<3x80x128xf32, #tpu.memory_space<vmem>>, vector<16xf32>,
          tpu.vector_store %arg12[%swap3A_810, %swap3A_811, %swap3A_812], %mul3A_808 {strides = array<i32>} : memref<3x80x128xf32, #tpu.memory_space<vmem>>, vector<16xf32>,
          %get3A_814 = arith.constant 1 : i32
          %get3A_815 = arith.index_cast %get3A_814 : i32 to index
          %get3A_816 = arith.index_cast %scan3A_731 : i32 to index
          %get3A_817 = arith.constant 112 : index
          %get3A_818 = tpu.vector_load %arg12[%get3A_815, %get3A_816, %get3A_817] {strides = array<i32>} : memref<3x80x128xf32, #tpu.memory_space<vmem>>, vector<16xf32>,
          %mul3A_819 = arith.mulf %get3A_818, %gather3A_736 : vector<16xf32>
          %swap3A_820 = arith.constant 1 : i32
          %swap3A_821 = arith.index_cast %swap3A_820 : i32 to index
          %swap3A_822 = arith.index_cast %scan3A_731 : i32 to index
          %swap3A_823 = arith.constant 112 : index
          %swap3A_824 = tpu.vector_load %arg12[%swap3A_821, %swap3A_822, %swap3A_823] {strides = array<i32>} : memref<3x80x128xf32, #tpu.memory_space<vmem>>, vector<16xf32>,
          tpu.vector_store %arg12[%swap3A_821, %swap3A_822, %swap3A_823], %mul3A_819 {strides = array<i32>} : memref<3x80x128xf32, #tpu.memory_space<vmem>>, vector<16xf32>,
        }
        %scan3A_712 = arith.constant 80 : i32
        %dma_start3A_713 = arith.constant 1 : i32
        %dma_start3A_714 = arith.constant 1 : i32
        %dma_start3A_715 = arith.constant 0 : i32
        %dma_start3A_716 = arith.constant 0 : i32
        %dma_start3A_717 = tpu.memref_slice %arg12[%dma_start3A_713, %dma_start3A_715, %dma_start3A_716] : memref<3x80x128xf32, #tpu.memory_space<vmem>> -> memref<1x80x128xf32, #tpu.memory_space<vmem>>
        %dma_start3A_718 = tpu.memref_squeeze %dma_start3A_717 : memref<1x80x128xf32, #tpu.memory_space<vmem>> -> memref<80x128xf32, #tpu.memory_space<vmem>>
        %dma_start3A_719 = arith.constant 0 : i32
        %dma_start3A_720 = tpu.memref_slice %arg11[%dma_start3A_714, %dma_start3A_719] : memref<3x80xi32, #tpu.memory_space<vmem>> -> memref<1x80xi32, #tpu.memory_space<vmem>>
        %dma_start3A_721 = tpu.memref_squeeze %dma_start3A_720 : memref<1x80xi32, #tpu.memory_space<vmem>> -> memref<80xi32, #tpu.memory_space<vmem>>
        %dma_start3A_722 = arith.constant 0 : i32
        %dma_start3A_723 = arith.constant 0 : i32
        %dma_start3A_724 = tpu.memref_slice %arg16[%dma_start3A_722, %dma_start3A_723] : memref<10000x128xf32, #tpu.memory_space<vmem_shared>> -> memref<10000x128xf32, #tpu.memory_space<vmem_shared>>
        tpu.enqueue_indirect_dma source(%dma_start3A_718 : memref<80x128xf32, #tpu.memory_space<vmem>>) target(%dma_start3A_724 : memref<10000x128xf32, #tpu.memory_space<vmem_shared>>) offsets(%dma_start3A_721 : memref<80xi32, #tpu.memory_space<vmem>>) semaphore(%arg25 : memref<!tpu.dma_semaphore, #tpu.memory_space<semaphore_mem>>) {add = true}
        %add3A_725 = arith.constant 3 : i32
        %add3A_726 = arith.addi %add3A_494, %add3A_725 : i32
        %lt3A_727 = arith.cmpi slt, %add3A_726, %select_n3A_47 : i32
        %convert_element_type3A_728 = arith.extui %lt3A_727 : i1 to i32
        %cond3A_729 = arith.constant 0 : i32
        %cond3A_730 = arith.cmpi ne, %convert_element_type3A_728, %cond3A_729 : i32
        scf.if %cond3A_730 {
          %add3A_731 = arith.constant 3 : i32
          %add3A_732 = arith.addi %add3A_494, %add3A_731 : i32
          %mul3A_733 = arith.constant 32 : i32
          %mul3A_734 = arith.muli %mul3A_733, %add3A_732 : i32
          %add3A_735 = arith.addi %add3A, %mul3A_734 : i32
          %mul3A_736 = arith.constant 80 : i32
          %mul3A_737 = arith.muli %add3A_735, %mul3A_736 : i32
          %dma_start3A_738 = arith.constant 1 : i32
          %dma_start3A_739 = arith.constant 0 : i32
          %dma_start3A_740 = tpu.memref_slice %arg9[%dma_start3A_738, %dma_start3A_739] : memref<3x80xi32, #tpu.memory_space<vmem>> -> memref<1x80xi32, #tpu.memory_space<vmem>>
          %dma_start3A_741 = tpu.memref_squeeze %dma_start3A_740 : memref<1x80xi32, #tpu.memory_space<vmem>> -> memref<80xi32, #tpu.memory_space<vmem>>
          %dma_start3A_742 = tpu.memref_slice %arg4[%mul3A_737] : memref<320000xi32, #tpu.memory_space<hbm>> -> memref<80xi32, #tpu.memory_space<hbm>>
          %dma_start3A_743 = arith.constant 0 : i32
          %dma_start3A_744 = tpu.memref_slice %arg9[%dma_start3A_738, %dma_start3A_743] : memref<3x80xi32, #tpu.memory_space<vmem>> -> memref<1x80xi32, #tpu.memory_space<vmem>>
          %dma_start3A_745 = tpu.memref_squeeze %dma_start3A_744 : memref<1x80xi32, #tpu.memory_space<vmem>> -> memref<80xi32, #tpu.memory_space<vmem>>
          %dma_start3A_746 = tpu.memref_slice %arg4[%mul3A_737] : memref<320000xi32, #tpu.memory_space<hbm>> -> memref<80xi32, #tpu.memory_space<hbm>>
          tpu.enqueue_dma source(%dma_start3A_746 : memref<80xi32, #tpu.memory_space<hbm>>) target(%dma_start3A_745 : memref<80xi32, #tpu.memory_space<vmem>>) target_semaphore(%arg19 : memref<!tpu.dma_semaphore, #tpu.memory_space<semaphore_mem>>)
          %dma_start3A_747 = arith.constant 1 : i32
          %dma_start3A_748 = arith.constant 0 : i32
          %dma_start3A_749 = tpu.memref_slice %arg10[%dma_start3A_747, %dma_start3A_748] : memref<3x80xi32, #tpu.memory_space<vmem>> -> memref<1x80xi32, #tpu.memory_space<vmem>>
          %dma_start3A_750 = tpu.memref_squeeze %dma_start3A_749 : memref<1x80xi32, #tpu.memory_space<vmem>> -> memref<80xi32, #tpu.memory_space<vmem>>
          %dma_start3A_751 = tpu.memref_slice %arg5[%mul3A_737] : memref<320000xi32, #tpu.memory_space<hbm>> -> memref<80xi32, #tpu.memory_space<hbm>>
          %dma_start3A_752 = arith.constant 0 : i32
          %dma_start3A_753 = tpu.memref_slice %arg10[%dma_start3A_747, %dma_start3A_752] : memref<3x80xi32, #tpu.memory_space<vmem>> -> memref<1x80xi32, #tpu.memory_space<vmem>>
          %dma_start3A_754 = tpu.memref_squeeze %dma_start3A_753 : memref<1x80xi32, #tpu.memory_space<vmem>> -> memref<80xi32, #tpu.memory_space<vmem>>
          %dma_start3A_755 = tpu.memref_slice %arg5[%mul3A_737] : memref<320000xi32, #tpu.memory_space<hbm>> -> memref<80xi32, #tpu.memory_space<hbm>>
          tpu.enqueue_dma source(%dma_start3A_755 : memref<80xi32, #tpu.memory_space<hbm>>) target(%dma_start3A_754 : memref<80xi32, #tpu.memory_space<vmem>>) target_semaphore(%arg19 : memref<!tpu.dma_semaphore, #tpu.memory_space<semaphore_mem>>)
        } else {
        }
      } else {
      }
      %add3A_487 = arith.constant 2 : i32
      %add3A_488 = arith.addi %mul3A_253, %add3A_487 : i32
      %lt3A_489 = arith.cmpi slt, %add3A_488, %select_n3A_47 : i32
      %convert_element_type3A_490 = arith.extui %lt3A_489 : i1 to i32
      %cond3A_491 = arith.constant 0 : i32
      %cond3A_492 = arith.cmpi ne, %convert_element_type3A_490, %cond3A_491 : i32
      scf.if %cond3A_492 {
        %add3A_493 = arith.constant 2 : i32
        %add3A_494 = arith.addi %mul3A_253, %add3A_493 : i32
        %ge3A_495 = arith.constant 3 : i32
        %ge3A_496 = arith.cmpi sge, %add3A_494, %ge3A_495 : i32
        %convert_element_type3A_497 = arith.extui %ge3A_496 : i1 to i32
        %cond3A_498 = arith.constant 0 : i32
        %cond3A_499 = arith.cmpi ne, %convert_element_type3A_497, %cond3A_498 : i32
        scf.if %cond3A_499 {
          %dma_wait3A_731 = arith.constant 2 : i32
          %dma_wait3A_732 = arith.constant 2 : i32
          %dma_wait3A_733 = arith.constant 0 : i32
          %dma_wait3A_734 = tpu.memref_slice %arg13[%dma_wait3A_731, %dma_wait3A_733] : memref<3x80xf32, #tpu.memory_space<vmem>> -> memref<1x80xf32, #tpu.memory_space<vmem>>
          %dma_wait3A_735 = tpu.memref_squeeze %dma_wait3A_734 : memref<1x80xf32, #tpu.memory_space<vmem>> -> memref<80xf32, #tpu.memory_space<vmem>>
          %dma_wait3A_736 = arith.constant 0 : i32
          %dma_wait3A_737 = tpu.memref_slice %arg11[%dma_wait3A_732, %dma_wait3A_736] : memref<3x80xi32, #tpu.memory_space<vmem>> -> memref<1x80xi32, #tpu.memory_space<vmem>>
          %dma_wait3A_738 = tpu.memref_squeeze %dma_wait3A_737 : memref<1x80xi32, #tpu.memory_space<vmem>> -> memref<80xi32, #tpu.memory_space<vmem>>
          %dma_wait3A_739 = arith.constant 0 : i32
          %dma_wait3A_740 = tpu.memref_slice %arg17[%dma_wait3A_739] : memref<10000xf32, #tpu.memory_space<vmem_shared>> -> memref<10000xf32, #tpu.memory_space<vmem_shared>>
          tpu.wait_indirect_dma semaphore(%arg29 : memref<!tpu.dma_semaphore, #tpu.memory_space<semaphore_mem>>) src(%dma_wait3A_735 : memref<80xf32, #tpu.memory_space<vmem>>) dst(%dma_wait3A_740 : memref<10000xf32, #tpu.memory_space<vmem_shared>>)
        } else {
        }
        %add3A_500 = arith.constant 1 : i32
        %add3A_501 = arith.addi %add3A_494, %add3A_500 : i32
        %lt3A_502 = arith.cmpi slt, %add3A_501, %select_n3A_47 : i32
        %convert_element_type3A_503 = arith.extui %lt3A_502 : i1 to i32
        %cond3A_504 = arith.constant 0 : i32
        %cond3A_505 = arith.cmpi ne, %convert_element_type3A_503, %cond3A_504 : i32
        scf.if %cond3A_505 {
          %dma_wait3A_731 = arith.constant 0 : i32
          %dma_wait3A_732 = arith.constant 0 : i32
          %dma_wait3A_733 = tpu.memref_slice %arg9[%dma_wait3A_731, %dma_wait3A_732] : memref<3x80xi32, #tpu.memory_space<vmem>> -> memref<1x80xi32, #tpu.memory_space<vmem>>
          %dma_wait3A_734 = tpu.memref_squeeze %dma_wait3A_733 : memref<1x80xi32, #tpu.memory_space<vmem>> -> memref<80xi32, #tpu.memory_space<vmem>>
          %dma_wait3A_735 = arith.constant 0 : i32
          %dma_wait3A_736 = tpu.memref_slice %arg4[%dma_wait3A_735] : memref<320000xi32, #tpu.memory_space<hbm>> -> memref<80xi32, #tpu.memory_space<hbm>>
          %dma_wait3A_737 = arith.constant 0 : i32
          %dma_wait3A_738 = tpu.memref_slice %arg9[%dma_wait3A_731, %dma_wait3A_737] : memref<3x80xi32, #tpu.memory_space<vmem>> -> memref<1x80xi32, #tpu.memory_space<vmem>>
          %dma_wait3A_739 = tpu.memref_squeeze %dma_wait3A_738 : memref<1x80xi32, #tpu.memory_space<vmem>> -> memref<80xi32, #tpu.memory_space<vmem>>
          %dma_wait3A_740 = arith.constant 0 : i32
          %dma_wait3A_741 = tpu.memref_slice %arg4[%dma_wait3A_740] : memref<320000xi32, #tpu.memory_space<hbm>> -> memref<80xi32, #tpu.memory_space<hbm>>
          tpu.wait_dma2 semaphore(%arg18 : memref<!tpu.dma_semaphore, #tpu.memory_space<semaphore_mem>>) src(%dma_wait3A_741 : memref<80xi32, #tpu.memory_space<hbm>>) dst(%dma_wait3A_739 : memref<80xi32, #tpu.memory_space<vmem>>)
          %dma_wait3A_742 = arith.constant 0 : i32
          %dma_wait3A_743 = arith.constant 0 : i32
          %dma_wait3A_744 = tpu.memref_slice %arg10[%dma_wait3A_742, %dma_wait3A_743] : memref<3x80xi32, #tpu.memory_space<vmem>> -> memref<1x80xi32, #tpu.memory_space<vmem>>
          %dma_wait3A_745 = tpu.memref_squeeze %dma_wait3A_744 : memref<1x80xi32, #tpu.memory_space<vmem>> -> memref<80xi32, #tpu.memory_space<vmem>>
          %dma_wait3A_746 = arith.constant 0 : i32
          %dma_wait3A_747 = tpu.memref_slice %arg5[%dma_wait3A_746] : memref<320000xi32, #tpu.memory_space<hbm>> -> memref<80xi32, #tpu.memory_space<hbm>>
          %dma_wait3A_748 = arith.constant 0 : i32
          %dma_wait3A_749 = tpu.memref_slice %arg10[%dma_wait3A_742, %dma_wait3A_748] : memref<3x80xi32, #tpu.memory_space<vmem>> -> memref<1x80xi32, #tpu.memory_space<vmem>>
          %dma_wait3A_750 = tpu.memref_squeeze %dma_wait3A_749 : memref<1x80xi32, #tpu.memory_space<vmem>> -> memref<80xi32, #tpu.memory_space<vmem>>
          %dma_wait3A_751 = arith.constant 0 : i32
          %dma_wait3A_752 = tpu.memref_slice %arg5[%dma_wait3A_751] : memref<320000xi32, #tpu.memory_space<hbm>> -> memref<80xi32, #tpu.memory_space<hbm>>
          tpu.wait_dma2 semaphore(%arg18 : memref<!tpu.dma_semaphore, #tpu.memory_space<semaphore_mem>>) src(%dma_wait3A_752 : memref<80xi32, #tpu.memory_space<hbm>>) dst(%dma_wait3A_750 : memref<80xi32, #tpu.memory_space<vmem>>)
          %ge3A_753 = arith.constant 2 : i32
          %ge3A_754 = arith.cmpi sge, %add3A_494, %ge3A_753 : i32
          %convert_element_type3A_755 = arith.extui %ge3A_754 : i1 to i32
          %cond3A_756 = arith.constant 0 : i32
          %cond3A_757 = arith.cmpi ne, %convert_element_type3A_755, %cond3A_756 : i32
          scf.if %cond3A_757 {
            %dma_wait3A_770 = arith.constant 0 : i32
            %dma_wait3A_771 = arith.constant 0 : i32
            %dma_wait3A_772 = arith.constant 0 : i32
            %dma_wait3A_773 = arith.constant 0 : i32
            %dma_wait3A_774 = tpu.memref_slice %arg12[%dma_wait3A_770, %dma_wait3A_772, %dma_wait3A_773] : memref<3x80x128xf32, #tpu.memory_space<vmem>> -> memref<1x80x128xf32, #tpu.memory_space<vmem>>
            %dma_wait3A_775 = tpu.memref_squeeze %dma_wait3A_774 : memref<1x80x128xf32, #tpu.memory_space<vmem>> -> memref<80x128xf32, #tpu.memory_space<vmem>>
            %dma_wait3A_776 = arith.constant 0 : i32
            %dma_wait3A_777 = tpu.memref_slice %arg11[%dma_wait3A_771, %dma_wait3A_776] : memref<3x80xi32, #tpu.memory_space<vmem>> -> memref<1x80xi32, #tpu.memory_space<vmem>>
            %dma_wait3A_778 = tpu.memref_squeeze %dma_wait3A_777 : memref<1x80xi32, #tpu.memory_space<vmem>> -> memref<80xi32, #tpu.memory_space<vmem>>
            %dma_wait3A_779 = arith.constant 0 : i32
            %dma_wait3A_780 = arith.constant 0 : i32
            %dma_wait3A_781 = tpu.memref_slice %arg16[%dma_wait3A_779, %dma_wait3A_780] : memref<10000x128xf32, #tpu.memory_space<vmem_shared>> -> memref<10000x128xf32, #tpu.memory_space<vmem_shared>>
            tpu.wait_indirect_dma semaphore(%arg24 : memref<!tpu.dma_semaphore, #tpu.memory_space<semaphore_mem>>) src(%dma_wait3A_775 : memref<80x128xf32, #tpu.memory_space<vmem>>) dst(%dma_wait3A_781 : memref<10000x128xf32, #tpu.memory_space<vmem_shared>>)
          } else {
          }
          %dma_start3A_758 = arith.constant 0 : i32
          %dma_start3A_759 = arith.constant 0 : i32
          %dma_start3A_760 = arith.constant 0 : i32
          %dma_start3A_761 = arith.constant 0 : i32
          %dma_start3A_762 = tpu.memref_slice %arg12[%dma_start3A_759, %dma_start3A_760, %dma_start3A_761] : memref<3x80x128xf32, #tpu.memory_space<vmem>> -> memref<1x80x128xf32, #tpu.memory_space<vmem>>
          %dma_start3A_763 = tpu.memref_squeeze %dma_start3A_762 : memref<1x80x128xf32, #tpu.memory_space<vmem>> -> memref<80x128xf32, #tpu.memory_space<vmem>>
          %dma_start3A_764 = arith.constant 0 : i32
          %dma_start3A_765 = tpu.memref_slice %arg9[%dma_start3A_758, %dma_start3A_764] : memref<3x80xi32, #tpu.memory_space<vmem>> -> memref<1x80xi32, #tpu.memory_space<vmem>>
          %dma_start3A_766 = tpu.memref_squeeze %dma_start3A_765 : memref<1x80xi32, #tpu.memory_space<vmem>> -> memref<80xi32, #tpu.memory_space<vmem>>
          %dma_start3A_767 = arith.constant 0 : i32
          %dma_start3A_768 = arith.constant 0 : i32
          %dma_start3A_769 = tpu.memref_slice %arg2[%dma_start3A_767, %dma_start3A_768] : memref<10000x128xf32, #tpu.memory_space<hbm>> -> memref<10000x128xf32, #tpu.memory_space<hbm>>
          tpu.enqueue_indirect_dma source(%dma_start3A_769 : memref<10000x128xf32, #tpu.memory_space<hbm>>) target(%dma_start3A_763 : memref<80x128xf32, #tpu.memory_space<vmem>>) offsets(%dma_start3A_766 : memref<80xi32, #tpu.memory_space<vmem>>) semaphore(%arg21 : memref<!tpu.dma_semaphore, #tpu.memory_space<semaphore_mem>>)
        } else {
        }
        %get3A_506 = arith.constant 2 : i32
        %get3A_507 = arith.index_cast %get3A_506 : i32 to index
        %get3A_508 = arith.constant 0 : index
        %get3A_509 = tpu.vector_load %arg9[%get3A_507, %get3A_508] {strides = array<i32>} : memref<3x80xi32, #tpu.memory_space<vmem>>, vector<16xi32>,
        %get3A_510 = arith.constant 2 : i32
        %get3A_511 = arith.index_cast %get3A_510 : i32 to index
        %get3A_512 = arith.constant 0 : index
        %get3A_513 = tpu.vector_load %arg10[%get3A_511, %get3A_512] {strides = array<i32>} : memref<3x80xi32, #tpu.memory_space<vmem>>, vector<16xi32>,
        %gather3A_514 = tpu.vector_load_idx %arg8[%get3A_509] : memref<10000xi32, #tpu.memory_space<vmem>>[vector<16xi32>], vector<16xi32>,
        %gather3A_515 = tpu.vector_load_idx %arg8[%get3A_513] : memref<10000xi32, #tpu.memory_space<vmem>>[vector<16xi32>], vector<16xi32>,
        %bitcast3A_516 = vector.bitcast %gather3A_514 : vector<16xi32> to vector<32xbf16>
        %unpack3A_517 = tpu.unpack_subelements %bitcast3A_516, 0 {pack_format = #tpu.pack_format<interleaved>} : vector<32xbf16> -> vector<16xf32>
        %unpack3A_518 = tpu.unpack_subelements %bitcast3A_516, 1 {pack_format = #tpu.pack_format<interleaved>} : vector<32xbf16> -> vector<16xf32>
        %bitcast3A_519 = vector.bitcast %gather3A_515 : vector<16xi32> to vector<32xbf16>
        %unpack3A_520 = tpu.unpack_subelements %bitcast3A_519, 0 {pack_format = #tpu.pack_format<interleaved>} : vector<32xbf16> -> vector<16xf32>
        %unpack3A_521 = tpu.unpack_subelements %bitcast3A_519, 1 {pack_format = #tpu.pack_format<interleaved>} : vector<32xbf16> -> vector<16xf32>
        %add3A_522 = arith.addf %unpack3A_517, %unpack3A_521 : vector<16xf32>
        %mul3A_523 = arith.constant 2.000000e-01 : f32
        %mul3A_524 = vector.broadcast %mul3A_523 : f32 to vector<16xf32>
        %mul3A_525 = arith.mulf %add3A_522, %mul3A_524 : vector<16xf32>
        %max3A_526 = arith.maximumf %add3A_522, %mul3A_525 : vector<16xf32>
        %exp3A_527 = math.exp %max3A_526 : vector<16xf32>
        %max3A_528 = arith.constant 5.000000e-03 : f32
        %max3A_529 = vector.broadcast %max3A_528 : f32 to vector<16xf32>
        %max3A_530 = arith.maximumf %exp3A_527, %max3A_529 : vector<16xf32>
        %min3A_531 = arith.constant 1.000000e+01 : f32
        %min3A_532 = vector.broadcast %min3A_531 : f32 to vector<16xf32>
        %min3A_533 = arith.minimumf %max3A_530, %min3A_532 : vector<16xf32>
        %swap3A_534 = arith.constant 2 : i32
        %swap3A_535 = arith.index_cast %swap3A_534 : i32 to index
        %swap3A_536 = arith.constant 0 : index
        %swap3A_537 = tpu.vector_load %arg13[%swap3A_535, %swap3A_536] {strides = array<i32>} : memref<3x80xf32, #tpu.memory_space<vmem>>, vector<16xf32>,
        tpu.vector_store %arg13[%swap3A_535, %swap3A_536], %min3A_533 {strides = array<i32>} : memref<3x80xf32, #tpu.memory_space<vmem>>, vector<16xf32>,
        %swap3A_538 = arith.constant 2 : i32
        %swap3A_539 = arith.index_cast %swap3A_538 : i32 to index
        %swap3A_540 = arith.constant 0 : index
        %swap3A_541 = tpu.vector_load %arg11[%swap3A_539, %swap3A_540] {strides = array<i32>} : memref<3x80xi32, #tpu.memory_space<vmem>>, vector<16xi32>,
        tpu.vector_store %arg11[%swap3A_539, %swap3A_540], %get3A_513 {strides = array<i32>} : memref<3x80xi32, #tpu.memory_space<vmem>>, vector<16xi32>,
        %get3A_542 = arith.constant 2 : i32
        %get3A_543 = arith.index_cast %get3A_542 : i32 to index
        %get3A_544 = arith.constant 16 : index
        %get3A_545 = tpu.vector_load %arg9[%get3A_543, %get3A_544] {strides = array<i32>} : memref<3x80xi32, #tpu.memory_space<vmem>>, vector<16xi32>,
        %get3A_546 = arith.constant 2 : i32
        %get3A_547 = arith.index_cast %get3A_546 : i32 to index
        %get3A_548 = arith.constant 16 : index
        %get3A_549 = tpu.vector_load %arg10[%get3A_547, %get3A_548] {strides = array<i32>} : memref<3x80xi32, #tpu.memory_space<vmem>>, vector<16xi32>,
        %gather3A_550 = tpu.vector_load_idx %arg8[%get3A_545] : memref<10000xi32, #tpu.memory_space<vmem>>[vector<16xi32>], vector<16xi32>,
        %gather3A_551 = tpu.vector_load_idx %arg8[%get3A_549] : memref<10000xi32, #tpu.memory_space<vmem>>[vector<16xi32>], vector<16xi32>,
        %bitcast3A_552 = vector.bitcast %gather3A_550 : vector<16xi32> to vector<32xbf16>
        %unpack3A_553 = tpu.unpack_subelements %bitcast3A_552, 0 {pack_format = #tpu.pack_format<interleaved>} : vector<32xbf16> -> vector<16xf32>
        %unpack3A_554 = tpu.unpack_subelements %bitcast3A_552, 1 {pack_format = #tpu.pack_format<interleaved>} : vector<32xbf16> -> vector<16xf32>
        %bitcast3A_555 = vector.bitcast %gather3A_551 : vector<16xi32> to vector<32xbf16>
        %unpack3A_556 = tpu.unpack_subelements %bitcast3A_555, 0 {pack_format = #tpu.pack_format<interleaved>} : vector<32xbf16> -> vector<16xf32>
        %unpack3A_557 = tpu.unpack_subelements %bitcast3A_555, 1 {pack_format = #tpu.pack_format<interleaved>} : vector<32xbf16> -> vector<16xf32>
        %add3A_558 = arith.addf %unpack3A_553, %unpack3A_557 : vector<16xf32>
        %mul3A_559 = arith.constant 2.000000e-01 : f32
        %mul3A_560 = vector.broadcast %mul3A_559 : f32 to vector<16xf32>
        %mul3A_561 = arith.mulf %add3A_558, %mul3A_560 : vector<16xf32>
        %max3A_562 = arith.maximumf %add3A_558, %mul3A_561 : vector<16xf32>
        %exp3A_563 = math.exp %max3A_562 : vector<16xf32>
        %max3A_564 = arith.constant 5.000000e-03 : f32
        %max3A_565 = vector.broadcast %max3A_564 : f32 to vector<16xf32>
        %max3A_566 = arith.maximumf %exp3A_563, %max3A_565 : vector<16xf32>
        %min3A_567 = arith.constant 1.000000e+01 : f32
        %min3A_568 = vector.broadcast %min3A_567 : f32 to vector<16xf32>
        %min3A_569 = arith.minimumf %max3A_566, %min3A_568 : vector<16xf32>
        %swap3A_570 = arith.constant 2 : i32
        %swap3A_571 = arith.index_cast %swap3A_570 : i32 to index
        %swap3A_572 = arith.constant 16 : index
        %swap3A_573 = tpu.vector_load %arg13[%swap3A_571, %swap3A_572] {strides = array<i32>} : memref<3x80xf32, #tpu.memory_space<vmem>>, vector<16xf32>,
        tpu.vector_store %arg13[%swap3A_571, %swap3A_572], %min3A_569 {strides = array<i32>} : memref<3x80xf32, #tpu.memory_space<vmem>>, vector<16xf32>,
        %swap3A_574 = arith.constant 2 : i32
        %swap3A_575 = arith.index_cast %swap3A_574 : i32 to index
        %swap3A_576 = arith.constant 16 : index
        %swap3A_577 = tpu.vector_load %arg11[%swap3A_575, %swap3A_576] {strides = array<i32>} : memref<3x80xi32, #tpu.memory_space<vmem>>, vector<16xi32>,
        tpu.vector_store %arg11[%swap3A_575, %swap3A_576], %get3A_549 {strides = array<i32>} : memref<3x80xi32, #tpu.memory_space<vmem>>, vector<16xi32>,
        %get3A_578 = arith.constant 2 : i32
        %get3A_579 = arith.index_cast %get3A_578 : i32 to index
        %get3A_580 = arith.constant 32 : index
        %get3A_581 = tpu.vector_load %arg9[%get3A_579, %get3A_580] {strides = array<i32>} : memref<3x80xi32, #tpu.memory_space<vmem>>, vector<16xi32>,
        %get3A_582 = arith.constant 2 : i32
        %get3A_583 = arith.index_cast %get3A_582 : i32 to index
        %get3A_584 = arith.constant 32 : index
        %get3A_585 = tpu.vector_load %arg10[%get3A_583, %get3A_584] {strides = array<i32>} : memref<3x80xi32, #tpu.memory_space<vmem>>, vector<16xi32>,
        %gather3A_586 = tpu.vector_load_idx %arg8[%get3A_581] : memref<10000xi32, #tpu.memory_space<vmem>>[vector<16xi32>], vector<16xi32>,
        %gather3A_587 = tpu.vector_load_idx %arg8[%get3A_585] : memref<10000xi32, #tpu.memory_space<vmem>>[vector<16xi32>], vector<16xi32>,
        %bitcast3A_588 = vector.bitcast %gather3A_586 : vector<16xi32> to vector<32xbf16>
        %unpack3A_589 = tpu.unpack_subelements %bitcast3A_588, 0 {pack_format = #tpu.pack_format<interleaved>} : vector<32xbf16> -> vector<16xf32>
        %unpack3A_590 = tpu.unpack_subelements %bitcast3A_588, 1 {pack_format = #tpu.pack_format<interleaved>} : vector<32xbf16> -> vector<16xf32>
        %bitcast3A_591 = vector.bitcast %gather3A_587 : vector<16xi32> to vector<32xbf16>
        %unpack3A_592 = tpu.unpack_subelements %bitcast3A_591, 0 {pack_format = #tpu.pack_format<interleaved>} : vector<32xbf16> -> vector<16xf32>
        %unpack3A_593 = tpu.unpack_subelements %bitcast3A_591, 1 {pack_format = #tpu.pack_format<interleaved>} : vector<32xbf16> -> vector<16xf32>
        %add3A_594 = arith.addf %unpack3A_589, %unpack3A_593 : vector<16xf32>
        %mul3A_595 = arith.constant 2.000000e-01 : f32
        %mul3A_596 = vector.broadcast %mul3A_595 : f32 to vector<16xf32>
        %mul3A_597 = arith.mulf %add3A_594, %mul3A_596 : vector<16xf32>
        %max3A_598 = arith.maximumf %add3A_594, %mul3A_597 : vector<16xf32>
        %exp3A_599 = math.exp %max3A_598 : vector<16xf32>
        %max3A_600 = arith.constant 5.000000e-03 : f32
        %max3A_601 = vector.broadcast %max3A_600 : f32 to vector<16xf32>
        %max3A_602 = arith.maximumf %exp3A_599, %max3A_601 : vector<16xf32>
        %min3A_603 = arith.constant 1.000000e+01 : f32
        %min3A_604 = vector.broadcast %min3A_603 : f32 to vector<16xf32>
        %min3A_605 = arith.minimumf %max3A_602, %min3A_604 : vector<16xf32>
        %swap3A_606 = arith.constant 2 : i32
        %swap3A_607 = arith.index_cast %swap3A_606 : i32 to index
        %swap3A_608 = arith.constant 32 : index
        %swap3A_609 = tpu.vector_load %arg13[%swap3A_607, %swap3A_608] {strides = array<i32>} : memref<3x80xf32, #tpu.memory_space<vmem>>, vector<16xf32>,
        tpu.vector_store %arg13[%swap3A_607, %swap3A_608], %min3A_605 {strides = array<i32>} : memref<3x80xf32, #tpu.memory_space<vmem>>, vector<16xf32>,
        %swap3A_610 = arith.constant 2 : i32
        %swap3A_611 = arith.index_cast %swap3A_610 : i32 to index
        %swap3A_612 = arith.constant 32 : index
        %swap3A_613 = tpu.vector_load %arg11[%swap3A_611, %swap3A_612] {strides = array<i32>} : memref<3x80xi32, #tpu.memory_space<vmem>>, vector<16xi32>,
        tpu.vector_store %arg11[%swap3A_611, %swap3A_612], %get3A_585 {strides = array<i32>} : memref<3x80xi32, #tpu.memory_space<vmem>>, vector<16xi32>,
        %get3A_614 = arith.constant 2 : i32
        %get3A_615 = arith.index_cast %get3A_614 : i32 to index
        %get3A_616 = arith.constant 48 : index
        %get3A_617 = tpu.vector_load %arg9[%get3A_615, %get3A_616] {strides = array<i32>} : memref<3x80xi32, #tpu.memory_space<vmem>>, vector<16xi32>,
        %get3A_618 = arith.constant 2 : i32
        %get3A_619 = arith.index_cast %get3A_618 : i32 to index
        %get3A_620 = arith.constant 48 : index
        %get3A_621 = tpu.vector_load %arg10[%get3A_619, %get3A_620] {strides = array<i32>} : memref<3x80xi32, #tpu.memory_space<vmem>>, vector<16xi32>,
        %gather3A_622 = tpu.vector_load_idx %arg8[%get3A_617] : memref<10000xi32, #tpu.memory_space<vmem>>[vector<16xi32>], vector<16xi32>,
        %gather3A_623 = tpu.vector_load_idx %arg8[%get3A_621] : memref<10000xi32, #tpu.memory_space<vmem>>[vector<16xi32>], vector<16xi32>,
        %bitcast3A_624 = vector.bitcast %gather3A_622 : vector<16xi32> to vector<32xbf16>
        %unpack3A_625 = tpu.unpack_subelements %bitcast3A_624, 0 {pack_format = #tpu.pack_format<interleaved>} : vector<32xbf16> -> vector<16xf32>
        %unpack3A_626 = tpu.unpack_subelements %bitcast3A_624, 1 {pack_format = #tpu.pack_format<interleaved>} : vector<32xbf16> -> vector<16xf32>
        %bitcast3A_627 = vector.bitcast %gather3A_623 : vector<16xi32> to vector<32xbf16>
        %unpack3A_628 = tpu.unpack_subelements %bitcast3A_627, 0 {pack_format = #tpu.pack_format<interleaved>} : vector<32xbf16> -> vector<16xf32>
        %unpack3A_629 = tpu.unpack_subelements %bitcast3A_627, 1 {pack_format = #tpu.pack_format<interleaved>} : vector<32xbf16> -> vector<16xf32>
        %add3A_630 = arith.addf %unpack3A_625, %unpack3A_629 : vector<16xf32>
        %mul3A_631 = arith.constant 2.000000e-01 : f32
        %mul3A_632 = vector.broadcast %mul3A_631 : f32 to vector<16xf32>
        %mul3A_633 = arith.mulf %add3A_630, %mul3A_632 : vector<16xf32>
        %max3A_634 = arith.maximumf %add3A_630, %mul3A_633 : vector<16xf32>
        %exp3A_635 = math.exp %max3A_634 : vector<16xf32>
        %max3A_636 = arith.constant 5.000000e-03 : f32
        %max3A_637 = vector.broadcast %max3A_636 : f32 to vector<16xf32>
        %max3A_638 = arith.maximumf %exp3A_635, %max3A_637 : vector<16xf32>
        %min3A_639 = arith.constant 1.000000e+01 : f32
        %min3A_640 = vector.broadcast %min3A_639 : f32 to vector<16xf32>
        %min3A_641 = arith.minimumf %max3A_638, %min3A_640 : vector<16xf32>
        %swap3A_642 = arith.constant 2 : i32
        %swap3A_643 = arith.index_cast %swap3A_642 : i32 to index
        %swap3A_644 = arith.constant 48 : index
        %swap3A_645 = tpu.vector_load %arg13[%swap3A_643, %swap3A_644] {strides = array<i32>} : memref<3x80xf32, #tpu.memory_space<vmem>>, vector<16xf32>,
        tpu.vector_store %arg13[%swap3A_643, %swap3A_644], %min3A_641 {strides = array<i32>} : memref<3x80xf32, #tpu.memory_space<vmem>>, vector<16xf32>,
        %swap3A_646 = arith.constant 2 : i32
        %swap3A_647 = arith.index_cast %swap3A_646 : i32 to index
        %swap3A_648 = arith.constant 48 : index
        %swap3A_649 = tpu.vector_load %arg11[%swap3A_647, %swap3A_648] {strides = array<i32>} : memref<3x80xi32, #tpu.memory_space<vmem>>, vector<16xi32>,
        tpu.vector_store %arg11[%swap3A_647, %swap3A_648], %get3A_621 {strides = array<i32>} : memref<3x80xi32, #tpu.memory_space<vmem>>, vector<16xi32>,
        %get3A_650 = arith.constant 2 : i32
        %get3A_651 = arith.index_cast %get3A_650 : i32 to index
        %get3A_652 = arith.constant 64 : index
        %get3A_653 = tpu.vector_load %arg9[%get3A_651, %get3A_652] {strides = array<i32>} : memref<3x80xi32, #tpu.memory_space<vmem>>, vector<16xi32>,
        %get3A_654 = arith.constant 2 : i32
        %get3A_655 = arith.index_cast %get3A_654 : i32 to index
        %get3A_656 = arith.constant 64 : index
        %get3A_657 = tpu.vector_load %arg10[%get3A_655, %get3A_656] {strides = array<i32>} : memref<3x80xi32, #tpu.memory_space<vmem>>, vector<16xi32>,
        %gather3A_658 = tpu.vector_load_idx %arg8[%get3A_653] : memref<10000xi32, #tpu.memory_space<vmem>>[vector<16xi32>], vector<16xi32>,
        %gather3A_659 = tpu.vector_load_idx %arg8[%get3A_657] : memref<10000xi32, #tpu.memory_space<vmem>>[vector<16xi32>], vector<16xi32>,
        %bitcast3A_660 = vector.bitcast %gather3A_658 : vector<16xi32> to vector<32xbf16>
        %unpack3A_661 = tpu.unpack_subelements %bitcast3A_660, 0 {pack_format = #tpu.pack_format<interleaved>} : vector<32xbf16> -> vector<16xf32>
        %unpack3A_662 = tpu.unpack_subelements %bitcast3A_660, 1 {pack_format = #tpu.pack_format<interleaved>} : vector<32xbf16> -> vector<16xf32>
        %bitcast3A_663 = vector.bitcast %gather3A_659 : vector<16xi32> to vector<32xbf16>
        %unpack3A_664 = tpu.unpack_subelements %bitcast3A_663, 0 {pack_format = #tpu.pack_format<interleaved>} : vector<32xbf16> -> vector<16xf32>
        %unpack3A_665 = tpu.unpack_subelements %bitcast3A_663, 1 {pack_format = #tpu.pack_format<interleaved>} : vector<32xbf16> -> vector<16xf32>
        %add3A_666 = arith.addf %unpack3A_661, %unpack3A_665 : vector<16xf32>
        %mul3A_667 = arith.constant 2.000000e-01 : f32
        %mul3A_668 = vector.broadcast %mul3A_667 : f32 to vector<16xf32>
        %mul3A_669 = arith.mulf %add3A_666, %mul3A_668 : vector<16xf32>
        %max3A_670 = arith.maximumf %add3A_666, %mul3A_669 : vector<16xf32>
        %exp3A_671 = math.exp %max3A_670 : vector<16xf32>
        %max3A_672 = arith.constant 5.000000e-03 : f32
        %max3A_673 = vector.broadcast %max3A_672 : f32 to vector<16xf32>
        %max3A_674 = arith.maximumf %exp3A_671, %max3A_673 : vector<16xf32>
        %min3A_675 = arith.constant 1.000000e+01 : f32
        %min3A_676 = vector.broadcast %min3A_675 : f32 to vector<16xf32>
        %min3A_677 = arith.minimumf %max3A_674, %min3A_676 : vector<16xf32>
        %swap3A_678 = arith.constant 2 : i32
        %swap3A_679 = arith.index_cast %swap3A_678 : i32 to index
        %swap3A_680 = arith.constant 64 : index
        %swap3A_681 = tpu.vector_load %arg13[%swap3A_679, %swap3A_680] {strides = array<i32>} : memref<3x80xf32, #tpu.memory_space<vmem>>, vector<16xf32>,
        tpu.vector_store %arg13[%swap3A_679, %swap3A_680], %min3A_677 {strides = array<i32>} : memref<3x80xf32, #tpu.memory_space<vmem>>, vector<16xf32>,
        %swap3A_682 = arith.constant 2 : i32
        %swap3A_683 = arith.index_cast %swap3A_682 : i32 to index
        %swap3A_684 = arith.constant 64 : index
        %swap3A_685 = tpu.vector_load %arg11[%swap3A_683, %swap3A_684] {strides = array<i32>} : memref<3x80xi32, #tpu.memory_space<vmem>>, vector<16xi32>,
        tpu.vector_store %arg11[%swap3A_683, %swap3A_684], %get3A_657 {strides = array<i32>} : memref<3x80xi32, #tpu.memory_space<vmem>>, vector<16xi32>,
        %dma_start3A_686 = arith.constant 2 : i32
        %dma_start3A_687 = arith.constant 2 : i32
        %dma_start3A_688 = arith.constant 0 : i32
        %dma_start3A_689 = tpu.memref_slice %arg13[%dma_start3A_686, %dma_start3A_688] : memref<3x80xf32, #tpu.memory_space<vmem>> -> memref<1x80xf32, #tpu.memory_space<vmem>>
        %dma_start3A_690 = tpu.memref_squeeze %dma_start3A_689 : memref<1x80xf32, #tpu.memory_space<vmem>> -> memref<80xf32, #tpu.memory_space<vmem>>
        %dma_start3A_691 = arith.constant 0 : i32
        %dma_start3A_692 = tpu.memref_slice %arg11[%dma_start3A_687, %dma_start3A_691] : memref<3x80xi32, #tpu.memory_space<vmem>> -> memref<1x80xi32, #tpu.memory_space<vmem>>
        %dma_start3A_693 = tpu.memref_squeeze %dma_start3A_692 : memref<1x80xi32, #tpu.memory_space<vmem>> -> memref<80xi32, #tpu.memory_space<vmem>>
        %dma_start3A_694 = arith.constant 0 : i32
        %dma_start3A_695 = tpu.memref_slice %arg17[%dma_start3A_694] : memref<10000xf32, #tpu.memory_space<vmem_shared>> -> memref<10000xf32, #tpu.memory_space<vmem_shared>>
        tpu.enqueue_indirect_dma source(%dma_start3A_690 : memref<80xf32, #tpu.memory_space<vmem>>) target(%dma_start3A_695 : memref<10000xf32, #tpu.memory_space<vmem_shared>>) offsets(%dma_start3A_693 : memref<80xi32, #tpu.memory_space<vmem>>) semaphore(%arg29 : memref<!tpu.dma_semaphore, #tpu.memory_space<semaphore_mem>>) {add = true}
        %dma_wait3A_696 = arith.constant 2 : i32
        %dma_wait3A_697 = arith.constant 2 : i32
        %dma_wait3A_698 = arith.constant 0 : i32
        %dma_wait3A_699 = arith.constant 0 : i32
        %dma_wait3A_700 = tpu.memref_slice %arg12[%dma_wait3A_697, %dma_wait3A_698, %dma_wait3A_699] : memref<3x80x128xf32, #tpu.memory_space<vmem>> -> memref<1x80x128xf32, #tpu.memory_space<vmem>>
        %dma_wait3A_701 = tpu.memref_squeeze %dma_wait3A_700 : memref<1x80x128xf32, #tpu.memory_space<vmem>> -> memref<80x128xf32, #tpu.memory_space<vmem>>
        %dma_wait3A_702 = arith.constant 0 : i32
        %dma_wait3A_703 = tpu.memref_slice %arg9[%dma_wait3A_696, %dma_wait3A_702] : memref<3x80xi32, #tpu.memory_space<vmem>> -> memref<1x80xi32, #tpu.memory_space<vmem>>
        %dma_wait3A_704 = tpu.memref_squeeze %dma_wait3A_703 : memref<1x80xi32, #tpu.memory_space<vmem>> -> memref<80xi32, #tpu.memory_space<vmem>>
        %dma_wait3A_705 = arith.constant 0 : i32
        %dma_wait3A_706 = arith.constant 0 : i32
        %dma_wait3A_707 = tpu.memref_slice %arg2[%dma_wait3A_705, %dma_wait3A_706] : memref<10000x128xf32, #tpu.memory_space<hbm>> -> memref<10000x128xf32, #tpu.memory_space<hbm>>
        tpu.wait_indirect_dma semaphore(%arg23 : memref<!tpu.dma_semaphore, #tpu.memory_space<semaphore_mem>>) src(%dma_wait3A_707 : memref<10000x128xf32, #tpu.memory_space<hbm>>) dst(%dma_wait3A_701 : memref<80x128xf32, #tpu.memory_space<vmem>>)
        %scan3A_708 = arith.constant 0 : i32
        %scan3A_709 = arith.constant 80 : i32
        %scan3A_710 = arith.addi %scan3A_708, %scan3A_709 : i32
        %scan3A_711 = arith.constant 1 : i32
        scf.for %scan3A_731 = %scan3A_708 to %scan3A_710 step %scan3A_711  : i32 {
          %broadcast_in_dim3A = vector.broadcast %scan3A_731 : i32 to vector<16xi32>
          %gather3A_732 = arith.constant 2 : i32
          %gather3A_733 = arith.constant 0 : i32
          %gather3A_734 = tpu.memref_slice %arg13[%gather3A_732, %gather3A_733] : memref<3x80xf32, #tpu.memory_space<vmem>> -> memref<1x80xf32, #tpu.memory_space<vmem>>
          %gather3A_735 = tpu.memref_squeeze %gather3A_734 : memref<1x80xf32, #tpu.memory_space<vmem>> -> memref<80xf32, #tpu.memory_space<vmem>>
          %gather3A_736 = tpu.vector_load_idx %gather3A_735[%broadcast_in_dim3A] : memref<80xf32, #tpu.memory_space<vmem>>[vector<16xi32>], vector<16xf32>,
          %get3A_737 = arith.constant 2 : i32
          %get3A_738 = arith.index_cast %get3A_737 : i32 to index
          %get3A_739 = arith.index_cast %scan3A_731 : i32 to index
          %get3A_740 = arith.constant 0 : index
          %get3A_741 = tpu.vector_load %arg12[%get3A_738, %get3A_739, %get3A_740] {strides = array<i32>} : memref<3x80x128xf32, #tpu.memory_space<vmem>>, vector<16xf32>,
          %mul3A_742 = arith.mulf %get3A_741, %gather3A_736 : vector<16xf32>
          %swap3A_743 = arith.constant 2 : i32
          %swap3A_744 = arith.index_cast %swap3A_743 : i32 to index
          %swap3A_745 = arith.index_cast %scan3A_731 : i32 to index
          %swap3A_746 = arith.constant 0 : index
          %swap3A_747 = tpu.vector_load %arg12[%swap3A_744, %swap3A_745, %swap3A_746] {strides = array<i32>} : memref<3x80x128xf32, #tpu.memory_space<vmem>>, vector<16xf32>,
          tpu.vector_store %arg12[%swap3A_744, %swap3A_745, %swap3A_746], %mul3A_742 {strides = array<i32>} : memref<3x80x128xf32, #tpu.memory_space<vmem>>, vector<16xf32>,
          %get3A_748 = arith.constant 2 : i32
          %get3A_749 = arith.index_cast %get3A_748 : i32 to index
          %get3A_750 = arith.index_cast %scan3A_731 : i32 to index
          %get3A_751 = arith.constant 16 : index
          %get3A_752 = tpu.vector_load %arg12[%get3A_749, %get3A_750, %get3A_751] {strides = array<i32>} : memref<3x80x128xf32, #tpu.memory_space<vmem>>, vector<16xf32>,
          %mul3A_753 = arith.mulf %get3A_752, %gather3A_736 : vector<16xf32>
          %swap3A_754 = arith.constant 2 : i32
          %swap3A_755 = arith.index_cast %swap3A_754 : i32 to index
          %swap3A_756 = arith.index_cast %scan3A_731 : i32 to index
          %swap3A_757 = arith.constant 16 : index
          %swap3A_758 = tpu.vector_load %arg12[%swap3A_755, %swap3A_756, %swap3A_757] {strides = array<i32>} : memref<3x80x128xf32, #tpu.memory_space<vmem>>, vector<16xf32>,
          tpu.vector_store %arg12[%swap3A_755, %swap3A_756, %swap3A_757], %mul3A_753 {strides = array<i32>} : memref<3x80x128xf32, #tpu.memory_space<vmem>>, vector<16xf32>,
          %get3A_759 = arith.constant 2 : i32
          %get3A_760 = arith.index_cast %get3A_759 : i32 to index
          %get3A_761 = arith.index_cast %scan3A_731 : i32 to index
          %get3A_762 = arith.constant 32 : index
          %get3A_763 = tpu.vector_load %arg12[%get3A_760, %get3A_761, %get3A_762] {strides = array<i32>} : memref<3x80x128xf32, #tpu.memory_space<vmem>>, vector<16xf32>,
          %mul3A_764 = arith.mulf %get3A_763, %gather3A_736 : vector<16xf32>
          %swap3A_765 = arith.constant 2 : i32
          %swap3A_766 = arith.index_cast %swap3A_765 : i32 to index
          %swap3A_767 = arith.index_cast %scan3A_731 : i32 to index
          %swap3A_768 = arith.constant 32 : index
          %swap3A_769 = tpu.vector_load %arg12[%swap3A_766, %swap3A_767, %swap3A_768] {strides = array<i32>} : memref<3x80x128xf32, #tpu.memory_space<vmem>>, vector<16xf32>,
          tpu.vector_store %arg12[%swap3A_766, %swap3A_767, %swap3A_768], %mul3A_764 {strides = array<i32>} : memref<3x80x128xf32, #tpu.memory_space<vmem>>, vector<16xf32>,
          %get3A_770 = arith.constant 2 : i32
          %get3A_771 = arith.index_cast %get3A_770 : i32 to index
          %get3A_772 = arith.index_cast %scan3A_731 : i32 to index
          %get3A_773 = arith.constant 48 : index
          %get3A_774 = tpu.vector_load %arg12[%get3A_771, %get3A_772, %get3A_773] {strides = array<i32>} : memref<3x80x128xf32, #tpu.memory_space<vmem>>, vector<16xf32>,
          %mul3A_775 = arith.mulf %get3A_774, %gather3A_736 : vector<16xf32>
          %swap3A_776 = arith.constant 2 : i32
          %swap3A_777 = arith.index_cast %swap3A_776 : i32 to index
          %swap3A_778 = arith.index_cast %scan3A_731 : i32 to index
          %swap3A_779 = arith.constant 48 : index
          %swap3A_780 = tpu.vector_load %arg12[%swap3A_777, %swap3A_778, %swap3A_779] {strides = array<i32>} : memref<3x80x128xf32, #tpu.memory_space<vmem>>, vector<16xf32>,
          tpu.vector_store %arg12[%swap3A_777, %swap3A_778, %swap3A_779], %mul3A_775 {strides = array<i32>} : memref<3x80x128xf32, #tpu.memory_space<vmem>>, vector<16xf32>,
          %get3A_781 = arith.constant 2 : i32
          %get3A_782 = arith.index_cast %get3A_781 : i32 to index
          %get3A_783 = arith.index_cast %scan3A_731 : i32 to index
          %get3A_784 = arith.constant 64 : index
          %get3A_785 = tpu.vector_load %arg12[%get3A_782, %get3A_783, %get3A_784] {strides = array<i32>} : memref<3x80x128xf32, #tpu.memory_space<vmem>>, vector<16xf32>,
          %mul3A_786 = arith.mulf %get3A_785, %gather3A_736 : vector<16xf32>
          %swap3A_787 = arith.constant 2 : i32
          %swap3A_788 = arith.index_cast %swap3A_787 : i32 to index
          %swap3A_789 = arith.index_cast %scan3A_731 : i32 to index
          %swap3A_790 = arith.constant 64 : index
          %swap3A_791 = tpu.vector_load %arg12[%swap3A_788, %swap3A_789, %swap3A_790] {strides = array<i32>} : memref<3x80x128xf32, #tpu.memory_space<vmem>>, vector<16xf32>,
          tpu.vector_store %arg12[%swap3A_788, %swap3A_789, %swap3A_790], %mul3A_786 {strides = array<i32>} : memref<3x80x128xf32, #tpu.memory_space<vmem>>, vector<16xf32>,
          %get3A_792 = arith.constant 2 : i32
          %get3A_793 = arith.index_cast %get3A_792 : i32 to index
          %get3A_794 = arith.index_cast %scan3A_731 : i32 to index
          %get3A_795 = arith.constant 80 : index
          %get3A_796 = tpu.vector_load %arg12[%get3A_793, %get3A_794, %get3A_795] {strides = array<i32>} : memref<3x80x128xf32, #tpu.memory_space<vmem>>, vector<16xf32>,
          %mul3A_797 = arith.mulf %get3A_796, %gather3A_736 : vector<16xf32>
          %swap3A_798 = arith.constant 2 : i32
          %swap3A_799 = arith.index_cast %swap3A_798 : i32 to index
          %swap3A_800 = arith.index_cast %scan3A_731 : i32 to index
          %swap3A_801 = arith.constant 80 : index
          %swap3A_802 = tpu.vector_load %arg12[%swap3A_799, %swap3A_800, %swap3A_801] {strides = array<i32>} : memref<3x80x128xf32, #tpu.memory_space<vmem>>, vector<16xf32>,
          tpu.vector_store %arg12[%swap3A_799, %swap3A_800, %swap3A_801], %mul3A_797 {strides = array<i32>} : memref<3x80x128xf32, #tpu.memory_space<vmem>>, vector<16xf32>,
          %get3A_803 = arith.constant 2 : i32
          %get3A_804 = arith.index_cast %get3A_803 : i32 to index
          %get3A_805 = arith.index_cast %scan3A_731 : i32 to index
          %get3A_806 = arith.constant 96 : index
          %get3A_807 = tpu.vector_load %arg12[%get3A_804, %get3A_805, %get3A_806] {strides = array<i32>} : memref<3x80x128xf32, #tpu.memory_space<vmem>>, vector<16xf32>,
          %mul3A_808 = arith.mulf %get3A_807, %gather3A_736 : vector<16xf32>
          %swap3A_809 = arith.constant 2 : i32
          %swap3A_810 = arith.index_cast %swap3A_809 : i32 to index
          %swap3A_811 = arith.index_cast %scan3A_731 : i32 to index
          %swap3A_812 = arith.constant 96 : index
          %swap3A_813 = tpu.vector_load %arg12[%swap3A_810, %swap3A_811, %swap3A_812] {strides = array<i32>} : memref<3x80x128xf32, #tpu.memory_space<vmem>>, vector<16xf32>,
          tpu.vector_store %arg12[%swap3A_810, %swap3A_811, %swap3A_812], %mul3A_808 {strides = array<i32>} : memref<3x80x128xf32, #tpu.memory_space<vmem>>, vector<16xf32>,
          %get3A_814 = arith.constant 2 : i32
          %get3A_815 = arith.index_cast %get3A_814 : i32 to index
          %get3A_816 = arith.index_cast %scan3A_731 : i32 to index
          %get3A_817 = arith.constant 112 : index
          %get3A_818 = tpu.vector_load %arg12[%get3A_815, %get3A_816, %get3A_817] {strides = array<i32>} : memref<3x80x128xf32, #tpu.memory_space<vmem>>, vector<16xf32>,
          %mul3A_819 = arith.mulf %get3A_818, %gather3A_736 : vector<16xf32>
          %swap3A_820 = arith.constant 2 : i32
          %swap3A_821 = arith.index_cast %swap3A_820 : i32 to index
          %swap3A_822 = arith.index_cast %scan3A_731 : i32 to index
          %swap3A_823 = arith.constant 112 : index
          %swap3A_824 = tpu.vector_load %arg12[%swap3A_821, %swap3A_822, %swap3A_823] {strides = array<i32>} : memref<3x80x128xf32, #tpu.memory_space<vmem>>, vector<16xf32>,
          tpu.vector_store %arg12[%swap3A_821, %swap3A_822, %swap3A_823], %mul3A_819 {strides = array<i32>} : memref<3x80x128xf32, #tpu.memory_space<vmem>>, vector<16xf32>,
        }
        %scan3A_712 = arith.constant 80 : i32
        %dma_start3A_713 = arith.constant 2 : i32
        %dma_start3A_714 = arith.constant 2 : i32
        %dma_start3A_715 = arith.constant 0 : i32
        %dma_start3A_716 = arith.constant 0 : i32
        %dma_start3A_717 = tpu.memref_slice %arg12[%dma_start3A_713, %dma_start3A_715, %dma_start3A_716] : memref<3x80x128xf32, #tpu.memory_space<vmem>> -> memref<1x80x128xf32, #tpu.memory_space<vmem>>
        %dma_start3A_718 = tpu.memref_squeeze %dma_start3A_717 : memref<1x80x128xf32, #tpu.memory_space<vmem>> -> memref<80x128xf32, #tpu.memory_space<vmem>>
        %dma_start3A_719 = arith.constant 0 : i32
        %dma_start3A_720 = tpu.memref_slice %arg11[%dma_start3A_714, %dma_start3A_719] : memref<3x80xi32, #tpu.memory_space<vmem>> -> memref<1x80xi32, #tpu.memory_space<vmem>>
        %dma_start3A_721 = tpu.memref_squeeze %dma_start3A_720 : memref<1x80xi32, #tpu.memory_space<vmem>> -> memref<80xi32, #tpu.memory_space<vmem>>
        %dma_start3A_722 = arith.constant 0 : i32
        %dma_start3A_723 = arith.constant 0 : i32
        %dma_start3A_724 = tpu.memref_slice %arg16[%dma_start3A_722, %dma_start3A_723] : memref<10000x128xf32, #tpu.memory_space<vmem_shared>> -> memref<10000x128xf32, #tpu.memory_space<vmem_shared>>
        tpu.enqueue_indirect_dma source(%dma_start3A_718 : memref<80x128xf32, #tpu.memory_space<vmem>>) target(%dma_start3A_724 : memref<10000x128xf32, #tpu.memory_space<vmem_shared>>) offsets(%dma_start3A_721 : memref<80xi32, #tpu.memory_space<vmem>>) semaphore(%arg26 : memref<!tpu.dma_semaphore, #tpu.memory_space<semaphore_mem>>) {add = true}
        %add3A_725 = arith.constant 3 : i32
        %add3A_726 = arith.addi %add3A_494, %add3A_725 : i32
        %lt3A_727 = arith.cmpi slt, %add3A_726, %select_n3A_47 : i32
        %convert_element_type3A_728 = arith.extui %lt3A_727 : i1 to i32
        %cond3A_729 = arith.constant 0 : i32
        %cond3A_730 = arith.cmpi ne, %convert_element_type3A_728, %cond3A_729 : i32
        scf.if %cond3A_730 {
          %add3A_731 = arith.constant 3 : i32
          %add3A_732 = arith.addi %add3A_494, %add3A_731 : i32
          %mul3A_733 = arith.constant 32 : i32
          %mul3A_734 = arith.muli %mul3A_733, %add3A_732 : i32
          %add3A_735 = arith.addi %add3A, %mul3A_734 : i32
          %mul3A_736 = arith.constant 80 : i32
          %mul3A_737 = arith.muli %add3A_735, %mul3A_736 : i32
          %dma_start3A_738 = arith.constant 2 : i32
          %dma_start3A_739 = arith.constant 0 : i32
          %dma_start3A_740 = tpu.memref_slice %arg9[%dma_start3A_738, %dma_start3A_739] : memref<3x80xi32, #tpu.memory_space<vmem>> -> memref<1x80xi32, #tpu.memory_space<vmem>>
          %dma_start3A_741 = tpu.memref_squeeze %dma_start3A_740 : memref<1x80xi32, #tpu.memory_space<vmem>> -> memref<80xi32, #tpu.memory_space<vmem>>
          %dma_start3A_742 = tpu.memref_slice %arg4[%mul3A_737] : memref<320000xi32, #tpu.memory_space<hbm>> -> memref<80xi32, #tpu.memory_space<hbm>>
          %dma_start3A_743 = arith.constant 0 : i32
          %dma_start3A_744 = tpu.memref_slice %arg9[%dma_start3A_738, %dma_start3A_743] : memref<3x80xi32, #tpu.memory_space<vmem>> -> memref<1x80xi32, #tpu.memory_space<vmem>>
          %dma_start3A_745 = tpu.memref_squeeze %dma_start3A_744 : memref<1x80xi32, #tpu.memory_space<vmem>> -> memref<80xi32, #tpu.memory_space<vmem>>
          %dma_start3A_746 = tpu.memref_slice %arg4[%mul3A_737] : memref<320000xi32, #tpu.memory_space<hbm>> -> memref<80xi32, #tpu.memory_space<hbm>>
          tpu.enqueue_dma source(%dma_start3A_746 : memref<80xi32, #tpu.memory_space<hbm>>) target(%dma_start3A_745 : memref<80xi32, #tpu.memory_space<vmem>>) target_semaphore(%arg20 : memref<!tpu.dma_semaphore, #tpu.memory_space<semaphore_mem>>)
          %dma_start3A_747 = arith.constant 2 : i32
          %dma_start3A_748 = arith.constant 0 : i32
          %dma_start3A_749 = tpu.memref_slice %arg10[%dma_start3A_747, %dma_start3A_748] : memref<3x80xi32, #tpu.memory_space<vmem>> -> memref<1x80xi32, #tpu.memory_space<vmem>>
          %dma_start3A_750 = tpu.memref_squeeze %dma_start3A_749 : memref<1x80xi32, #tpu.memory_space<vmem>> -> memref<80xi32, #tpu.memory_space<vmem>>
          %dma_start3A_751 = tpu.memref_slice %arg5[%mul3A_737] : memref<320000xi32, #tpu.memory_space<hbm>> -> memref<80xi32, #tpu.memory_space<hbm>>
          %dma_start3A_752 = arith.constant 0 : i32
          %dma_start3A_753 = tpu.memref_slice %arg10[%dma_start3A_747, %dma_start3A_752] : memref<3x80xi32, #tpu.memory_space<vmem>> -> memref<1x80xi32, #tpu.memory_space<vmem>>
          %dma_start3A_754 = tpu.memref_squeeze %dma_start3A_753 : memref<1x80xi32, #tpu.memory_space<vmem>> -> memref<80xi32, #tpu.memory_space<vmem>>
          %dma_start3A_755 = tpu.memref_slice %arg5[%mul3A_737] : memref<320000xi32, #tpu.memory_space<hbm>> -> memref<80xi32, #tpu.memory_space<hbm>>
          tpu.enqueue_dma source(%dma_start3A_755 : memref<80xi32, #tpu.memory_space<hbm>>) target(%dma_start3A_754 : memref<80xi32, #tpu.memory_space<vmem>>) target_semaphore(%arg20 : memref<!tpu.dma_semaphore, #tpu.memory_space<semaphore_mem>>)
        } else {
        }
      } else {
      }
    }
    %while3A_180 = arith.constant 1 : i32
    scf.for %while3A_251 = %while3A_178 to %while3A_174 step %while3A_180  : i32 {
      %mul3A_252 = arith.constant 3 : i32
      %mul3A_253 = arith.muli %mul3A_252, %while3A_251 : i32
      %ge3A = arith.constant 3 : i32
      %ge3A_254 = arith.cmpi sge, %mul3A_253, %ge3A : i32
      %convert_element_type3A_255 = arith.extui %ge3A_254 : i1 to i32
      %cond3A_256 = arith.constant 0 : i32
      %cond3A_257 = arith.cmpi ne, %convert_element_type3A_255, %cond3A_256 : i32
      scf.if %cond3A_257 {
        %dma_wait3A_493 = arith.constant 0 : i32
        %dma_wait3A_494 = arith.constant 0 : i32
        %dma_wait3A_495 = arith.constant 0 : i32
        %dma_wait3A_496 = tpu.memref_slice %arg13[%dma_wait3A_493, %dma_wait3A_495] : memref<3x80xf32, #tpu.memory_space<vmem>> -> memref<1x80xf32, #tpu.memory_space<vmem>>
        %dma_wait3A_497 = tpu.memref_squeeze %dma_wait3A_496 : memref<1x80xf32, #tpu.memory_space<vmem>> -> memref<80xf32, #tpu.memory_space<vmem>>
        %dma_wait3A_498 = arith.constant 0 : i32
        %dma_wait3A_499 = tpu.memref_slice %arg11[%dma_wait3A_494, %dma_wait3A_498] : memref<3x80xi32, #tpu.memory_space<vmem>> -> memref<1x80xi32, #tpu.memory_space<vmem>>
        %dma_wait3A_500 = tpu.memref_squeeze %dma_wait3A_499 : memref<1x80xi32, #tpu.memory_space<vmem>> -> memref<80xi32, #tpu.memory_space<vmem>>
        %dma_wait3A_501 = arith.constant 0 : i32
        %dma_wait3A_502 = tpu.memref_slice %arg17[%dma_wait3A_501] : memref<10000xf32, #tpu.memory_space<vmem_shared>> -> memref<10000xf32, #tpu.memory_space<vmem_shared>>
        tpu.wait_indirect_dma semaphore(%arg27 : memref<!tpu.dma_semaphore, #tpu.memory_space<semaphore_mem>>) src(%dma_wait3A_497 : memref<80xf32, #tpu.memory_space<vmem>>) dst(%dma_wait3A_502 : memref<10000xf32, #tpu.memory_space<vmem_shared>>)
      } else {
      }
      %add3A_258 = arith.constant 1 : i32
      %add3A_259 = arith.addi %mul3A_253, %add3A_258 : i32
      %lt3A_260 = arith.cmpi slt, %add3A_259, %select_n3A_47 : i32
      %convert_element_type3A_261 = arith.extui %lt3A_260 : i1 to i32
      %cond3A_262 = arith.constant 0 : i32
      %cond3A_263 = arith.cmpi ne, %convert_element_type3A_261, %cond3A_262 : i32
      scf.if %cond3A_263 {
        %dma_wait3A_493 = arith.constant 1 : i32
        %dma_wait3A_494 = arith.constant 0 : i32
        %dma_wait3A_495 = tpu.memref_slice %arg9[%dma_wait3A_493, %dma_wait3A_494] : memref<3x80xi32, #tpu.memory_space<vmem>> -> memref<1x80xi32, #tpu.memory_space<vmem>>
        %dma_wait3A_496 = tpu.memref_squeeze %dma_wait3A_495 : memref<1x80xi32, #tpu.memory_space<vmem>> -> memref<80xi32, #tpu.memory_space<vmem>>
        %dma_wait3A_497 = arith.constant 0 : i32
        %dma_wait3A_498 = tpu.memref_slice %arg4[%dma_wait3A_497] : memref<320000xi32, #tpu.memory_space<hbm>> -> memref<80xi32, #tpu.memory_space<hbm>>
        %dma_wait3A_499 = arith.constant 0 : i32
        %dma_wait3A_500 = tpu.memref_slice %arg9[%dma_wait3A_493, %dma_wait3A_499] : memref<3x80xi32, #tpu.memory_space<vmem>> -> memref<1x80xi32, #tpu.memory_space<vmem>>
        %dma_wait3A_501 = tpu.memref_squeeze %dma_wait3A_500 : memref<1x80xi32, #tpu.memory_space<vmem>> -> memref<80xi32, #tpu.memory_space<vmem>>
        %dma_wait3A_502 = arith.constant 0 : i32
        %dma_wait3A_503 = tpu.memref_slice %arg4[%dma_wait3A_502] : memref<320000xi32, #tpu.memory_space<hbm>> -> memref<80xi32, #tpu.memory_space<hbm>>
        tpu.wait_dma2 semaphore(%arg19 : memref<!tpu.dma_semaphore, #tpu.memory_space<semaphore_mem>>) src(%dma_wait3A_503 : memref<80xi32, #tpu.memory_space<hbm>>) dst(%dma_wait3A_501 : memref<80xi32, #tpu.memory_space<vmem>>)
        %dma_wait3A_504 = arith.constant 1 : i32
        %dma_wait3A_505 = arith.constant 0 : i32
        %dma_wait3A_506 = tpu.memref_slice %arg10[%dma_wait3A_504, %dma_wait3A_505] : memref<3x80xi32, #tpu.memory_space<vmem>> -> memref<1x80xi32, #tpu.memory_space<vmem>>
        %dma_wait3A_507 = tpu.memref_squeeze %dma_wait3A_506 : memref<1x80xi32, #tpu.memory_space<vmem>> -> memref<80xi32, #tpu.memory_space<vmem>>
        %dma_wait3A_508 = arith.constant 0 : i32
        %dma_wait3A_509 = tpu.memref_slice %arg5[%dma_wait3A_508] : memref<320000xi32, #tpu.memory_space<hbm>> -> memref<80xi32, #tpu.memory_space<hbm>>
        %dma_wait3A_510 = arith.constant 0 : i32
        %dma_wait3A_511 = tpu.memref_slice %arg10[%dma_wait3A_504, %dma_wait3A_510] : memref<3x80xi32, #tpu.memory_space<vmem>> -> memref<1x80xi32, #tpu.memory_space<vmem>>
        %dma_wait3A_512 = tpu.memref_squeeze %dma_wait3A_511 : memref<1x80xi32, #tpu.memory_space<vmem>> -> memref<80xi32, #tpu.memory_space<vmem>>
        %dma_wait3A_513 = arith.constant 0 : i32
        %dma_wait3A_514 = tpu.memref_slice %arg5[%dma_wait3A_513] : memref<320000xi32, #tpu.memory_space<hbm>> -> memref<80xi32, #tpu.memory_space<hbm>>
        tpu.wait_dma2 semaphore(%arg19 : memref<!tpu.dma_semaphore, #tpu.memory_space<semaphore_mem>>) src(%dma_wait3A_514 : memref<80xi32, #tpu.memory_space<hbm>>) dst(%dma_wait3A_512 : memref<80xi32, #tpu.memory_space<vmem>>)
        %ge3A_515 = arith.constant 2 : i32
        %ge3A_516 = arith.cmpi sge, %mul3A_253, %ge3A_515 : i32
        %convert_element_type3A_517 = arith.extui %ge3A_516 : i1 to i32
        %cond3A_518 = arith.constant 0 : i32
        %cond3A_519 = arith.cmpi ne, %convert_element_type3A_517, %cond3A_518 : i32
        scf.if %cond3A_519 {
          %dma_wait3A_532 = arith.constant 1 : i32
          %dma_wait3A_533 = arith.constant 1 : i32
          %dma_wait3A_534 = arith.constant 0 : i32
          %dma_wait3A_535 = arith.constant 0 : i32
          %dma_wait3A_536 = tpu.memref_slice %arg12[%dma_wait3A_532, %dma_wait3A_534, %dma_wait3A_535] : memref<3x80x128xf32, #tpu.memory_space<vmem>> -> memref<1x80x128xf32, #tpu.memory_space<vmem>>
          %dma_wait3A_537 = tpu.memref_squeeze %dma_wait3A_536 : memref<1x80x128xf32, #tpu.memory_space<vmem>> -> memref<80x128xf32, #tpu.memory_space<vmem>>
          %dma_wait3A_538 = arith.constant 0 : i32
          %dma_wait3A_539 = tpu.memref_slice %arg11[%dma_wait3A_533, %dma_wait3A_538] : memref<3x80xi32, #tpu.memory_space<vmem>> -> memref<1x80xi32, #tpu.memory_space<vmem>>
          %dma_wait3A_540 = tpu.memref_squeeze %dma_wait3A_539 : memref<1x80xi32, #tpu.memory_space<vmem>> -> memref<80xi32, #tpu.memory_space<vmem>>
          %dma_wait3A_541 = arith.constant 0 : i32
          %dma_wait3A_542 = arith.constant 0 : i32
          %dma_wait3A_543 = tpu.memref_slice %arg16[%dma_wait3A_541, %dma_wait3A_542] : memref<10000x128xf32, #tpu.memory_space<vmem_shared>> -> memref<10000x128xf32, #tpu.memory_space<vmem_shared>>
          tpu.wait_indirect_dma semaphore(%arg25 : memref<!tpu.dma_semaphore, #tpu.memory_space<semaphore_mem>>) src(%dma_wait3A_537 : memref<80x128xf32, #tpu.memory_space<vmem>>) dst(%dma_wait3A_543 : memref<10000x128xf32, #tpu.memory_space<vmem_shared>>)
        } else {
        }
        %dma_start3A_520 = arith.constant 1 : i32
        %dma_start3A_521 = arith.constant 1 : i32
        %dma_start3A_522 = arith.constant 0 : i32
        %dma_start3A_523 = arith.constant 0 : i32
        %dma_start3A_524 = tpu.memref_slice %arg12[%dma_start3A_521, %dma_start3A_522, %dma_start3A_523] : memref<3x80x128xf32, #tpu.memory_space<vmem>> -> memref<1x80x128xf32, #tpu.memory_space<vmem>>
        %dma_start3A_525 = tpu.memref_squeeze %dma_start3A_524 : memref<1x80x128xf32, #tpu.memory_space<vmem>> -> memref<80x128xf32, #tpu.memory_space<vmem>>
        %dma_start3A_526 = arith.constant 0 : i32
        %dma_start3A_527 = tpu.memref_slice %arg9[%dma_start3A_520, %dma_start3A_526] : memref<3x80xi32, #tpu.memory_space<vmem>> -> memref<1x80xi32, #tpu.memory_space<vmem>>
        %dma_start3A_528 = tpu.memref_squeeze %dma_start3A_527 : memref<1x80xi32, #tpu.memory_space<vmem>> -> memref<80xi32, #tpu.memory_space<vmem>>
        %dma_start3A_529 = arith.constant 0 : i32
        %dma_start3A_530 = arith.constant 0 : i32
        %dma_start3A_531 = tpu.memref_slice %arg2[%dma_start3A_529, %dma_start3A_530] : memref<10000x128xf32, #tpu.memory_space<hbm>> -> memref<10000x128xf32, #tpu.memory_space<hbm>>
        tpu.enqueue_indirect_dma source(%dma_start3A_531 : memref<10000x128xf32, #tpu.memory_space<hbm>>) target(%dma_start3A_525 : memref<80x128xf32, #tpu.memory_space<vmem>>) offsets(%dma_start3A_528 : memref<80xi32, #tpu.memory_space<vmem>>) semaphore(%arg22 : memref<!tpu.dma_semaphore, #tpu.memory_space<semaphore_mem>>)
      } else {
      }
      %get3A = arith.constant 0 : i32
      %get3A_264 = arith.index_cast %get3A : i32 to index
      %get3A_265 = arith.constant 0 : index
      %get3A_266 = tpu.vector_load %arg9[%get3A_264, %get3A_265] {strides = array<i32>} : memref<3x80xi32, #tpu.memory_space<vmem>>, vector<16xi32>,
      %get3A_267 = arith.constant 0 : i32
      %get3A_268 = arith.index_cast %get3A_267 : i32 to index
      %get3A_269 = arith.constant 0 : index
      %get3A_270 = tpu.vector_load %arg10[%get3A_268, %get3A_269] {strides = array<i32>} : memref<3x80xi32, #tpu.memory_space<vmem>>, vector<16xi32>,
      %gather3A = tpu.vector_load_idx %arg8[%get3A_266] : memref<10000xi32, #tpu.memory_space<vmem>>[vector<16xi32>], vector<16xi32>,
      %gather3A_271 = tpu.vector_load_idx %arg8[%get3A_270] : memref<10000xi32, #tpu.memory_space<vmem>>[vector<16xi32>], vector<16xi32>,
      %bitcast3A = vector.bitcast %gather3A : vector<16xi32> to vector<32xbf16>
      %unpack3A = tpu.unpack_subelements %bitcast3A, 0 {pack_format = #tpu.pack_format<interleaved>} : vector<32xbf16> -> vector<16xf32>
      %unpack3A_272 = tpu.unpack_subelements %bitcast3A, 1 {pack_format = #tpu.pack_format<interleaved>} : vector<32xbf16> -> vector<16xf32>
      %bitcast3A_273 = vector.bitcast %gather3A_271 : vector<16xi32> to vector<32xbf16>
      %unpack3A_274 = tpu.unpack_subelements %bitcast3A_273, 0 {pack_format = #tpu.pack_format<interleaved>} : vector<32xbf16> -> vector<16xf32>
      %unpack3A_275 = tpu.unpack_subelements %bitcast3A_273, 1 {pack_format = #tpu.pack_format<interleaved>} : vector<32xbf16> -> vector<16xf32>
      %add3A_276 = arith.addf %unpack3A, %unpack3A_275 : vector<16xf32>
      %mul3A_277 = arith.constant 2.000000e-01 : f32
      %mul3A_278 = vector.broadcast %mul3A_277 : f32 to vector<16xf32>
      %mul3A_279 = arith.mulf %add3A_276, %mul3A_278 : vector<16xf32>
      %max3A = arith.maximumf %add3A_276, %mul3A_279 : vector<16xf32>
      %exp3A = math.exp %max3A : vector<16xf32>
      %max3A_280 = arith.constant 5.000000e-03 : f32
      %max3A_281 = vector.broadcast %max3A_280 : f32 to vector<16xf32>
      %max3A_282 = arith.maximumf %exp3A, %max3A_281 : vector<16xf32>
      %min3A = arith.constant 1.000000e+01 : f32
      %min3A_283 = vector.broadcast %min3A : f32 to vector<16xf32>
      %min3A_284 = arith.minimumf %max3A_282, %min3A_283 : vector<16xf32>
      %swap3A = arith.constant 0 : i32
      %swap3A_285 = arith.index_cast %swap3A : i32 to index
      %swap3A_286 = arith.constant 0 : index
      %swap3A_287 = tpu.vector_load %arg13[%swap3A_285, %swap3A_286] {strides = array<i32>} : memref<3x80xf32, #tpu.memory_space<vmem>>, vector<16xf32>,
      tpu.vector_store %arg13[%swap3A_285, %swap3A_286], %min3A_284 {strides = array<i32>} : memref<3x80xf32, #tpu.memory_space<vmem>>, vector<16xf32>,
      %swap3A_288 = arith.constant 0 : i32
      %swap3A_289 = arith.index_cast %swap3A_288 : i32 to index
      %swap3A_290 = arith.constant 0 : index
      %swap3A_291 = tpu.vector_load %arg11[%swap3A_289, %swap3A_290] {strides = array<i32>} : memref<3x80xi32, #tpu.memory_space<vmem>>, vector<16xi32>,
      tpu.vector_store %arg11[%swap3A_289, %swap3A_290], %get3A_270 {strides = array<i32>} : memref<3x80xi32, #tpu.memory_space<vmem>>, vector<16xi32>,
      %get3A_292 = arith.constant 0 : i32
      %get3A_293 = arith.index_cast %get3A_292 : i32 to index
      %get3A_294 = arith.constant 16 : index
      %get3A_295 = tpu.vector_load %arg9[%get3A_293, %get3A_294] {strides = array<i32>} : memref<3x80xi32, #tpu.memory_space<vmem>>, vector<16xi32>,
      %get3A_296 = arith.constant 0 : i32
      %get3A_297 = arith.index_cast %get3A_296 : i32 to index
      %get3A_298 = arith.constant 16 : index
      %get3A_299 = tpu.vector_load %arg10[%get3A_297, %get3A_298] {strides = array<i32>} : memref<3x80xi32, #tpu.memory_space<vmem>>, vector<16xi32>,
      %gather3A_300 = tpu.vector_load_idx %arg8[%get3A_295] : memref<10000xi32, #tpu.memory_space<vmem>>[vector<16xi32>], vector<16xi32>,
      %gather3A_301 = tpu.vector_load_idx %arg8[%get3A_299] : memref<10000xi32, #tpu.memory_space<vmem>>[vector<16xi32>], vector<16xi32>,
      %bitcast3A_302 = vector.bitcast %gather3A_300 : vector<16xi32> to vector<32xbf16>
      %unpack3A_303 = tpu.unpack_subelements %bitcast3A_302, 0 {pack_format = #tpu.pack_format<interleaved>} : vector<32xbf16> -> vector<16xf32>
      %unpack3A_304 = tpu.unpack_subelements %bitcast3A_302, 1 {pack_format = #tpu.pack_format<interleaved>} : vector<32xbf16> -> vector<16xf32>
      %bitcast3A_305 = vector.bitcast %gather3A_301 : vector<16xi32> to vector<32xbf16>
      %unpack3A_306 = tpu.unpack_subelements %bitcast3A_305, 0 {pack_format = #tpu.pack_format<interleaved>} : vector<32xbf16> -> vector<16xf32>
      %unpack3A_307 = tpu.unpack_subelements %bitcast3A_305, 1 {pack_format = #tpu.pack_format<interleaved>} : vector<32xbf16> -> vector<16xf32>
      %add3A_308 = arith.addf %unpack3A_303, %unpack3A_307 : vector<16xf32>
      %mul3A_309 = arith.constant 2.000000e-01 : f32
      %mul3A_310 = vector.broadcast %mul3A_309 : f32 to vector<16xf32>
      %mul3A_311 = arith.mulf %add3A_308, %mul3A_310 : vector<16xf32>
      %max3A_312 = arith.maximumf %add3A_308, %mul3A_311 : vector<16xf32>
      %exp3A_313 = math.exp %max3A_312 : vector<16xf32>
      %max3A_314 = arith.constant 5.000000e-03 : f32
      %max3A_315 = vector.broadcast %max3A_314 : f32 to vector<16xf32>
      %max3A_316 = arith.maximumf %exp3A_313, %max3A_315 : vector<16xf32>
      %min3A_317 = arith.constant 1.000000e+01 : f32
      %min3A_318 = vector.broadcast %min3A_317 : f32 to vector<16xf32>
      %min3A_319 = arith.minimumf %max3A_316, %min3A_318 : vector<16xf32>
      %swap3A_320 = arith.constant 0 : i32
      %swap3A_321 = arith.index_cast %swap3A_320 : i32 to index
      %swap3A_322 = arith.constant 16 : index
      %swap3A_323 = tpu.vector_load %arg13[%swap3A_321, %swap3A_322] {strides = array<i32>} : memref<3x80xf32, #tpu.memory_space<vmem>>, vector<16xf32>,
      tpu.vector_store %arg13[%swap3A_321, %swap3A_322], %min3A_319 {strides = array<i32>} : memref<3x80xf32, #tpu.memory_space<vmem>>, vector<16xf32>,
      %swap3A_324 = arith.constant 0 : i32
      %swap3A_325 = arith.index_cast %swap3A_324 : i32 to index
      %swap3A_326 = arith.constant 16 : index
      %swap3A_327 = tpu.vector_load %arg11[%swap3A_325, %swap3A_326] {strides = array<i32>} : memref<3x80xi32, #tpu.memory_space<vmem>>, vector<16xi32>,
      tpu.vector_store %arg11[%swap3A_325, %swap3A_326], %get3A_299 {strides = array<i32>} : memref<3x80xi32, #tpu.memory_space<vmem>>, vector<16xi32>,
      %get3A_328 = arith.constant 0 : i32
      %get3A_329 = arith.index_cast %get3A_328 : i32 to index
      %get3A_330 = arith.constant 32 : index
      %get3A_331 = tpu.vector_load %arg9[%get3A_329, %get3A_330] {strides = array<i32>} : memref<3x80xi32, #tpu.memory_space<vmem>>, vector<16xi32>,
      %get3A_332 = arith.constant 0 : i32
      %get3A_333 = arith.index_cast %get3A_332 : i32 to index
      %get3A_334 = arith.constant 32 : index
      %get3A_335 = tpu.vector_load %arg10[%get3A_333, %get3A_334] {strides = array<i32>} : memref<3x80xi32, #tpu.memory_space<vmem>>, vector<16xi32>,
      %gather3A_336 = tpu.vector_load_idx %arg8[%get3A_331] : memref<10000xi32, #tpu.memory_space<vmem>>[vector<16xi32>], vector<16xi32>,
      %gather3A_337 = tpu.vector_load_idx %arg8[%get3A_335] : memref<10000xi32, #tpu.memory_space<vmem>>[vector<16xi32>], vector<16xi32>,
      %bitcast3A_338 = vector.bitcast %gather3A_336 : vector<16xi32> to vector<32xbf16>
      %unpack3A_339 = tpu.unpack_subelements %bitcast3A_338, 0 {pack_format = #tpu.pack_format<interleaved>} : vector<32xbf16> -> vector<16xf32>
      %unpack3A_340 = tpu.unpack_subelements %bitcast3A_338, 1 {pack_format = #tpu.pack_format<interleaved>} : vector<32xbf16> -> vector<16xf32>
      %bitcast3A_341 = vector.bitcast %gather3A_337 : vector<16xi32> to vector<32xbf16>
      %unpack3A_342 = tpu.unpack_subelements %bitcast3A_341, 0 {pack_format = #tpu.pack_format<interleaved>} : vector<32xbf16> -> vector<16xf32>
      %unpack3A_343 = tpu.unpack_subelements %bitcast3A_341, 1 {pack_format = #tpu.pack_format<interleaved>} : vector<32xbf16> -> vector<16xf32>
      %add3A_344 = arith.addf %unpack3A_339, %unpack3A_343 : vector<16xf32>
      %mul3A_345 = arith.constant 2.000000e-01 : f32
      %mul3A_346 = vector.broadcast %mul3A_345 : f32 to vector<16xf32>
      %mul3A_347 = arith.mulf %add3A_344, %mul3A_346 : vector<16xf32>
      %max3A_348 = arith.maximumf %add3A_344, %mul3A_347 : vector<16xf32>
      %exp3A_349 = math.exp %max3A_348 : vector<16xf32>
      %max3A_350 = arith.constant 5.000000e-03 : f32
      %max3A_351 = vector.broadcast %max3A_350 : f32 to vector<16xf32>
      %max3A_352 = arith.maximumf %exp3A_349, %max3A_351 : vector<16xf32>
      %min3A_353 = arith.constant 1.000000e+01 : f32
      %min3A_354 = vector.broadcast %min3A_353 : f32 to vector<16xf32>
      %min3A_355 = arith.minimumf %max3A_352, %min3A_354 : vector<16xf32>
      %swap3A_356 = arith.constant 0 : i32
      %swap3A_357 = arith.index_cast %swap3A_356 : i32 to index
      %swap3A_358 = arith.constant 32 : index
      %swap3A_359 = tpu.vector_load %arg13[%swap3A_357, %swap3A_358] {strides = array<i32>} : memref<3x80xf32, #tpu.memory_space<vmem>>, vector<16xf32>,
      tpu.vector_store %arg13[%swap3A_357, %swap3A_358], %min3A_355 {strides = array<i32>} : memref<3x80xf32, #tpu.memory_space<vmem>>, vector<16xf32>,
      %swap3A_360 = arith.constant 0 : i32
      %swap3A_361 = arith.index_cast %swap3A_360 : i32 to index
      %swap3A_362 = arith.constant 32 : index
      %swap3A_363 = tpu.vector_load %arg11[%swap3A_361, %swap3A_362] {strides = array<i32>} : memref<3x80xi32, #tpu.memory_space<vmem>>, vector<16xi32>,
      tpu.vector_store %arg11[%swap3A_361, %swap3A_362], %get3A_335 {strides = array<i32>} : memref<3x80xi32, #tpu.memory_space<vmem>>, vector<16xi32>,
      %get3A_364 = arith.constant 0 : i32
      %get3A_365 = arith.index_cast %get3A_364 : i32 to index
      %get3A_366 = arith.constant 48 : index
      %get3A_367 = tpu.vector_load %arg9[%get3A_365, %get3A_366] {strides = array<i32>} : memref<3x80xi32, #tpu.memory_space<vmem>>, vector<16xi32>,
      %get3A_368 = arith.constant 0 : i32
      %get3A_369 = arith.index_cast %get3A_368 : i32 to index
      %get3A_370 = arith.constant 48 : index
      %get3A_371 = tpu.vector_load %arg10[%get3A_369, %get3A_370] {strides = array<i32>} : memref<3x80xi32, #tpu.memory_space<vmem>>, vector<16xi32>,
      %gather3A_372 = tpu.vector_load_idx %arg8[%get3A_367] : memref<10000xi32, #tpu.memory_space<vmem>>[vector<16xi32>], vector<16xi32>,
      %gather3A_373 = tpu.vector_load_idx %arg8[%get3A_371] : memref<10000xi32, #tpu.memory_space<vmem>>[vector<16xi32>], vector<16xi32>,
      %bitcast3A_374 = vector.bitcast %gather3A_372 : vector<16xi32> to vector<32xbf16>
      %unpack3A_375 = tpu.unpack_subelements %bitcast3A_374, 0 {pack_format = #tpu.pack_format<interleaved>} : vector<32xbf16> -> vector<16xf32>
      %unpack3A_376 = tpu.unpack_subelements %bitcast3A_374, 1 {pack_format = #tpu.pack_format<interleaved>} : vector<32xbf16> -> vector<16xf32>
      %bitcast3A_377 = vector.bitcast %gather3A_373 : vector<16xi32> to vector<32xbf16>
      %unpack3A_378 = tpu.unpack_subelements %bitcast3A_377, 0 {pack_format = #tpu.pack_format<interleaved>} : vector<32xbf16> -> vector<16xf32>
      %unpack3A_379 = tpu.unpack_subelements %bitcast3A_377, 1 {pack_format = #tpu.pack_format<interleaved>} : vector<32xbf16> -> vector<16xf32>
      %add3A_380 = arith.addf %unpack3A_375, %unpack3A_379 : vector<16xf32>
      %mul3A_381 = arith.constant 2.000000e-01 : f32
      %mul3A_382 = vector.broadcast %mul3A_381 : f32 to vector<16xf32>
      %mul3A_383 = arith.mulf %add3A_380, %mul3A_382 : vector<16xf32>
      %max3A_384 = arith.maximumf %add3A_380, %mul3A_383 : vector<16xf32>
      %exp3A_385 = math.exp %max3A_384 : vector<16xf32>
      %max3A_386 = arith.constant 5.000000e-03 : f32
      %max3A_387 = vector.broadcast %max3A_386 : f32 to vector<16xf32>
      %max3A_388 = arith.maximumf %exp3A_385, %max3A_387 : vector<16xf32>
      %min3A_389 = arith.constant 1.000000e+01 : f32
      %min3A_390 = vector.broadcast %min3A_389 : f32 to vector<16xf32>
      %min3A_391 = arith.minimumf %max3A_388, %min3A_390 : vector<16xf32>
      %swap3A_392 = arith.constant 0 : i32
      %swap3A_393 = arith.index_cast %swap3A_392 : i32 to index
      %swap3A_394 = arith.constant 48 : index
      %swap3A_395 = tpu.vector_load %arg13[%swap3A_393, %swap3A_394] {strides = array<i32>} : memref<3x80xf32, #tpu.memory_space<vmem>>, vector<16xf32>,
      tpu.vector_store %arg13[%swap3A_393, %swap3A_394], %min3A_391 {strides = array<i32>} : memref<3x80xf32, #tpu.memory_space<vmem>>, vector<16xf32>,
      %swap3A_396 = arith.constant 0 : i32
      %swap3A_397 = arith.index_cast %swap3A_396 : i32 to index
      %swap3A_398 = arith.constant 48 : index
      %swap3A_399 = tpu.vector_load %arg11[%swap3A_397, %swap3A_398] {strides = array<i32>} : memref<3x80xi32, #tpu.memory_space<vmem>>, vector<16xi32>,
      tpu.vector_store %arg11[%swap3A_397, %swap3A_398], %get3A_371 {strides = array<i32>} : memref<3x80xi32, #tpu.memory_space<vmem>>, vector<16xi32>,
      %get3A_400 = arith.constant 0 : i32
      %get3A_401 = arith.index_cast %get3A_400 : i32 to index
      %get3A_402 = arith.constant 64 : index
      %get3A_403 = tpu.vector_load %arg9[%get3A_401, %get3A_402] {strides = array<i32>} : memref<3x80xi32, #tpu.memory_space<vmem>>, vector<16xi32>,
      %get3A_404 = arith.constant 0 : i32
      %get3A_405 = arith.index_cast %get3A_404 : i32 to index
      %get3A_406 = arith.constant 64 : index
      %get3A_407 = tpu.vector_load %arg10[%get3A_405, %get3A_406] {strides = array<i32>} : memref<3x80xi32, #tpu.memory_space<vmem>>, vector<16xi32>,
      %gather3A_408 = tpu.vector_load_idx %arg8[%get3A_403] : memref<10000xi32, #tpu.memory_space<vmem>>[vector<16xi32>], vector<16xi32>,
      %gather3A_409 = tpu.vector_load_idx %arg8[%get3A_407] : memref<10000xi32, #tpu.memory_space<vmem>>[vector<16xi32>], vector<16xi32>,
      %bitcast3A_410 = vector.bitcast %gather3A_408 : vector<16xi32> to vector<32xbf16>
      %unpack3A_411 = tpu.unpack_subelements %bitcast3A_410, 0 {pack_format = #tpu.pack_format<interleaved>} : vector<32xbf16> -> vector<16xf32>
      %unpack3A_412 = tpu.unpack_subelements %bitcast3A_410, 1 {pack_format = #tpu.pack_format<interleaved>} : vector<32xbf16> -> vector<16xf32>
      %bitcast3A_413 = vector.bitcast %gather3A_409 : vector<16xi32> to vector<32xbf16>
      %unpack3A_414 = tpu.unpack_subelements %bitcast3A_413, 0 {pack_format = #tpu.pack_format<interleaved>} : vector<32xbf16> -> vector<16xf32>
      %unpack3A_415 = tpu.unpack_subelements %bitcast3A_413, 1 {pack_format = #tpu.pack_format<interleaved>} : vector<32xbf16> -> vector<16xf32>
      %add3A_416 = arith.addf %unpack3A_411, %unpack3A_415 : vector<16xf32>
      %mul3A_417 = arith.constant 2.000000e-01 : f32
      %mul3A_418 = vector.broadcast %mul3A_417 : f32 to vector<16xf32>
      %mul3A_419 = arith.mulf %add3A_416, %mul3A_418 : vector<16xf32>
      %max3A_420 = arith.maximumf %add3A_416, %mul3A_419 : vector<16xf32>
      %exp3A_421 = math.exp %max3A_420 : vector<16xf32>
      %max3A_422 = arith.constant 5.000000e-03 : f32
      %max3A_423 = vector.broadcast %max3A_422 : f32 to vector<16xf32>
      %max3A_424 = arith.maximumf %exp3A_421, %max3A_423 : vector<16xf32>
      %min3A_425 = arith.constant 1.000000e+01 : f32
      %min3A_426 = vector.broadcast %min3A_425 : f32 to vector<16xf32>
      %min3A_427 = arith.minimumf %max3A_424, %min3A_426 : vector<16xf32>
      %swap3A_428 = arith.constant 0 : i32
      %swap3A_429 = arith.index_cast %swap3A_428 : i32 to index
      %swap3A_430 = arith.constant 64 : index
      %swap3A_431 = tpu.vector_load %arg13[%swap3A_429, %swap3A_430] {strides = array<i32>} : memref<3x80xf32, #tpu.memory_space<vmem>>, vector<16xf32>,
      tpu.vector_store %arg13[%swap3A_429, %swap3A_430], %min3A_427 {strides = array<i32>} : memref<3x80xf32, #tpu.memory_space<vmem>>, vector<16xf32>,
      %swap3A_432 = arith.constant 0 : i32
      %swap3A_433 = arith.index_cast %swap3A_432 : i32 to index
      %swap3A_434 = arith.constant 64 : index
      %swap3A_435 = tpu.vector_load %arg11[%swap3A_433, %swap3A_434] {strides = array<i32>} : memref<3x80xi32, #tpu.memory_space<vmem>>, vector<16xi32>,
      tpu.vector_store %arg11[%swap3A_433, %swap3A_434], %get3A_407 {strides = array<i32>} : memref<3x80xi32, #tpu.memory_space<vmem>>, vector<16xi32>,
      %dma_start3A_436 = arith.constant 0 : i32
      %dma_start3A_437 = arith.constant 0 : i32
      %dma_start3A_438 = arith.constant 0 : i32
      %dma_start3A_439 = tpu.memref_slice %arg13[%dma_start3A_436, %dma_start3A_438] : memref<3x80xf32, #tpu.memory_space<vmem>> -> memref<1x80xf32, #tpu.memory_space<vmem>>
      %dma_start3A_440 = tpu.memref_squeeze %dma_start3A_439 : memref<1x80xf32, #tpu.memory_space<vmem>> -> memref<80xf32, #tpu.memory_space<vmem>>
      %dma_start3A_441 = arith.constant 0 : i32
      %dma_start3A_442 = tpu.memref_slice %arg11[%dma_start3A_437, %dma_start3A_441] : memref<3x80xi32, #tpu.memory_space<vmem>> -> memref<1x80xi32, #tpu.memory_space<vmem>>
      %dma_start3A_443 = tpu.memref_squeeze %dma_start3A_442 : memref<1x80xi32, #tpu.memory_space<vmem>> -> memref<80xi32, #tpu.memory_space<vmem>>
      %dma_start3A_444 = arith.constant 0 : i32
      %dma_start3A_445 = tpu.memref_slice %arg17[%dma_start3A_444] : memref<10000xf32, #tpu.memory_space<vmem_shared>> -> memref<10000xf32, #tpu.memory_space<vmem_shared>>
      tpu.enqueue_indirect_dma source(%dma_start3A_440 : memref<80xf32, #tpu.memory_space<vmem>>) target(%dma_start3A_445 : memref<10000xf32, #tpu.memory_space<vmem_shared>>) offsets(%dma_start3A_443 : memref<80xi32, #tpu.memory_space<vmem>>) semaphore(%arg27 : memref<!tpu.dma_semaphore, #tpu.memory_space<semaphore_mem>>) {add = true}
      %dma_wait3A_446 = arith.constant 0 : i32
      %dma_wait3A_447 = arith.constant 0 : i32
      %dma_wait3A_448 = arith.constant 0 : i32
      %dma_wait3A_449 = arith.constant 0 : i32
      %dma_wait3A_450 = tpu.memref_slice %arg12[%dma_wait3A_447, %dma_wait3A_448, %dma_wait3A_449] : memref<3x80x128xf32, #tpu.memory_space<vmem>> -> memref<1x80x128xf32, #tpu.memory_space<vmem>>
      %dma_wait3A_451 = tpu.memref_squeeze %dma_wait3A_450 : memref<1x80x128xf32, #tpu.memory_space<vmem>> -> memref<80x128xf32, #tpu.memory_space<vmem>>
      %dma_wait3A_452 = arith.constant 0 : i32
      %dma_wait3A_453 = tpu.memref_slice %arg9[%dma_wait3A_446, %dma_wait3A_452] : memref<3x80xi32, #tpu.memory_space<vmem>> -> memref<1x80xi32, #tpu.memory_space<vmem>>
      %dma_wait3A_454 = tpu.memref_squeeze %dma_wait3A_453 : memref<1x80xi32, #tpu.memory_space<vmem>> -> memref<80xi32, #tpu.memory_space<vmem>>
      %dma_wait3A_455 = arith.constant 0 : i32
      %dma_wait3A_456 = arith.constant 0 : i32
      %dma_wait3A_457 = tpu.memref_slice %arg2[%dma_wait3A_455, %dma_wait3A_456] : memref<10000x128xf32, #tpu.memory_space<hbm>> -> memref<10000x128xf32, #tpu.memory_space<hbm>>
      tpu.wait_indirect_dma semaphore(%arg21 : memref<!tpu.dma_semaphore, #tpu.memory_space<semaphore_mem>>) src(%dma_wait3A_457 : memref<10000x128xf32, #tpu.memory_space<hbm>>) dst(%dma_wait3A_451 : memref<80x128xf32, #tpu.memory_space<vmem>>)
      %scan3A_458 = arith.constant 0 : i32
      %scan3A_459 = arith.constant 80 : i32
      %scan3A_460 = arith.addi %scan3A_458, %scan3A_459 : i32
      %scan3A_461 = arith.constant 1 : i32
      scf.for %scan3A_493 = %scan3A_458 to %scan3A_460 step %scan3A_461  : i32 {
        %broadcast_in_dim3A = vector.broadcast %scan3A_493 : i32 to vector<16xi32>
        %gather3A_494 = arith.constant 0 : i32
        %gather3A_495 = arith.constant 0 : i32
        %gather3A_496 = tpu.memref_slice %arg13[%gather3A_494, %gather3A_495] : memref<3x80xf32, #tpu.memory_space<vmem>> -> memref<1x80xf32, #tpu.memory_space<vmem>>
        %gather3A_497 = tpu.memref_squeeze %gather3A_496 : memref<1x80xf32, #tpu.memory_space<vmem>> -> memref<80xf32, #tpu.memory_space<vmem>>
        %gather3A_498 = tpu.vector_load_idx %gather3A_497[%broadcast_in_dim3A] : memref<80xf32, #tpu.memory_space<vmem>>[vector<16xi32>], vector<16xf32>,
        %get3A_499 = arith.constant 0 : i32
        %get3A_500 = arith.index_cast %get3A_499 : i32 to index
        %get3A_501 = arith.index_cast %scan3A_493 : i32 to index
        %get3A_502 = arith.constant 0 : index
        %get3A_503 = tpu.vector_load %arg12[%get3A_500, %get3A_501, %get3A_502] {strides = array<i32>} : memref<3x80x128xf32, #tpu.memory_space<vmem>>, vector<16xf32>,
        %mul3A_504 = arith.mulf %get3A_503, %gather3A_498 : vector<16xf32>
        %swap3A_505 = arith.constant 0 : i32
        %swap3A_506 = arith.index_cast %swap3A_505 : i32 to index
        %swap3A_507 = arith.index_cast %scan3A_493 : i32 to index
        %swap3A_508 = arith.constant 0 : index
        %swap3A_509 = tpu.vector_load %arg12[%swap3A_506, %swap3A_507, %swap3A_508] {strides = array<i32>} : memref<3x80x128xf32, #tpu.memory_space<vmem>>, vector<16xf32>,
        tpu.vector_store %arg12[%swap3A_506, %swap3A_507, %swap3A_508], %mul3A_504 {strides = array<i32>} : memref<3x80x128xf32, #tpu.memory_space<vmem>>, vector<16xf32>,
        %get3A_510 = arith.constant 0 : i32
        %get3A_511 = arith.index_cast %get3A_510 : i32 to index
        %get3A_512 = arith.index_cast %scan3A_493 : i32 to index
        %get3A_513 = arith.constant 16 : index
        %get3A_514 = tpu.vector_load %arg12[%get3A_511, %get3A_512, %get3A_513] {strides = array<i32>} : memref<3x80x128xf32, #tpu.memory_space<vmem>>, vector<16xf32>,
        %mul3A_515 = arith.mulf %get3A_514, %gather3A_498 : vector<16xf32>
        %swap3A_516 = arith.constant 0 : i32
        %swap3A_517 = arith.index_cast %swap3A_516 : i32 to index
        %swap3A_518 = arith.index_cast %scan3A_493 : i32 to index
        %swap3A_519 = arith.constant 16 : index
        %swap3A_520 = tpu.vector_load %arg12[%swap3A_517, %swap3A_518, %swap3A_519] {strides = array<i32>} : memref<3x80x128xf32, #tpu.memory_space<vmem>>, vector<16xf32>,
        tpu.vector_store %arg12[%swap3A_517, %swap3A_518, %swap3A_519], %mul3A_515 {strides = array<i32>} : memref<3x80x128xf32, #tpu.memory_space<vmem>>, vector<16xf32>,
        %get3A_521 = arith.constant 0 : i32
        %get3A_522 = arith.index_cast %get3A_521 : i32 to index
        %get3A_523 = arith.index_cast %scan3A_493 : i32 to index
        %get3A_524 = arith.constant 32 : index
        %get3A_525 = tpu.vector_load %arg12[%get3A_522, %get3A_523, %get3A_524] {strides = array<i32>} : memref<3x80x128xf32, #tpu.memory_space<vmem>>, vector<16xf32>,
        %mul3A_526 = arith.mulf %get3A_525, %gather3A_498 : vector<16xf32>
        %swap3A_527 = arith.constant 0 : i32
        %swap3A_528 = arith.index_cast %swap3A_527 : i32 to index
        %swap3A_529 = arith.index_cast %scan3A_493 : i32 to index
        %swap3A_530 = arith.constant 32 : index
        %swap3A_531 = tpu.vector_load %arg12[%swap3A_528, %swap3A_529, %swap3A_530] {strides = array<i32>} : memref<3x80x128xf32, #tpu.memory_space<vmem>>, vector<16xf32>,
        tpu.vector_store %arg12[%swap3A_528, %swap3A_529, %swap3A_530], %mul3A_526 {strides = array<i32>} : memref<3x80x128xf32, #tpu.memory_space<vmem>>, vector<16xf32>,
        %get3A_532 = arith.constant 0 : i32
        %get3A_533 = arith.index_cast %get3A_532 : i32 to index
        %get3A_534 = arith.index_cast %scan3A_493 : i32 to index
        %get3A_535 = arith.constant 48 : index
        %get3A_536 = tpu.vector_load %arg12[%get3A_533, %get3A_534, %get3A_535] {strides = array<i32>} : memref<3x80x128xf32, #tpu.memory_space<vmem>>, vector<16xf32>,
        %mul3A_537 = arith.mulf %get3A_536, %gather3A_498 : vector<16xf32>
        %swap3A_538 = arith.constant 0 : i32
        %swap3A_539 = arith.index_cast %swap3A_538 : i32 to index
        %swap3A_540 = arith.index_cast %scan3A_493 : i32 to index
        %swap3A_541 = arith.constant 48 : index
        %swap3A_542 = tpu.vector_load %arg12[%swap3A_539, %swap3A_540, %swap3A_541] {strides = array<i32>} : memref<3x80x128xf32, #tpu.memory_space<vmem>>, vector<16xf32>,
        tpu.vector_store %arg12[%swap3A_539, %swap3A_540, %swap3A_541], %mul3A_537 {strides = array<i32>} : memref<3x80x128xf32, #tpu.memory_space<vmem>>, vector<16xf32>,
        %get3A_543 = arith.constant 0 : i32
        %get3A_544 = arith.index_cast %get3A_543 : i32 to index
        %get3A_545 = arith.index_cast %scan3A_493 : i32 to index
        %get3A_546 = arith.constant 64 : index
        %get3A_547 = tpu.vector_load %arg12[%get3A_544, %get3A_545, %get3A_546] {strides = array<i32>} : memref<3x80x128xf32, #tpu.memory_space<vmem>>, vector<16xf32>,
        %mul3A_548 = arith.mulf %get3A_547, %gather3A_498 : vector<16xf32>
        %swap3A_549 = arith.constant 0 : i32
        %swap3A_550 = arith.index_cast %swap3A_549 : i32 to index
        %swap3A_551 = arith.index_cast %scan3A_493 : i32 to index
        %swap3A_552 = arith.constant 64 : index
        %swap3A_553 = tpu.vector_load %arg12[%swap3A_550, %swap3A_551, %swap3A_552] {strides = array<i32>} : memref<3x80x128xf32, #tpu.memory_space<vmem>>, vector<16xf32>,
        tpu.vector_store %arg12[%swap3A_550, %swap3A_551, %swap3A_552], %mul3A_548 {strides = array<i32>} : memref<3x80x128xf32, #tpu.memory_space<vmem>>, vector<16xf32>,
        %get3A_554 = arith.constant 0 : i32
        %get3A_555 = arith.index_cast %get3A_554 : i32 to index
        %get3A_556 = arith.index_cast %scan3A_493 : i32 to index
        %get3A_557 = arith.constant 80 : index
        %get3A_558 = tpu.vector_load %arg12[%get3A_555, %get3A_556, %get3A_557] {strides = array<i32>} : memref<3x80x128xf32, #tpu.memory_space<vmem>>, vector<16xf32>,
        %mul3A_559 = arith.mulf %get3A_558, %gather3A_498 : vector<16xf32>
        %swap3A_560 = arith.constant 0 : i32
        %swap3A_561 = arith.index_cast %swap3A_560 : i32 to index
        %swap3A_562 = arith.index_cast %scan3A_493 : i32 to index
        %swap3A_563 = arith.constant 80 : index
        %swap3A_564 = tpu.vector_load %arg12[%swap3A_561, %swap3A_562, %swap3A_563] {strides = array<i32>} : memref<3x80x128xf32, #tpu.memory_space<vmem>>, vector<16xf32>,
        tpu.vector_store %arg12[%swap3A_561, %swap3A_562, %swap3A_563], %mul3A_559 {strides = array<i32>} : memref<3x80x128xf32, #tpu.memory_space<vmem>>, vector<16xf32>,
        %get3A_565 = arith.constant 0 : i32
        %get3A_566 = arith.index_cast %get3A_565 : i32 to index
        %get3A_567 = arith.index_cast %scan3A_493 : i32 to index
        %get3A_568 = arith.constant 96 : index
        %get3A_569 = tpu.vector_load %arg12[%get3A_566, %get3A_567, %get3A_568] {strides = array<i32>} : memref<3x80x128xf32, #tpu.memory_space<vmem>>, vector<16xf32>,
        %mul3A_570 = arith.mulf %get3A_569, %gather3A_498 : vector<16xf32>
        %swap3A_571 = arith.constant 0 : i32
        %swap3A_572 = arith.index_cast %swap3A_571 : i32 to index
        %swap3A_573 = arith.index_cast %scan3A_493 : i32 to index
        %swap3A_574 = arith.constant 96 : index
        %swap3A_575 = tpu.vector_load %arg12[%swap3A_572, %swap3A_573, %swap3A_574] {strides = array<i32>} : memref<3x80x128xf32, #tpu.memory_space<vmem>>, vector<16xf32>,
        tpu.vector_store %arg12[%swap3A_572, %swap3A_573, %swap3A_574], %mul3A_570 {strides = array<i32>} : memref<3x80x128xf32, #tpu.memory_space<vmem>>, vector<16xf32>,
        %get3A_576 = arith.constant 0 : i32
        %get3A_577 = arith.index_cast %get3A_576 : i32 to index
        %get3A_578 = arith.index_cast %scan3A_493 : i32 to index
        %get3A_579 = arith.constant 112 : index
        %get3A_580 = tpu.vector_load %arg12[%get3A_577, %get3A_578, %get3A_579] {strides = array<i32>} : memref<3x80x128xf32, #tpu.memory_space<vmem>>, vector<16xf32>,
        %mul3A_581 = arith.mulf %get3A_580, %gather3A_498 : vector<16xf32>
        %swap3A_582 = arith.constant 0 : i32
        %swap3A_583 = arith.index_cast %swap3A_582 : i32 to index
        %swap3A_584 = arith.index_cast %scan3A_493 : i32 to index
        %swap3A_585 = arith.constant 112 : index
        %swap3A_586 = tpu.vector_load %arg12[%swap3A_583, %swap3A_584, %swap3A_585] {strides = array<i32>} : memref<3x80x128xf32, #tpu.memory_space<vmem>>, vector<16xf32>,
        tpu.vector_store %arg12[%swap3A_583, %swap3A_584, %swap3A_585], %mul3A_581 {strides = array<i32>} : memref<3x80x128xf32, #tpu.memory_space<vmem>>, vector<16xf32>,
      }
      %scan3A_462 = arith.constant 80 : i32
      %dma_start3A_463 = arith.constant 0 : i32
      %dma_start3A_464 = arith.constant 0 : i32
      %dma_start3A_465 = arith.constant 0 : i32
      %dma_start3A_466 = arith.constant 0 : i32
      %dma_start3A_467 = tpu.memref_slice %arg12[%dma_start3A_463, %dma_start3A_465, %dma_start3A_466] : memref<3x80x128xf32, #tpu.memory_space<vmem>> -> memref<1x80x128xf32, #tpu.memory_space<vmem>>
      %dma_start3A_468 = tpu.memref_squeeze %dma_start3A_467 : memref<1x80x128xf32, #tpu.memory_space<vmem>> -> memref<80x128xf32, #tpu.memory_space<vmem>>
      %dma_start3A_469 = arith.constant 0 : i32
      %dma_start3A_470 = tpu.memref_slice %arg11[%dma_start3A_464, %dma_start3A_469] : memref<3x80xi32, #tpu.memory_space<vmem>> -> memref<1x80xi32, #tpu.memory_space<vmem>>
      %dma_start3A_471 = tpu.memref_squeeze %dma_start3A_470 : memref<1x80xi32, #tpu.memory_space<vmem>> -> memref<80xi32, #tpu.memory_space<vmem>>
      %dma_start3A_472 = arith.constant 0 : i32
      %dma_start3A_473 = arith.constant 0 : i32
      %dma_start3A_474 = tpu.memref_slice %arg16[%dma_start3A_472, %dma_start3A_473] : memref<10000x128xf32, #tpu.memory_space<vmem_shared>> -> memref<10000x128xf32, #tpu.memory_space<vmem_shared>>
      tpu.enqueue_indirect_dma source(%dma_start3A_468 : memref<80x128xf32, #tpu.memory_space<vmem>>) target(%dma_start3A_474 : memref<10000x128xf32, #tpu.memory_space<vmem_shared>>) offsets(%dma_start3A_471 : memref<80xi32, #tpu.memory_space<vmem>>) semaphore(%arg24 : memref<!tpu.dma_semaphore, #tpu.memory_space<semaphore_mem>>) {add = true}
      %add3A_475 = arith.constant 3 : i32
      %add3A_476 = arith.addi %mul3A_253, %add3A_475 : i32
      %lt3A_477 = arith.cmpi slt, %add3A_476, %select_n3A_47 : i32
      %convert_element_type3A_478 = arith.extui %lt3A_477 : i1 to i32
      %cond3A_479 = arith.constant 0 : i32
      %cond3A_480 = arith.cmpi ne, %convert_element_type3A_478, %cond3A_479 : i32
      scf.if %cond3A_480 {
        %add3A_493 = arith.constant 3 : i32
        %add3A_494 = arith.addi %mul3A_253, %add3A_493 : i32
        %mul3A_495 = arith.constant 32 : i32
        %mul3A_496 = arith.muli %mul3A_495, %add3A_494 : i32
        %add3A_497 = arith.addi %add3A, %mul3A_496 : i32
        %mul3A_498 = arith.constant 80 : i32
        %mul3A_499 = arith.muli %add3A_497, %mul3A_498 : i32
        %dma_start3A_500 = arith.constant 0 : i32
        %dma_start3A_501 = arith.constant 0 : i32
        %dma_start3A_502 = tpu.memref_slice %arg9[%dma_start3A_500, %dma_start3A_501] : memref<3x80xi32, #tpu.memory_space<vmem>> -> memref<1x80xi32, #tpu.memory_space<vmem>>
        %dma_start3A_503 = tpu.memref_squeeze %dma_start3A_502 : memref<1x80xi32, #tpu.memory_space<vmem>> -> memref<80xi32, #tpu.memory_space<vmem>>
        %dma_start3A_504 = tpu.memref_slice %arg4[%mul3A_499] : memref<320000xi32, #tpu.memory_space<hbm>> -> memref<80xi32, #tpu.memory_space<hbm>>
        %dma_start3A_505 = arith.constant 0 : i32
        %dma_start3A_506 = tpu.memref_slice %arg9[%dma_start3A_500, %dma_start3A_505] : memref<3x80xi32, #tpu.memory_space<vmem>> -> memref<1x80xi32, #tpu.memory_space<vmem>>
        %dma_start3A_507 = tpu.memref_squeeze %dma_start3A_506 : memref<1x80xi32, #tpu.memory_space<vmem>> -> memref<80xi32, #tpu.memory_space<vmem>>
        %dma_start3A_508 = tpu.memref_slice %arg4[%mul3A_499] : memref<320000xi32, #tpu.memory_space<hbm>> -> memref<80xi32, #tpu.memory_space<hbm>>
        tpu.enqueue_dma source(%dma_start3A_508 : memref<80xi32, #tpu.memory_space<hbm>>) target(%dma_start3A_507 : memref<80xi32, #tpu.memory_space<vmem>>) target_semaphore(%arg18 : memref<!tpu.dma_semaphore, #tpu.memory_space<semaphore_mem>>)
        %dma_start3A_509 = arith.constant 0 : i32
        %dma_start3A_510 = arith.constant 0 : i32
        %dma_start3A_511 = tpu.memref_slice %arg10[%dma_start3A_509, %dma_start3A_510] : memref<3x80xi32, #tpu.memory_space<vmem>> -> memref<1x80xi32, #tpu.memory_space<vmem>>
        %dma_start3A_512 = tpu.memref_squeeze %dma_start3A_511 : memref<1x80xi32, #tpu.memory_space<vmem>> -> memref<80xi32, #tpu.memory_space<vmem>>
        %dma_start3A_513 = tpu.memref_slice %arg5[%mul3A_499] : memref<320000xi32, #tpu.memory_space<hbm>> -> memref<80xi32, #tpu.memory_space<hbm>>
        %dma_start3A_514 = arith.constant 0 : i32
        %dma_start3A_515 = tpu.memref_slice %arg10[%dma_start3A_509, %dma_start3A_514] : memref<3x80xi32, #tpu.memory_space<vmem>> -> memref<1x80xi32, #tpu.memory_space<vmem>>
        %dma_start3A_516 = tpu.memref_squeeze %dma_start3A_515 : memref<1x80xi32, #tpu.memory_space<vmem>> -> memref<80xi32, #tpu.memory_space<vmem>>
        %dma_start3A_517 = tpu.memref_slice %arg5[%mul3A_499] : memref<320000xi32, #tpu.memory_space<hbm>> -> memref<80xi32, #tpu.memory_space<hbm>>
        tpu.enqueue_dma source(%dma_start3A_517 : memref<80xi32, #tpu.memory_space<hbm>>) target(%dma_start3A_516 : memref<80xi32, #tpu.memory_space<vmem>>) target_semaphore(%arg18 : memref<!tpu.dma_semaphore, #tpu.memory_space<semaphore_mem>>)
      } else {
      }
      %add3A_481 = arith.constant 1 : i32
      %add3A_482 = arith.addi %mul3A_253, %add3A_481 : i32
      %lt3A_483 = arith.cmpi slt, %add3A_482, %select_n3A_47 : i32
      %convert_element_type3A_484 = arith.extui %lt3A_483 : i1 to i32
      %cond3A_485 = arith.constant 0 : i32
      %cond3A_486 = arith.cmpi ne, %convert_element_type3A_484, %cond3A_485 : i32
      scf.if %cond3A_486 {
        %add3A_493 = arith.constant 1 : i32
        %add3A_494 = arith.addi %mul3A_253, %add3A_493 : i32
        %ge3A_495 = arith.constant 3 : i32
        %ge3A_496 = arith.cmpi sge, %add3A_494, %ge3A_495 : i32
        %convert_element_type3A_497 = arith.extui %ge3A_496 : i1 to i32
        %cond3A_498 = arith.constant 0 : i32
        %cond3A_499 = arith.cmpi ne, %convert_element_type3A_497, %cond3A_498 : i32
        scf.if %cond3A_499 {
          %dma_wait3A_731 = arith.constant 1 : i32
          %dma_wait3A_732 = arith.constant 1 : i32
          %dma_wait3A_733 = arith.constant 0 : i32
          %dma_wait3A_734 = tpu.memref_slice %arg13[%dma_wait3A_731, %dma_wait3A_733] : memref<3x80xf32, #tpu.memory_space<vmem>> -> memref<1x80xf32, #tpu.memory_space<vmem>>
          %dma_wait3A_735 = tpu.memref_squeeze %dma_wait3A_734 : memref<1x80xf32, #tpu.memory_space<vmem>> -> memref<80xf32, #tpu.memory_space<vmem>>
          %dma_wait3A_736 = arith.constant 0 : i32
          %dma_wait3A_737 = tpu.memref_slice %arg11[%dma_wait3A_732, %dma_wait3A_736] : memref<3x80xi32, #tpu.memory_space<vmem>> -> memref<1x80xi32, #tpu.memory_space<vmem>>
          %dma_wait3A_738 = tpu.memref_squeeze %dma_wait3A_737 : memref<1x80xi32, #tpu.memory_space<vmem>> -> memref<80xi32, #tpu.memory_space<vmem>>
          %dma_wait3A_739 = arith.constant 0 : i32
          %dma_wait3A_740 = tpu.memref_slice %arg17[%dma_wait3A_739] : memref<10000xf32, #tpu.memory_space<vmem_shared>> -> memref<10000xf32, #tpu.memory_space<vmem_shared>>
          tpu.wait_indirect_dma semaphore(%arg28 : memref<!tpu.dma_semaphore, #tpu.memory_space<semaphore_mem>>) src(%dma_wait3A_735 : memref<80xf32, #tpu.memory_space<vmem>>) dst(%dma_wait3A_740 : memref<10000xf32, #tpu.memory_space<vmem_shared>>)
        } else {
        }
        %add3A_500 = arith.constant 1 : i32
        %add3A_501 = arith.addi %add3A_494, %add3A_500 : i32
        %lt3A_502 = arith.cmpi slt, %add3A_501, %select_n3A_47 : i32
        %convert_element_type3A_503 = arith.extui %lt3A_502 : i1 to i32
        %cond3A_504 = arith.constant 0 : i32
        %cond3A_505 = arith.cmpi ne, %convert_element_type3A_503, %cond3A_504 : i32
        scf.if %cond3A_505 {
          %dma_wait3A_731 = arith.constant 2 : i32
          %dma_wait3A_732 = arith.constant 0 : i32
          %dma_wait3A_733 = tpu.memref_slice %arg9[%dma_wait3A_731, %dma_wait3A_732] : memref<3x80xi32, #tpu.memory_space<vmem>> -> memref<1x80xi32, #tpu.memory_space<vmem>>
          %dma_wait3A_734 = tpu.memref_squeeze %dma_wait3A_733 : memref<1x80xi32, #tpu.memory_space<vmem>> -> memref<80xi32, #tpu.memory_space<vmem>>
          %dma_wait3A_735 = arith.constant 0 : i32
          %dma_wait3A_736 = tpu.memref_slice %arg4[%dma_wait3A_735] : memref<320000xi32, #tpu.memory_space<hbm>> -> memref<80xi32, #tpu.memory_space<hbm>>
          %dma_wait3A_737 = arith.constant 0 : i32
          %dma_wait3A_738 = tpu.memref_slice %arg9[%dma_wait3A_731, %dma_wait3A_737] : memref<3x80xi32, #tpu.memory_space<vmem>> -> memref<1x80xi32, #tpu.memory_space<vmem>>
          %dma_wait3A_739 = tpu.memref_squeeze %dma_wait3A_738 : memref<1x80xi32, #tpu.memory_space<vmem>> -> memref<80xi32, #tpu.memory_space<vmem>>
          %dma_wait3A_740 = arith.constant 0 : i32
          %dma_wait3A_741 = tpu.memref_slice %arg4[%dma_wait3A_740] : memref<320000xi32, #tpu.memory_space<hbm>> -> memref<80xi32, #tpu.memory_space<hbm>>
          tpu.wait_dma2 semaphore(%arg20 : memref<!tpu.dma_semaphore, #tpu.memory_space<semaphore_mem>>) src(%dma_wait3A_741 : memref<80xi32, #tpu.memory_space<hbm>>) dst(%dma_wait3A_739 : memref<80xi32, #tpu.memory_space<vmem>>)
          %dma_wait3A_742 = arith.constant 2 : i32
          %dma_wait3A_743 = arith.constant 0 : i32
          %dma_wait3A_744 = tpu.memref_slice %arg10[%dma_wait3A_742, %dma_wait3A_743] : memref<3x80xi32, #tpu.memory_space<vmem>> -> memref<1x80xi32, #tpu.memory_space<vmem>>
          %dma_wait3A_745 = tpu.memref_squeeze %dma_wait3A_744 : memref<1x80xi32, #tpu.memory_space<vmem>> -> memref<80xi32, #tpu.memory_space<vmem>>
          %dma_wait3A_746 = arith.constant 0 : i32
          %dma_wait3A_747 = tpu.memref_slice %arg5[%dma_wait3A_746] : memref<320000xi32, #tpu.memory_space<hbm>> -> memref<80xi32, #tpu.memory_space<hbm>>
          %dma_wait3A_748 = arith.constant 0 : i32
          %dma_wait3A_749 = tpu.memref_slice %arg10[%dma_wait3A_742, %dma_wait3A_748] : memref<3x80xi32, #tpu.memory_space<vmem>> -> memref<1x80xi32, #tpu.memory_space<vmem>>
          %dma_wait3A_750 = tpu.memref_squeeze %dma_wait3A_749 : memref<1x80xi32, #tpu.memory_space<vmem>> -> memref<80xi32, #tpu.memory_space<vmem>>
          %dma_wait3A_751 = arith.constant 0 : i32
          %dma_wait3A_752 = tpu.memref_slice %arg5[%dma_wait3A_751] : memref<320000xi32, #tpu.memory_space<hbm>> -> memref<80xi32, #tpu.memory_space<hbm>>
          tpu.wait_dma2 semaphore(%arg20 : memref<!tpu.dma_semaphore, #tpu.memory_space<semaphore_mem>>) src(%dma_wait3A_752 : memref<80xi32, #tpu.memory_space<hbm>>) dst(%dma_wait3A_750 : memref<80xi32, #tpu.memory_space<vmem>>)
          %ge3A_753 = arith.constant 2 : i32
          %ge3A_754 = arith.cmpi sge, %add3A_494, %ge3A_753 : i32
          %convert_element_type3A_755 = arith.extui %ge3A_754 : i1 to i32
          %cond3A_756 = arith.constant 0 : i32
          %cond3A_757 = arith.cmpi ne, %convert_element_type3A_755, %cond3A_756 : i32
          scf.if %cond3A_757 {
            %dma_wait3A_770 = arith.constant 2 : i32
            %dma_wait3A_771 = arith.constant 2 : i32
            %dma_wait3A_772 = arith.constant 0 : i32
            %dma_wait3A_773 = arith.constant 0 : i32
            %dma_wait3A_774 = tpu.memref_slice %arg12[%dma_wait3A_770, %dma_wait3A_772, %dma_wait3A_773] : memref<3x80x128xf32, #tpu.memory_space<vmem>> -> memref<1x80x128xf32, #tpu.memory_space<vmem>>
            %dma_wait3A_775 = tpu.memref_squeeze %dma_wait3A_774 : memref<1x80x128xf32, #tpu.memory_space<vmem>> -> memref<80x128xf32, #tpu.memory_space<vmem>>
            %dma_wait3A_776 = arith.constant 0 : i32
            %dma_wait3A_777 = tpu.memref_slice %arg11[%dma_wait3A_771, %dma_wait3A_776] : memref<3x80xi32, #tpu.memory_space<vmem>> -> memref<1x80xi32, #tpu.memory_space<vmem>>
            %dma_wait3A_778 = tpu.memref_squeeze %dma_wait3A_777 : memref<1x80xi32, #tpu.memory_space<vmem>> -> memref<80xi32, #tpu.memory_space<vmem>>
            %dma_wait3A_779 = arith.constant 0 : i32
            %dma_wait3A_780 = arith.constant 0 : i32
            %dma_wait3A_781 = tpu.memref_slice %arg16[%dma_wait3A_779, %dma_wait3A_780] : memref<10000x128xf32, #tpu.memory_space<vmem_shared>> -> memref<10000x128xf32, #tpu.memory_space<vmem_shared>>
            tpu.wait_indirect_dma semaphore(%arg26 : memref<!tpu.dma_semaphore, #tpu.memory_space<semaphore_mem>>) src(%dma_wait3A_775 : memref<80x128xf32, #tpu.memory_space<vmem>>) dst(%dma_wait3A_781 : memref<10000x128xf32, #tpu.memory_space<vmem_shared>>)
          } else {
          }
          %dma_start3A_758 = arith.constant 2 : i32
          %dma_start3A_759 = arith.constant 2 : i32
          %dma_start3A_760 = arith.constant 0 : i32
          %dma_start3A_761 = arith.constant 0 : i32
          %dma_start3A_762 = tpu.memref_slice %arg12[%dma_start3A_759, %dma_start3A_760, %dma_start3A_761] : memref<3x80x128xf32, #tpu.memory_space<vmem>> -> memref<1x80x128xf32, #tpu.memory_space<vmem>>
          %dma_start3A_763 = tpu.memref_squeeze %dma_start3A_762 : memref<1x80x128xf32, #tpu.memory_space<vmem>> -> memref<80x128xf32, #tpu.memory_space<vmem>>
          %dma_start3A_764 = arith.constant 0 : i32
          %dma_start3A_765 = tpu.memref_slice %arg9[%dma_start3A_758, %dma_start3A_764] : memref<3x80xi32, #tpu.memory_space<vmem>> -> memref<1x80xi32, #tpu.memory_space<vmem>>
          %dma_start3A_766 = tpu.memref_squeeze %dma_start3A_765 : memref<1x80xi32, #tpu.memory_space<vmem>> -> memref<80xi32, #tpu.memory_space<vmem>>
          %dma_start3A_767 = arith.constant 0 : i32
          %dma_start3A_768 = arith.constant 0 : i32
          %dma_start3A_769 = tpu.memref_slice %arg2[%dma_start3A_767, %dma_start3A_768] : memref<10000x128xf32, #tpu.memory_space<hbm>> -> memref<10000x128xf32, #tpu.memory_space<hbm>>
          tpu.enqueue_indirect_dma source(%dma_start3A_769 : memref<10000x128xf32, #tpu.memory_space<hbm>>) target(%dma_start3A_763 : memref<80x128xf32, #tpu.memory_space<vmem>>) offsets(%dma_start3A_766 : memref<80xi32, #tpu.memory_space<vmem>>) semaphore(%arg23 : memref<!tpu.dma_semaphore, #tpu.memory_space<semaphore_mem>>)
        } else {
        }
        %get3A_506 = arith.constant 1 : i32
        %get3A_507 = arith.index_cast %get3A_506 : i32 to index
        %get3A_508 = arith.constant 0 : index
        %get3A_509 = tpu.vector_load %arg9[%get3A_507, %get3A_508] {strides = array<i32>} : memref<3x80xi32, #tpu.memory_space<vmem>>, vector<16xi32>,
        %get3A_510 = arith.constant 1 : i32
        %get3A_511 = arith.index_cast %get3A_510 : i32 to index
        %get3A_512 = arith.constant 0 : index
        %get3A_513 = tpu.vector_load %arg10[%get3A_511, %get3A_512] {strides = array<i32>} : memref<3x80xi32, #tpu.memory_space<vmem>>, vector<16xi32>,
        %gather3A_514 = tpu.vector_load_idx %arg8[%get3A_509] : memref<10000xi32, #tpu.memory_space<vmem>>[vector<16xi32>], vector<16xi32>,
        %gather3A_515 = tpu.vector_load_idx %arg8[%get3A_513] : memref<10000xi32, #tpu.memory_space<vmem>>[vector<16xi32>], vector<16xi32>,
        %bitcast3A_516 = vector.bitcast %gather3A_514 : vector<16xi32> to vector<32xbf16>
        %unpack3A_517 = tpu.unpack_subelements %bitcast3A_516, 0 {pack_format = #tpu.pack_format<interleaved>} : vector<32xbf16> -> vector<16xf32>
        %unpack3A_518 = tpu.unpack_subelements %bitcast3A_516, 1 {pack_format = #tpu.pack_format<interleaved>} : vector<32xbf16> -> vector<16xf32>
        %bitcast3A_519 = vector.bitcast %gather3A_515 : vector<16xi32> to vector<32xbf16>
        %unpack3A_520 = tpu.unpack_subelements %bitcast3A_519, 0 {pack_format = #tpu.pack_format<interleaved>} : vector<32xbf16> -> vector<16xf32>
        %unpack3A_521 = tpu.unpack_subelements %bitcast3A_519, 1 {pack_format = #tpu.pack_format<interleaved>} : vector<32xbf16> -> vector<16xf32>
        %add3A_522 = arith.addf %unpack3A_517, %unpack3A_521 : vector<16xf32>
        %mul3A_523 = arith.constant 2.000000e-01 : f32
        %mul3A_524 = vector.broadcast %mul3A_523 : f32 to vector<16xf32>
        %mul3A_525 = arith.mulf %add3A_522, %mul3A_524 : vector<16xf32>
        %max3A_526 = arith.maximumf %add3A_522, %mul3A_525 : vector<16xf32>
        %exp3A_527 = math.exp %max3A_526 : vector<16xf32>
        %max3A_528 = arith.constant 5.000000e-03 : f32
        %max3A_529 = vector.broadcast %max3A_528 : f32 to vector<16xf32>
        %max3A_530 = arith.maximumf %exp3A_527, %max3A_529 : vector<16xf32>
        %min3A_531 = arith.constant 1.000000e+01 : f32
        %min3A_532 = vector.broadcast %min3A_531 : f32 to vector<16xf32>
        %min3A_533 = arith.minimumf %max3A_530, %min3A_532 : vector<16xf32>
        %swap3A_534 = arith.constant 1 : i32
        %swap3A_535 = arith.index_cast %swap3A_534 : i32 to index
        %swap3A_536 = arith.constant 0 : index
        %swap3A_537 = tpu.vector_load %arg13[%swap3A_535, %swap3A_536] {strides = array<i32>} : memref<3x80xf32, #tpu.memory_space<vmem>>, vector<16xf32>,
        tpu.vector_store %arg13[%swap3A_535, %swap3A_536], %min3A_533 {strides = array<i32>} : memref<3x80xf32, #tpu.memory_space<vmem>>, vector<16xf32>,
        %swap3A_538 = arith.constant 1 : i32
        %swap3A_539 = arith.index_cast %swap3A_538 : i32 to index
        %swap3A_540 = arith.constant 0 : index
        %swap3A_541 = tpu.vector_load %arg11[%swap3A_539, %swap3A_540] {strides = array<i32>} : memref<3x80xi32, #tpu.memory_space<vmem>>, vector<16xi32>,
        tpu.vector_store %arg11[%swap3A_539, %swap3A_540], %get3A_513 {strides = array<i32>} : memref<3x80xi32, #tpu.memory_space<vmem>>, vector<16xi32>,
        %get3A_542 = arith.constant 1 : i32
        %get3A_543 = arith.index_cast %get3A_542 : i32 to index
        %get3A_544 = arith.constant 16 : index
        %get3A_545 = tpu.vector_load %arg9[%get3A_543, %get3A_544] {strides = array<i32>} : memref<3x80xi32, #tpu.memory_space<vmem>>, vector<16xi32>,
        %get3A_546 = arith.constant 1 : i32
        %get3A_547 = arith.index_cast %get3A_546 : i32 to index
        %get3A_548 = arith.constant 16 : index
        %get3A_549 = tpu.vector_load %arg10[%get3A_547, %get3A_548] {strides = array<i32>} : memref<3x80xi32, #tpu.memory_space<vmem>>, vector<16xi32>,
        %gather3A_550 = tpu.vector_load_idx %arg8[%get3A_545] : memref<10000xi32, #tpu.memory_space<vmem>>[vector<16xi32>], vector<16xi32>,
        %gather3A_551 = tpu.vector_load_idx %arg8[%get3A_549] : memref<10000xi32, #tpu.memory_space<vmem>>[vector<16xi32>], vector<16xi32>,
        %bitcast3A_552 = vector.bitcast %gather3A_550 : vector<16xi32> to vector<32xbf16>
        %unpack3A_553 = tpu.unpack_subelements %bitcast3A_552, 0 {pack_format = #tpu.pack_format<interleaved>} : vector<32xbf16> -> vector<16xf32>
        %unpack3A_554 = tpu.unpack_subelements %bitcast3A_552, 1 {pack_format = #tpu.pack_format<interleaved>} : vector<32xbf16> -> vector<16xf32>
        %bitcast3A_555 = vector.bitcast %gather3A_551 : vector<16xi32> to vector<32xbf16>
        %unpack3A_556 = tpu.unpack_subelements %bitcast3A_555, 0 {pack_format = #tpu.pack_format<interleaved>} : vector<32xbf16> -> vector<16xf32>
        %unpack3A_557 = tpu.unpack_subelements %bitcast3A_555, 1 {pack_format = #tpu.pack_format<interleaved>} : vector<32xbf16> -> vector<16xf32>
        %add3A_558 = arith.addf %unpack3A_553, %unpack3A_557 : vector<16xf32>
        %mul3A_559 = arith.constant 2.000000e-01 : f32
        %mul3A_560 = vector.broadcast %mul3A_559 : f32 to vector<16xf32>
        %mul3A_561 = arith.mulf %add3A_558, %mul3A_560 : vector<16xf32>
        %max3A_562 = arith.maximumf %add3A_558, %mul3A_561 : vector<16xf32>
        %exp3A_563 = math.exp %max3A_562 : vector<16xf32>
        %max3A_564 = arith.constant 5.000000e-03 : f32
        %max3A_565 = vector.broadcast %max3A_564 : f32 to vector<16xf32>
        %max3A_566 = arith.maximumf %exp3A_563, %max3A_565 : vector<16xf32>
        %min3A_567 = arith.constant 1.000000e+01 : f32
        %min3A_568 = vector.broadcast %min3A_567 : f32 to vector<16xf32>
        %min3A_569 = arith.minimumf %max3A_566, %min3A_568 : vector<16xf32>
        %swap3A_570 = arith.constant 1 : i32
        %swap3A_571 = arith.index_cast %swap3A_570 : i32 to index
        %swap3A_572 = arith.constant 16 : index
        %swap3A_573 = tpu.vector_load %arg13[%swap3A_571, %swap3A_572] {strides = array<i32>} : memref<3x80xf32, #tpu.memory_space<vmem>>, vector<16xf32>,
        tpu.vector_store %arg13[%swap3A_571, %swap3A_572], %min3A_569 {strides = array<i32>} : memref<3x80xf32, #tpu.memory_space<vmem>>, vector<16xf32>,
        %swap3A_574 = arith.constant 1 : i32
        %swap3A_575 = arith.index_cast %swap3A_574 : i32 to index
        %swap3A_576 = arith.constant 16 : index
        %swap3A_577 = tpu.vector_load %arg11[%swap3A_575, %swap3A_576] {strides = array<i32>} : memref<3x80xi32, #tpu.memory_space<vmem>>, vector<16xi32>,
        tpu.vector_store %arg11[%swap3A_575, %swap3A_576], %get3A_549 {strides = array<i32>} : memref<3x80xi32, #tpu.memory_space<vmem>>, vector<16xi32>,
        %get3A_578 = arith.constant 1 : i32
        %get3A_579 = arith.index_cast %get3A_578 : i32 to index
        %get3A_580 = arith.constant 32 : index
        %get3A_581 = tpu.vector_load %arg9[%get3A_579, %get3A_580] {strides = array<i32>} : memref<3x80xi32, #tpu.memory_space<vmem>>, vector<16xi32>,
        %get3A_582 = arith.constant 1 : i32
        %get3A_583 = arith.index_cast %get3A_582 : i32 to index
        %get3A_584 = arith.constant 32 : index
        %get3A_585 = tpu.vector_load %arg10[%get3A_583, %get3A_584] {strides = array<i32>} : memref<3x80xi32, #tpu.memory_space<vmem>>, vector<16xi32>,
        %gather3A_586 = tpu.vector_load_idx %arg8[%get3A_581] : memref<10000xi32, #tpu.memory_space<vmem>>[vector<16xi32>], vector<16xi32>,
        %gather3A_587 = tpu.vector_load_idx %arg8[%get3A_585] : memref<10000xi32, #tpu.memory_space<vmem>>[vector<16xi32>], vector<16xi32>,
        %bitcast3A_588 = vector.bitcast %gather3A_586 : vector<16xi32> to vector<32xbf16>
        %unpack3A_589 = tpu.unpack_subelements %bitcast3A_588, 0 {pack_format = #tpu.pack_format<interleaved>} : vector<32xbf16> -> vector<16xf32>
        %unpack3A_590 = tpu.unpack_subelements %bitcast3A_588, 1 {pack_format = #tpu.pack_format<interleaved>} : vector<32xbf16> -> vector<16xf32>
        %bitcast3A_591 = vector.bitcast %gather3A_587 : vector<16xi32> to vector<32xbf16>
        %unpack3A_592 = tpu.unpack_subelements %bitcast3A_591, 0 {pack_format = #tpu.pack_format<interleaved>} : vector<32xbf16> -> vector<16xf32>
        %unpack3A_593 = tpu.unpack_subelements %bitcast3A_591, 1 {pack_format = #tpu.pack_format<interleaved>} : vector<32xbf16> -> vector<16xf32>
        %add3A_594 = arith.addf %unpack3A_589, %unpack3A_593 : vector<16xf32>
        %mul3A_595 = arith.constant 2.000000e-01 : f32
        %mul3A_596 = vector.broadcast %mul3A_595 : f32 to vector<16xf32>
        %mul3A_597 = arith.mulf %add3A_594, %mul3A_596 : vector<16xf32>
        %max3A_598 = arith.maximumf %add3A_594, %mul3A_597 : vector<16xf32>
        %exp3A_599 = math.exp %max3A_598 : vector<16xf32>
        %max3A_600 = arith.constant 5.000000e-03 : f32
        %max3A_601 = vector.broadcast %max3A_600 : f32 to vector<16xf32>
        %max3A_602 = arith.maximumf %exp3A_599, %max3A_601 : vector<16xf32>
        %min3A_603 = arith.constant 1.000000e+01 : f32
        %min3A_604 = vector.broadcast %min3A_603 : f32 to vector<16xf32>
        %min3A_605 = arith.minimumf %max3A_602, %min3A_604 : vector<16xf32>
        %swap3A_606 = arith.constant 1 : i32
        %swap3A_607 = arith.index_cast %swap3A_606 : i32 to index
        %swap3A_608 = arith.constant 32 : index
        %swap3A_609 = tpu.vector_load %arg13[%swap3A_607, %swap3A_608] {strides = array<i32>} : memref<3x80xf32, #tpu.memory_space<vmem>>, vector<16xf32>,
        tpu.vector_store %arg13[%swap3A_607, %swap3A_608], %min3A_605 {strides = array<i32>} : memref<3x80xf32, #tpu.memory_space<vmem>>, vector<16xf32>,
        %swap3A_610 = arith.constant 1 : i32
        %swap3A_611 = arith.index_cast %swap3A_610 : i32 to index
        %swap3A_612 = arith.constant 32 : index
        %swap3A_613 = tpu.vector_load %arg11[%swap3A_611, %swap3A_612] {strides = array<i32>} : memref<3x80xi32, #tpu.memory_space<vmem>>, vector<16xi32>,
        tpu.vector_store %arg11[%swap3A_611, %swap3A_612], %get3A_585 {strides = array<i32>} : memref<3x80xi32, #tpu.memory_space<vmem>>, vector<16xi32>,
        %get3A_614 = arith.constant 1 : i32
        %get3A_615 = arith.index_cast %get3A_614 : i32 to index
        %get3A_616 = arith.constant 48 : index
        %get3A_617 = tpu.vector_load %arg9[%get3A_615, %get3A_616] {strides = array<i32>} : memref<3x80xi32, #tpu.memory_space<vmem>>, vector<16xi32>,
        %get3A_618 = arith.constant 1 : i32
        %get3A_619 = arith.index_cast %get3A_618 : i32 to index
        %get3A_620 = arith.constant 48 : index
        %get3A_621 = tpu.vector_load %arg10[%get3A_619, %get3A_620] {strides = array<i32>} : memref<3x80xi32, #tpu.memory_space<vmem>>, vector<16xi32>,
        %gather3A_622 = tpu.vector_load_idx %arg8[%get3A_617] : memref<10000xi32, #tpu.memory_space<vmem>>[vector<16xi32>], vector<16xi32>,
        %gather3A_623 = tpu.vector_load_idx %arg8[%get3A_621] : memref<10000xi32, #tpu.memory_space<vmem>>[vector<16xi32>], vector<16xi32>,
        %bitcast3A_624 = vector.bitcast %gather3A_622 : vector<16xi32> to vector<32xbf16>
        %unpack3A_625 = tpu.unpack_subelements %bitcast3A_624, 0 {pack_format = #tpu.pack_format<interleaved>} : vector<32xbf16> -> vector<16xf32>
        %unpack3A_626 = tpu.unpack_subelements %bitcast3A_624, 1 {pack_format = #tpu.pack_format<interleaved>} : vector<32xbf16> -> vector<16xf32>
        %bitcast3A_627 = vector.bitcast %gather3A_623 : vector<16xi32> to vector<32xbf16>
        %unpack3A_628 = tpu.unpack_subelements %bitcast3A_627, 0 {pack_format = #tpu.pack_format<interleaved>} : vector<32xbf16> -> vector<16xf32>
        %unpack3A_629 = tpu.unpack_subelements %bitcast3A_627, 1 {pack_format = #tpu.pack_format<interleaved>} : vector<32xbf16> -> vector<16xf32>
        %add3A_630 = arith.addf %unpack3A_625, %unpack3A_629 : vector<16xf32>
        %mul3A_631 = arith.constant 2.000000e-01 : f32
        %mul3A_632 = vector.broadcast %mul3A_631 : f32 to vector<16xf32>
        %mul3A_633 = arith.mulf %add3A_630, %mul3A_632 : vector<16xf32>
        %max3A_634 = arith.maximumf %add3A_630, %mul3A_633 : vector<16xf32>
        %exp3A_635 = math.exp %max3A_634 : vector<16xf32>
        %max3A_636 = arith.constant 5.000000e-03 : f32
        %max3A_637 = vector.broadcast %max3A_636 : f32 to vector<16xf32>
        %max3A_638 = arith.maximumf %exp3A_635, %max3A_637 : vector<16xf32>
        %min3A_639 = arith.constant 1.000000e+01 : f32
        %min3A_640 = vector.broadcast %min3A_639 : f32 to vector<16xf32>
        %min3A_641 = arith.minimumf %max3A_638, %min3A_640 : vector<16xf32>
        %swap3A_642 = arith.constant 1 : i32
        %swap3A_643 = arith.index_cast %swap3A_642 : i32 to index
        %swap3A_644 = arith.constant 48 : index
        %swap3A_645 = tpu.vector_load %arg13[%swap3A_643, %swap3A_644] {strides = array<i32>} : memref<3x80xf32, #tpu.memory_space<vmem>>, vector<16xf32>,
        tpu.vector_store %arg13[%swap3A_643, %swap3A_644], %min3A_641 {strides = array<i32>} : memref<3x80xf32, #tpu.memory_space<vmem>>, vector<16xf32>,
        %swap3A_646 = arith.constant 1 : i32
        %swap3A_647 = arith.index_cast %swap3A_646 : i32 to index
        %swap3A_648 = arith.constant 48 : index
        %swap3A_649 = tpu.vector_load %arg11[%swap3A_647, %swap3A_648] {strides = array<i32>} : memref<3x80xi32, #tpu.memory_space<vmem>>, vector<16xi32>,
        tpu.vector_store %arg11[%swap3A_647, %swap3A_648], %get3A_621 {strides = array<i32>} : memref<3x80xi32, #tpu.memory_space<vmem>>, vector<16xi32>,
        %get3A_650 = arith.constant 1 : i32
        %get3A_651 = arith.index_cast %get3A_650 : i32 to index
        %get3A_652 = arith.constant 64 : index
        %get3A_653 = tpu.vector_load %arg9[%get3A_651, %get3A_652] {strides = array<i32>} : memref<3x80xi32, #tpu.memory_space<vmem>>, vector<16xi32>,
        %get3A_654 = arith.constant 1 : i32
        %get3A_655 = arith.index_cast %get3A_654 : i32 to index
        %get3A_656 = arith.constant 64 : index
        %get3A_657 = tpu.vector_load %arg10[%get3A_655, %get3A_656] {strides = array<i32>} : memref<3x80xi32, #tpu.memory_space<vmem>>, vector<16xi32>,
        %gather3A_658 = tpu.vector_load_idx %arg8[%get3A_653] : memref<10000xi32, #tpu.memory_space<vmem>>[vector<16xi32>], vector<16xi32>,
        %gather3A_659 = tpu.vector_load_idx %arg8[%get3A_657] : memref<10000xi32, #tpu.memory_space<vmem>>[vector<16xi32>], vector<16xi32>,
        %bitcast3A_660 = vector.bitcast %gather3A_658 : vector<16xi32> to vector<32xbf16>
        %unpack3A_661 = tpu.unpack_subelements %bitcast3A_660, 0 {pack_format = #tpu.pack_format<interleaved>} : vector<32xbf16> -> vector<16xf32>
        %unpack3A_662 = tpu.unpack_subelements %bitcast3A_660, 1 {pack_format = #tpu.pack_format<interleaved>} : vector<32xbf16> -> vector<16xf32>
        %bitcast3A_663 = vector.bitcast %gather3A_659 : vector<16xi32> to vector<32xbf16>
        %unpack3A_664 = tpu.unpack_subelements %bitcast3A_663, 0 {pack_format = #tpu.pack_format<interleaved>} : vector<32xbf16> -> vector<16xf32>
        %unpack3A_665 = tpu.unpack_subelements %bitcast3A_663, 1 {pack_format = #tpu.pack_format<interleaved>} : vector<32xbf16> -> vector<16xf32>
        %add3A_666 = arith.addf %unpack3A_661, %unpack3A_665 : vector<16xf32>
        %mul3A_667 = arith.constant 2.000000e-01 : f32
        %mul3A_668 = vector.broadcast %mul3A_667 : f32 to vector<16xf32>
        %mul3A_669 = arith.mulf %add3A_666, %mul3A_668 : vector<16xf32>
        %max3A_670 = arith.maximumf %add3A_666, %mul3A_669 : vector<16xf32>
        %exp3A_671 = math.exp %max3A_670 : vector<16xf32>
        %max3A_672 = arith.constant 5.000000e-03 : f32
        %max3A_673 = vector.broadcast %max3A_672 : f32 to vector<16xf32>
        %max3A_674 = arith.maximumf %exp3A_671, %max3A_673 : vector<16xf32>
        %min3A_675 = arith.constant 1.000000e+01 : f32
        %min3A_676 = vector.broadcast %min3A_675 : f32 to vector<16xf32>
        %min3A_677 = arith.minimumf %max3A_674, %min3A_676 : vector<16xf32>
        %swap3A_678 = arith.constant 1 : i32
        %swap3A_679 = arith.index_cast %swap3A_678 : i32 to index
        %swap3A_680 = arith.constant 64 : index
        %swap3A_681 = tpu.vector_load %arg13[%swap3A_679, %swap3A_680] {strides = array<i32>} : memref<3x80xf32, #tpu.memory_space<vmem>>, vector<16xf32>,
        tpu.vector_store %arg13[%swap3A_679, %swap3A_680], %min3A_677 {strides = array<i32>} : memref<3x80xf32, #tpu.memory_space<vmem>>, vector<16xf32>,
        %swap3A_682 = arith.constant 1 : i32
        %swap3A_683 = arith.index_cast %swap3A_682 : i32 to index
        %swap3A_684 = arith.constant 64 : index
        %swap3A_685 = tpu.vector_load %arg11[%swap3A_683, %swap3A_684] {strides = array<i32>} : memref<3x80xi32, #tpu.memory_space<vmem>>, vector<16xi32>,
        tpu.vector_store %arg11[%swap3A_683, %swap3A_684], %get3A_657 {strides = array<i32>} : memref<3x80xi32, #tpu.memory_space<vmem>>, vector<16xi32>,
        %dma_start3A_686 = arith.constant 1 : i32
        %dma_start3A_687 = arith.constant 1 : i32
        %dma_start3A_688 = arith.constant 0 : i32
        %dma_start3A_689 = tpu.memref_slice %arg13[%dma_start3A_686, %dma_start3A_688] : memref<3x80xf32, #tpu.memory_space<vmem>> -> memref<1x80xf32, #tpu.memory_space<vmem>>
        %dma_start3A_690 = tpu.memref_squeeze %dma_start3A_689 : memref<1x80xf32, #tpu.memory_space<vmem>> -> memref<80xf32, #tpu.memory_space<vmem>>
        %dma_start3A_691 = arith.constant 0 : i32
        %dma_start3A_692 = tpu.memref_slice %arg11[%dma_start3A_687, %dma_start3A_691] : memref<3x80xi32, #tpu.memory_space<vmem>> -> memref<1x80xi32, #tpu.memory_space<vmem>>
        %dma_start3A_693 = tpu.memref_squeeze %dma_start3A_692 : memref<1x80xi32, #tpu.memory_space<vmem>> -> memref<80xi32, #tpu.memory_space<vmem>>
        %dma_start3A_694 = arith.constant 0 : i32
        %dma_start3A_695 = tpu.memref_slice %arg17[%dma_start3A_694] : memref<10000xf32, #tpu.memory_space<vmem_shared>> -> memref<10000xf32, #tpu.memory_space<vmem_shared>>
        tpu.enqueue_indirect_dma source(%dma_start3A_690 : memref<80xf32, #tpu.memory_space<vmem>>) target(%dma_start3A_695 : memref<10000xf32, #tpu.memory_space<vmem_shared>>) offsets(%dma_start3A_693 : memref<80xi32, #tpu.memory_space<vmem>>) semaphore(%arg28 : memref<!tpu.dma_semaphore, #tpu.memory_space<semaphore_mem>>) {add = true}
        %dma_wait3A_696 = arith.constant 1 : i32
        %dma_wait3A_697 = arith.constant 1 : i32
        %dma_wait3A_698 = arith.constant 0 : i32
        %dma_wait3A_699 = arith.constant 0 : i32
        %dma_wait3A_700 = tpu.memref_slice %arg12[%dma_wait3A_697, %dma_wait3A_698, %dma_wait3A_699] : memref<3x80x128xf32, #tpu.memory_space<vmem>> -> memref<1x80x128xf32, #tpu.memory_space<vmem>>
        %dma_wait3A_701 = tpu.memref_squeeze %dma_wait3A_700 : memref<1x80x128xf32, #tpu.memory_space<vmem>> -> memref<80x128xf32, #tpu.memory_space<vmem>>
        %dma_wait3A_702 = arith.constant 0 : i32
        %dma_wait3A_703 = tpu.memref_slice %arg9[%dma_wait3A_696, %dma_wait3A_702] : memref<3x80xi32, #tpu.memory_space<vmem>> -> memref<1x80xi32, #tpu.memory_space<vmem>>
        %dma_wait3A_704 = tpu.memref_squeeze %dma_wait3A_703 : memref<1x80xi32, #tpu.memory_space<vmem>> -> memref<80xi32, #tpu.memory_space<vmem>>
        %dma_wait3A_705 = arith.constant 0 : i32
        %dma_wait3A_706 = arith.constant 0 : i32
        %dma_wait3A_707 = tpu.memref_slice %arg2[%dma_wait3A_705, %dma_wait3A_706] : memref<10000x128xf32, #tpu.memory_space<hbm>> -> memref<10000x128xf32, #tpu.memory_space<hbm>>
        tpu.wait_indirect_dma semaphore(%arg22 : memref<!tpu.dma_semaphore, #tpu.memory_space<semaphore_mem>>) src(%dma_wait3A_707 : memref<10000x128xf32, #tpu.memory_space<hbm>>) dst(%dma_wait3A_701 : memref<80x128xf32, #tpu.memory_space<vmem>>)
        %scan3A_708 = arith.constant 0 : i32
        %scan3A_709 = arith.constant 80 : i32
        %scan3A_710 = arith.addi %scan3A_708, %scan3A_709 : i32
        %scan3A_711 = arith.constant 1 : i32
        scf.for %scan3A_731 = %scan3A_708 to %scan3A_710 step %scan3A_711  : i32 {
          %broadcast_in_dim3A = vector.broadcast %scan3A_731 : i32 to vector<16xi32>
          %gather3A_732 = arith.constant 1 : i32
          %gather3A_733 = arith.constant 0 : i32
          %gather3A_734 = tpu.memref_slice %arg13[%gather3A_732, %gather3A_733] : memref<3x80xf32, #tpu.memory_space<vmem>> -> memref<1x80xf32, #tpu.memory_space<vmem>>
          %gather3A_735 = tpu.memref_squeeze %gather3A_734 : memref<1x80xf32, #tpu.memory_space<vmem>> -> memref<80xf32, #tpu.memory_space<vmem>>
          %gather3A_736 = tpu.vector_load_idx %gather3A_735[%broadcast_in_dim3A] : memref<80xf32, #tpu.memory_space<vmem>>[vector<16xi32>], vector<16xf32>,
          %get3A_737 = arith.constant 1 : i32
          %get3A_738 = arith.index_cast %get3A_737 : i32 to index
          %get3A_739 = arith.index_cast %scan3A_731 : i32 to index
          %get3A_740 = arith.constant 0 : index
          %get3A_741 = tpu.vector_load %arg12[%get3A_738, %get3A_739, %get3A_740] {strides = array<i32>} : memref<3x80x128xf32, #tpu.memory_space<vmem>>, vector<16xf32>,
          %mul3A_742 = arith.mulf %get3A_741, %gather3A_736 : vector<16xf32>
          %swap3A_743 = arith.constant 1 : i32
          %swap3A_744 = arith.index_cast %swap3A_743 : i32 to index
          %swap3A_745 = arith.index_cast %scan3A_731 : i32 to index
          %swap3A_746 = arith.constant 0 : index
          %swap3A_747 = tpu.vector_load %arg12[%swap3A_744, %swap3A_745, %swap3A_746] {strides = array<i32>} : memref<3x80x128xf32, #tpu.memory_space<vmem>>, vector<16xf32>,
          tpu.vector_store %arg12[%swap3A_744, %swap3A_745, %swap3A_746], %mul3A_742 {strides = array<i32>} : memref<3x80x128xf32, #tpu.memory_space<vmem>>, vector<16xf32>,
          %get3A_748 = arith.constant 1 : i32
          %get3A_749 = arith.index_cast %get3A_748 : i32 to index
          %get3A_750 = arith.index_cast %scan3A_731 : i32 to index
          %get3A_751 = arith.constant 16 : index
          %get3A_752 = tpu.vector_load %arg12[%get3A_749, %get3A_750, %get3A_751] {strides = array<i32>} : memref<3x80x128xf32, #tpu.memory_space<vmem>>, vector<16xf32>,
          %mul3A_753 = arith.mulf %get3A_752, %gather3A_736 : vector<16xf32>
          %swap3A_754 = arith.constant 1 : i32
          %swap3A_755 = arith.index_cast %swap3A_754 : i32 to index
          %swap3A_756 = arith.index_cast %scan3A_731 : i32 to index
          %swap3A_757 = arith.constant 16 : index
          %swap3A_758 = tpu.vector_load %arg12[%swap3A_755, %swap3A_756, %swap3A_757] {strides = array<i32>} : memref<3x80x128xf32, #tpu.memory_space<vmem>>, vector<16xf32>,
          tpu.vector_store %arg12[%swap3A_755, %swap3A_756, %swap3A_757], %mul3A_753 {strides = array<i32>} : memref<3x80x128xf32, #tpu.memory_space<vmem>>, vector<16xf32>,
          %get3A_759 = arith.constant 1 : i32
          %get3A_760 = arith.index_cast %get3A_759 : i32 to index
          %get3A_761 = arith.index_cast %scan3A_731 : i32 to index
          %get3A_762 = arith.constant 32 : index
          %get3A_763 = tpu.vector_load %arg12[%get3A_760, %get3A_761, %get3A_762] {strides = array<i32>} : memref<3x80x128xf32, #tpu.memory_space<vmem>>, vector<16xf32>,
          %mul3A_764 = arith.mulf %get3A_763, %gather3A_736 : vector<16xf32>
          %swap3A_765 = arith.constant 1 : i32
          %swap3A_766 = arith.index_cast %swap3A_765 : i32 to index
          %swap3A_767 = arith.index_cast %scan3A_731 : i32 to index
          %swap3A_768 = arith.constant 32 : index
          %swap3A_769 = tpu.vector_load %arg12[%swap3A_766, %swap3A_767, %swap3A_768] {strides = array<i32>} : memref<3x80x128xf32, #tpu.memory_space<vmem>>, vector<16xf32>,
          tpu.vector_store %arg12[%swap3A_766, %swap3A_767, %swap3A_768], %mul3A_764 {strides = array<i32>} : memref<3x80x128xf32, #tpu.memory_space<vmem>>, vector<16xf32>,
          %get3A_770 = arith.constant 1 : i32
          %get3A_771 = arith.index_cast %get3A_770 : i32 to index
          %get3A_772 = arith.index_cast %scan3A_731 : i32 to index
          %get3A_773 = arith.constant 48 : index
          %get3A_774 = tpu.vector_load %arg12[%get3A_771, %get3A_772, %get3A_773] {strides = array<i32>} : memref<3x80x128xf32, #tpu.memory_space<vmem>>, vector<16xf32>,
          %mul3A_775 = arith.mulf %get3A_774, %gather3A_736 : vector<16xf32>
          %swap3A_776 = arith.constant 1 : i32
          %swap3A_777 = arith.index_cast %swap3A_776 : i32 to index
          %swap3A_778 = arith.index_cast %scan3A_731 : i32 to index
          %swap3A_779 = arith.constant 48 : index
          %swap3A_780 = tpu.vector_load %arg12[%swap3A_777, %swap3A_778, %swap3A_779] {strides = array<i32>} : memref<3x80x128xf32, #tpu.memory_space<vmem>>, vector<16xf32>,
          tpu.vector_store %arg12[%swap3A_777, %swap3A_778, %swap3A_779], %mul3A_775 {strides = array<i32>} : memref<3x80x128xf32, #tpu.memory_space<vmem>>, vector<16xf32>,
          %get3A_781 = arith.constant 1 : i32
          %get3A_782 = arith.index_cast %get3A_781 : i32 to index
          %get3A_783 = arith.index_cast %scan3A_731 : i32 to index
          %get3A_784 = arith.constant 64 : index
          %get3A_785 = tpu.vector_load %arg12[%get3A_782, %get3A_783, %get3A_784] {strides = array<i32>} : memref<3x80x128xf32, #tpu.memory_space<vmem>>, vector<16xf32>,
          %mul3A_786 = arith.mulf %get3A_785, %gather3A_736 : vector<16xf32>
          %swap3A_787 = arith.constant 1 : i32
          %swap3A_788 = arith.index_cast %swap3A_787 : i32 to index
          %swap3A_789 = arith.index_cast %scan3A_731 : i32 to index
          %swap3A_790 = arith.constant 64 : index
          %swap3A_791 = tpu.vector_load %arg12[%swap3A_788, %swap3A_789, %swap3A_790] {strides = array<i32>} : memref<3x80x128xf32, #tpu.memory_space<vmem>>, vector<16xf32>,
          tpu.vector_store %arg12[%swap3A_788, %swap3A_789, %swap3A_790], %mul3A_786 {strides = array<i32>} : memref<3x80x128xf32, #tpu.memory_space<vmem>>, vector<16xf32>,
          %get3A_792 = arith.constant 1 : i32
          %get3A_793 = arith.index_cast %get3A_792 : i32 to index
          %get3A_794 = arith.index_cast %scan3A_731 : i32 to index
          %get3A_795 = arith.constant 80 : index
          %get3A_796 = tpu.vector_load %arg12[%get3A_793, %get3A_794, %get3A_795] {strides = array<i32>} : memref<3x80x128xf32, #tpu.memory_space<vmem>>, vector<16xf32>,
          %mul3A_797 = arith.mulf %get3A_796, %gather3A_736 : vector<16xf32>
          %swap3A_798 = arith.constant 1 : i32
          %swap3A_799 = arith.index_cast %swap3A_798 : i32 to index
          %swap3A_800 = arith.index_cast %scan3A_731 : i32 to index
          %swap3A_801 = arith.constant 80 : index
          %swap3A_802 = tpu.vector_load %arg12[%swap3A_799, %swap3A_800, %swap3A_801] {strides = array<i32>} : memref<3x80x128xf32, #tpu.memory_space<vmem>>, vector<16xf32>,
          tpu.vector_store %arg12[%swap3A_799, %swap3A_800, %swap3A_801], %mul3A_797 {strides = array<i32>} : memref<3x80x128xf32, #tpu.memory_space<vmem>>, vector<16xf32>,
          %get3A_803 = arith.constant 1 : i32
          %get3A_804 = arith.index_cast %get3A_803 : i32 to index
          %get3A_805 = arith.index_cast %scan3A_731 : i32 to index
          %get3A_806 = arith.constant 96 : index
          %get3A_807 = tpu.vector_load %arg12[%get3A_804, %get3A_805, %get3A_806] {strides = array<i32>} : memref<3x80x128xf32, #tpu.memory_space<vmem>>, vector<16xf32>,
          %mul3A_808 = arith.mulf %get3A_807, %gather3A_736 : vector<16xf32>
          %swap3A_809 = arith.constant 1 : i32
          %swap3A_810 = arith.index_cast %swap3A_809 : i32 to index
          %swap3A_811 = arith.index_cast %scan3A_731 : i32 to index
          %swap3A_812 = arith.constant 96 : index
          %swap3A_813 = tpu.vector_load %arg12[%swap3A_810, %swap3A_811, %swap3A_812] {strides = array<i32>} : memref<3x80x128xf32, #tpu.memory_space<vmem>>, vector<16xf32>,
          tpu.vector_store %arg12[%swap3A_810, %swap3A_811, %swap3A_812], %mul3A_808 {strides = array<i32>} : memref<3x80x128xf32, #tpu.memory_space<vmem>>, vector<16xf32>,
          %get3A_814 = arith.constant 1 : i32
          %get3A_815 = arith.index_cast %get3A_814 : i32 to index
          %get3A_816 = arith.index_cast %scan3A_731 : i32 to index
          %get3A_817 = arith.constant 112 : index
          %get3A_818 = tpu.vector_load %arg12[%get3A_815, %get3A_816, %get3A_817] {strides = array<i32>} : memref<3x80x128xf32, #tpu.memory_space<vmem>>, vector<16xf32>,
          %mul3A_819 = arith.mulf %get3A_818, %gather3A_736 : vector<16xf32>
          %swap3A_820 = arith.constant 1 : i32
          %swap3A_821 = arith.index_cast %swap3A_820 : i32 to index
          %swap3A_822 = arith.index_cast %scan3A_731 : i32 to index
          %swap3A_823 = arith.constant 112 : index
          %swap3A_824 = tpu.vector_load %arg12[%swap3A_821, %swap3A_822, %swap3A_823] {strides = array<i32>} : memref<3x80x128xf32, #tpu.memory_space<vmem>>, vector<16xf32>,
          tpu.vector_store %arg12[%swap3A_821, %swap3A_822, %swap3A_823], %mul3A_819 {strides = array<i32>} : memref<3x80x128xf32, #tpu.memory_space<vmem>>, vector<16xf32>,
        }
        %scan3A_712 = arith.constant 80 : i32
        %dma_start3A_713 = arith.constant 1 : i32
        %dma_start3A_714 = arith.constant 1 : i32
        %dma_start3A_715 = arith.constant 0 : i32
        %dma_start3A_716 = arith.constant 0 : i32
        %dma_start3A_717 = tpu.memref_slice %arg12[%dma_start3A_713, %dma_start3A_715, %dma_start3A_716] : memref<3x80x128xf32, #tpu.memory_space<vmem>> -> memref<1x80x128xf32, #tpu.memory_space<vmem>>
        %dma_start3A_718 = tpu.memref_squeeze %dma_start3A_717 : memref<1x80x128xf32, #tpu.memory_space<vmem>> -> memref<80x128xf32, #tpu.memory_space<vmem>>
        %dma_start3A_719 = arith.constant 0 : i32
        %dma_start3A_720 = tpu.memref_slice %arg11[%dma_start3A_714, %dma_start3A_719] : memref<3x80xi32, #tpu.memory_space<vmem>> -> memref<1x80xi32, #tpu.memory_space<vmem>>
        %dma_start3A_721 = tpu.memref_squeeze %dma_start3A_720 : memref<1x80xi32, #tpu.memory_space<vmem>> -> memref<80xi32, #tpu.memory_space<vmem>>
        %dma_start3A_722 = arith.constant 0 : i32
        %dma_start3A_723 = arith.constant 0 : i32
        %dma_start3A_724 = tpu.memref_slice %arg16[%dma_start3A_722, %dma_start3A_723] : memref<10000x128xf32, #tpu.memory_space<vmem_shared>> -> memref<10000x128xf32, #tpu.memory_space<vmem_shared>>
        tpu.enqueue_indirect_dma source(%dma_start3A_718 : memref<80x128xf32, #tpu.memory_space<vmem>>) target(%dma_start3A_724 : memref<10000x128xf32, #tpu.memory_space<vmem_shared>>) offsets(%dma_start3A_721 : memref<80xi32, #tpu.memory_space<vmem>>) semaphore(%arg25 : memref<!tpu.dma_semaphore, #tpu.memory_space<semaphore_mem>>) {add = true}
        %add3A_725 = arith.constant 3 : i32
        %add3A_726 = arith.addi %add3A_494, %add3A_725 : i32
        %lt3A_727 = arith.cmpi slt, %add3A_726, %select_n3A_47 : i32
        %convert_element_type3A_728 = arith.extui %lt3A_727 : i1 to i32
        %cond3A_729 = arith.constant 0 : i32
        %cond3A_730 = arith.cmpi ne, %convert_element_type3A_728, %cond3A_729 : i32
        scf.if %cond3A_730 {
          %add3A_731 = arith.constant 3 : i32
          %add3A_732 = arith.addi %add3A_494, %add3A_731 : i32
          %mul3A_733 = arith.constant 32 : i32
          %mul3A_734 = arith.muli %mul3A_733, %add3A_732 : i32
          %add3A_735 = arith.addi %add3A, %mul3A_734 : i32
          %mul3A_736 = arith.constant 80 : i32
          %mul3A_737 = arith.muli %add3A_735, %mul3A_736 : i32
          %dma_start3A_738 = arith.constant 1 : i32
          %dma_start3A_739 = arith.constant 0 : i32
          %dma_start3A_740 = tpu.memref_slice %arg9[%dma_start3A_738, %dma_start3A_739] : memref<3x80xi32, #tpu.memory_space<vmem>> -> memref<1x80xi32, #tpu.memory_space<vmem>>
          %dma_start3A_741 = tpu.memref_squeeze %dma_start3A_740 : memref<1x80xi32, #tpu.memory_space<vmem>> -> memref<80xi32, #tpu.memory_space<vmem>>
          %dma_start3A_742 = tpu.memref_slice %arg4[%mul3A_737] : memref<320000xi32, #tpu.memory_space<hbm>> -> memref<80xi32, #tpu.memory_space<hbm>>
          %dma_start3A_743 = arith.constant 0 : i32
          %dma_start3A_744 = tpu.memref_slice %arg9[%dma_start3A_738, %dma_start3A_743] : memref<3x80xi32, #tpu.memory_space<vmem>> -> memref<1x80xi32, #tpu.memory_space<vmem>>
          %dma_start3A_745 = tpu.memref_squeeze %dma_start3A_744 : memref<1x80xi32, #tpu.memory_space<vmem>> -> memref<80xi32, #tpu.memory_space<vmem>>
          %dma_start3A_746 = tpu.memref_slice %arg4[%mul3A_737] : memref<320000xi32, #tpu.memory_space<hbm>> -> memref<80xi32, #tpu.memory_space<hbm>>
          tpu.enqueue_dma source(%dma_start3A_746 : memref<80xi32, #tpu.memory_space<hbm>>) target(%dma_start3A_745 : memref<80xi32, #tpu.memory_space<vmem>>) target_semaphore(%arg19 : memref<!tpu.dma_semaphore, #tpu.memory_space<semaphore_mem>>)
          %dma_start3A_747 = arith.constant 1 : i32
          %dma_start3A_748 = arith.constant 0 : i32
          %dma_start3A_749 = tpu.memref_slice %arg10[%dma_start3A_747, %dma_start3A_748] : memref<3x80xi32, #tpu.memory_space<vmem>> -> memref<1x80xi32, #tpu.memory_space<vmem>>
          %dma_start3A_750 = tpu.memref_squeeze %dma_start3A_749 : memref<1x80xi32, #tpu.memory_space<vmem>> -> memref<80xi32, #tpu.memory_space<vmem>>
          %dma_start3A_751 = tpu.memref_slice %arg5[%mul3A_737] : memref<320000xi32, #tpu.memory_space<hbm>> -> memref<80xi32, #tpu.memory_space<hbm>>
          %dma_start3A_752 = arith.constant 0 : i32
          %dma_start3A_753 = tpu.memref_slice %arg10[%dma_start3A_747, %dma_start3A_752] : memref<3x80xi32, #tpu.memory_space<vmem>> -> memref<1x80xi32, #tpu.memory_space<vmem>>
          %dma_start3A_754 = tpu.memref_squeeze %dma_start3A_753 : memref<1x80xi32, #tpu.memory_space<vmem>> -> memref<80xi32, #tpu.memory_space<vmem>>
          %dma_start3A_755 = tpu.memref_slice %arg5[%mul3A_737] : memref<320000xi32, #tpu.memory_space<hbm>> -> memref<80xi32, #tpu.memory_space<hbm>>
          tpu.enqueue_dma source(%dma_start3A_755 : memref<80xi32, #tpu.memory_space<hbm>>) target(%dma_start3A_754 : memref<80xi32, #tpu.memory_space<vmem>>) target_semaphore(%arg19 : memref<!tpu.dma_semaphore, #tpu.memory_space<semaphore_mem>>)
        } else {
        }
      } else {
      }
      %add3A_487 = arith.constant 2 : i32
      %add3A_488 = arith.addi %mul3A_253, %add3A_487 : i32
      %lt3A_489 = arith.cmpi slt, %add3A_488, %select_n3A_47 : i32
      %convert_element_type3A_490 = arith.extui %lt3A_489 : i1 to i32
      %cond3A_491 = arith.constant 0 : i32
      %cond3A_492 = arith.cmpi ne, %convert_element_type3A_490, %cond3A_491 : i32
      scf.if %cond3A_492 {
        %add3A_493 = arith.constant 2 : i32
        %add3A_494 = arith.addi %mul3A_253, %add3A_493 : i32
        %ge3A_495 = arith.constant 3 : i32
        %ge3A_496 = arith.cmpi sge, %add3A_494, %ge3A_495 : i32
        %convert_element_type3A_497 = arith.extui %ge3A_496 : i1 to i32
        %cond3A_498 = arith.constant 0 : i32
        %cond3A_499 = arith.cmpi ne, %convert_element_type3A_497, %cond3A_498 : i32
        scf.if %cond3A_499 {
          %dma_wait3A_731 = arith.constant 2 : i32
          %dma_wait3A_732 = arith.constant 2 : i32
          %dma_wait3A_733 = arith.constant 0 : i32
          %dma_wait3A_734 = tpu.memref_slice %arg13[%dma_wait3A_731, %dma_wait3A_733] : memref<3x80xf32, #tpu.memory_space<vmem>> -> memref<1x80xf32, #tpu.memory_space<vmem>>
          %dma_wait3A_735 = tpu.memref_squeeze %dma_wait3A_734 : memref<1x80xf32, #tpu.memory_space<vmem>> -> memref<80xf32, #tpu.memory_space<vmem>>
          %dma_wait3A_736 = arith.constant 0 : i32
          %dma_wait3A_737 = tpu.memref_slice %arg11[%dma_wait3A_732, %dma_wait3A_736] : memref<3x80xi32, #tpu.memory_space<vmem>> -> memref<1x80xi32, #tpu.memory_space<vmem>>
          %dma_wait3A_738 = tpu.memref_squeeze %dma_wait3A_737 : memref<1x80xi32, #tpu.memory_space<vmem>> -> memref<80xi32, #tpu.memory_space<vmem>>
          %dma_wait3A_739 = arith.constant 0 : i32
          %dma_wait3A_740 = tpu.memref_slice %arg17[%dma_wait3A_739] : memref<10000xf32, #tpu.memory_space<vmem_shared>> -> memref<10000xf32, #tpu.memory_space<vmem_shared>>
          tpu.wait_indirect_dma semaphore(%arg29 : memref<!tpu.dma_semaphore, #tpu.memory_space<semaphore_mem>>) src(%dma_wait3A_735 : memref<80xf32, #tpu.memory_space<vmem>>) dst(%dma_wait3A_740 : memref<10000xf32, #tpu.memory_space<vmem_shared>>)
        } else {
        }
        %add3A_500 = arith.constant 1 : i32
        %add3A_501 = arith.addi %add3A_494, %add3A_500 : i32
        %lt3A_502 = arith.cmpi slt, %add3A_501, %select_n3A_47 : i32
        %convert_element_type3A_503 = arith.extui %lt3A_502 : i1 to i32
        %cond3A_504 = arith.constant 0 : i32
        %cond3A_505 = arith.cmpi ne, %convert_element_type3A_503, %cond3A_504 : i32
        scf.if %cond3A_505 {
          %dma_wait3A_731 = arith.constant 0 : i32
          %dma_wait3A_732 = arith.constant 0 : i32
          %dma_wait3A_733 = tpu.memref_slice %arg9[%dma_wait3A_731, %dma_wait3A_732] : memref<3x80xi32, #tpu.memory_space<vmem>> -> memref<1x80xi32, #tpu.memory_space<vmem>>
          %dma_wait3A_734 = tpu.memref_squeeze %dma_wait3A_733 : memref<1x80xi32, #tpu.memory_space<vmem>> -> memref<80xi32, #tpu.memory_space<vmem>>
          %dma_wait3A_735 = arith.constant 0 : i32
          %dma_wait3A_736 = tpu.memref_slice %arg4[%dma_wait3A_735] : memref<320000xi32, #tpu.memory_space<hbm>> -> memref<80xi32, #tpu.memory_space<hbm>>
          %dma_wait3A_737 = arith.constant 0 : i32
          %dma_wait3A_738 = tpu.memref_slice %arg9[%dma_wait3A_731, %dma_wait3A_737] : memref<3x80xi32, #tpu.memory_space<vmem>> -> memref<1x80xi32, #tpu.memory_space<vmem>>
          %dma_wait3A_739 = tpu.memref_squeeze %dma_wait3A_738 : memref<1x80xi32, #tpu.memory_space<vmem>> -> memref<80xi32, #tpu.memory_space<vmem>>
          %dma_wait3A_740 = arith.constant 0 : i32
          %dma_wait3A_741 = tpu.memref_slice %arg4[%dma_wait3A_740] : memref<320000xi32, #tpu.memory_space<hbm>> -> memref<80xi32, #tpu.memory_space<hbm>>
          tpu.wait_dma2 semaphore(%arg18 : memref<!tpu.dma_semaphore, #tpu.memory_space<semaphore_mem>>) src(%dma_wait3A_741 : memref<80xi32, #tpu.memory_space<hbm>>) dst(%dma_wait3A_739 : memref<80xi32, #tpu.memory_space<vmem>>)
          %dma_wait3A_742 = arith.constant 0 : i32
          %dma_wait3A_743 = arith.constant 0 : i32
          %dma_wait3A_744 = tpu.memref_slice %arg10[%dma_wait3A_742, %dma_wait3A_743] : memref<3x80xi32, #tpu.memory_space<vmem>> -> memref<1x80xi32, #tpu.memory_space<vmem>>
          %dma_wait3A_745 = tpu.memref_squeeze %dma_wait3A_744 : memref<1x80xi32, #tpu.memory_space<vmem>> -> memref<80xi32, #tpu.memory_space<vmem>>
          %dma_wait3A_746 = arith.constant 0 : i32
          %dma_wait3A_747 = tpu.memref_slice %arg5[%dma_wait3A_746] : memref<320000xi32, #tpu.memory_space<hbm>> -> memref<80xi32, #tpu.memory_space<hbm>>
          %dma_wait3A_748 = arith.constant 0 : i32
          %dma_wait3A_749 = tpu.memref_slice %arg10[%dma_wait3A_742, %dma_wait3A_748] : memref<3x80xi32, #tpu.memory_space<vmem>> -> memref<1x80xi32, #tpu.memory_space<vmem>>
          %dma_wait3A_750 = tpu.memref_squeeze %dma_wait3A_749 : memref<1x80xi32, #tpu.memory_space<vmem>> -> memref<80xi32, #tpu.memory_space<vmem>>
          %dma_wait3A_751 = arith.constant 0 : i32
          %dma_wait3A_752 = tpu.memref_slice %arg5[%dma_wait3A_751] : memref<320000xi32, #tpu.memory_space<hbm>> -> memref<80xi32, #tpu.memory_space<hbm>>
          tpu.wait_dma2 semaphore(%arg18 : memref<!tpu.dma_semaphore, #tpu.memory_space<semaphore_mem>>) src(%dma_wait3A_752 : memref<80xi32, #tpu.memory_space<hbm>>) dst(%dma_wait3A_750 : memref<80xi32, #tpu.memory_space<vmem>>)
          %ge3A_753 = arith.constant 2 : i32
          %ge3A_754 = arith.cmpi sge, %add3A_494, %ge3A_753 : i32
          %convert_element_type3A_755 = arith.extui %ge3A_754 : i1 to i32
          %cond3A_756 = arith.constant 0 : i32
          %cond3A_757 = arith.cmpi ne, %convert_element_type3A_755, %cond3A_756 : i32
          scf.if %cond3A_757 {
            %dma_wait3A_770 = arith.constant 0 : i32
            %dma_wait3A_771 = arith.constant 0 : i32
            %dma_wait3A_772 = arith.constant 0 : i32
            %dma_wait3A_773 = arith.constant 0 : i32
            %dma_wait3A_774 = tpu.memref_slice %arg12[%dma_wait3A_770, %dma_wait3A_772, %dma_wait3A_773] : memref<3x80x128xf32, #tpu.memory_space<vmem>> -> memref<1x80x128xf32, #tpu.memory_space<vmem>>
            %dma_wait3A_775 = tpu.memref_squeeze %dma_wait3A_774 : memref<1x80x128xf32, #tpu.memory_space<vmem>> -> memref<80x128xf32, #tpu.memory_space<vmem>>
            %dma_wait3A_776 = arith.constant 0 : i32
            %dma_wait3A_777 = tpu.memref_slice %arg11[%dma_wait3A_771, %dma_wait3A_776] : memref<3x80xi32, #tpu.memory_space<vmem>> -> memref<1x80xi32, #tpu.memory_space<vmem>>
            %dma_wait3A_778 = tpu.memref_squeeze %dma_wait3A_777 : memref<1x80xi32, #tpu.memory_space<vmem>> -> memref<80xi32, #tpu.memory_space<vmem>>
            %dma_wait3A_779 = arith.constant 0 : i32
            %dma_wait3A_780 = arith.constant 0 : i32
            %dma_wait3A_781 = tpu.memref_slice %arg16[%dma_wait3A_779, %dma_wait3A_780] : memref<10000x128xf32, #tpu.memory_space<vmem_shared>> -> memref<10000x128xf32, #tpu.memory_space<vmem_shared>>
            tpu.wait_indirect_dma semaphore(%arg24 : memref<!tpu.dma_semaphore, #tpu.memory_space<semaphore_mem>>) src(%dma_wait3A_775 : memref<80x128xf32, #tpu.memory_space<vmem>>) dst(%dma_wait3A_781 : memref<10000x128xf32, #tpu.memory_space<vmem_shared>>)
          } else {
          }
          %dma_start3A_758 = arith.constant 0 : i32
          %dma_start3A_759 = arith.constant 0 : i32
          %dma_start3A_760 = arith.constant 0 : i32
          %dma_start3A_761 = arith.constant 0 : i32
          %dma_start3A_762 = tpu.memref_slice %arg12[%dma_start3A_759, %dma_start3A_760, %dma_start3A_761] : memref<3x80x128xf32, #tpu.memory_space<vmem>> -> memref<1x80x128xf32, #tpu.memory_space<vmem>>
          %dma_start3A_763 = tpu.memref_squeeze %dma_start3A_762 : memref<1x80x128xf32, #tpu.memory_space<vmem>> -> memref<80x128xf32, #tpu.memory_space<vmem>>
          %dma_start3A_764 = arith.constant 0 : i32
          %dma_start3A_765 = tpu.memref_slice %arg9[%dma_start3A_758, %dma_start3A_764] : memref<3x80xi32, #tpu.memory_space<vmem>> -> memref<1x80xi32, #tpu.memory_space<vmem>>
          %dma_start3A_766 = tpu.memref_squeeze %dma_start3A_765 : memref<1x80xi32, #tpu.memory_space<vmem>> -> memref<80xi32, #tpu.memory_space<vmem>>
          %dma_start3A_767 = arith.constant 0 : i32
          %dma_start3A_768 = arith.constant 0 : i32
          %dma_start3A_769 = tpu.memref_slice %arg2[%dma_start3A_767, %dma_start3A_768] : memref<10000x128xf32, #tpu.memory_space<hbm>> -> memref<10000x128xf32, #tpu.memory_space<hbm>>
          tpu.enqueue_indirect_dma source(%dma_start3A_769 : memref<10000x128xf32, #tpu.memory_space<hbm>>) target(%dma_start3A_763 : memref<80x128xf32, #tpu.memory_space<vmem>>) offsets(%dma_start3A_766 : memref<80xi32, #tpu.memory_space<vmem>>) semaphore(%arg21 : memref<!tpu.dma_semaphore, #tpu.memory_space<semaphore_mem>>)
        } else {
        }
        %get3A_506 = arith.constant 2 : i32
        %get3A_507 = arith.index_cast %get3A_506 : i32 to index
        %get3A_508 = arith.constant 0 : index
        %get3A_509 = tpu.vector_load %arg9[%get3A_507, %get3A_508] {strides = array<i32>} : memref<3x80xi32, #tpu.memory_space<vmem>>, vector<16xi32>,
        %get3A_510 = arith.constant 2 : i32
        %get3A_511 = arith.index_cast %get3A_510 : i32 to index
        %get3A_512 = arith.constant 0 : index
        %get3A_513 = tpu.vector_load %arg10[%get3A_511, %get3A_512] {strides = array<i32>} : memref<3x80xi32, #tpu.memory_space<vmem>>, vector<16xi32>,
        %gather3A_514 = tpu.vector_load_idx %arg8[%get3A_509] : memref<10000xi32, #tpu.memory_space<vmem>>[vector<16xi32>], vector<16xi32>,
        %gather3A_515 = tpu.vector_load_idx %arg8[%get3A_513] : memref<10000xi32, #tpu.memory_space<vmem>>[vector<16xi32>], vector<16xi32>,
        %bitcast3A_516 = vector.bitcast %gather3A_514 : vector<16xi32> to vector<32xbf16>
        %unpack3A_517 = tpu.unpack_subelements %bitcast3A_516, 0 {pack_format = #tpu.pack_format<interleaved>} : vector<32xbf16> -> vector<16xf32>
        %unpack3A_518 = tpu.unpack_subelements %bitcast3A_516, 1 {pack_format = #tpu.pack_format<interleaved>} : vector<32xbf16> -> vector<16xf32>
        %bitcast3A_519 = vector.bitcast %gather3A_515 : vector<16xi32> to vector<32xbf16>
        %unpack3A_520 = tpu.unpack_subelements %bitcast3A_519, 0 {pack_format = #tpu.pack_format<interleaved>} : vector<32xbf16> -> vector<16xf32>
        %unpack3A_521 = tpu.unpack_subelements %bitcast3A_519, 1 {pack_format = #tpu.pack_format<interleaved>} : vector<32xbf16> -> vector<16xf32>
        %add3A_522 = arith.addf %unpack3A_517, %unpack3A_521 : vector<16xf32>
        %mul3A_523 = arith.constant 2.000000e-01 : f32
        %mul3A_524 = vector.broadcast %mul3A_523 : f32 to vector<16xf32>
        %mul3A_525 = arith.mulf %add3A_522, %mul3A_524 : vector<16xf32>
        %max3A_526 = arith.maximumf %add3A_522, %mul3A_525 : vector<16xf32>
        %exp3A_527 = math.exp %max3A_526 : vector<16xf32>
        %max3A_528 = arith.constant 5.000000e-03 : f32
        %max3A_529 = vector.broadcast %max3A_528 : f32 to vector<16xf32>
        %max3A_530 = arith.maximumf %exp3A_527, %max3A_529 : vector<16xf32>
        %min3A_531 = arith.constant 1.000000e+01 : f32
        %min3A_532 = vector.broadcast %min3A_531 : f32 to vector<16xf32>
        %min3A_533 = arith.minimumf %max3A_530, %min3A_532 : vector<16xf32>
        %swap3A_534 = arith.constant 2 : i32
        %swap3A_535 = arith.index_cast %swap3A_534 : i32 to index
        %swap3A_536 = arith.constant 0 : index
        %swap3A_537 = tpu.vector_load %arg13[%swap3A_535, %swap3A_536] {strides = array<i32>} : memref<3x80xf32, #tpu.memory_space<vmem>>, vector<16xf32>,
        tpu.vector_store %arg13[%swap3A_535, %swap3A_536], %min3A_533 {strides = array<i32>} : memref<3x80xf32, #tpu.memory_space<vmem>>, vector<16xf32>,
        %swap3A_538 = arith.constant 2 : i32
        %swap3A_539 = arith.index_cast %swap3A_538 : i32 to index
        %swap3A_540 = arith.constant 0 : index
        %swap3A_541 = tpu.vector_load %arg11[%swap3A_539, %swap3A_540] {strides = array<i32>} : memref<3x80xi32, #tpu.memory_space<vmem>>, vector<16xi32>,
        tpu.vector_store %arg11[%swap3A_539, %swap3A_540], %get3A_513 {strides = array<i32>} : memref<3x80xi32, #tpu.memory_space<vmem>>, vector<16xi32>,
        %get3A_542 = arith.constant 2 : i32
        %get3A_543 = arith.index_cast %get3A_542 : i32 to index
        %get3A_544 = arith.constant 16 : index
        %get3A_545 = tpu.vector_load %arg9[%get3A_543, %get3A_544] {strides = array<i32>} : memref<3x80xi32, #tpu.memory_space<vmem>>, vector<16xi32>,
        %get3A_546 = arith.constant 2 : i32
        %get3A_547 = arith.index_cast %get3A_546 : i32 to index
        %get3A_548 = arith.constant 16 : index
        %get3A_549 = tpu.vector_load %arg10[%get3A_547, %get3A_548] {strides = array<i32>} : memref<3x80xi32, #tpu.memory_space<vmem>>, vector<16xi32>,
        %gather3A_550 = tpu.vector_load_idx %arg8[%get3A_545] : memref<10000xi32, #tpu.memory_space<vmem>>[vector<16xi32>], vector<16xi32>,
        %gather3A_551 = tpu.vector_load_idx %arg8[%get3A_549] : memref<10000xi32, #tpu.memory_space<vmem>>[vector<16xi32>], vector<16xi32>,
        %bitcast3A_552 = vector.bitcast %gather3A_550 : vector<16xi32> to vector<32xbf16>
        %unpack3A_553 = tpu.unpack_subelements %bitcast3A_552, 0 {pack_format = #tpu.pack_format<interleaved>} : vector<32xbf16> -> vector<16xf32>
        %unpack3A_554 = tpu.unpack_subelements %bitcast3A_552, 1 {pack_format = #tpu.pack_format<interleaved>} : vector<32xbf16> -> vector<16xf32>
        %bitcast3A_555 = vector.bitcast %gather3A_551 : vector<16xi32> to vector<32xbf16>
        %unpack3A_556 = tpu.unpack_subelements %bitcast3A_555, 0 {pack_format = #tpu.pack_format<interleaved>} : vector<32xbf16> -> vector<16xf32>
        %unpack3A_557 = tpu.unpack_subelements %bitcast3A_555, 1 {pack_format = #tpu.pack_format<interleaved>} : vector<32xbf16> -> vector<16xf32>
        %add3A_558 = arith.addf %unpack3A_553, %unpack3A_557 : vector<16xf32>
        %mul3A_559 = arith.constant 2.000000e-01 : f32
        %mul3A_560 = vector.broadcast %mul3A_559 : f32 to vector<16xf32>
        %mul3A_561 = arith.mulf %add3A_558, %mul3A_560 : vector<16xf32>
        %max3A_562 = arith.maximumf %add3A_558, %mul3A_561 : vector<16xf32>
        %exp3A_563 = math.exp %max3A_562 : vector<16xf32>
        %max3A_564 = arith.constant 5.000000e-03 : f32
        %max3A_565 = vector.broadcast %max3A_564 : f32 to vector<16xf32>
        %max3A_566 = arith.maximumf %exp3A_563, %max3A_565 : vector<16xf32>
        %min3A_567 = arith.constant 1.000000e+01 : f32
        %min3A_568 = vector.broadcast %min3A_567 : f32 to vector<16xf32>
        %min3A_569 = arith.minimumf %max3A_566, %min3A_568 : vector<16xf32>
        %swap3A_570 = arith.constant 2 : i32
        %swap3A_571 = arith.index_cast %swap3A_570 : i32 to index
        %swap3A_572 = arith.constant 16 : index
        %swap3A_573 = tpu.vector_load %arg13[%swap3A_571, %swap3A_572] {strides = array<i32>} : memref<3x80xf32, #tpu.memory_space<vmem>>, vector<16xf32>,
        tpu.vector_store %arg13[%swap3A_571, %swap3A_572], %min3A_569 {strides = array<i32>} : memref<3x80xf32, #tpu.memory_space<vmem>>, vector<16xf32>,
        %swap3A_574 = arith.constant 2 : i32
        %swap3A_575 = arith.index_cast %swap3A_574 : i32 to index
        %swap3A_576 = arith.constant 16 : index
        %swap3A_577 = tpu.vector_load %arg11[%swap3A_575, %swap3A_576] {strides = array<i32>} : memref<3x80xi32, #tpu.memory_space<vmem>>, vector<16xi32>,
        tpu.vector_store %arg11[%swap3A_575, %swap3A_576], %get3A_549 {strides = array<i32>} : memref<3x80xi32, #tpu.memory_space<vmem>>, vector<16xi32>,
        %get3A_578 = arith.constant 2 : i32
        %get3A_579 = arith.index_cast %get3A_578 : i32 to index
        %get3A_580 = arith.constant 32 : index
        %get3A_581 = tpu.vector_load %arg9[%get3A_579, %get3A_580] {strides = array<i32>} : memref<3x80xi32, #tpu.memory_space<vmem>>, vector<16xi32>,
        %get3A_582 = arith.constant 2 : i32
        %get3A_583 = arith.index_cast %get3A_582 : i32 to index
        %get3A_584 = arith.constant 32 : index
        %get3A_585 = tpu.vector_load %arg10[%get3A_583, %get3A_584] {strides = array<i32>} : memref<3x80xi32, #tpu.memory_space<vmem>>, vector<16xi32>,
        %gather3A_586 = tpu.vector_load_idx %arg8[%get3A_581] : memref<10000xi32, #tpu.memory_space<vmem>>[vector<16xi32>], vector<16xi32>,
        %gather3A_587 = tpu.vector_load_idx %arg8[%get3A_585] : memref<10000xi32, #tpu.memory_space<vmem>>[vector<16xi32>], vector<16xi32>,
        %bitcast3A_588 = vector.bitcast %gather3A_586 : vector<16xi32> to vector<32xbf16>
        %unpack3A_589 = tpu.unpack_subelements %bitcast3A_588, 0 {pack_format = #tpu.pack_format<interleaved>} : vector<32xbf16> -> vector<16xf32>
        %unpack3A_590 = tpu.unpack_subelements %bitcast3A_588, 1 {pack_format = #tpu.pack_format<interleaved>} : vector<32xbf16> -> vector<16xf32>
        %bitcast3A_591 = vector.bitcast %gather3A_587 : vector<16xi32> to vector<32xbf16>
        %unpack3A_592 = tpu.unpack_subelements %bitcast3A_591, 0 {pack_format = #tpu.pack_format<interleaved>} : vector<32xbf16> -> vector<16xf32>
        %unpack3A_593 = tpu.unpack_subelements %bitcast3A_591, 1 {pack_format = #tpu.pack_format<interleaved>} : vector<32xbf16> -> vector<16xf32>
        %add3A_594 = arith.addf %unpack3A_589, %unpack3A_593 : vector<16xf32>
        %mul3A_595 = arith.constant 2.000000e-01 : f32
        %mul3A_596 = vector.broadcast %mul3A_595 : f32 to vector<16xf32>
        %mul3A_597 = arith.mulf %add3A_594, %mul3A_596 : vector<16xf32>
        %max3A_598 = arith.maximumf %add3A_594, %mul3A_597 : vector<16xf32>
        %exp3A_599 = math.exp %max3A_598 : vector<16xf32>
        %max3A_600 = arith.constant 5.000000e-03 : f32
        %max3A_601 = vector.broadcast %max3A_600 : f32 to vector<16xf32>
        %max3A_602 = arith.maximumf %exp3A_599, %max3A_601 : vector<16xf32>
        %min3A_603 = arith.constant 1.000000e+01 : f32
        %min3A_604 = vector.broadcast %min3A_603 : f32 to vector<16xf32>
        %min3A_605 = arith.minimumf %max3A_602, %min3A_604 : vector<16xf32>
        %swap3A_606 = arith.constant 2 : i32
        %swap3A_607 = arith.index_cast %swap3A_606 : i32 to index
        %swap3A_608 = arith.constant 32 : index
        %swap3A_609 = tpu.vector_load %arg13[%swap3A_607, %swap3A_608] {strides = array<i32>} : memref<3x80xf32, #tpu.memory_space<vmem>>, vector<16xf32>,
        tpu.vector_store %arg13[%swap3A_607, %swap3A_608], %min3A_605 {strides = array<i32>} : memref<3x80xf32, #tpu.memory_space<vmem>>, vector<16xf32>,
        %swap3A_610 = arith.constant 2 : i32
        %swap3A_611 = arith.index_cast %swap3A_610 : i32 to index
        %swap3A_612 = arith.constant 32 : index
        %swap3A_613 = tpu.vector_load %arg11[%swap3A_611, %swap3A_612] {strides = array<i32>} : memref<3x80xi32, #tpu.memory_space<vmem>>, vector<16xi32>,
        tpu.vector_store %arg11[%swap3A_611, %swap3A_612], %get3A_585 {strides = array<i32>} : memref<3x80xi32, #tpu.memory_space<vmem>>, vector<16xi32>,
        %get3A_614 = arith.constant 2 : i32
        %get3A_615 = arith.index_cast %get3A_614 : i32 to index
        %get3A_616 = arith.constant 48 : index
        %get3A_617 = tpu.vector_load %arg9[%get3A_615, %get3A_616] {strides = array<i32>} : memref<3x80xi32, #tpu.memory_space<vmem>>, vector<16xi32>,
        %get3A_618 = arith.constant 2 : i32
        %get3A_619 = arith.index_cast %get3A_618 : i32 to index
        %get3A_620 = arith.constant 48 : index
        %get3A_621 = tpu.vector_load %arg10[%get3A_619, %get3A_620] {strides = array<i32>} : memref<3x80xi32, #tpu.memory_space<vmem>>, vector<16xi32>,
        %gather3A_622 = tpu.vector_load_idx %arg8[%get3A_617] : memref<10000xi32, #tpu.memory_space<vmem>>[vector<16xi32>], vector<16xi32>,
        %gather3A_623 = tpu.vector_load_idx %arg8[%get3A_621] : memref<10000xi32, #tpu.memory_space<vmem>>[vector<16xi32>], vector<16xi32>,
        %bitcast3A_624 = vector.bitcast %gather3A_622 : vector<16xi32> to vector<32xbf16>
        %unpack3A_625 = tpu.unpack_subelements %bitcast3A_624, 0 {pack_format = #tpu.pack_format<interleaved>} : vector<32xbf16> -> vector<16xf32>
        %unpack3A_626 = tpu.unpack_subelements %bitcast3A_624, 1 {pack_format = #tpu.pack_format<interleaved>} : vector<32xbf16> -> vector<16xf32>
        %bitcast3A_627 = vector.bitcast %gather3A_623 : vector<16xi32> to vector<32xbf16>
        %unpack3A_628 = tpu.unpack_subelements %bitcast3A_627, 0 {pack_format = #tpu.pack_format<interleaved>} : vector<32xbf16> -> vector<16xf32>
        %unpack3A_629 = tpu.unpack_subelements %bitcast3A_627, 1 {pack_format = #tpu.pack_format<interleaved>} : vector<32xbf16> -> vector<16xf32>
        %add3A_630 = arith.addf %unpack3A_625, %unpack3A_629 : vector<16xf32>
        %mul3A_631 = arith.constant 2.000000e-01 : f32
        %mul3A_632 = vector.broadcast %mul3A_631 : f32 to vector<16xf32>
        %mul3A_633 = arith.mulf %add3A_630, %mul3A_632 : vector<16xf32>
        %max3A_634 = arith.maximumf %add3A_630, %mul3A_633 : vector<16xf32>
        %exp3A_635 = math.exp %max3A_634 : vector<16xf32>
        %max3A_636 = arith.constant 5.000000e-03 : f32
        %max3A_637 = vector.broadcast %max3A_636 : f32 to vector<16xf32>
        %max3A_638 = arith.maximumf %exp3A_635, %max3A_637 : vector<16xf32>
        %min3A_639 = arith.constant 1.000000e+01 : f32
        %min3A_640 = vector.broadcast %min3A_639 : f32 to vector<16xf32>
        %min3A_641 = arith.minimumf %max3A_638, %min3A_640 : vector<16xf32>
        %swap3A_642 = arith.constant 2 : i32
        %swap3A_643 = arith.index_cast %swap3A_642 : i32 to index
        %swap3A_644 = arith.constant 48 : index
        %swap3A_645 = tpu.vector_load %arg13[%swap3A_643, %swap3A_644] {strides = array<i32>} : memref<3x80xf32, #tpu.memory_space<vmem>>, vector<16xf32>,
        tpu.vector_store %arg13[%swap3A_643, %swap3A_644], %min3A_641 {strides = array<i32>} : memref<3x80xf32, #tpu.memory_space<vmem>>, vector<16xf32>,
        %swap3A_646 = arith.constant 2 : i32
        %swap3A_647 = arith.index_cast %swap3A_646 : i32 to index
        %swap3A_648 = arith.constant 48 : index
        %swap3A_649 = tpu.vector_load %arg11[%swap3A_647, %swap3A_648] {strides = array<i32>} : memref<3x80xi32, #tpu.memory_space<vmem>>, vector<16xi32>,
        tpu.vector_store %arg11[%swap3A_647, %swap3A_648], %get3A_621 {strides = array<i32>} : memref<3x80xi32, #tpu.memory_space<vmem>>, vector<16xi32>,
        %get3A_650 = arith.constant 2 : i32
        %get3A_651 = arith.index_cast %get3A_650 : i32 to index
        %get3A_652 = arith.constant 64 : index
        %get3A_653 = tpu.vector_load %arg9[%get3A_651, %get3A_652] {strides = array<i32>} : memref<3x80xi32, #tpu.memory_space<vmem>>, vector<16xi32>,
        %get3A_654 = arith.constant 2 : i32
        %get3A_655 = arith.index_cast %get3A_654 : i32 to index
        %get3A_656 = arith.constant 64 : index
        %get3A_657 = tpu.vector_load %arg10[%get3A_655, %get3A_656] {strides = array<i32>} : memref<3x80xi32, #tpu.memory_space<vmem>>, vector<16xi32>,
        %gather3A_658 = tpu.vector_load_idx %arg8[%get3A_653] : memref<10000xi32, #tpu.memory_space<vmem>>[vector<16xi32>], vector<16xi32>,
        %gather3A_659 = tpu.vector_load_idx %arg8[%get3A_657] : memref<10000xi32, #tpu.memory_space<vmem>>[vector<16xi32>], vector<16xi32>,
        %bitcast3A_660 = vector.bitcast %gather3A_658 : vector<16xi32> to vector<32xbf16>
        %unpack3A_661 = tpu.unpack_subelements %bitcast3A_660, 0 {pack_format = #tpu.pack_format<interleaved>} : vector<32xbf16> -> vector<16xf32>
        %unpack3A_662 = tpu.unpack_subelements %bitcast3A_660, 1 {pack_format = #tpu.pack_format<interleaved>} : vector<32xbf16> -> vector<16xf32>
        %bitcast3A_663 = vector.bitcast %gather3A_659 : vector<16xi32> to vector<32xbf16>
        %unpack3A_664 = tpu.unpack_subelements %bitcast3A_663, 0 {pack_format = #tpu.pack_format<interleaved>} : vector<32xbf16> -> vector<16xf32>
        %unpack3A_665 = tpu.unpack_subelements %bitcast3A_663, 1 {pack_format = #tpu.pack_format<interleaved>} : vector<32xbf16> -> vector<16xf32>
        %add3A_666 = arith.addf %unpack3A_661, %unpack3A_665 : vector<16xf32>
        %mul3A_667 = arith.constant 2.000000e-01 : f32
        %mul3A_668 = vector.broadcast %mul3A_667 : f32 to vector<16xf32>
        %mul3A_669 = arith.mulf %add3A_666, %mul3A_668 : vector<16xf32>
        %max3A_670 = arith.maximumf %add3A_666, %mul3A_669 : vector<16xf32>
        %exp3A_671 = math.exp %max3A_670 : vector<16xf32>
        %max3A_672 = arith.constant 5.000000e-03 : f32
        %max3A_673 = vector.broadcast %max3A_672 : f32 to vector<16xf32>
        %max3A_674 = arith.maximumf %exp3A_671, %max3A_673 : vector<16xf32>
        %min3A_675 = arith.constant 1.000000e+01 : f32
        %min3A_676 = vector.broadcast %min3A_675 : f32 to vector<16xf32>
        %min3A_677 = arith.minimumf %max3A_674, %min3A_676 : vector<16xf32>
        %swap3A_678 = arith.constant 2 : i32
        %swap3A_679 = arith.index_cast %swap3A_678 : i32 to index
        %swap3A_680 = arith.constant 64 : index
        %swap3A_681 = tpu.vector_load %arg13[%swap3A_679, %swap3A_680] {strides = array<i32>} : memref<3x80xf32, #tpu.memory_space<vmem>>, vector<16xf32>,
        tpu.vector_store %arg13[%swap3A_679, %swap3A_680], %min3A_677 {strides = array<i32>} : memref<3x80xf32, #tpu.memory_space<vmem>>, vector<16xf32>,
        %swap3A_682 = arith.constant 2 : i32
        %swap3A_683 = arith.index_cast %swap3A_682 : i32 to index
        %swap3A_684 = arith.constant 64 : index
        %swap3A_685 = tpu.vector_load %arg11[%swap3A_683, %swap3A_684] {strides = array<i32>} : memref<3x80xi32, #tpu.memory_space<vmem>>, vector<16xi32>,
        tpu.vector_store %arg11[%swap3A_683, %swap3A_684], %get3A_657 {strides = array<i32>} : memref<3x80xi32, #tpu.memory_space<vmem>>, vector<16xi32>,
        %dma_start3A_686 = arith.constant 2 : i32
        %dma_start3A_687 = arith.constant 2 : i32
        %dma_start3A_688 = arith.constant 0 : i32
        %dma_start3A_689 = tpu.memref_slice %arg13[%dma_start3A_686, %dma_start3A_688] : memref<3x80xf32, #tpu.memory_space<vmem>> -> memref<1x80xf32, #tpu.memory_space<vmem>>
        %dma_start3A_690 = tpu.memref_squeeze %dma_start3A_689 : memref<1x80xf32, #tpu.memory_space<vmem>> -> memref<80xf32, #tpu.memory_space<vmem>>
        %dma_start3A_691 = arith.constant 0 : i32
        %dma_start3A_692 = tpu.memref_slice %arg11[%dma_start3A_687, %dma_start3A_691] : memref<3x80xi32, #tpu.memory_space<vmem>> -> memref<1x80xi32, #tpu.memory_space<vmem>>
        %dma_start3A_693 = tpu.memref_squeeze %dma_start3A_692 : memref<1x80xi32, #tpu.memory_space<vmem>> -> memref<80xi32, #tpu.memory_space<vmem>>
        %dma_start3A_694 = arith.constant 0 : i32
        %dma_start3A_695 = tpu.memref_slice %arg17[%dma_start3A_694] : memref<10000xf32, #tpu.memory_space<vmem_shared>> -> memref<10000xf32, #tpu.memory_space<vmem_shared>>
        tpu.enqueue_indirect_dma source(%dma_start3A_690 : memref<80xf32, #tpu.memory_space<vmem>>) target(%dma_start3A_695 : memref<10000xf32, #tpu.memory_space<vmem_shared>>) offsets(%dma_start3A_693 : memref<80xi32, #tpu.memory_space<vmem>>) semaphore(%arg29 : memref<!tpu.dma_semaphore, #tpu.memory_space<semaphore_mem>>) {add = true}
        %dma_wait3A_696 = arith.constant 2 : i32
        %dma_wait3A_697 = arith.constant 2 : i32
        %dma_wait3A_698 = arith.constant 0 : i32
        %dma_wait3A_699 = arith.constant 0 : i32
        %dma_wait3A_700 = tpu.memref_slice %arg12[%dma_wait3A_697, %dma_wait3A_698, %dma_wait3A_699] : memref<3x80x128xf32, #tpu.memory_space<vmem>> -> memref<1x80x128xf32, #tpu.memory_space<vmem>>
        %dma_wait3A_701 = tpu.memref_squeeze %dma_wait3A_700 : memref<1x80x128xf32, #tpu.memory_space<vmem>> -> memref<80x128xf32, #tpu.memory_space<vmem>>
        %dma_wait3A_702 = arith.constant 0 : i32
        %dma_wait3A_703 = tpu.memref_slice %arg9[%dma_wait3A_696, %dma_wait3A_702] : memref<3x80xi32, #tpu.memory_space<vmem>> -> memref<1x80xi32, #tpu.memory_space<vmem>>
        %dma_wait3A_704 = tpu.memref_squeeze %dma_wait3A_703 : memref<1x80xi32, #tpu.memory_space<vmem>> -> memref<80xi32, #tpu.memory_space<vmem>>
        %dma_wait3A_705 = arith.constant 0 : i32
        %dma_wait3A_706 = arith.constant 0 : i32
        %dma_wait3A_707 = tpu.memref_slice %arg2[%dma_wait3A_705, %dma_wait3A_706] : memref<10000x128xf32, #tpu.memory_space<hbm>> -> memref<10000x128xf32, #tpu.memory_space<hbm>>
        tpu.wait_indirect_dma semaphore(%arg23 : memref<!tpu.dma_semaphore, #tpu.memory_space<semaphore_mem>>) src(%dma_wait3A_707 : memref<10000x128xf32, #tpu.memory_space<hbm>>) dst(%dma_wait3A_701 : memref<80x128xf32, #tpu.memory_space<vmem>>)
        %scan3A_708 = arith.constant 0 : i32
        %scan3A_709 = arith.constant 80 : i32
        %scan3A_710 = arith.addi %scan3A_708, %scan3A_709 : i32
        %scan3A_711 = arith.constant 1 : i32
        scf.for %scan3A_731 = %scan3A_708 to %scan3A_710 step %scan3A_711  : i32 {
          %broadcast_in_dim3A = vector.broadcast %scan3A_731 : i32 to vector<16xi32>
          %gather3A_732 = arith.constant 2 : i32
          %gather3A_733 = arith.constant 0 : i32
          %gather3A_734 = tpu.memref_slice %arg13[%gather3A_732, %gather3A_733] : memref<3x80xf32, #tpu.memory_space<vmem>> -> memref<1x80xf32, #tpu.memory_space<vmem>>
          %gather3A_735 = tpu.memref_squeeze %gather3A_734 : memref<1x80xf32, #tpu.memory_space<vmem>> -> memref<80xf32, #tpu.memory_space<vmem>>
          %gather3A_736 = tpu.vector_load_idx %gather3A_735[%broadcast_in_dim3A] : memref<80xf32, #tpu.memory_space<vmem>>[vector<16xi32>], vector<16xf32>,
          %get3A_737 = arith.constant 2 : i32
          %get3A_738 = arith.index_cast %get3A_737 : i32 to index
          %get3A_739 = arith.index_cast %scan3A_731 : i32 to index
          %get3A_740 = arith.constant 0 : index
          %get3A_741 = tpu.vector_load %arg12[%get3A_738, %get3A_739, %get3A_740] {strides = array<i32>} : memref<3x80x128xf32, #tpu.memory_space<vmem>>, vector<16xf32>,
          %mul3A_742 = arith.mulf %get3A_741, %gather3A_736 : vector<16xf32>
          %swap3A_743 = arith.constant 2 : i32
          %swap3A_744 = arith.index_cast %swap3A_743 : i32 to index
          %swap3A_745 = arith.index_cast %scan3A_731 : i32 to index
          %swap3A_746 = arith.constant 0 : index
          %swap3A_747 = tpu.vector_load %arg12[%swap3A_744, %swap3A_745, %swap3A_746] {strides = array<i32>} : memref<3x80x128xf32, #tpu.memory_space<vmem>>, vector<16xf32>,
          tpu.vector_store %arg12[%swap3A_744, %swap3A_745, %swap3A_746], %mul3A_742 {strides = array<i32>} : memref<3x80x128xf32, #tpu.memory_space<vmem>>, vector<16xf32>,
          %get3A_748 = arith.constant 2 : i32
          %get3A_749 = arith.index_cast %get3A_748 : i32 to index
          %get3A_750 = arith.index_cast %scan3A_731 : i32 to index
          %get3A_751 = arith.constant 16 : index
          %get3A_752 = tpu.vector_load %arg12[%get3A_749, %get3A_750, %get3A_751] {strides = array<i32>} : memref<3x80x128xf32, #tpu.memory_space<vmem>>, vector<16xf32>,
          %mul3A_753 = arith.mulf %get3A_752, %gather3A_736 : vector<16xf32>
          %swap3A_754 = arith.constant 2 : i32
          %swap3A_755 = arith.index_cast %swap3A_754 : i32 to index
          %swap3A_756 = arith.index_cast %scan3A_731 : i32 to index
          %swap3A_757 = arith.constant 16 : index
          %swap3A_758 = tpu.vector_load %arg12[%swap3A_755, %swap3A_756, %swap3A_757] {strides = array<i32>} : memref<3x80x128xf32, #tpu.memory_space<vmem>>, vector<16xf32>,
          tpu.vector_store %arg12[%swap3A_755, %swap3A_756, %swap3A_757], %mul3A_753 {strides = array<i32>} : memref<3x80x128xf32, #tpu.memory_space<vmem>>, vector<16xf32>,
          %get3A_759 = arith.constant 2 : i32
          %get3A_760 = arith.index_cast %get3A_759 : i32 to index
          %get3A_761 = arith.index_cast %scan3A_731 : i32 to index
          %get3A_762 = arith.constant 32 : index
          %get3A_763 = tpu.vector_load %arg12[%get3A_760, %get3A_761, %get3A_762] {strides = array<i32>} : memref<3x80x128xf32, #tpu.memory_space<vmem>>, vector<16xf32>,
          %mul3A_764 = arith.mulf %get3A_763, %gather3A_736 : vector<16xf32>
          %swap3A_765 = arith.constant 2 : i32
          %swap3A_766 = arith.index_cast %swap3A_765 : i32 to index
          %swap3A_767 = arith.index_cast %scan3A_731 : i32 to index
          %swap3A_768 = arith.constant 32 : index
          %swap3A_769 = tpu.vector_load %arg12[%swap3A_766, %swap3A_767, %swap3A_768] {strides = array<i32>} : memref<3x80x128xf32, #tpu.memory_space<vmem>>, vector<16xf32>,
          tpu.vector_store %arg12[%swap3A_766, %swap3A_767, %swap3A_768], %mul3A_764 {strides = array<i32>} : memref<3x80x128xf32, #tpu.memory_space<vmem>>, vector<16xf32>,
          %get3A_770 = arith.constant 2 : i32
          %get3A_771 = arith.index_cast %get3A_770 : i32 to index
          %get3A_772 = arith.index_cast %scan3A_731 : i32 to index
          %get3A_773 = arith.constant 48 : index
          %get3A_774 = tpu.vector_load %arg12[%get3A_771, %get3A_772, %get3A_773] {strides = array<i32>} : memref<3x80x128xf32, #tpu.memory_space<vmem>>, vector<16xf32>,
          %mul3A_775 = arith.mulf %get3A_774, %gather3A_736 : vector<16xf32>
          %swap3A_776 = arith.constant 2 : i32
          %swap3A_777 = arith.index_cast %swap3A_776 : i32 to index
          %swap3A_778 = arith.index_cast %scan3A_731 : i32 to index
          %swap3A_779 = arith.constant 48 : index
          %swap3A_780 = tpu.vector_load %arg12[%swap3A_777, %swap3A_778, %swap3A_779] {strides = array<i32>} : memref<3x80x128xf32, #tpu.memory_space<vmem>>, vector<16xf32>,
          tpu.vector_store %arg12[%swap3A_777, %swap3A_778, %swap3A_779], %mul3A_775 {strides = array<i32>} : memref<3x80x128xf32, #tpu.memory_space<vmem>>, vector<16xf32>,
          %get3A_781 = arith.constant 2 : i32
          %get3A_782 = arith.index_cast %get3A_781 : i32 to index
          %get3A_783 = arith.index_cast %scan3A_731 : i32 to index
          %get3A_784 = arith.constant 64 : index
          %get3A_785 = tpu.vector_load %arg12[%get3A_782, %get3A_783, %get3A_784] {strides = array<i32>} : memref<3x80x128xf32, #tpu.memory_space<vmem>>, vector<16xf32>,
          %mul3A_786 = arith.mulf %get3A_785, %gather3A_736 : vector<16xf32>
          %swap3A_787 = arith.constant 2 : i32
          %swap3A_788 = arith.index_cast %swap3A_787 : i32 to index
          %swap3A_789 = arith.index_cast %scan3A_731 : i32 to index
          %swap3A_790 = arith.constant 64 : index
          %swap3A_791 = tpu.vector_load %arg12[%swap3A_788, %swap3A_789, %swap3A_790] {strides = array<i32>} : memref<3x80x128xf32, #tpu.memory_space<vmem>>, vector<16xf32>,
          tpu.vector_store %arg12[%swap3A_788, %swap3A_789, %swap3A_790], %mul3A_786 {strides = array<i32>} : memref<3x80x128xf32, #tpu.memory_space<vmem>>, vector<16xf32>,
          %get3A_792 = arith.constant 2 : i32
          %get3A_793 = arith.index_cast %get3A_792 : i32 to index
          %get3A_794 = arith.index_cast %scan3A_731 : i32 to index
          %get3A_795 = arith.constant 80 : index
          %get3A_796 = tpu.vector_load %arg12[%get3A_793, %get3A_794, %get3A_795] {strides = array<i32>} : memref<3x80x128xf32, #tpu.memory_space<vmem>>, vector<16xf32>,
          %mul3A_797 = arith.mulf %get3A_796, %gather3A_736 : vector<16xf32>
          %swap3A_798 = arith.constant 2 : i32
          %swap3A_799 = arith.index_cast %swap3A_798 : i32 to index
          %swap3A_800 = arith.index_cast %scan3A_731 : i32 to index
          %swap3A_801 = arith.constant 80 : index
          %swap3A_802 = tpu.vector_load %arg12[%swap3A_799, %swap3A_800, %swap3A_801] {strides = array<i32>} : memref<3x80x128xf32, #tpu.memory_space<vmem>>, vector<16xf32>,
          tpu.vector_store %arg12[%swap3A_799, %swap3A_800, %swap3A_801], %mul3A_797 {strides = array<i32>} : memref<3x80x128xf32, #tpu.memory_space<vmem>>, vector<16xf32>,
          %get3A_803 = arith.constant 2 : i32
          %get3A_804 = arith.index_cast %get3A_803 : i32 to index
          %get3A_805 = arith.index_cast %scan3A_731 : i32 to index
          %get3A_806 = arith.constant 96 : index
          %get3A_807 = tpu.vector_load %arg12[%get3A_804, %get3A_805, %get3A_806] {strides = array<i32>} : memref<3x80x128xf32, #tpu.memory_space<vmem>>, vector<16xf32>,
          %mul3A_808 = arith.mulf %get3A_807, %gather3A_736 : vector<16xf32>
          %swap3A_809 = arith.constant 2 : i32
          %swap3A_810 = arith.index_cast %swap3A_809 : i32 to index
          %swap3A_811 = arith.index_cast %scan3A_731 : i32 to index
          %swap3A_812 = arith.constant 96 : index
          %swap3A_813 = tpu.vector_load %arg12[%swap3A_810, %swap3A_811, %swap3A_812] {strides = array<i32>} : memref<3x80x128xf32, #tpu.memory_space<vmem>>, vector<16xf32>,
          tpu.vector_store %arg12[%swap3A_810, %swap3A_811, %swap3A_812], %mul3A_808 {strides = array<i32>} : memref<3x80x128xf32, #tpu.memory_space<vmem>>, vector<16xf32>,
          %get3A_814 = arith.constant 2 : i32
          %get3A_815 = arith.index_cast %get3A_814 : i32 to index
          %get3A_816 = arith.index_cast %scan3A_731 : i32 to index
          %get3A_817 = arith.constant 112 : index
          %get3A_818 = tpu.vector_load %arg12[%get3A_815, %get3A_816, %get3A_817] {strides = array<i32>} : memref<3x80x128xf32, #tpu.memory_space<vmem>>, vector<16xf32>,
          %mul3A_819 = arith.mulf %get3A_818, %gather3A_736 : vector<16xf32>
          %swap3A_820 = arith.constant 2 : i32
          %swap3A_821 = arith.index_cast %swap3A_820 : i32 to index
          %swap3A_822 = arith.index_cast %scan3A_731 : i32 to index
          %swap3A_823 = arith.constant 112 : index
          %swap3A_824 = tpu.vector_load %arg12[%swap3A_821, %swap3A_822, %swap3A_823] {strides = array<i32>} : memref<3x80x128xf32, #tpu.memory_space<vmem>>, vector<16xf32>,
          tpu.vector_store %arg12[%swap3A_821, %swap3A_822, %swap3A_823], %mul3A_819 {strides = array<i32>} : memref<3x80x128xf32, #tpu.memory_space<vmem>>, vector<16xf32>,
        }
        %scan3A_712 = arith.constant 80 : i32
        %dma_start3A_713 = arith.constant 2 : i32
        %dma_start3A_714 = arith.constant 2 : i32
        %dma_start3A_715 = arith.constant 0 : i32
        %dma_start3A_716 = arith.constant 0 : i32
        %dma_start3A_717 = tpu.memref_slice %arg12[%dma_start3A_713, %dma_start3A_715, %dma_start3A_716] : memref<3x80x128xf32, #tpu.memory_space<vmem>> -> memref<1x80x128xf32, #tpu.memory_space<vmem>>
        %dma_start3A_718 = tpu.memref_squeeze %dma_start3A_717 : memref<1x80x128xf32, #tpu.memory_space<vmem>> -> memref<80x128xf32, #tpu.memory_space<vmem>>
        %dma_start3A_719 = arith.constant 0 : i32
        %dma_start3A_720 = tpu.memref_slice %arg11[%dma_start3A_714, %dma_start3A_719] : memref<3x80xi32, #tpu.memory_space<vmem>> -> memref<1x80xi32, #tpu.memory_space<vmem>>
        %dma_start3A_721 = tpu.memref_squeeze %dma_start3A_720 : memref<1x80xi32, #tpu.memory_space<vmem>> -> memref<80xi32, #tpu.memory_space<vmem>>
        %dma_start3A_722 = arith.constant 0 : i32
        %dma_start3A_723 = arith.constant 0 : i32
        %dma_start3A_724 = tpu.memref_slice %arg16[%dma_start3A_722, %dma_start3A_723] : memref<10000x128xf32, #tpu.memory_space<vmem_shared>> -> memref<10000x128xf32, #tpu.memory_space<vmem_shared>>
        tpu.enqueue_indirect_dma source(%dma_start3A_718 : memref<80x128xf32, #tpu.memory_space<vmem>>) target(%dma_start3A_724 : memref<10000x128xf32, #tpu.memory_space<vmem_shared>>) offsets(%dma_start3A_721 : memref<80xi32, #tpu.memory_space<vmem>>) semaphore(%arg26 : memref<!tpu.dma_semaphore, #tpu.memory_space<semaphore_mem>>) {add = true}
        %add3A_725 = arith.constant 3 : i32
        %add3A_726 = arith.addi %add3A_494, %add3A_725 : i32
        %lt3A_727 = arith.cmpi slt, %add3A_726, %select_n3A_47 : i32
        %convert_element_type3A_728 = arith.extui %lt3A_727 : i1 to i32
        %cond3A_729 = arith.constant 0 : i32
        %cond3A_730 = arith.cmpi ne, %convert_element_type3A_728, %cond3A_729 : i32
        scf.if %cond3A_730 {
          %add3A_731 = arith.constant 3 : i32
          %add3A_732 = arith.addi %add3A_494, %add3A_731 : i32
          %mul3A_733 = arith.constant 32 : i32
          %mul3A_734 = arith.muli %mul3A_733, %add3A_732 : i32
          %add3A_735 = arith.addi %add3A, %mul3A_734 : i32
          %mul3A_736 = arith.constant 80 : i32
          %mul3A_737 = arith.muli %add3A_735, %mul3A_736 : i32
          %dma_start3A_738 = arith.constant 2 : i32
          %dma_start3A_739 = arith.constant 0 : i32
          %dma_start3A_740 = tpu.memref_slice %arg9[%dma_start3A_738, %dma_start3A_739] : memref<3x80xi32, #tpu.memory_space<vmem>> -> memref<1x80xi32, #tpu.memory_space<vmem>>
          %dma_start3A_741 = tpu.memref_squeeze %dma_start3A_740 : memref<1x80xi32, #tpu.memory_space<vmem>> -> memref<80xi32, #tpu.memory_space<vmem>>
          %dma_start3A_742 = tpu.memref_slice %arg4[%mul3A_737] : memref<320000xi32, #tpu.memory_space<hbm>> -> memref<80xi32, #tpu.memory_space<hbm>>
          %dma_start3A_743 = arith.constant 0 : i32
          %dma_start3A_744 = tpu.memref_slice %arg9[%dma_start3A_738, %dma_start3A_743] : memref<3x80xi32, #tpu.memory_space<vmem>> -> memref<1x80xi32, #tpu.memory_space<vmem>>
          %dma_start3A_745 = tpu.memref_squeeze %dma_start3A_744 : memref<1x80xi32, #tpu.memory_space<vmem>> -> memref<80xi32, #tpu.memory_space<vmem>>
          %dma_start3A_746 = tpu.memref_slice %arg4[%mul3A_737] : memref<320000xi32, #tpu.memory_space<hbm>> -> memref<80xi32, #tpu.memory_space<hbm>>
          tpu.enqueue_dma source(%dma_start3A_746 : memref<80xi32, #tpu.memory_space<hbm>>) target(%dma_start3A_745 : memref<80xi32, #tpu.memory_space<vmem>>) target_semaphore(%arg20 : memref<!tpu.dma_semaphore, #tpu.memory_space<semaphore_mem>>)
          %dma_start3A_747 = arith.constant 2 : i32
          %dma_start3A_748 = arith.constant 0 : i32
          %dma_start3A_749 = tpu.memref_slice %arg10[%dma_start3A_747, %dma_start3A_748] : memref<3x80xi32, #tpu.memory_space<vmem>> -> memref<1x80xi32, #tpu.memory_space<vmem>>
          %dma_start3A_750 = tpu.memref_squeeze %dma_start3A_749 : memref<1x80xi32, #tpu.memory_space<vmem>> -> memref<80xi32, #tpu.memory_space<vmem>>
          %dma_start3A_751 = tpu.memref_slice %arg5[%mul3A_737] : memref<320000xi32, #tpu.memory_space<hbm>> -> memref<80xi32, #tpu.memory_space<hbm>>
          %dma_start3A_752 = arith.constant 0 : i32
          %dma_start3A_753 = tpu.memref_slice %arg10[%dma_start3A_747, %dma_start3A_752] : memref<3x80xi32, #tpu.memory_space<vmem>> -> memref<1x80xi32, #tpu.memory_space<vmem>>
          %dma_start3A_754 = tpu.memref_squeeze %dma_start3A_753 : memref<1x80xi32, #tpu.memory_space<vmem>> -> memref<80xi32, #tpu.memory_space<vmem>>
          %dma_start3A_755 = tpu.memref_slice %arg5[%mul3A_737] : memref<320000xi32, #tpu.memory_space<hbm>> -> memref<80xi32, #tpu.memory_space<hbm>>
          tpu.enqueue_dma source(%dma_start3A_755 : memref<80xi32, #tpu.memory_space<hbm>>) target(%dma_start3A_754 : memref<80xi32, #tpu.memory_space<vmem>>) target_semaphore(%arg20 : memref<!tpu.dma_semaphore, #tpu.memory_space<semaphore_mem>>)
        } else {
        }
      } else {
      }
    }
    %dma_wait3A_181 = arith.constant 0 : i32
    %dma_wait3A_182 = arith.constant 0 : i32
    %dma_wait3A_183 = arith.constant 0 : i32
    %dma_wait3A_184 = arith.constant 0 : i32
    %dma_wait3A_185 = tpu.memref_slice %arg12[%dma_wait3A_181, %dma_wait3A_183, %dma_wait3A_184] : memref<3x80x128xf32, #tpu.memory_space<vmem>> -> memref<1x80x128xf32, #tpu.memory_space<vmem>>
    %dma_wait3A_186 = tpu.memref_squeeze %dma_wait3A_185 : memref<1x80x128xf32, #tpu.memory_space<vmem>> -> memref<80x128xf32, #tpu.memory_space<vmem>>
    %dma_wait3A_187 = arith.constant 0 : i32
    %dma_wait3A_188 = tpu.memref_slice %arg11[%dma_wait3A_182, %dma_wait3A_187] : memref<3x80xi32, #tpu.memory_space<vmem>> -> memref<1x80xi32, #tpu.memory_space<vmem>>
    %dma_wait3A_189 = tpu.memref_squeeze %dma_wait3A_188 : memref<1x80xi32, #tpu.memory_space<vmem>> -> memref<80xi32, #tpu.memory_space<vmem>>
    %dma_wait3A_190 = arith.constant 0 : i32
    %dma_wait3A_191 = arith.constant 0 : i32
    %dma_wait3A_192 = tpu.memref_slice %arg16[%dma_wait3A_190, %dma_wait3A_191] : memref<10000x128xf32, #tpu.memory_space<vmem_shared>> -> memref<10000x128xf32, #tpu.memory_space<vmem_shared>>
    tpu.wait_indirect_dma semaphore(%arg24 : memref<!tpu.dma_semaphore, #tpu.memory_space<semaphore_mem>>) src(%dma_wait3A_186 : memref<80x128xf32, #tpu.memory_space<vmem>>) dst(%dma_wait3A_192 : memref<10000x128xf32, #tpu.memory_space<vmem_shared>>)
    %dma_wait3A_193 = arith.constant 1 : i32
    %dma_wait3A_194 = arith.constant 1 : i32
    %dma_wait3A_195 = arith.constant 0 : i32
    %dma_wait3A_196 = arith.constant 0 : i32
    %dma_wait3A_197 = tpu.memref_slice %arg12[%dma_wait3A_193, %dma_wait3A_195, %dma_wait3A_196] : memref<3x80x128xf32, #tpu.memory_space<vmem>> -> memref<1x80x128xf32, #tpu.memory_space<vmem>>
    %dma_wait3A_198 = tpu.memref_squeeze %dma_wait3A_197 : memref<1x80x128xf32, #tpu.memory_space<vmem>> -> memref<80x128xf32, #tpu.memory_space<vmem>>
    %dma_wait3A_199 = arith.constant 0 : i32
    %dma_wait3A_200 = tpu.memref_slice %arg11[%dma_wait3A_194, %dma_wait3A_199] : memref<3x80xi32, #tpu.memory_space<vmem>> -> memref<1x80xi32, #tpu.memory_space<vmem>>
    %dma_wait3A_201 = tpu.memref_squeeze %dma_wait3A_200 : memref<1x80xi32, #tpu.memory_space<vmem>> -> memref<80xi32, #tpu.memory_space<vmem>>
    %dma_wait3A_202 = arith.constant 0 : i32
    %dma_wait3A_203 = arith.constant 0 : i32
    %dma_wait3A_204 = tpu.memref_slice %arg16[%dma_wait3A_202, %dma_wait3A_203] : memref<10000x128xf32, #tpu.memory_space<vmem_shared>> -> memref<10000x128xf32, #tpu.memory_space<vmem_shared>>
    tpu.wait_indirect_dma semaphore(%arg25 : memref<!tpu.dma_semaphore, #tpu.memory_space<semaphore_mem>>) src(%dma_wait3A_198 : memref<80x128xf32, #tpu.memory_space<vmem>>) dst(%dma_wait3A_204 : memref<10000x128xf32, #tpu.memory_space<vmem_shared>>)
    %dma_wait3A_205 = arith.constant 2 : i32
    %dma_wait3A_206 = arith.constant 2 : i32
    %dma_wait3A_207 = arith.constant 0 : i32
    %dma_wait3A_208 = arith.constant 0 : i32
    %dma_wait3A_209 = tpu.memref_slice %arg12[%dma_wait3A_205, %dma_wait3A_207, %dma_wait3A_208] : memref<3x80x128xf32, #tpu.memory_space<vmem>> -> memref<1x80x128xf32, #tpu.memory_space<vmem>>
    %dma_wait3A_210 = tpu.memref_squeeze %dma_wait3A_209 : memref<1x80x128xf32, #tpu.memory_space<vmem>> -> memref<80x128xf32, #tpu.memory_space<vmem>>
    %dma_wait3A_211 = arith.constant 0 : i32
    %dma_wait3A_212 = tpu.memref_slice %arg11[%dma_wait3A_206, %dma_wait3A_211] : memref<3x80xi32, #tpu.memory_space<vmem>> -> memref<1x80xi32, #tpu.memory_space<vmem>>
    %dma_wait3A_213 = tpu.memref_squeeze %dma_wait3A_212 : memref<1x80xi32, #tpu.memory_space<vmem>> -> memref<80xi32, #tpu.memory_space<vmem>>
    %dma_wait3A_214 = arith.constant 0 : i32
    %dma_wait3A_215 = arith.constant 0 : i32
    %dma_wait3A_216 = tpu.memref_slice %arg16[%dma_wait3A_214, %dma_wait3A_215] : memref<10000x128xf32, #tpu.memory_space<vmem_shared>> -> memref<10000x128xf32, #tpu.memory_space<vmem_shared>>
    tpu.wait_indirect_dma semaphore(%arg26 : memref<!tpu.dma_semaphore, #tpu.memory_space<semaphore_mem>>) src(%dma_wait3A_210 : memref<80x128xf32, #tpu.memory_space<vmem>>) dst(%dma_wait3A_216 : memref<10000x128xf32, #tpu.memory_space<vmem_shared>>)
    %dma_wait3A_217 = arith.constant 0 : i32
    %dma_wait3A_218 = arith.constant 0 : i32
    %dma_wait3A_219 = arith.constant 0 : i32
    %dma_wait3A_220 = tpu.memref_slice %arg13[%dma_wait3A_217, %dma_wait3A_219] : memref<3x80xf32, #tpu.memory_space<vmem>> -> memref<1x80xf32, #tpu.memory_space<vmem>>
    %dma_wait3A_221 = tpu.memref_squeeze %dma_wait3A_220 : memref<1x80xf32, #tpu.memory_space<vmem>> -> memref<80xf32, #tpu.memory_space<vmem>>
    %dma_wait3A_222 = arith.constant 0 : i32
    %dma_wait3A_223 = tpu.memref_slice %arg11[%dma_wait3A_218, %dma_wait3A_222] : memref<3x80xi32, #tpu.memory_space<vmem>> -> memref<1x80xi32, #tpu.memory_space<vmem>>
    %dma_wait3A_224 = tpu.memref_squeeze %dma_wait3A_223 : memref<1x80xi32, #tpu.memory_space<vmem>> -> memref<80xi32, #tpu.memory_space<vmem>>
    %dma_wait3A_225 = arith.constant 0 : i32
    %dma_wait3A_226 = tpu.memref_slice %arg17[%dma_wait3A_225] : memref<10000xf32, #tpu.memory_space<vmem_shared>> -> memref<10000xf32, #tpu.memory_space<vmem_shared>>
    tpu.wait_indirect_dma semaphore(%arg27 : memref<!tpu.dma_semaphore, #tpu.memory_space<semaphore_mem>>) src(%dma_wait3A_221 : memref<80xf32, #tpu.memory_space<vmem>>) dst(%dma_wait3A_226 : memref<10000xf32, #tpu.memory_space<vmem_shared>>)
    %dma_wait3A_227 = arith.constant 1 : i32
    %dma_wait3A_228 = arith.constant 1 : i32
    %dma_wait3A_229 = arith.constant 0 : i32
    %dma_wait3A_230 = tpu.memref_slice %arg13[%dma_wait3A_227, %dma_wait3A_229] : memref<3x80xf32, #tpu.memory_space<vmem>> -> memref<1x80xf32, #tpu.memory_space<vmem>>
    %dma_wait3A_231 = tpu.memref_squeeze %dma_wait3A_230 : memref<1x80xf32, #tpu.memory_space<vmem>> -> memref<80xf32, #tpu.memory_space<vmem>>
    %dma_wait3A_232 = arith.constant 0 : i32
    %dma_wait3A_233 = tpu.memref_slice %arg11[%dma_wait3A_228, %dma_wait3A_232] : memref<3x80xi32, #tpu.memory_space<vmem>> -> memref<1x80xi32, #tpu.memory_space<vmem>>
    %dma_wait3A_234 = tpu.memref_squeeze %dma_wait3A_233 : memref<1x80xi32, #tpu.memory_space<vmem>> -> memref<80xi32, #tpu.memory_space<vmem>>
    %dma_wait3A_235 = arith.constant 0 : i32
    %dma_wait3A_236 = tpu.memref_slice %arg17[%dma_wait3A_235] : memref<10000xf32, #tpu.memory_space<vmem_shared>> -> memref<10000xf32, #tpu.memory_space<vmem_shared>>
    tpu.wait_indirect_dma semaphore(%arg28 : memref<!tpu.dma_semaphore, #tpu.memory_space<semaphore_mem>>) src(%dma_wait3A_231 : memref<80xf32, #tpu.memory_space<vmem>>) dst(%dma_wait3A_236 : memref<10000xf32, #tpu.memory_space<vmem_shared>>)
    %dma_wait3A_237 = arith.constant 2 : i32
    %dma_wait3A_238 = arith.constant 2 : i32
    %dma_wait3A_239 = arith.constant 0 : i32
    %dma_wait3A_240 = tpu.memref_slice %arg13[%dma_wait3A_237, %dma_wait3A_239] : memref<3x80xf32, #tpu.memory_space<vmem>> -> memref<1x80xf32, #tpu.memory_space<vmem>>
    %dma_wait3A_241 = tpu.memref_squeeze %dma_wait3A_240 : memref<1x80xf32, #tpu.memory_space<vmem>> -> memref<80xf32, #tpu.memory_space<vmem>>
    %dma_wait3A_242 = arith.constant 0 : i32
    %dma_wait3A_243 = tpu.memref_slice %arg11[%dma_wait3A_238, %dma_wait3A_242] : memref<3x80xi32, #tpu.memory_space<vmem>> -> memref<1x80xi32, #tpu.memory_space<vmem>>
    %dma_wait3A_244 = tpu.memref_squeeze %dma_wait3A_243 : memref<1x80xi32, #tpu.memory_space<vmem>> -> memref<80xi32, #tpu.memory_space<vmem>>
    %dma_wait3A_245 = arith.constant 0 : i32
    %dma_wait3A_246 = tpu.memref_slice %arg17[%dma_wait3A_245] : memref<10000xf32, #tpu.memory_space<vmem_shared>> -> memref<10000xf32, #tpu.memory_space<vmem_shared>>
    tpu.wait_indirect_dma semaphore(%arg29 : memref<!tpu.dma_semaphore, #tpu.memory_space<semaphore_mem>>) src(%dma_wait3A_241 : memref<80xf32, #tpu.memory_space<vmem>>) dst(%dma_wait3A_246 : memref<10000xf32, #tpu.memory_space<vmem_shared>>)
    %barrier3A_247 = arith.constant 0 : index
    tpu.barrier barrier_id(%barrier3A_247)
    %lt3A_248 = arith.constant 10 : i32
    %lt3A_249 = arith.cmpi slt, %arg1, %lt3A_248 : i32
    %convert_element_type3A = arith.extui %lt3A_249 : i1 to i32
    %cond3A = arith.constant 0 : i32
    %cond3A_250 = arith.cmpi ne, %convert_element_type3A, %cond3A : i32
    scf.if %cond3A_250 {
      %mul3A_251 = arith.constant 1000 : i32
      %mul3A_252 = arith.muli %arg1, %mul3A_251 : i32
      "tpu.region"() ({
        %run_scoped3A = tpu.sem_alloc : memref<!tpu.dma_semaphore, #tpu.memory_space<semaphore_mem>>
        %dma_start3A_256 = arith.constant 0 : i32
        %dma_start3A_257 = tpu.memref_slice %arg6[%arg0, %mul3A_252, %dma_start3A_256] : memref<2x10000x128xf32, #tpu.memory_space<hbm>> -> memref<1x1000x128xf32, #tpu.memory_space<hbm>>
        %dma_start3A_258 = tpu.memref_squeeze %dma_start3A_257 : memref<1x1000x128xf32, #tpu.memory_space<hbm>> -> memref<1000x128xf32, #tpu.memory_space<hbm>>
        %dma_start3A_259 = arith.constant 0 : i32
        %dma_start3A_260 = tpu.memref_slice %arg16[%mul3A_252, %dma_start3A_259] : memref<10000x128xf32, #tpu.memory_space<vmem_shared>> -> memref<1000x128xf32, #tpu.memory_space<vmem_shared>>
        tpu.enqueue_dma source(%dma_start3A_260 : memref<1000x128xf32, #tpu.memory_space<vmem_shared>>) target(%dma_start3A_258 : memref<1000x128xf32, #tpu.memory_space<hbm>>) target_semaphore(%run_scoped3A : memref<!tpu.dma_semaphore, #tpu.memory_space<semaphore_mem>>)
        %dma_wait3A_261 = arith.constant 0 : i32
        %dma_wait3A_262 = tpu.memref_slice %arg6[%arg0, %mul3A_252, %dma_wait3A_261] : memref<2x10000x128xf32, #tpu.memory_space<hbm>> -> memref<1x1000x128xf32, #tpu.memory_space<hbm>>
        %dma_wait3A_263 = tpu.memref_squeeze %dma_wait3A_262 : memref<1x1000x128xf32, #tpu.memory_space<hbm>> -> memref<1000x128xf32, #tpu.memory_space<hbm>>
        %dma_wait3A_264 = arith.constant 0 : i32
        %dma_wait3A_265 = tpu.memref_slice %arg16[%mul3A_252, %dma_wait3A_264] : memref<10000x128xf32, #tpu.memory_space<vmem_shared>> -> memref<1000x128xf32, #tpu.memory_space<vmem_shared>>
        tpu.wait_dma2 semaphore(%run_scoped3A : memref<!tpu.dma_semaphore, #tpu.memory_space<semaphore_mem>>) src(%dma_wait3A_265 : memref<1000x128xf32, #tpu.memory_space<vmem_shared>>) dst(%dma_wait3A_263 : memref<1000x128xf32, #tpu.memory_space<hbm>>)
        tpu.yield
      }) : () -> ()
      "tpu.region"() ({
        %run_scoped3A = tpu.sem_alloc : memref<!tpu.dma_semaphore, #tpu.memory_space<semaphore_mem>>
        %dma_start3A_256 = tpu.memref_slice %arg17[%mul3A_252] : memref<10000xf32, #tpu.memory_space<vmem_shared>> -> memref<1000xf32, #tpu.memory_space<vmem_shared>>
        %dma_start3A_257 = tpu.memref_slice %arg17[%mul3A_252] : memref<10000xf32, #tpu.memory_space<vmem_shared>> -> memref<1000xf32, #tpu.memory_space<vmem_shared>>
        tpu.enqueue_dma source(%dma_start3A_257 : memref<1000xf32, #tpu.memory_space<vmem_shared>>) target(%arg15 : memref<1000xf32, #tpu.memory_space<vmem>>) target_semaphore(%run_scoped3A : memref<!tpu.dma_semaphore, #tpu.memory_space<semaphore_mem>>)
        %dma_wait3A_258 = tpu.memref_slice %arg17[%mul3A_252] : memref<10000xf32, #tpu.memory_space<vmem_shared>> -> memref<1000xf32, #tpu.memory_space<vmem_shared>>
        %dma_wait3A_259 = tpu.memref_slice %arg17[%mul3A_252] : memref<10000xf32, #tpu.memory_space<vmem_shared>> -> memref<1000xf32, #tpu.memory_space<vmem_shared>>
        tpu.wait_dma2 semaphore(%run_scoped3A : memref<!tpu.dma_semaphore, #tpu.memory_space<semaphore_mem>>) src(%dma_wait3A_259 : memref<1000xf32, #tpu.memory_space<vmem_shared>>) dst(%arg15 : memref<1000xf32, #tpu.memory_space<vmem>>)
        tpu.yield
      }) : () -> ()
      %mul3A_253 = arith.constant 10000 : i32
      %mul3A_254 = arith.muli %arg0, %mul3A_253 : i32
      %add3A_255 = arith.addi %mul3A_254, %mul3A_252 : i32
      "tpu.region"() ({
        %run_scoped3A = tpu.sem_alloc : memref<!tpu.dma_semaphore, #tpu.memory_space<semaphore_mem>>
        %dma_start3A_256 = tpu.memref_slice %arg7[%add3A_255] : memref<20000xf32, #tpu.memory_space<hbm>> -> memref<1000xf32, #tpu.memory_space<hbm>>
        %dma_start3A_257 = tpu.memref_slice %arg7[%add3A_255] : memref<20000xf32, #tpu.memory_space<hbm>> -> memref<1000xf32, #tpu.memory_space<hbm>>
        tpu.enqueue_dma source(%arg15 : memref<1000xf32, #tpu.memory_space<vmem>>) target(%dma_start3A_257 : memref<1000xf32, #tpu.memory_space<hbm>>) target_semaphore(%run_scoped3A : memref<!tpu.dma_semaphore, #tpu.memory_space<semaphore_mem>>)
        %dma_wait3A_258 = tpu.memref_slice %arg7[%add3A_255] : memref<20000xf32, #tpu.memory_space<hbm>> -> memref<1000xf32, #tpu.memory_space<hbm>>
        %dma_wait3A_259 = tpu.memref_slice %arg7[%add3A_255] : memref<20000xf32, #tpu.memory_space<hbm>> -> memref<1000xf32, #tpu.memory_space<hbm>>
        tpu.wait_dma2 semaphore(%run_scoped3A : memref<!tpu.dma_semaphore, #tpu.memory_space<semaphore_mem>>) src(%arg15 : memref<1000xf32, #tpu.memory_space<vmem>>) dst(%dma_wait3A_259 : memref<1000xf32, #tpu.memory_space<hbm>>)
        tpu.yield
      }) : () -> ()
    } else {
    }
    return
  }
}

module attributes {stable_mosaic.version = 14 : i64} {
  func.func @_mm_body(%arg0: i32, %arg1: memref<1000x128xf32, #tpu.memory_space<vmem>>, %arg2: memref<128x128xf32, #tpu.memory_space<vmem>>, %arg3: memref<128x8xf32, #tpu.memory_space<vmem>>, %arg4: memref<1000x128xf32, #tpu.memory_space<vmem>>, %arg5: memref<1000x8xf32, #tpu.memory_space<vmem>>) attributes {dimension_semantics = [#tpu.dimension_semantics<arbitrary>], iteration_bounds = array<i64: 10>, scalar_prefetch = 0 : i64, scratch_operands = 0 : i64, tpu.core_type = #tpu.core_type<tc>, window_params = [{transform_indices = @transform_0, window_bounds = array<i64: 1000, 128>}, {pipeline_mode = #tpu.pipeline_mode<synchronous>, transform_indices = @transform_1, window_bounds = array<i64: 128, 128>}, {pipeline_mode = #tpu.pipeline_mode<synchronous>, transform_indices = @transform_2, window_bounds = array<i64: 128, 8>}, {transform_indices = @transform_3, window_bounds = array<i64: 1000, 128>}, {transform_indices = @transform_4, window_bounds = array<i64: 1000, 8>}]} {
    %get3A = arith.constant 0 : index
    %get3A_0 = arith.constant 0 : index
    %get3A_1 = vector.load %arg1[%get3A, %get3A_0] : memref<1000x128xf32, #tpu.memory_space<vmem>>, vector<1000x128xf32>
    %get3A_2 = arith.constant 0 : index
    %get3A_3 = arith.constant 0 : index
    %get3A_4 = vector.load %arg2[%get3A_2, %get3A_3] : memref<128x128xf32, #tpu.memory_space<vmem>>, vector<128x128xf32>
    %dot_general3A = arith.constant dense<0.000000e+00> : vector<1000x128xf32>
    %dot_general3A_5 = tpu.matmul %get3A_1, %get3A_4, %dot_general3A {dimension_numbers = #tpu.dot_dimension_numbers<[1], [1], [0], [0], [0, 0, 1, 0], [], []>, transpose_lhs_hint = false} : vector<1000x128xf32>, vector<128x128xf32>, vector<1000x128xf32> -> vector<1000x128xf32>
    %swap3A = arith.constant 0 : index
    %swap3A_6 = arith.constant 0 : index
    %swap3A_7 = vector.load %arg4[%swap3A, %swap3A_6] : memref<1000x128xf32, #tpu.memory_space<vmem>>, vector<1000x128xf32>
    tpu.vector_store %arg4[%swap3A, %swap3A_6], %dot_general3A_5 {strides = array<i32>} : memref<1000x128xf32, #tpu.memory_space<vmem>>, vector<1000x128xf32>,
    %get3A_8 = arith.constant 0 : index
    %get3A_9 = arith.constant 0 : index
    %get3A_10 = vector.load %arg3[%get3A_8, %get3A_9] : memref<128x8xf32, #tpu.memory_space<vmem>>, vector<128x8xf32>
    %dot_general3A_11 = arith.constant dense<0.000000e+00> : vector<1000x8xf32>
    %dot_general3A_12 = tpu.matmul %dot_general3A_5, %get3A_10, %dot_general3A_11 {dimension_numbers = #tpu.dot_dimension_numbers<[1], [0], [0], [1], [0, 0, 1, 1], [], []>, transpose_lhs_hint = false} : vector<1000x128xf32>, vector<128x8xf32>, vector<1000x8xf32> -> vector<1000x8xf32>
    %swap3A_13 = arith.constant 0 : index
    %swap3A_14 = arith.constant 0 : index
    %swap3A_15 = vector.load %arg5[%swap3A_13, %swap3A_14] : memref<1000x8xf32, #tpu.memory_space<vmem>>, vector<1000x8xf32>
    tpu.vector_store %arg5[%swap3A_13, %swap3A_14], %dot_general3A_12 {strides = array<i32>} : memref<1000x8xf32, #tpu.memory_space<vmem>>, vector<1000x8xf32>,
    return
  }
  func.func @transform_0(%arg0: i32) -> (i32, i32) {
    %c0_i32 = arith.constant 0 : i32
    %c0_i32_0 = arith.constant 0 : i32
    return %arg0, %c0_i32 : i32, i32
  }
  func.func @transform_1(%arg0: i32) -> (i32, i32) {
    %c0_i32 = arith.constant 0 : i32
    %c0_i32_0 = arith.constant 0 : i32
    %c0_i32_1 = arith.constant 0 : i32
    return %c0_i32, %c0_i32_0 : i32, i32
  }
  func.func @transform_2(%arg0: i32) -> (i32, i32) {
    %c0_i32 = arith.constant 0 : i32
    %c0_i32_0 = arith.constant 0 : i32
    %c0_i32_1 = arith.constant 0 : i32
    return %c0_i32, %c0_i32_0 : i32, i32
  }
  func.func @transform_3(%arg0: i32) -> (i32, i32) {
    %c0_i32 = arith.constant 0 : i32
    %c0_i32_0 = arith.constant 0 : i32
    return %arg0, %c0_i32 : i32, i32
  }
  func.func @transform_4(%arg0: i32) -> (i32, i32) {
    %c0_i32 = arith.constant 0 : i32
    %c0_i32_0 = arith.constant 0 : i32
    return %arg0, %c0_i32 : i32, i32
  }
}

module attributes {stable_mosaic.version = 14 : i64} {
  func.func @_merge_body(%arg0: i32, %arg1: memref<2x1000x128xf32, #tpu.memory_space<vmem>>, %arg2: memref<1000x2xf32, #tpu.memory_space<vmem>>, %arg3: memref<1000x128xf32, #tpu.memory_space<vmem>>) attributes {dimension_semantics = [#tpu.dimension_semantics<arbitrary>], iteration_bounds = array<i64: 10>, scalar_prefetch = 0 : i64, scratch_operands = 0 : i64, tpu.core_type = #tpu.core_type<tc>, window_params = [{transform_indices = @transform_0, window_bounds = array<i64: 2, 1000, 128>}, {transform_indices = @transform_1, window_bounds = array<i64: 1000, 2>}, {transform_indices = @transform_2, window_bounds = array<i64: 1000, 128>}]} {
    %get3A = arith.constant 0 : index
    %get3A_0 = arith.constant 0 : index
    %get3A_1 = arith.constant 0 : index
    %get3A_2 = vector.load %arg1[%get3A, %get3A_0, %get3A_1] : memref<2x1000x128xf32, #tpu.memory_space<vmem>>, vector<1x1000x128xf32>
    %get3A_3 = vector.shape_cast %get3A_2 : vector<1x1000x128xf32> to vector<1000x128xf32>
    %get3A_4 = arith.constant 1 : index
    %get3A_5 = arith.constant 0 : index
    %get3A_6 = arith.constant 0 : index
    %get3A_7 = vector.load %arg1[%get3A_4, %get3A_5, %get3A_6] : memref<2x1000x128xf32, #tpu.memory_space<vmem>>, vector<1x1000x128xf32>
    %get3A_8 = vector.shape_cast %get3A_7 : vector<1x1000x128xf32> to vector<1000x128xf32>
    %add3A = arith.addf %get3A_3, %get3A_8 : vector<1000x128xf32>
    %get3A_9 = arith.constant 0 : index
    %get3A_10 = arith.constant 0 : index
    %get3A_11 = vector.load %arg2[%get3A_9, %get3A_10] : memref<1000x2xf32, #tpu.memory_space<vmem>>, vector<1000x1xf32>
    %get3A_12 = arith.constant 0 : index
    %get3A_13 = arith.constant 1 : index
    %get3A_14 = vector.load %arg2[%get3A_12, %get3A_13] : memref<1000x2xf32, #tpu.memory_space<vmem>>, vector<1000x1xf32>
    %add3A_15 = arith.addf %get3A_11, %get3A_14 : vector<1000x1xf32>
    %max3A = arith.constant 1.000000e-30 : f32
    %max3A_16 = vector.broadcast %max3A : f32 to vector<1000x1xf32>
    %max3A_17 = arith.maximumf %add3A_15, %max3A_16 : vector<1000x1xf32>
    %div3A = vector.broadcast %max3A_17 : vector<1000x1xf32> to vector<1000x128xf32>
    %div3A_18 = arith.divf %add3A, %div3A : vector<1000x128xf32>
    %swap3A = arith.constant 0 : index
    %swap3A_19 = arith.constant 0 : index
    %swap3A_20 = vector.load %arg3[%swap3A, %swap3A_19] : memref<1000x128xf32, #tpu.memory_space<vmem>>, vector<1000x128xf32>
    tpu.vector_store %arg3[%swap3A, %swap3A_19], %div3A_18 {strides = array<i32>} : memref<1000x128xf32, #tpu.memory_space<vmem>>, vector<1000x128xf32>,
    return
  }
  func.func @transform_0(%arg0: i32) -> (i32, i32, i32) {
    %c0_i32 = arith.constant 0 : i32
    %c0_i32_0 = arith.constant 0 : i32
    %c0_i32_1 = arith.constant 0 : i32
    return %c0_i32, %arg0, %c0_i32_0 : i32, i32, i32
  }
  func.func @transform_1(%arg0: i32) -> (i32, i32) {
    %c0_i32 = arith.constant 0 : i32
    %c0_i32_0 = arith.constant 0 : i32
    return %arg0, %c0_i32 : i32, i32
  }
  func.func @transform_2(%arg0: i32) -> (i32, i32) {
    %c0_i32 = arith.constant 0 : i32
    %c0_i32_0 = arith.constant 0 : i32
    return %arg0, %c0_i32 : i32, i32
  }
}

</mosaic_0001>

<sc_bundles>
// kernel: kernel.5.cloned.1.call-start
scs
__scs_entry_jumppad:
0x0: {  	(pc) =	sbr.rel $0x88, $3  }
0x1: {  	(tag) =	ssettag $0x0;
	lr =	simm.s32 $0x1  }
0x2: {  	[smem:$0x3F9D] =	sst lr;
	_ =	strace $0xD0000000  }
0x3: {  	_ = 	snop  }
0x4: {  	_ = 	snop  }
0x5: {  	_ = 	snop  }
0x6: {  	_ = 	snop  }
0x7: {  	_ = 	snop  }
__scs_overlays_trampoline_lowered:
0x8: {  	[smem:$0x3FAC] =	sst s0  }
0x9: {  	[smem:$0x3FAD] =	sst s1  }
0xa: {  	[smem:$0x3FAE] =	sst s2  }
0xb: {  	[smem:$0x3FAF] =	sst s3  }
0xc: {  	[smem:$0x3FB0] =	sst s4  }
0xd: {  	[smem:$0x3FB1] =	sst s5  }
0xe: {  	[smem:$0x3FB2] =	sst s6  }
0xf: {  	[smem:$0x3FB3] =	sst s7  }
0x10: {  	[smem:$0x3FB4] =	sst s8  }
0x11: {  	[smem:$0x3FB5] =	sst s9;
	s0 =	simm.s32 @!p0 $0x0  }
0x12: {  	s1 =	sld [smem:$0x3F9B];
	s0 =	simm.s32 @p0 $0x1  }
0x13: {  	[smem:$0x3FB6] =	sst s0;
	s0 =	simm.s32 @!p1 $0x0  }
0x14: {  	s2 =	sld [smem:$0x3F9A];
	s0 =	simm.s32 @p1 $0x1  }
0x15: {  	[smem:$0x3FB7] =	sst s0;
	s0 =	simm.s32 @!p2 $0x0  }
0x16: {  	s3 =	sld [smem:$0x3FDB];
	s0 =	simm.s32 @p2 $0x1  }
0x17: {  	s4 =	simm.s32 $0x1BF5;
	[smem:$0x3FB9] =	sst s0  }
0x18: {  	s0 =	sld [smem:$0x3F9C];
	_ =	swait.ge [sflag:s4], $0x0  }
0x19: {  	s7 =	sld [smem:$0x3F9D]  }
0x1a: {  	s8 =	sadd.s32 $0xFFFFE003, lr  }
0x1b: {  	s9 =	sadd.s32 $0xFFFFFEF7, lr;
	s5 =	simm.s32 $0xFFFFFFFF;
	p2 =	slt.u32 s8, $0xFFFFF086  }
0x1c: {  	p1 =	slt.u32 s9, $0xF7A;
	s5 =	simm.s32 @!p2 $0x0  }
0x1d: {  	s5 =	simm.s32 @p1 $0x1;
	p0 =	seq.s32 s7, s2  }
0x1e: {  	s7 =	smul.u32 @!p0 $0xF7A, s2;
	p2 =	seq.s32 @!p0 s5, $0x0  }
0x1f: {  	s9 =	smul.u32 $0xF7A, s1;
	s8 =	simm.s32 @!p0 $0x1BF5;
	p2 =	por !p2, p0  }
0x20: {  	[sflag:s8] =	ssyncset.s32 @!p0 $0xFFFFF086;
	s6 =	sadd.s32 @!p0 s3, s7;
	s7 =	simm.s32 @!p0 $0x108  }
0x21: {  	s3 =	sadd.s32 s3, s9;
	s6 =	sadd.s32 @!p0 $0x88, s6;
	s7 =	simm.s32 @p2 $0x1082  }
0x22: {  	[simem:s7], [sflag:s8] =	dma.local @!p0 [hbm:s6], $0xF7A  }
0x23: {  	s9 =	sor.u32 $0xD0000000, s2;
	s6 =	simm.s32 $0x108;
	_ =	swait.ge @!p0 [sflag:s8], $0x0  }
0x24: {  	s3 =	sadd.s32 $0x88, s3;
	s6 =	simm.s32 @!p1 $0x1082;
	[sflag:s4] =	ssyncset.s32 $0xFFFFF086  }
0x25: {  	[simem:s6], [sflag:s4] =	dma.local [hbm:s3], $0xF7A  }
0x26: {  	[smem:$0x3F9D] =	sst s1;
	(tag) =	ssettag s2;
	_ =	strace s9  }
0x27: {  	s1 =	sld [smem:$0x3FAD]  }
0x28: {  	s2 =	sld [smem:$0x3FAE]  }
0x29: {  	s4 =	sld [smem:$0x3FB0]  }
0x2a: {  	p0 =	seq.s32 s5, $0x0;
	s5 =	sld [smem:$0x3FB1]  }
0x2b: {  	s6 =	sld [smem:$0x3FB2]  }
0x2c: {  	s7 =	sld [smem:$0x3FB3]  }
0x2d: {  	s3 =	simm.s32 $0x108;
	s8 =	sld [smem:$0x3FB4]  }
0x2e: {  	s3 =	simm.s32 @!p0 $0x1082;
	s9 =	sld [smem:$0x3FB5]  }
0x2f: {  	lr =	sadd.s32 s0, s3;
	s0 =	sld [smem:$0x3FAC]  }
0x30: {  	s3 =	sld [smem:$0x3FAF]  }
0x31: {  	[smem:$0x3FB8] =	sst s10  }
0x32: {  	s10 =	sld [smem:$0x3FB6];
	_ =	sdelay $0x3  }
0x33: {  	p0 =	seq.s32 s10, $0x1;
	s10 =	sld [smem:$0x3FB8];
	_ =	sdelay $0x3  }
0x34: {  	[smem:$0x3FB8] =	sst s10  }
0x35: {  	s10 =	sld [smem:$0x3FB7];
	_ =	sdelay $0x3  }
0x36: {  	p1 =	seq.s32 s10, $0x1;
	s10 =	sld [smem:$0x3FB8];
	_ =	sdelay $0x3  }
0x37: {  	[smem:$0x3FB8] =	sst s10  }
0x38: {  	s10 =	sld [smem:$0x3FB9]  }
0x39: {  	_ = 	snop;
	(pc) =	sbr.ind lr, $3  }
0x3a: {  	_ = 	snop  }
0x3b: {  	_ = 	snop  }
0x3c: {  	p2 =	seq.s32 s10, $0x1;
	s10 =	sld [smem:$0x3FB8]  }
0x3d: {  	_ =	shalt  }
0x3e: {  	_ =	shalt  }
0x3f: {  	_ =	shalt  }
0x40: {  	_ =	shalt  }
0x41: {  	_ =	shalt  }
0x42: {  	_ =	shalt  }
0x43: {  	_ =	shalt  }
0x44: {  	_ =	shalt  }
0x45: {  	_ =	shalt  }
0x46: {  	_ =	shalt  }
0x47: {  	_ =	shalt  }
0x48: {  	_ =	shalt  }
0x49: {  	_ =	shalt  }
0x4a: {  	_ =	shalt  }
0x4b: {  	_ =	shalt  }
0x4c: {  	_ =	shalt  }
0x4d: {  	_ =	shalt  }
0x4e: {  	_ =	shalt  }
0x4f: {  	_ =	shalt  }
0x50: {  	_ =	shalt  }
0x51: {  	_ =	shalt  }
0x52: {  	_ =	shalt  }
0x53: {  	_ =	shalt  }
0x54: {  	_ =	shalt  }
0x55: {  	_ =	shalt  }
0x56: {  	_ =	shalt  }
0x57: {  	_ =	shalt  }
0x58: {  	_ =	shalt  }
0x59: {  	_ =	shalt  }
0x5a: {  	_ =	shalt  }
0x5b: {  	_ =	shalt  }
0x5c: {  	_ =	shalt  }
0x5d: {  	_ =	shalt  }
0x5e: {  	_ =	shalt  }
0x5f: {  	_ =	shalt  }
0x60: {  	_ =	shalt  }
0x61: {  	_ =	shalt  }
0x62: {  	_ =	shalt  }
0x63: {  	_ =	shalt  }
0x64: {  	_ =	shalt  }
0x65: {  	_ =	shalt  }
0x66: {  	_ =	shalt  }
0x67: {  	_ =	shalt  }
0x68: {  	_ =	shalt  }
0x69: {  	_ =	shalt  }
0x6a: {  	_ =	shalt  }
0x6b: {  	_ =	shalt  }
0x6c: {  	_ =	shalt  }
0x6d: {  	_ =	shalt  }
0x6e: {  	_ =	shalt  }
0x6f: {  	_ =	shalt  }
0x70: {  	_ =	shalt  }
0x71: {  	_ =	shalt  }
0x72: {  	_ =	shalt  }
0x73: {  	_ =	shalt  }
0x74: {  	_ =	shalt  }
0x75: {  	_ =	shalt  }
0x76: {  	_ =	shalt  }
0x77: {  	_ =	shalt  }
0x78: {  	_ =	shalt  }
0x79: {  	_ =	shalt  }
0x7a: {  	_ =	shalt  }
0x7b: {  	_ =	shalt  }
0x7c: {  	_ =	shalt  }
0x7d: {  	_ =	shalt  }
0x7e: {  	_ =	shalt  }
0x7f: {  	_ =	shalt  }
0x80: {  	_ =	shalt  }
0x81: {  	_ =	shalt  }
0x82: {  	_ =	shalt  }
0x83: {  	_ =	shalt  }
0x84: {  	_ =	shalt  }
0x85: {  	_ =	shalt  }
0x86: {  	_ =	shalt  }
0x87: {  	_ =	shalt  }
.Lfunc_end0:
.L_simem_size_0:
called_computation_lowered:
.L_overlay_start_0:
0x88: {  	s2 =	sld [smem:$0x3FD9]  }
0x89: {  	s3 =	sld [smem:$0x3FFE];
	_ =	sdelay $0x1  }
0x8a: {  	s1 =	srdreg.scid  }
0x8b: {  	s0 =	sand.u32 $0x1, s1  }
0x8c: {  	s17 =	sshll.u32 s0, $0xA;
	s2 =	sadd.s32 s3, s2  }
0x8d: {  	s2 =	sadd.s32 s2, s17  }
0x8e: {  	[smem:$0x3FC4] =	sst s2  }
0x8f: {  	_ = 	snop  }
0x90: {  	s2 =	sld [smem:$0x3FD0];
	(tm) =	ssettm $0x1  }
0x91: {  	s18 =	sld [smem:$0x3FFB];
	_ =	sdelay $0x3  }
0x92: {  	_ =	strace s18  }
0x93: {  	s3 =	sld [smem:$0x3FFC];
	_ =	sdelay $0x3  }
0x94: {  	_ =	strace s3  }
0x95: {  	s3 =	sld [smem:$0x3FFD];
	_ =	sdelay $0x3  }
0x96: {  	_ =	strace s3  }
0x97: {  	_ =	strace $0x8FFFFFFF  }
0x98: {  	s19 =	sld [smem:$0x3FDB];
	_ =	sdelay $0x1  }
0x99: {  	s4 =	simm.s32 $_scs_section_size  }
0x9a: {  	s5 =	simm.s32 $_size__tile_overlayer_lowered;
	s6 =	simm.s32 $_tile_overlayer_lowered  }
0x9b: {  	s22 =	simm.s32 $0x1BFF;
	s21 =	sshll.u32 s6, $0x1;
	s3 =	sadd.s32 s4, s19  }
0x9c: {  	s7 =	simm.s32 $0x0;
	s20 =	sshll.u32 s5, $0x1;
	s5 =	sadd.s32 s21, s3  }
0x9d: {  	[timem:s7], [sflag:s22] =	dma.local [hbm:s5], s20  }
0x9e: {  	_ =	swait.ge [sflag:s22], s20  }
0x9f: {  	s4 =	ssub.s32 $0x0, s20;
	[sflag:s22] =	ssyncset.done $0x0  }
0xa0: {  	[sflag:s22] =	ssyncadd.s32 s4;
	_ =	sdelay $0x1  }
0xa1: {  	s23 =	simm.s32 $0x1B8B  }
0xa2: {  	_ =	swait.ge [sflag:s23], $0x1  }
0xa3: {  	[sflag:s23] =	ssyncset.done $0x0  }
0xa4: {  	s25 =	simm.s32 $0x1B8E;
	s24 =	sld [smem:$0x3FFE];
	[sflag:s23] =	ssyncadd.s32 $0xFFFFFFFF  }
0xa5: {  	s26 =	simm.s32 $execute0_lowered;
	[smem:$0x3FD2] =	sst s25  }
0xa6: {  	s5 =	sshll.u32 s26, $0x1;
	_ =	strace $0x80000046;
	[dreg:$0x1] =	wrdreg $0xFFFFFFFF  }
0xa7: {  	s28 =	simm.s32 $_size_execute0_lowered;
	s3 =	sadd.s32 s3, s5;
	[dreg:$0x0] =	wrdreg $0x0  }
0xa8: {  	s5 =	sshll.u32 s28, $0x1;
	[dreg:$0x2] =	wrdreg s3  }
0xa9: {  	[dreg:$0x3] =	wrdreg s5  }
0xaa: {  	[dreg:$0x4] =	wrdreg $0xC0  }
0xab: {  	_ =	task [dreg:s7], $0x5FFFF  }
0xac: {  	[dreg:$0x1] =	wrdreg $0xFFFFFFFF  }
0xad: {  	[dreg:$0x0] =	wrdreg $0x60  }
0xae: {  	[dreg:$0x2] =	wrdreg s2  }
0xaf: {  	[dreg:$0x3] =	wrdreg s24  }
0xb0: {  	[dreg:$0x4] =	wrdreg $0xBF800  }
0xb1: {  	[dreg:$0x5] =	wrdreg $0x1F8000  }
0xb2: {  	[dreg:$0x6] =	wrdreg $0x9  }
0xb3: {  	_ =	task.clear_ibuf [dreg:s7], $0x7FFFF;
	_ =	strace $0x90000046  }
0xb4: {  	s29 =	simm.s32 $0x9;
	_ =	strace $0x80000048  }
0xb5: {  	_ =	swait.ge [sflag:s29], $0x1  }
0xb6: {  	[sflag:s29] =	ssyncadd.s32 $0xFFFFFFFF  }
0xb7: {  	_ =	strace $0x90000048  }
0xb8: {  	_ =	sfence  }
0xb9: {  	s30 =	sld [smem:$0x0];
	_ =	sdelay $0x2  }
0xba: {  	s31 =	sshll.u32 s1, $0xD;
	s1 =	sshrl.u32 s1, $0x2  }
0xbb: {  	s3 =	sand.u32 $0x4000, s31;
	s1 =	sadd.s32 s1, s30  }
0xbc: {  	s0 =	sor.u32 s3, s0;
	s1 =	sshll.u32 s1, $0x11  }
0xbd: {  	s0 =	sor.u32 s1, s0  }
0xbe: {  	s0 =	sadd.s32 $0x8F2B, s0  }
0xbf: {  	[sflag:s0] =	ssyncadd.remote.s32 $0x1  }
0xc0: {  	_ =	sfence.sel $0xFFFF  }
0xc1: {  	[dreg:$0x0] =	wrdreg $0xFFFFFFFF;
	(pc) =	sbr.abs _section_cstart, $3  }
0xc2: {  	[dreg:$0x1] =	wrdreg $0xFFFFFFFF  }
0xc3: {  	_ =	task.clear_ibuf [dreg:s7], $0x2FFFF;
	_ =	strace $0x9FFFFFFF  }
0xc4: {  	(tm) =	ssettm $0x7FFFFFFF  }
0xc5: {  	_ =	shalt  }
tec
execute0_lowered:
.L_overlay_start_1:
0x0: {  	(tag) =	ssettag $0x1  }
0x1: {  	s0 =	rddreg [dreg:$0x0]  }
0x2: {  	s1 =	rddreg [dreg:$0x1]  }
0x3: {  	s3 =	rddreg [dreg:$0x2];
	s2 =	srdreg.scid  }
0x4: {  	s4 =	rddreg [dreg:$0x3];
	s14 =	stileid.u32  }
0x5: {  	s7 =	simm.s32 $0x0;
	s18 =	simm.s32 $0x0;
	s28 =	simm.s32 $0x7  }
0x6: {  	s29 =	simm.s32 $0x8;
	s30 =	simm.s32 $0x4;
	s6 =	smul.u32 $0x1F400, s14  }
0x7: {  	s2 =	sand.u32 $0x1, s2;
	[smem:$0x7FF] =	sst s7;
	s9 =	smul.u32 $0x3E8, s14  }
0x8: {  	s24 =	sadd.s32 $0x14000, s1;
	s7 =	sadd.s32 $0xA200, s1;
	s20 =	smul.u32 $0x7D000, s14  }
0x9: {  	s8 =	sadd.s32 $0x400, s1;
	s26 =	sshll.u32 s14, $0x1;
	s23 =	smul.u32 $0x5000, s14  }
0xa: {  	s12 =	ssub.s32 $0x109, s14;
	p0 =	sgt.u32 s14, $0x9;
	s5 =	smul.u32 $0x138800, s2  }
0xb: {  	_ =	strace $0x80000047;
	[dreg:$0x5] =	wrdreg s24;
	s10 =	smul.u32 $0x2710, s2  }
0xc: {  	s17 =	sshrl.u32 s12, $0x4;
	s24 =	smul.u32 $0xA0, s14;
	s14 =	simm.s32 $0xA580  }
0xd: {  	s22 =	sshrl.u32 s20, $0x2;
	s20 =	simm.s32 $0x5;
	[dreg:$0x6] =	wrdreg s17  }
0xe: {  	s5 =	sadd.s32 s6, s5;
	s25 =	sadd.s32 s9, s10;
	s10 =	sor.u32 s2, s26  }
0xf: {  	s2 =	ssub.s32 $0x2, s2;
	s9 =	sadd.s32 s9, s4;
	s26 =	sshrl.u32 s23, $0x2  }
0x10: {  	s5 =	sshrl.u32 s5, $0x3;
	s6 =	sshrl.u32 s25, $0x3;
	s31 =	smul.u32 $0x50, s10  }
0x11: {  	s11 =	sshrl.u32 s2, $0x1;
	s13 =	smul.u32 $0xA, s10;
	s21 =	sor.u32 $0x80, s10  }
0x12: {  	[dreg:$0x10] =	wrdreg s9;
	s9 =	simm.s32 $0x0;
	s5 =	sadd.s32 s5, s1  }
0x13: {  	s1 =	sadd.s32 s6, s1;
	s2 =	ssub.s32 s2, s11;
	[dreg:$0xd] =	wrdreg s21  }
0x14: {  	s21 =	simm.s32 $0x6;
	s6 =	sshrl.u32 s31, $0x3;
	s12 =	sadd.s32 s7, s13  }
0x15: {  	s13 =	sadd.s32 s8, s13;
	s5 =	sadd.s32 $0x15000, s5;
	[dreg:$0x7] =	wrdreg s12  }
0x16: {  	s1 =	sadd.s32 $0x14600, s1;
	s25 =	smax.u32 s2, $0x1;
	[dreg:$0x8] =	wrdreg s13  }
0x17: {  	s31 =	sshrl.u32 s24, $0x2;
	s15 =	sadd.s32 $0x140, s6;
	[dreg:$0xf] =	wrdreg s5  }
0x18: {  	s6 =	sadd.s32 $0x280, s6;
	s5 =	sadd.s32 s22, s3;
	[dreg:$0x11] =	wrdreg s1  }
0x19: {  	[dreg:$0x12] =	wrdreg s25;
	s1 =	sadd.s32 s26, s3;
	s26 =	simm.s32 $0xA780  }
0x1a: {  	s12 =	simm.s32 $0x5580;
	s13 =	simm.s32 $0x2B80;
	s22 =	simm.s32 $0x2C80  }
0x1b: {  	s25 =	simm.s32 $0xA680;
	s16 =	sadd.s32 s7, s15;
	[dreg:$0x13] =	wrdreg s1  }
0x1c: {  	s11 =	sadd.s32 s8, s15;
	s19 =	sadd.s32 s7, s6;
	[dreg:$0x9] =	wrdreg s16  }
0x1d: {  	s6 =	sadd.s32 s8, s6;
	s1 =	sadd.s32 s31, s4;
	[dreg:$0xa] =	wrdreg s11  }
.Ltmp0:
0x1e: {  	s15 =	simm.s32 $0x2C00;
	[dreg:$0xb] =	wrdreg s19;
	(pc) =	sbr.rel .LBB2_1-.Ltmp0, $4  }
0x1f: {  	[dreg:$0xc] =	wrdreg s6;
	s16 =	sor.u32 $0x60, s10;
	s10 =	sor.u32 $0xA0, s10  }
0x20: {  	[dreg:$0x14] =	wrdreg s1;
	s1 =	sshrl.u32 @!p0 s5, $0x3;
	s6 =	simm.s32 $0x1  }
0x21: {  	s11 =	simm.s32 $0x2D80;
	s19 =	simm.s32 $0xA600;
	[dreg:$0xe] =	wrdreg s10  }
0x22: {  	v0 =	vimm.f32 $0.0e+00;
	[dreg:$0x15] =	wrdreg s1;
	s1 =	simm.s32 $0x2800;
	s10 =	simm.s32 $0x50  }
.LBB2_16:
0x23: {  	_ =	swait.ge [sflag:s28], $0x2800  }
0x24: {  	[sflag:s28] =	ssyncset.done $0x0  }
0x25: {  	[sflag:s28] =	ssyncadd.s32 $0xFFFFD800  }
0x26: {  	_ =	swait.ge [sflag:s29], $0x2800  }
0x27: {  	[sflag:s29] =	ssyncset.done $0x0  }
0x28: {  	s2 =	simm.s32 $0x9;
	[sflag:s29] =	ssyncadd.s32 $0xFFFFD800  }
0x29: {  	_ =	swait.ge [sflag:s2], $0x2800  }
0x2a: {  	[sflag:s2] =	ssyncset.done $0x0  }
0x2b: {  	s9 =	simm.s32 $0xA;
	[sflag:s2] =	ssyncadd.s32 $0xFFFFD800  }
0x2c: {  	_ =	swait.ge [sflag:s9], $0x50  }
0x2d: {  	[sflag:s9] =	ssyncset.done $0x0  }
0x2e: {  	s17 =	simm.s32 $0xB;
	[sflag:s9] =	ssyncadd.s32 $0xFFFFFFB0  }
0x2f: {  	_ =	swait.ge [sflag:s17], $0x50  }
0x30: {  	[sflag:s17] =	ssyncset.done $0x0  }
0x31: {  	s23 =	simm.s32 $0xC;
	[sflag:s17] =	ssyncadd.s32 $0xFFFFFFB0  }
0x32: {  	_ =	swait.ge [sflag:s23], $0x50  }
0x33: {  	[sflag:s23] =	ssyncset.done $0x0  }
0x34: {  	[sflag:s23] =	ssyncadd.s32 $0xFFFFFFB0  }
0x35: {  	s2 =	stileid.u32;
	[bflag:$0x0] =	sbarrier.arrive $0xFFFF  }
0x36: {  	s2 =	sshll.u32 @!p0 s2, $0x6;
	s5 =	rddreg [dreg:$0xf]  }
0x37: {  	s2 =	sor.u32 @!p0 $0x1C0D, s2;
	s9 =	rddreg [dreg:$0x15]  }
0x38: {  	[hbm:s5], [sflag:s2] =	dma.local @!p0 [spmem:s9], $0x3E80  }
0x39: {  	s2 =	simm.s32 @!p0 $0xD  }
0x3a: {  	_ =	swait.ge @!p0 [sflag:s2], $0x3E80  }
0x3b: {  	[sflag:s2] =	ssyncset.done @!p0 $0x0  }
0x3c: {  	s5 =	simm.s32 @!p0 $0xBB80;
	s9 =	rddreg [dreg:$0x10];
	[sflag:s2] =	ssyncadd.s32 @!p0 $0xFFFFC180  }
0x3d: {  	[tilespmem:s5], [sflag:$0xD] =	stream.linear.gather @!p0 [spmem:s9], $0x3E8, $0x38;
	[tilespmem:$0x1FA78] =	vst v63  }
0x3e: {  	_ =	swait.ge @!p0 [sflag:s2], $0x3E8  }
0x3f: {  	[sflag:s2] =	ssyncset.done @!p0 $0x0  }
0x40: {  	s9 =	simm.s32 @!p0 $0x0;
	s17 =	rddreg [dreg:$0x11];
	[sflag:s2] =	ssyncadd.s32 @!p0 $0xFFFFFC18  }
0x41: {  	[hbm4b:s17+s9] =	stream.linear.scatter @!p0 [tilespmem:s5], [sflag:$0xD], $0x3E8, $0x38;
	[tilespmem:$0x1FA78] =	vst v63  }
0x42: {  	_ =	swait.ge @!p0 [sflag:s2], $0x3E8  }
0x43: {  	s24 =	rddreg [dreg:$0x16]  }
0x44: {  	s31 =	rddreg [dreg:$0x12];
	s9 =	sadd.s32 $0x1, s24  }
0x45: {  	p1 =	sne.s32 s9, s31  }
.Ltmp1:
0x46: {  	_ = 	snop;
	(pc) =	sbr.rel @!p1 .LBB2_17-.Ltmp1, $3  }
0x47: {  	_ =	sdelay $0x1  }
0x48: {  	[sflag:s2] =	ssyncset.done @!p0 $0x0  }
0x49: {  	s17 =	rddreg [dreg:$0x6];
	[sflag:s2] =	ssyncadd.s32 @!p0 $0xFFFFFC18  }
.LBB2_1:
0x4a: {  	s2 =	rddreg [dreg:$0x5]  }
0x4b: {  	[tilespmem:s18], [sflag:$0x4] =	stream.linear.gather [hbm4b:s2+s18], $0x2780, $0x38;
	[tilespmem:$0x1FA78] =	vst v63  }
0x4c: {  	[dreg:$0x16] =	wrdreg s9;
	s5 =	simm.s32 $0x200;
	s2 =	simm.s32 $0x0  }
.LBB2_2:
0x4d: {  	p1 =	sne.s32 s5, $0x4E00;
	[tilespmem:s2+$0xA7F0] =	vst v0  }
0x4e: {  	[tilespmem:s2+$0xA780] =	vst v0  }
0x4f: {  	[tilespmem:s2+$0xA790] =	vst v0  }
.Ltmp2:
0x50: {  	[tilespmem:s2+$0xA7A0] =	vst v0;
	(pc) =	sbr.rel @p1 .LBB2_2-.Ltmp2, $4  }
0x51: {  	[tilespmem:s2+$0xA7B0] =	vst v0  }
0x52: {  	[tilespmem:s2+$0xA7C0] =	vst v0  }
0x53: {  	[tilespmem:s2+$0xA7D0] =	vst v0  }
0x54: {  	[tilespmem:s2+$0xA7E0] =	vst v0;
	s2 =	sshra.s32 s5, $0x2;
	s5 =	sadd.s32 $0x200, s5  }
0x55: {  	[tilespmem:s2+$0xA7F0] =	vst v0  }
0x56: {  	[tilespmem:s2+$0xA780] =	vst v0  }
0x57: {  	[tilespmem:s2+$0xA790] =	vst v0  }
0x58: {  	[tilespmem:s2+$0xA7A0] =	vst v0  }
0x59: {  	[tilespmem:s2+$0xA7B0] =	vst v0  }
0x5a: {  	[tilespmem:s2+$0xA7C0] =	vst v0;
	p1 =	sne.s32 s17, $0x1  }
.Ltmp3:
0x5b: {  	[tilespmem:s2+$0xA7D0] =	vst v0;
	(pc) =	sbr.rel @!p1 .LBB2_5-.Ltmp3, $4  }
0x5c: {  	[tilespmem:s2+$0xA7E0] =	vst v0;
	s5 =	rddreg [dreg:$0x13]  }
0x5d: {  	[spmem:s5] =	stream.linear.scatter [tilespmem:s26], [sflag:$0x7], $0x1400, $0x38;
	[tilespmem:$0x1FA78] =	vst v63  }
0x5e: {  	s9 =	rddreg [dreg:$0x14];
	s2 =	sadd.s32 $0xFFFFFFFF, s17;
	s5 =	sadd.s32 $0x14000, s5  }
0x5f: {  	[spmem:s9] =	stream.linear.scatter [tilespmem:s26], [sflag:$0x8], $0x28, $0x38;
	[tilespmem:$0x1FA78] =	vst v63  }
.LBB2_4:
0x60: {  	[spmem:s5] =	stream.linear.scatter [tilespmem:s26], [sflag:$0x7], $0x1400, $0x38;
	[tilespmem:$0x1FA78] =	vst v63  }
0x61: {  	p2 =	sne.s32 s2, $0x1  }
.Ltmp4:
0x62: {  	s2 =	sadd.s32 $0xFFFFFFFF, s2;
	(pc) =	sbr.rel @p2 .LBB2_4-.Ltmp4, $4  }
0x63: {  	s9 =	sadd.s32 $0x280, s9  }
0x64: {  	[spmem:s9] =	stream.linear.scatter [tilespmem:s26], [sflag:$0x8], $0x28, $0x38;
	[tilespmem:$0x1FA78] =	vst v63  }
0x65: {  	_ = 	snop  }
0x66: {  	s5 =	sadd.s32 $0x14000, s5  }
.LBB2_5:
.Ltmp5:
0x67: {  	_ =	swait.ge [sflag:s28], $0x1400;
	(pc) =	sbr.rel @!p1 .LBB2_7-.Ltmp5, $4  }
0x68: {  	[sflag:s28] =	ssyncset.done $0x0  }
0x69: {  	[sflag:s28] =	ssyncadd.s32 $0xFFFFEC00  }
0x6a: {  	_ =	swait.ge [sflag:s29], $0x28  }
0x6b: {  	s2 =	sadd.s32 $0xFFFFFFFF, s17;
	[sflag:s29] =	ssyncset.done $0x0  }
.LBB2_6:
0x6c: {  	p1 =	sne.s32 s2, $0x1;
	s2 =	sadd.s32 $0xFFFFFFFF, s2;
	[sflag:s29] =	ssyncadd.s32 $0xFFFFFFD8  }
.Ltmp6:
0x6d: {  	_ =	swait.ge [sflag:s28], $0x1400;
	(pc) =	sbr.rel @p1 .LBB2_6-.Ltmp6, $4  }
0x6e: {  	[sflag:s28] =	ssyncset.done $0x0  }
0x6f: {  	[sflag:s28] =	ssyncadd.s32 $0xFFFFEC00  }
0x70: {  	_ =	swait.ge [sflag:s29], $0x28  }
0x71: {  	[sflag:s29] =	ssyncset.done $0x0  }
.LBB2_7:
0x72: {  	[sflag:s29] =	ssyncadd.s32 $0xFFFFFFD8  }
0x73: {  	_ =	swait.ge [sflag:s30], $0x2780  }
0x74: {  	[sflag:s30] =	ssyncset.done $0x0  }
0x75: {  	[sflag:s30] =	ssyncadd.s32 $0xFFFFD880  }
0x76: {  	[bflag:$0x0] =	sbarrier.arrive $0xFFFF  }
0x77: {  	s9 =	simm.s32 $0x0;
	s5 =	simm.s32 $0x2780;
	s2 =	rddreg [dreg:$0x7]  }
0x78: {  	[tilespmem:s5], [sflag:$0x1] =	stream.linear.gather [hbm4b:s2+s9], $0x50, $0x38;
	[tilespmem:$0x1FA78] =	vst v63  }
0x79: {  	s17 =	simm.s32 $0x2980;
	s31 =	rddreg [dreg:$0x8]  }
0x7a: {  	[tilespmem:s17], [sflag:$0x1] =	stream.linear.gather [hbm4b:s31+s9], $0x50, $0x38;
	[tilespmem:$0x1FA78] =	vst v63  }
0x7b: {  	s23 =	rddreg [dreg:$0x9]  }
0x7c: {  	[tilespmem:s1], [sflag:$0x2] =	stream.linear.gather [hbm4b:s23+s9], $0x50, $0x38;
	[tilespmem:$0x1FA78] =	vst v63  }
0x7d: {  	s24 =	rddreg [dreg:$0xa];
	s31 =	simm.s32 $0x2A00  }
0x7e: {  	[tilespmem:s31], [sflag:$0x2] =	stream.linear.gather [hbm4b:s24+s9], $0x50, $0x38;
	[tilespmem:$0x1FA78] =	vst v63  }
0x7f: {  	s17 =	rddreg [dreg:$0xb];
	s23 =	simm.s32 $0x2880  }
0x80: {  	[tilespmem:s23], [sflag:$0x3] =	stream.linear.gather [hbm4b:s17+s9], $0x50, $0x38;
	[tilespmem:$0x1FA78] =	vst v63  }
0x81: {  	s24 =	rddreg [dreg:$0xc];
	s31 =	simm.s32 $0x2A80  }
0x82: {  	[tilespmem:s31], [sflag:$0x3] =	stream.linear.gather [hbm4b:s24+s9], $0x50, $0x38;
	[tilespmem:$0x1FA78] =	vst v63  }
0x83: {  	_ =	swait.ge [sflag:s6], $0x50  }
0x84: {  	[sflag:s6] =	ssyncset.done $0x0  }
0x85: {  	[sflag:s6] =	ssyncadd.s32 $0xFFFFFFB0  }
0x86: {  	_ =	swait.ge [sflag:s6], $0x50  }
0x87: {  	[sflag:s6] =	ssyncset.done $0x0  }
0x88: {  	s24 =	simm.s32 $0x0;
	[sflag:s6] =	ssyncadd.s32 $0xFFFFFFB0  }
0x89: {  	[tilespmem:s11], [sflag:$0x4] =	stream.indirect.gather [hbm4b:s0+s10], $0x80, s5, s10, $0xb8;
	[tilespmem:$0x1FA78] =	vst v63  }
.LBB2_8:
0x8a: {  	p1 =	seq.s32 s24, $0x0  }
0x8b: {  	s2 =	simm.s32 @p1 $0x2  }
0x8c: {  	_ =	swait.ge @p1 [sflag:s2], $0x50  }
0x8d: {  	[sflag:s2] =	ssyncset.done @p1 $0x0  }
0x8e: {  	[sflag:s2] =	ssyncadd.s32 @p1 $0xFFFFFFB0  }
0x8f: {  	_ =	swait.ge @p1 [sflag:s2], $0x50  }
0x90: {  	[sflag:s2] =	ssyncset.done @p1 $0x0  }
0x91: {  	[sflag:s2] =	ssyncadd.s32 @p1 $0xFFFFFFB0;
	s2 =	simm.s32 @!p1 $0xA  }
0x92: {  	_ =	swait.ge @!p1 [sflag:s2], $0x50  }
0x93: {  	[sflag:s2] =	ssyncset.done @!p1 $0x0  }
0x94: {  	[sflag:s2] =	ssyncadd.s32 @!p1 $0xFFFFFFB0;
	s2 =	simm.s32 @!p1 $0x2  }
0x95: {  	_ =	swait.ge @!p1 [sflag:s2], $0x50  }
0x96: {  	[sflag:s2] =	ssyncset.done @!p1 $0x0  }
0x97: {  	[sflag:s2] =	ssyncadd.s32 @!p1 $0xFFFFFFB0  }
0x98: {  	_ =	swait.ge @!p1 [sflag:s2], $0x50  }
0x99: {  	[sflag:s2] =	ssyncset.done @!p1 $0x0  }
0x9a: {  	[sflag:s2] =	ssyncadd.s32 @!p1 $0xFFFFFFB0;
	s2 =	simm.s32 @!p1 $0x8  }
0x9b: {  	_ =	swait.ge @!p1 [sflag:s2], $0x2800  }
0x9c: {  	[sflag:s2] =	ssyncset.done @!p1 $0x0  }
0x9d: {  	[sflag:s2] =	ssyncadd.s32 @!p1 $0xFFFFD800  }
0x9e: {  	[tilespmem:s12], [sflag:$0x5] =	stream.indirect.gather [hbm4b:s0+s10], $0x80, s1, s10, $0xb8;
	[tilespmem:$0x1FA78] =	vst v63  }
0x9f: {  	v1 =	vld [tilespmem:$0x2780]  }
0xa0: {  	v2 =	vld [tilespmem:$0x2980];
	_ =	sdelay $0x6  }
0xa1: {  	v1 =	vld.idx.msk [tilespmem:v1+s9+$0x0], $0xffff  }
0xa2: {  	v3 =	vld.idx.msk [tilespmem:v2+s9+$0x0], $0xffff;
	_ =	sdelay $0x4  }
0xa3: {  	v1 =	vunpack.i.l.bf16.f32 v1;
	v3 =	vunpack.i.u.bf16.f32 v3  }
0xa4: {  	v1 =	vadd.f32 v3, v1;
	_ =	sdelay $0x1  }
0xa5: {  	v3 =	vmul.f32 $2.000000030e-01, v1;
	_ =	sdelay $0x1  }
0xa6: {  	v1 =	vmax.f32 v1, v3  }
0xa7: {  	v1 =	vmul.f32 $1.442695020e+00, v1;
	_ =	sdelay $0x1  }
0xa8: {  	(erf) = vpow2.f32 v1;
	_ =	sdelay $0x4  }
0xa9: {  	v1 =	vld [tilespmem:$0x2790]  }
0xaa: {  	v3 =	vld [tilespmem:$0x2990];
	_ =	sdelay $0x2  }
0xab: {  	v4 =	vpop (erf)  }
0xac: {  	v4 =	vmax.f32 v4, $4.999999890e-03  }
0xad: {  	[tilespmem:$0x2B80] =	vst v2;
	v4 =	vmin.f32 v4, $1.000000000e+01  }
0xae: {  	[tilespmem:$0xA580] =	vst v4  }
0xaf: {  	v1 =	vld.idx.msk [tilespmem:v1+s9+$0x0], $0xffff  }
0xb0: {  	v2 =	vld.idx.msk [tilespmem:v3+s9+$0x0], $0xffff;
	_ =	sdelay $0x4  }
0xb1: {  	v1 =	vunpack.i.l.bf16.f32 v1;
	v2 =	vunpack.i.u.bf16.f32 v2  }
0xb2: {  	v1 =	vadd.f32 v2, v1;
	_ =	sdelay $0x1  }
0xb3: {  	v2 =	vmul.f32 $2.000000030e-01, v1;
	_ =	sdelay $0x1  }
0xb4: {  	v1 =	vmax.f32 v1, v2  }
0xb5: {  	v1 =	vmul.f32 $1.442695020e+00, v1;
	_ =	sdelay $0x1  }
0xb6: {  	(erf) = vpow2.f32 v1;
	_ =	sdelay $0x4  }
0xb7: {  	v1 =	vld [tilespmem:$0x27A0]  }
0xb8: {  	v2 =	vld [tilespmem:$0x29A0];
	_ =	sdelay $0x2  }
0xb9: {  	v4 =	vpop (erf)  }
0xba: {  	v4 =	vmax.f32 v4, $4.999999890e-03  }
0xbb: {  	[tilespmem:$0x2B90] =	vst v3;
	v4 =	vmin.f32 v4, $1.000000000e+01  }
0xbc: {  	[tilespmem:$0xA590] =	vst v4  }
0xbd: {  	v1 =	vld.idx.msk [tilespmem:v1+s9+$0x0], $0xffff  }
0xbe: {  	v3 =	vld.idx.msk [tilespmem:v2+s9+$0x0], $0xffff;
	_ =	sdelay $0x4  }
0xbf: {  	v1 =	vunpack.i.l.bf16.f32 v1;
	v3 =	vunpack.i.u.bf16.f32 v3  }
0xc0: {  	v1 =	vadd.f32 v3, v1;
	_ =	sdelay $0x1  }
0xc1: {  	v3 =	vmul.f32 $2.000000030e-01, v1;
	_ =	sdelay $0x1  }
0xc2: {  	v1 =	vmax.f32 v1, v3  }
0xc3: {  	v1 =	vmul.f32 $1.442695020e+00, v1;
	_ =	sdelay $0x1  }
0xc4: {  	(erf) = vpow2.f32 v1;
	_ =	sdelay $0x4  }
0xc5: {  	v1 =	vld [tilespmem:$0x27B0]  }
0xc6: {  	v3 =	vld [tilespmem:$0x29B0];
	_ =	sdelay $0x2  }
0xc7: {  	v4 =	vpop (erf)  }
0xc8: {  	v4 =	vmax.f32 v4, $4.999999890e-03  }
0xc9: {  	[tilespmem:$0x2BA0] =	vst v2;
	v4 =	vmin.f32 v4, $1.000000000e+01  }
0xca: {  	[tilespmem:$0xA5A0] =	vst v4  }
0xcb: {  	v1 =	vld.idx.msk [tilespmem:v1+s9+$0x0], $0xffff  }
0xcc: {  	v2 =	vld.idx.msk [tilespmem:v3+s9+$0x0], $0xffff;
	_ =	sdelay $0x4  }
0xcd: {  	v1 =	vunpack.i.l.bf16.f32 v1;
	v2 =	vunpack.i.u.bf16.f32 v2  }
0xce: {  	v1 =	vadd.f32 v2, v1;
	_ =	sdelay $0x1  }
0xcf: {  	v2 =	vmul.f32 $2.000000030e-01, v1;
	_ =	sdelay $0x1  }
0xd0: {  	v1 =	vmax.f32 v1, v2  }
0xd1: {  	v1 =	vmul.f32 $1.442695020e+00, v1;
	_ =	sdelay $0x1  }
0xd2: {  	(erf) = vpow2.f32 v1;
	_ =	sdelay $0x4  }
0xd3: {  	v1 =	vld [tilespmem:$0x27C0]  }
0xd4: {  	v2 =	vld [tilespmem:$0x29C0];
	_ =	sdelay $0x2  }
0xd5: {  	v4 =	vpop (erf)  }
0xd6: {  	v4 =	vmax.f32 v4, $4.999999890e-03  }
0xd7: {  	[tilespmem:$0x2BB0] =	vst v3;
	v4 =	vmin.f32 v4, $1.000000000e+01  }
0xd8: {  	[tilespmem:$0xA5B0] =	vst v4  }
0xd9: {  	v1 =	vld.idx.msk [tilespmem:v1+s9+$0x0], $0xffff  }
0xda: {  	v3 =	vld.idx.msk [tilespmem:v2+s9+$0x0], $0xffff;
	_ =	sdelay $0x4  }
0xdb: {  	v1 =	vunpack.i.l.bf16.f32 v1;
	v3 =	vunpack.i.u.bf16.f32 v3  }
0xdc: {  	v1 =	vadd.f32 v3, v1;
	_ =	sdelay $0x1  }
0xdd: {  	v3 =	vmul.f32 $2.000000030e-01, v1;
	_ =	sdelay $0x1  }
0xde: {  	v1 =	vmax.f32 v1, v3  }
0xdf: {  	v1 =	vmul.f32 $1.442695020e+00, v1;
	_ =	sdelay $0x1  }
0xe0: {  	(erf) = vpow2.f32 v1;
	_ =	sdelay $0x8  }
0xe1: {  	v1 =	vpop (erf)  }
0xe2: {  	v1 =	vmax.f32 v1, $4.999999890e-03  }
0xe3: {  	[tilespmem:$0x2BC0] =	vst v2;
	v1 =	vmin.f32 v1, $1.000000000e+01  }
0xe4: {  	[tilespmem:$0xA5C0] =	vst v1  }
0xe5: {  	[spmem:s4] =	stream.indirect.scatter.add.f32 [tilespmem:s14], [sflag:$0xA], $0x1, s13, s10, $0xb8;
	[tilespmem:$0x1FA78] =	vst v63  }
0xe6: {  	_ =	swait.ge [sflag:s30], $0x2800  }
0xe7: {  	v1 =	vmov s9;
	[sflag:s30] =	ssyncset.done $0x0  }
0xe8: {  	s2 =	simm.s32 $0x2DC0;
	[sflag:s30] =	ssyncadd.s32 $0xFFFFD800  }
0xe9: {  	v5 =	vld [tilespmem:s2+$0x30]  }
0xea: {  	v8 =	vld [tilespmem:s2+$0x10]  }
0xeb: {  	v6 =	vld [tilespmem:s2+$0xFFFFFFC0]  }
0xec: {  	v2 =	vld.idx.msk [tilespmem:v1+s14+$0x0], $0xffff  }
0xed: {  	v10 =	vld [tilespmem:s2+$0xFFFFFFE0]  }
0xee: {  	v1 =	vld [tilespmem:s2+$0xFFFFFFF0]  }
0xef: {  	v3 =	vld [tilespmem:s2+$0x20]  }
0xf0: {  	v4 =	vld [tilespmem:s2+$0xFFFFFFD0]  }
0xf1: {  	v9 =	vmul.f32 v5, v2;
	v5 =	vld [tilespmem:s2+$0x0]  }
0xf2: {  	v7 =	vmul.f32 v6, v2  }
0xf3: {  	s23 =	simm.s32 $0x1;
	s5 =	simm.s32 $0x2DC0;
	v6 =	vmul.f32 v10, v2;
	v8 =	vmul.f32 v8, v2  }
.LBB2_9:
0xf4: {  	p2 =	sne.s32 s23, $0x4F  }
0xf5: {  	v4 =	vmul.f32 v4, v2;
	v3 =	vmul.f32 v3, v2;
	[tilespmem:s2+$0x30] =	vst v9;
	s5 =	sadd.s32 $0x80, s5;
	s31 =	smov.u32 s23;
	s23 =	sadd.s32 $0x1, s23  }
0xf6: {  	[tilespmem:s2+$0xFFFFFFC0] =	vst v7;
	v7 =	vmul.f32 v1, v2;
	v2 =	vmul.f32 v5, v2  }
0xf7: {  	[tilespmem:s2+$0x10] =	vst v8  }
0xf8: {  	v5 =	vmov s31;
	[tilespmem:s2+$0xFFFFFFE0] =	vst v6  }
0xf9: {  	v1 =	vld [tilespmem:s5+$0xFFFFFFF0];
	[tilespmem:s2+$0xFFFFFFF0] =	vst v7  }
0xfa: {  	v6 =	vld [tilespmem:s5+$0x30];
	[tilespmem:s2+$0x0] =	vst v2  }
0xfb: {  	v8 =	vld [tilespmem:s5+$0x10];
	[tilespmem:s2+$0x20] =	vst v3  }
0xfc: {  	v7 =	vld [tilespmem:s5+$0xFFFFFFC0];
	[tilespmem:s2+$0xFFFFFFD0] =	vst v4;
	s2 =	smov.u32 s5  }
0xfd: {  	v2 =	vld.idx.msk [tilespmem:v5+s14+$0x0], $0xffff  }
0xfe: {  	v10 =	vld [tilespmem:s5+$0xFFFFFFE0]  }
0xff: {  	v3 =	vld [tilespmem:s5+$0x20]  }
.Ltmp7:
0x100: {  	v4 =	vld [tilespmem:s5+$0xFFFFFFD0];
	(pc) =	sbr.rel @p2 .LBB2_9-.Ltmp7, $3  }
0x101: {  	v5 =	vld [tilespmem:s5+$0x0];
	_ =	sdelay $0x1  }
0x102: {  	v7 =	vmul.f32 v7, v2;
	v9 =	vmul.f32 v6, v2  }
0x103: {  	v8 =	vmul.f32 v8, v2;
	v6 =	vmul.f32 v10, v2  }
0x104: {  	[tilespmem:s2+$0x30] =	vst v9  }
0x105: {  	[tilespmem:s2+$0xFFFFFFC0] =	vst v7  }
0x106: {  	v1 =	vmul.f32 v1, v2;
	[tilespmem:s2+$0x10] =	vst v8  }
0x107: {  	p2 =	sne.s32 s24, $0x29;
	v3 =	vmul.f32 v3, v2;
	[tilespmem:s2+$0xFFFFFFE0] =	vst v6  }
0x108: {  	v5 =	vmul.f32 v5, v2;
	s5 =	smul.u32 @p2 $0x60, s24;
	[tilespmem:s2+$0xFFFFFFF0] =	vst v1  }
0x109: {  	v1 =	vmul.f32 v4, v2;
	[tilespmem:s2+$0x20] =	vst v3  }
0x10a: {  	[tilespmem:s2+$0x0] =	vst v5;
	s5 =	sadd.s32 @p2 s16, s5  }
0x10b: {  	s23 =	simm.s32 @p2 $0x0;
	[tilespmem:s2+$0xFFFFFFD0] =	vst v1;
	s2 =	smul.u32 @p2 $0xA, s5  }
0x10c: {  	[spmem:s3] =	stream.indirect.scatter.add.f32 [tilespmem:s11], [sflag:$0x7], $0x80, s13, s10, $0xb8;
	[tilespmem:$0x1FA78] =	vst v63  }
0x10d: {  	s31 =	simm.s32 @p2 $0x2780;
	p3 =	seq.s32 @p2 s24, $0x0;
	s5 =	sadd.s32 @p2 s7, s2  }
0x10e: {  	[tilespmem:s31], [sflag:$0x1] =	stream.linear.gather @p2 [hbm4b:s5+s23], $0x50, $0x38;
	[tilespmem:$0x1FA78] =	vst v63  }
0x10f: {  	p4 =	por !p3, !p2;
	s2 =	sadd.s32 @p2 s8, s2;
	s5 =	simm.s32 @p2 $0x2980  }
0x110: {  	[tilespmem:s5], [sflag:$0x1] =	stream.linear.gather @p2 [hbm4b:s2+s23], $0x50, $0x38;
	[tilespmem:$0x1FA78] =	vst v63  }
0x111: {  	s2 =	simm.s32 @!p4 $0x3  }
0x112: {  	_ =	swait.ge @!p4 [sflag:s2], $0x50  }
0x113: {  	[sflag:s2] =	ssyncset.done @!p4 $0x0  }
0x114: {  	[sflag:s2] =	ssyncadd.s32 @!p4 $0xFFFFFFB0  }
0x115: {  	_ =	swait.ge @!p4 [sflag:s2], $0x50  }
0x116: {  	p3 =	por p3, !p2;
	[sflag:s2] =	ssyncset.done @!p4 $0x0  }
0x117: {  	[sflag:s2] =	ssyncadd.s32 @!p4 $0xFFFFFFB0;
	s2 =	simm.s32 @!p3 $0xB  }
0x118: {  	_ =	swait.ge @!p3 [sflag:s2], $0x50  }
0x119: {  	[sflag:s2] =	ssyncset.done @!p3 $0x0  }
0x11a: {  	[sflag:s2] =	ssyncadd.s32 @!p3 $0xFFFFFFB0;
	s2 =	simm.s32 @!p3 $0x3  }
0x11b: {  	_ =	swait.ge @!p3 [sflag:s2], $0x50  }
0x11c: {  	[sflag:s2] =	ssyncset.done @!p3 $0x0  }
0x11d: {  	[sflag:s2] =	ssyncadd.s32 @!p3 $0xFFFFFFB0  }
0x11e: {  	_ =	swait.ge @!p3 [sflag:s2], $0x50  }
0x11f: {  	[sflag:s2] =	ssyncset.done @!p3 $0x0  }
0x120: {  	[sflag:s2] =	ssyncadd.s32 @!p3 $0xFFFFFFB0;
	s2 =	simm.s32 @!p3 $0x9  }
0x121: {  	_ =	swait.ge @!p3 [sflag:s2], $0x2800  }
0x122: {  	s5 =	simm.s32 @p2 $0x2880;
	[sflag:s2] =	ssyncset.done @!p3 $0x0  }
0x123: {  	s23 =	simm.s32 @p2 $0x7D80;
	[sflag:s2] =	ssyncadd.s32 @!p3 $0xFFFFD800;
	s2 =	simm.s32 @p2 $0x50  }
0x124: {  	[tilespmem:s23], [sflag:$0x6] =	stream.indirect.gather @p2 [hbm4b:s0+s2], $0x80, s5, s2, $0xb8;
	[tilespmem:$0x1FA78] =	vst v63  }
0x125: {  	s2 =	simm.s32 @!p2 $0xB  }
0x126: {  	_ =	swait.ge @!p2 [sflag:s2], $0x50  }
0x127: {  	[sflag:s2] =	ssyncset.done @!p2 $0x0  }
0x128: {  	[sflag:s2] =	ssyncadd.s32 @!p2 $0xFFFFFFB0  }
0x129: {  	v1 =	vld [tilespmem:$0x2800]  }
0x12a: {  	v2 =	vld [tilespmem:$0x2A00];
	_ =	sdelay $0x5  }
0x12b: {  	s31 =	simm.s32 $0x0  }
0x12c: {  	v1 =	vld.idx.msk [tilespmem:v1+s31+$0x0], $0xffff  }
0x12d: {  	v3 =	vld.idx.msk [tilespmem:v2+s31+$0x0], $0xffff;
	_ =	sdelay $0x4  }
0x12e: {  	v1 =	vunpack.i.l.bf16.f32 v1;
	v3 =	vunpack.i.u.bf16.f32 v3  }
0x12f: {  	v1 =	vadd.f32 v3, v1;
	_ =	sdelay $0x1  }
0x130: {  	v3 =	vmul.f32 $2.000000030e-01, v1;
	_ =	sdelay $0x1  }
0x131: {  	v1 =	vmax.f32 v1, v3  }
0x132: {  	v1 =	vmul.f32 $1.442695020e+00, v1;
	_ =	sdelay $0x1  }
0x133: {  	(erf) = vpow2.f32 v1;
	_ =	sdelay $0x4  }
0x134: {  	v1 =	vld [tilespmem:$0x2810]  }
0x135: {  	v3 =	vld [tilespmem:$0x2A10];
	_ =	sdelay $0x2  }
0x136: {  	v4 =	vpop (erf)  }
0x137: {  	v4 =	vmax.f32 v4, $4.999999890e-03  }
0x138: {  	[tilespmem:$0x2C00] =	vst v2;
	v4 =	vmin.f32 v4, $1.000000000e+01  }
0x139: {  	[tilespmem:$0xA600] =	vst v4  }
0x13a: {  	v1 =	vld.idx.msk [tilespmem:v1+s31+$0x0], $0xffff  }
0x13b: {  	v2 =	vld.idx.msk [tilespmem:v3+s31+$0x0], $0xffff;
	_ =	sdelay $0x4  }
0x13c: {  	v1 =	vunpack.i.l.bf16.f32 v1;
	v2 =	vunpack.i.u.bf16.f32 v2  }
0x13d: {  	v1 =	vadd.f32 v2, v1;
	_ =	sdelay $0x1  }
0x13e: {  	v2 =	vmul.f32 $2.000000030e-01, v1;
	_ =	sdelay $0x1  }
0x13f: {  	v1 =	vmax.f32 v1, v2  }
0x140: {  	v1 =	vmul.f32 $1.442695020e+00, v1;
	_ =	sdelay $0x1  }
0x141: {  	(erf) = vpow2.f32 v1;
	_ =	sdelay $0x4  }
0x142: {  	v1 =	vld [tilespmem:$0x2820]  }
0x143: {  	v2 =	vld [tilespmem:$0x2A20];
	_ =	sdelay $0x2  }
0x144: {  	v4 =	vpop (erf)  }
0x145: {  	v4 =	vmax.f32 v4, $4.999999890e-03  }
0x146: {  	[tilespmem:$0x2C10] =	vst v3;
	v4 =	vmin.f32 v4, $1.000000000e+01  }
0x147: {  	[tilespmem:$0xA610] =	vst v4  }
0x148: {  	v1 =	vld.idx.msk [tilespmem:v1+s31+$0x0], $0xffff  }
0x149: {  	v3 =	vld.idx.msk [tilespmem:v2+s31+$0x0], $0xffff;
	_ =	sdelay $0x4  }
0x14a: {  	v1 =	vunpack.i.l.bf16.f32 v1;
	v3 =	vunpack.i.u.bf16.f32 v3  }
0x14b: {  	v1 =	vadd.f32 v3, v1;
	_ =	sdelay $0x1  }
0x14c: {  	v3 =	vmul.f32 $2.000000030e-01, v1;
	_ =	sdelay $0x1  }
0x14d: {  	v1 =	vmax.f32 v1, v3  }
0x14e: {  	v1 =	vmul.f32 $1.442695020e+00, v1;
	_ =	sdelay $0x1  }
0x14f: {  	(erf) = vpow2.f32 v1;
	_ =	sdelay $0x4  }
0x150: {  	v1 =	vld [tilespmem:$0x2830]  }
0x151: {  	v3 =	vld [tilespmem:$0x2A30];
	_ =	sdelay $0x2  }
0x152: {  	v4 =	vpop (erf)  }
0x153: {  	v4 =	vmax.f32 v4, $4.999999890e-03  }
0x154: {  	[tilespmem:$0x2C20] =	vst v2;
	v4 =	vmin.f32 v4, $1.000000000e+01  }
0x155: {  	[tilespmem:$0xA620] =	vst v4  }
0x156: {  	v1 =	vld.idx.msk [tilespmem:v1+s31+$0x0], $0xffff  }
0x157: {  	v2 =	vld.idx.msk [tilespmem:v3+s31+$0x0], $0xffff;
	_ =	sdelay $0x4  }
0x158: {  	v1 =	vunpack.i.l.bf16.f32 v1;
	v2 =	vunpack.i.u.bf16.f32 v2  }
0x159: {  	v1 =	vadd.f32 v2, v1;
	_ =	sdelay $0x1  }
0x15a: {  	v2 =	vmul.f32 $2.000000030e-01, v1;
	_ =	sdelay $0x1  }
0x15b: {  	v1 =	vmax.f32 v1, v2  }
0x15c: {  	v1 =	vmul.f32 $1.442695020e+00, v1;
	_ =	sdelay $0x1  }
0x15d: {  	(erf) = vpow2.f32 v1;
	_ =	sdelay $0x4  }
0x15e: {  	v1 =	vld [tilespmem:$0x2840]  }
0x15f: {  	v2 =	vld [tilespmem:$0x2A40];
	_ =	sdelay $0x2  }
0x160: {  	v4 =	vpop (erf)  }
0x161: {  	v4 =	vmax.f32 v4, $4.999999890e-03  }
0x162: {  	[tilespmem:$0x2C30] =	vst v3;
	v4 =	vmin.f32 v4, $1.000000000e+01  }
0x163: {  	[tilespmem:$0xA630] =	vst v4  }
0x164: {  	v1 =	vld.idx.msk [tilespmem:v1+s31+$0x0], $0xffff  }
0x165: {  	v3 =	vld.idx.msk [tilespmem:v2+s31+$0x0], $0xffff;
	_ =	sdelay $0x4  }
0x166: {  	v1 =	vunpack.i.l.bf16.f32 v1;
	v3 =	vunpack.i.u.bf16.f32 v3  }
0x167: {  	v1 =	vadd.f32 v3, v1;
	_ =	sdelay $0x1  }
0x168: {  	v3 =	vmul.f32 $2.000000030e-01, v1;
	_ =	sdelay $0x1  }
0x169: {  	v1 =	vmax.f32 v1, v3  }
0x16a: {  	v1 =	vmul.f32 $1.442695020e+00, v1;
	_ =	sdelay $0x1  }
0x16b: {  	(erf) = vpow2.f32 v1;
	_ =	sdelay $0x8  }
0x16c: {  	v1 =	vpop (erf)  }
0x16d: {  	v1 =	vmax.f32 v1, $4.999999890e-03  }
0x16e: {  	[tilespmem:$0x2C40] =	vst v2;
	v1 =	vmin.f32 v1, $1.000000000e+01  }
0x16f: {  	[tilespmem:$0xA640] =	vst v1  }
0x170: {  	[spmem:s4] =	stream.indirect.scatter.add.f32 [tilespmem:s19], [sflag:$0xB], $0x1, s15, s10, $0xb8;
	[tilespmem:$0x1FA78] =	vst v63  }
0x171: {  	v1 =	vmov s31;
	_ =	swait.ge [sflag:s20], $0x2800  }
0x172: {  	[sflag:s20] =	ssyncset.done $0x0  }
0x173: {  	s2 =	simm.s32 $0x55F0;
	[sflag:s20] =	ssyncadd.s32 $0xFFFFD800  }
0x174: {  	v5 =	vld [tilespmem:s2+$0x0]  }
0x175: {  	v8 =	vld [tilespmem:s2+$0xFFFFFFE0]  }
0x176: {  	v1 =	vld.idx.msk [tilespmem:v1+s19+$0x0], $0xffff  }
0x177: {  	v6 =	vld [tilespmem:s2+$0xFFFFFF90]  }
0x178: {  	v10 =	vld [tilespmem:s2+$0xFFFFFFB0]  }
0x179: {  	v2 =	vld [tilespmem:s2+$0xFFFFFFF0]  }
0x17a: {  	v3 =	vld [tilespmem:s2+$0xFFFFFFC0]  }
0x17b: {  	v4 =	vld [tilespmem:s2+$0xFFFFFFA0]  }
0x17c: {  	v9 =	vmul.f32 v5, v1;
	v5 =	vld [tilespmem:s2+$0xFFFFFFD0]  }
0x17d: {  	v7 =	vmul.f32 v6, v1  }
0x17e: {  	s23 =	simm.s32 $0x1;
	s5 =	simm.s32 $0x55F0;
	v6 =	vmul.f32 v10, v1;
	v8 =	vmul.f32 v8, v1  }
.LBB2_11:
0x17f: {  	p2 =	sne.s32 s23, $0x4F  }
0x180: {  	v4 =	vmul.f32 v4, v1;
	v10 =	vmul.f32 v2, v1;
	[tilespmem:s2+$0x0] =	vst v9;
	s5 =	sadd.s32 $0x80, s5;
	s31 =	smov.u32 s23;
	s23 =	sadd.s32 $0x1, s23  }
0x181: {  	v3 =	vmul.f32 v3, v1;
	[tilespmem:s2+$0xFFFFFF90] =	vst v7;
	v1 =	vmul.f32 v5, v1  }
0x182: {  	[tilespmem:s2+$0xFFFFFFE0] =	vst v8  }
0x183: {  	v5 =	vmov s31;
	[tilespmem:s2+$0xFFFFFFB0] =	vst v6  }
0x184: {  	v2 =	vld [tilespmem:s5+$0xFFFFFFF0];
	[tilespmem:s2+$0xFFFFFFC0] =	vst v3  }
0x185: {  	v6 =	vld [tilespmem:s5+$0x0];
	[tilespmem:s2+$0xFFFFFFD0] =	vst v1  }
0x186: {  	v3 =	vld [tilespmem:s5+$0xFFFFFFC0];
	[tilespmem:s2+$0xFFFFFFF0] =	vst v10  }
0x187: {  	v8 =	vld [tilespmem:s5+$0xFFFFFFE0];
	[tilespmem:s2+$0xFFFFFFA0] =	vst v4;
	s2 =	smov.u32 s5  }
0x188: {  	v1 =	vld.idx.msk [tilespmem:v5+s19+$0x0], $0xffff  }
0x189: {  	v7 =	vld [tilespmem:s5+$0xFFFFFF90]  }
0x18a: {  	v10 =	vld [tilespmem:s5+$0xFFFFFFB0]  }
.Ltmp8:
0x18b: {  	v4 =	vld [tilespmem:s5+$0xFFFFFFA0];
	(pc) =	sbr.rel @p2 .LBB2_11-.Ltmp8, $3  }
0x18c: {  	v5 =	vld [tilespmem:s5+$0xFFFFFFD0];
	_ =	sdelay $0x1  }
0x18d: {  	v9 =	vmul.f32 v6, v1;
	v7 =	vmul.f32 v7, v1  }
0x18e: {  	v8 =	vmul.f32 v8, v1;
	v6 =	vmul.f32 v10, v1  }
0x18f: {  	[tilespmem:s2+$0x0] =	vst v9  }
0x190: {  	[tilespmem:s2+$0xFFFFFF90] =	vst v7  }
0x191: {  	v3 =	vmul.f32 v3, v1;
	[tilespmem:s2+$0xFFFFFFE0] =	vst v8  }
0x192: {  	v2 =	vmul.f32 v2, v1;
	p2 =	seq.s32 s24, $0x29;
	[tilespmem:s2+$0xFFFFFFB0] =	vst v6  }
.Ltmp9:
0x193: {  	v5 =	vmul.f32 v5, v1;
	[tilespmem:s2+$0xFFFFFFC0] =	vst v3;
	(pc) =	sbr.rel @p2 .LBB2_16-.Ltmp9, $4  }
0x194: {  	v1 =	vmul.f32 v4, v1;
	[tilespmem:s2+$0xFFFFFFF0] =	vst v2  }
0x195: {  	[tilespmem:s2+$0xFFFFFFD0] =	vst v5  }
0x196: {  	[tilespmem:s2+$0xFFFFFFA0] =	vst v1  }
0x197: {  	[spmem:s3] =	stream.indirect.scatter.add.f32 [tilespmem:s12], [sflag:$0x8], $0x80, s15, s10, $0xb8;
	[tilespmem:$0x1FA78] =	vst v63  }
0x198: {  	s23 =	smul.u32 $0x60, s24  }
0x199: {  	s2 =	rddreg [dreg:$0xd]  }
0x19a: {  	s2 =	sadd.s32 s2, s23  }
0x19b: {  	s2 =	smul.u32 $0xA, s2;
	_ =	sdelay $0x1  }
0x19c: {  	s17 =	simm.s32 $0x0;
	s5 =	sadd.s32 s7, s2  }
0x19d: {  	[tilespmem:s1], [sflag:$0x2] =	stream.linear.gather [hbm4b:s5+s17], $0x50, $0x38;
	[tilespmem:$0x1FA78] =	vst v63  }
0x19e: {  	s2 =	sadd.s32 s8, s2;
	s5 =	simm.s32 $0x2A00  }
0x19f: {  	[tilespmem:s5], [sflag:$0x2] =	stream.linear.gather [hbm4b:s2+s17], $0x50, $0x38;
	[tilespmem:$0x1FA78] =	vst v63  }
0x1a0: {  	s2 =	simm.s32 @!p1 $0xC  }
0x1a1: {  	_ =	swait.ge @!p1 [sflag:s2], $0x50  }
0x1a2: {  	[sflag:s2] =	ssyncset.done @!p1 $0x0  }
0x1a3: {  	[sflag:s2] =	ssyncadd.s32 @!p1 $0xFFFFFFB0  }
0x1a4: {  	_ =	swait.ge [sflag:s6], $0x50  }
0x1a5: {  	[sflag:s6] =	ssyncset.done $0x0  }
0x1a6: {  	[sflag:s6] =	ssyncadd.s32 $0xFFFFFFB0  }
0x1a7: {  	_ =	swait.ge [sflag:s6], $0x50  }
0x1a8: {  	[sflag:s6] =	ssyncset.done $0x0  }
0x1a9: {  	[sflag:s6] =	ssyncadd.s32 $0xFFFFFFB0  }
0x1aa: {  	_ =	swait.ge [sflag:s28], $0x2800  }
0x1ab: {  	[sflag:s28] =	ssyncset.done $0x0  }
0x1ac: {  	s17 =	simm.s32 $0x2780;
	[sflag:s28] =	ssyncadd.s32 $0xFFFFD800  }
0x1ad: {  	[tilespmem:s11], [sflag:$0x4] =	stream.indirect.gather [hbm4b:s0+s10], $0x80, s17, s10, $0xb8;
	[tilespmem:$0x1FA78] =	vst v63  }
0x1ae: {  	v1 =	vld [tilespmem:$0x2880]  }
0x1af: {  	v2 =	vld [tilespmem:$0x2A80];
	_ =	sdelay $0x5  }
0x1b0: {  	s2 =	simm.s32 $0x0  }
0x1b1: {  	v1 =	vld.idx.msk [tilespmem:v1+s2+$0x0], $0xffff  }
0x1b2: {  	v3 =	vld.idx.msk [tilespmem:v2+s2+$0x0], $0xffff;
	_ =	sdelay $0x4  }
0x1b3: {  	v1 =	vunpack.i.l.bf16.f32 v1;
	v3 =	vunpack.i.u.bf16.f32 v3  }
0x1b4: {  	v1 =	vadd.f32 v3, v1;
	_ =	sdelay $0x1  }
0x1b5: {  	v3 =	vmul.f32 $2.000000030e-01, v1;
	_ =	sdelay $0x1  }
0x1b6: {  	v1 =	vmax.f32 v1, v3  }
0x1b7: {  	v1 =	vmul.f32 $1.442695020e+00, v1;
	_ =	sdelay $0x1  }
0x1b8: {  	(erf) = vpow2.f32 v1;
	_ =	sdelay $0x4  }
0x1b9: {  	v1 =	vld [tilespmem:$0x2890]  }
0x1ba: {  	v3 =	vld [tilespmem:$0x2A90];
	_ =	sdelay $0x2  }
0x1bb: {  	v4 =	vpop (erf)  }
0x1bc: {  	v4 =	vmax.f32 v4, $4.999999890e-03  }
0x1bd: {  	[tilespmem:$0x2C80] =	vst v2;
	v4 =	vmin.f32 v4, $1.000000000e+01  }
0x1be: {  	[tilespmem:$0xA680] =	vst v4  }
0x1bf: {  	v1 =	vld.idx.msk [tilespmem:v1+s2+$0x0], $0xffff  }
0x1c0: {  	v2 =	vld.idx.msk [tilespmem:v3+s2+$0x0], $0xffff;
	_ =	sdelay $0x4  }
0x1c1: {  	v1 =	vunpack.i.l.bf16.f32 v1;
	v2 =	vunpack.i.u.bf16.f32 v2  }
0x1c2: {  	v1 =	vadd.f32 v2, v1;
	_ =	sdelay $0x1  }
0x1c3: {  	v2 =	vmul.f32 $2.000000030e-01, v1;
	_ =	sdelay $0x1  }
0x1c4: {  	v1 =	vmax.f32 v1, v2  }
0x1c5: {  	v1 =	vmul.f32 $1.442695020e+00, v1;
	_ =	sdelay $0x1  }
0x1c6: {  	(erf) = vpow2.f32 v1;
	_ =	sdelay $0x4  }
0x1c7: {  	v1 =	vld [tilespmem:$0x28A0]  }
0x1c8: {  	v2 =	vld [tilespmem:$0x2AA0];
	_ =	sdelay $0x2  }
0x1c9: {  	v4 =	vpop (erf)  }
0x1ca: {  	v4 =	vmax.f32 v4, $4.999999890e-03  }
0x1cb: {  	[tilespmem:$0x2C90] =	vst v3;
	v4 =	vmin.f32 v4, $1.000000000e+01  }
0x1cc: {  	[tilespmem:$0xA690] =	vst v4  }
0x1cd: {  	v1 =	vld.idx.msk [tilespmem:v1+s2+$0x0], $0xffff  }
0x1ce: {  	v3 =	vld.idx.msk [tilespmem:v2+s2+$0x0], $0xffff;
	_ =	sdelay $0x4  }
0x1cf: {  	v1 =	vunpack.i.l.bf16.f32 v1;
	v3 =	vunpack.i.u.bf16.f32 v3  }
0x1d0: {  	v1 =	vadd.f32 v3, v1;
	_ =	sdelay $0x1  }
0x1d1: {  	v3 =	vmul.f32 $2.000000030e-01, v1;
	_ =	sdelay $0x1  }
0x1d2: {  	v1 =	vmax.f32 v1, v3  }
0x1d3: {  	v1 =	vmul.f32 $1.442695020e+00, v1;
	_ =	sdelay $0x1  }
0x1d4: {  	(erf) = vpow2.f32 v1;
	_ =	sdelay $0x4  }
0x1d5: {  	v1 =	vld [tilespmem:$0x28B0]  }
0x1d6: {  	v3 =	vld [tilespmem:$0x2AB0];
	_ =	sdelay $0x2  }
0x1d7: {  	v4 =	vpop (erf)  }
0x1d8: {  	v4 =	vmax.f32 v4, $4.999999890e-03  }
0x1d9: {  	[tilespmem:$0x2CA0] =	vst v2;
	v4 =	vmin.f32 v4, $1.000000000e+01  }
0x1da: {  	[tilespmem:$0xA6A0] =	vst v4  }
0x1db: {  	v1 =	vld.idx.msk [tilespmem:v1+s2+$0x0], $0xffff  }
0x1dc: {  	v2 =	vld.idx.msk [tilespmem:v3+s2+$0x0], $0xffff;
	_ =	sdelay $0x4  }
0x1dd: {  	v1 =	vunpack.i.l.bf16.f32 v1;
	v2 =	vunpack.i.u.bf16.f32 v2  }
0x1de: {  	v1 =	vadd.f32 v2, v1;
	_ =	sdelay $0x1  }
0x1df: {  	v2 =	vmul.f32 $2.000000030e-01, v1;
	_ =	sdelay $0x1  }
0x1e0: {  	v1 =	vmax.f32 v1, v2  }
0x1e1: {  	v1 =	vmul.f32 $1.442695020e+00, v1;
	_ =	sdelay $0x1  }
0x1e2: {  	(erf) = vpow2.f32 v1;
	_ =	sdelay $0x4  }
0x1e3: {  	v1 =	vld [tilespmem:$0x28C0]  }
0x1e4: {  	v2 =	vld [tilespmem:$0x2AC0];
	_ =	sdelay $0x2  }
0x1e5: {  	v4 =	vpop (erf)  }
0x1e6: {  	v4 =	vmax.f32 v4, $4.999999890e-03  }
0x1e7: {  	[tilespmem:$0x2CB0] =	vst v3;
	v4 =	vmin.f32 v4, $1.000000000e+01  }
0x1e8: {  	[tilespmem:$0xA6B0] =	vst v4  }
0x1e9: {  	v1 =	vld.idx.msk [tilespmem:v1+s2+$0x0], $0xffff  }
0x1ea: {  	v3 =	vld.idx.msk [tilespmem:v2+s2+$0x0], $0xffff;
	_ =	sdelay $0x4  }
0x1eb: {  	v1 =	vunpack.i.l.bf16.f32 v1;
	v3 =	vunpack.i.u.bf16.f32 v3  }
0x1ec: {  	v1 =	vadd.f32 v3, v1;
	_ =	sdelay $0x1  }
0x1ed: {  	v3 =	vmul.f32 $2.000000030e-01, v1;
	_ =	sdelay $0x1  }
0x1ee: {  	v1 =	vmax.f32 v1, v3  }
0x1ef: {  	v1 =	vmul.f32 $1.442695020e+00, v1;
	_ =	sdelay $0x1  }
0x1f0: {  	(erf) = vpow2.f32 v1;
	_ =	sdelay $0x8  }
0x1f1: {  	v1 =	vpop (erf)  }
0x1f2: {  	v1 =	vmax.f32 v1, $4.999999890e-03  }
0x1f3: {  	[tilespmem:$0x2CC0] =	vst v2;
	v1 =	vmin.f32 v1, $1.000000000e+01  }
0x1f4: {  	[tilespmem:$0xA6C0] =	vst v1  }
0x1f5: {  	[spmem:s4] =	stream.indirect.scatter.add.f32 [tilespmem:s25], [sflag:$0xC], $0x1, s22, s10, $0xb8;
	[tilespmem:$0x1FA78] =	vst v63  }
0x1f6: {  	_ =	swait.ge [sflag:s21], $0x2800  }
0x1f7: {  	v1 =	vmov s2;
	[sflag:s21] =	ssyncset.done $0x0  }
0x1f8: {  	s31 =	simm.s32 $0x0;
	[sflag:s21] =	ssyncadd.s32 $0xFFFFD800  }
0x1f9: {  	v9 =	vld [tilespmem:s31+$0x7DA0]  }
0x1fa: {  	v8 =	vld [tilespmem:s31+$0x7D80]  }
0x1fb: {  	v4 =	vld [tilespmem:s31+$0x7DD0]  }
0x1fc: {  	v1 =	vld.idx.msk [tilespmem:v1+s25+$0x0], $0xffff  }
0x1fd: {  	v5 =	vld [tilespmem:s31+$0x7DB0]  }
0x1fe: {  	v3 =	vld [tilespmem:s31+$0x7DE0]  }
0x1ff: {  	v6 =	vld [tilespmem:s31+$0x7DC0]  }
0x200: {  	v7 =	vld [tilespmem:s31+$0x7DF0]  }
0x201: {  	s18 =	simm.s32 $0x0;
	s5 =	simm.s32 $0x200;
	v2 =	vld [tilespmem:s31+$0x7D90];
	v8 =	vmul.f32 v8, v1;
	v9 =	vmul.f32 v9, v1  }
.LBB2_14:
0x202: {  	p1 =	sne.s32 s5, $0x9E00  }
0x203: {  	v5 =	vmul.f32 v5, v1;
	v4 =	vmul.f32 v4, v1;
	s2 =	sadd.s32 $0x1, s2;
	s17 =	smov.u32 s5;
	s5 =	sadd.s32 $0x200, s5  }
0x204: {  	v3 =	vmul.f32 v3, v1;
	[tilespmem:s31+$0x7DA0] =	vst v9;
	v6 =	vmul.f32 v6, v1  }
0x205: {  	[tilespmem:s31+$0x7D80] =	vst v8;
	v7 =	vmul.f32 v7, v1  }
0x206: {  	v8 =	vmov s2;
	[tilespmem:s31+$0x7DD0] =	vst v4  }
0x207: {  	s17 =	sshra.s32 s17, $0x2;
	[tilespmem:s31+$0x7DF0] =	vst v7  }
0x208: {  	v1 =	vmul.f32 v2, v1;
	v9 =	vld [tilespmem:s17+$0x7DA0];
	[tilespmem:s31+$0x7DB0] =	vst v5  }
0x209: {  	v10 =	vld [tilespmem:s17+$0x7D80];
	[tilespmem:s31+$0x7DC0] =	vst v6  }
0x20a: {  	v4 =	vld [tilespmem:s17+$0x7DD0];
	[tilespmem:s31+$0x7DE0] =	vst v3  }
0x20b: {  	v5 =	vld [tilespmem:s17+$0x7DB0];
	[tilespmem:s31+$0x7D90] =	vst v1;
	s31 =	smov.u32 s17  }
0x20c: {  	v1 =	vld.idx.msk [tilespmem:v8+s25+$0x0], $0xffff  }
0x20d: {  	v3 =	vld [tilespmem:s31+$0x7DE0]  }
.Ltmp10:
0x20e: {  	v2 =	vld [tilespmem:s31+$0x7D90];
	(pc) =	sbr.rel @p1 .LBB2_14-.Ltmp10, $3  }
0x20f: {  	v6 =	vld [tilespmem:s31+$0x7DC0]  }
0x210: {  	v7 =	vld [tilespmem:s31+$0x7DF0];
	_ =	sdelay $0x1  }
0x211: {  	v8 =	vmul.f32 v10, v1;
	v9 =	vmul.f32 v9, v1  }
0x212: {  	_ = 	snop  }
0x213: {  	v4 =	vmul.f32 v4, v1;
	[tilespmem:s31+$0x7DA0] =	vst v9  }
0x214: {  	v5 =	vmul.f32 v5, v1;
	[tilespmem:s31+$0x7D80] =	vst v8  }
0x215: {  	v3 =	vmul.f32 v3, v1;
	[tilespmem:s31+$0x7DD0] =	vst v4  }
0x216: {  	v63 =	vmul.f32 v6, v1;
	[tilespmem:s31+$0x7DB0] =	vst v5  }
0x217: {  	v7 =	vmul.f32 v7, v1;
	[tilespmem:s31+$0x7DE0] =	vst v3  }
0x218: {  	p1 =	sgt.u32 s24, $0x27;
	s2 =	rddreg [dreg:$0xe];
	v1 =	vmul.f32 v2, v1;
	[tilespmem:s31+$0x7DC0] =	vst v63  }
0x219: {  	s2 =	sadd.s32 @!p1 s2, s23;
	[tilespmem:s31+$0x7DF0] =	vst v7  }
0x21a: {  	s5 =	simm.s32 $0x7D80;
	s2 =	smul.u32 @!p1 $0xA, s2;
	[tilespmem:s31+$0x7D90] =	vst v1  }
0x21b: {  	[spmem:s3] =	stream.indirect.scatter.add.f32 [tilespmem:s5], [sflag:$0x9], $0x80, s22, s10, $0xb8;
	[tilespmem:$0x1FA78] =	vst v63  }
0x21c: {  	s17 =	simm.s32 @!p1 $0x0;
	s23 =	simm.s32 @!p1 $0x2880;
	s5 =	sadd.s32 @!p1 s7, s2  }
0x21d: {  	[tilespmem:s23], [sflag:$0x3] =	stream.linear.gather @!p1 [hbm4b:s5+s17], $0x50, $0x38;
	[tilespmem:$0x1FA78] =	vst v63  }
0x21e: {  	s24 =	sadd.s32 $0x1, s24;
	s2 =	sadd.s32 @!p1 s8, s2;
	s5 =	simm.s32 @!p1 $0x2A80  }
0x21f: {  	[tilespmem:s5], [sflag:$0x3] =	stream.linear.gather @!p1 [hbm4b:s2+s17], $0x50, $0x38;
	[tilespmem:$0x1FA78] =	vst v63  }
0x220: {  	p1 =	sne.s32 s24, $0x2A  }
.Ltmp11:
0x221: {  	_ = 	snop;
	(pc) =	sbr.rel @p1 .LBB2_8-.Ltmp11, $4  }
.Ltmp12:
0x222: {  	_ = 	snop;
	(pc) =	sbr.rel @!p1 .LBB2_16-.Ltmp12, $4  }
0x223: {  	_ = 	snop  }
0x224: {  	_ = 	snop  }
0x225: {  	_ = 	snop  }
0x226: {  	_ = 	snop  }
.LBB2_17:
0x227: {  	_ =	sfence.sel $0x180000  }
0x228: {  	[bflag:$0x0] =	sbarrier.arrive $0xFFFF  }
0x229: {  	_ =	strace $0x90000047  }
0x22a: {  	s0 =	stileid.u32;
	[bflag:$0x2] =	sbarrier.arrive $0xFFFF  }
0x22b: {  	p0 =	sne.s32 s0, $0x0;
	s0 =	rddreg [dreg:$0x4]  }
0x22c: {  	s0 =	sadd.s32 @!p0 $0x100000, s0  }
0x22d: {  	[sflag:s0] =	ssyncadd.tile.s32 @!p0 $0x1;
	_ =	shalt  }
.Lfunc_end2:
_tile_overlayer_lowered:
.L_overlay_start_2:
0x22e: {  	(tag) =	ssettag $0x2  }
0x22f: {  	s0 =	rddreg [dreg:$0x0];
	s2 =	stileid.u32  }
0x230: {  	s1 =	rddreg [dreg:$0x1];
	p0 =	sne.s32 s2, $0x0  }
0x231: {  	s3 =	rddreg [dreg:$0x2];
	[bflag:$0x3] =	sbarrier.arrive $0xFFFF;
	s2 =	simm.s32 @!p0 $0x1C0D  }
0x232: {  	[timem:s3], [sflag:s2] =	dma.local @!p0 [hbm:s0], s1  }
0x233: {  	s0 =	simm.s32 @!p0 $0xD  }
0x234: {  	_ =	swait.ge @!p0 [sflag:s0], s1  }
0x235: {  	s1 =	ssub.s32 @!p0 $0x0, s1;
	[sflag:s0] =	ssyncset.done @!p0 $0x0  }
0x236: {  	[sflag:s0] =	ssyncadd.s32 @!p0 s1  }
0x237: {  	[bflag:$0x3] =	sbarrier.arrive $0xFFFF  }
0x238: {  	_ =	shalt  }

</sc_bundles>
